<compile_context>
chip_gen: v7x
topology: tpu7x:2x2x1
jax: 0.10.2.dev20260603
libtpu: 0.0.44.dev20260713+nightly
codegen_flags: <defaults>
</compile_context>

<pallas_src>
import functools

import jax
import jax.numpy as jnp
from jax import lax
from jax.experimental import pallas as pl
from jax.experimental.pallas import tpu as pltpu
from jax.experimental.pallas import tpu_sc as plsc

N = 10000
E = 160000
D = 128
R = 26

BE = 4000
GE = E // BE
BN = 2000
GN = N // BN

CH = 128
NCH = E // CH
NW = 32
TPW = (NCH + NW - 1) // NW
NS = 16
RPT = 640
N_PAD = NS * RPT


def _full(shape):
    return pl.BlockSpec(shape, lambda i: tuple(0 for _ in shape))



def _mm_stats_body(x_ref, w_ref, b_ref, y_ref, ssum_ref, ssq_ref):
    y = jnp.dot(x_ref[...].astype(jnp.bfloat16), w_ref[...],
                preferred_element_type=jnp.float32)
    y = y + b_ref[...]
    y_ref[...] = y.astype(jnp.bfloat16)

    @pl.when(pl.program_id(0) == 0)
    def _():
        ssum_ref[...] = jnp.zeros_like(ssum_ref)
        ssq_ref[...] = jnp.zeros_like(ssq_ref)

    ssum_ref[...] += jnp.sum(y, axis=0, keepdims=True)
    ssq_ref[...] += jnp.sum(y * y, axis=0, keepdims=True)


def _mm_stats(x, w, b):
    k_in = x.shape[1]
    k_out = w.shape[1]
    return pl.pallas_call(
        _mm_stats_body,
        grid=(GE,),
        in_specs=[
            pl.BlockSpec((BE, k_in), lambda i: (i, 0)),
            _full((k_in, k_out)),
            _full((1, k_out)),
        ],
        out_specs=[
            pl.BlockSpec((BE, k_out), lambda i: (i, 0)),
            pl.BlockSpec((1, k_out), lambda i: (0, 0)),
            pl.BlockSpec((1, k_out), lambda i: (0, 0)),
        ],
        out_shape=[
            jax.ShapeDtypeStruct((E, k_out), jnp.bfloat16),
            jax.ShapeDtypeStruct((1, k_out), jnp.float32),
            jax.ShapeDtypeStruct((1, k_out), jnp.float32),
        ],
    )(x, w, b)


def _affine_relu_mm_stats_body(x_ref, s_ref, t_ref, w_ref, b_ref,
                               y_ref, ssum_ref, ssq_ref):
    h = jax.nn.relu(x_ref[...].astype(jnp.float32) * s_ref[...] + t_ref[...])
    y = jnp.dot(h.astype(jnp.bfloat16), w_ref[...],
                preferred_element_type=jnp.float32) + b_ref[...]
    y_ref[...] = y.astype(jnp.bfloat16)

    @pl.when(pl.program_id(0) == 0)
    def _():
        ssum_ref[...] = jnp.zeros_like(ssum_ref)
        ssq_ref[...] = jnp.zeros_like(ssq_ref)

    ssum_ref[...] += jnp.sum(y, axis=0, keepdims=True)
    ssq_ref[...] += jnp.sum(y * y, axis=0, keepdims=True)


def _affine_relu_mm_stats(x, s, t, w, b):
    k_in = x.shape[1]
    k_out = w.shape[1]
    return pl.pallas_call(
        _affine_relu_mm_stats_body,
        grid=(GE,),
        in_specs=[
            pl.BlockSpec((BE, k_in), lambda i: (i, 0)),
            _full((1, k_in)),
            _full((1, k_in)),
            _full((k_in, k_out)),
            _full((1, k_out)),
        ],
        out_specs=[
            pl.BlockSpec((BE, k_out), lambda i: (i, 0)),
            pl.BlockSpec((1, k_out), lambda i: (0, 0)),
            pl.BlockSpec((1, k_out), lambda i: (0, 0)),
        ],
        out_shape=[
            jax.ShapeDtypeStruct((E, k_out), jnp.bfloat16),
            jax.ShapeDtypeStruct((1, k_out), jnp.float32),
            jax.ShapeDtypeStruct((1, k_out), jnp.float32),
        ],
    )(x, s, t, w, b)


def _enc_finish_body(y_ref, s_ref, t_ref, w_ref, b_ref, ef_ref, ewb_ref):
    ef = jax.nn.relu(y_ref[...].astype(jnp.float32) * s_ref[...] + t_ref[...])
    ef_ref[...] = ef
    ewb_ref[...] = (
        jnp.dot(ef.astype(jnp.bfloat16), w_ref[...],
                preferred_element_type=jnp.float32)
        + b_ref[...]).astype(jnp.bfloat16)


def _enc_finish(y2, s, t, wb0, b1_0):
    return pl.pallas_call(
        _enc_finish_body,
        grid=(GE,),
        in_specs=[
            pl.BlockSpec((BE, D), lambda i: (i, 0)),
            _full((1, D)),
            _full((1, D)),
            _full((D, D)),
            _full((1, D)),
        ],
        out_specs=[
            pl.BlockSpec((BE, D), lambda i: (i, 0)),
            pl.BlockSpec((BE, D), lambda i: (i, 0)),
        ],
        out_shape=[
            jax.ShapeDtypeStruct((E, D), jnp.float32),
            jax.ShapeDtypeStruct((E, D), jnp.bfloat16),
        ],
    )(y2, s, t, wb0, b1_0)


def _layer0_edge_body(g_ref, ewb_ref, w2ac_ref, cmsg_ref, w2b_ref, b2b_ref,
                      wb1_ref, b11_ref, msg_ref, ewb1_ref):
    h1 = jax.nn.relu(g_ref[...].astype(jnp.float32)
                     + ewb_ref[...].astype(jnp.float32))
    h1 = h1.astype(jnp.bfloat16)
    msg_ref[...] = (
        jnp.dot(h1, w2ac_ref[...], preferred_element_type=jnp.float32)
        + cmsg_ref[...])
    e1 = jax.nn.relu(
        jnp.dot(h1, w2b_ref[...], preferred_element_type=jnp.float32)
        + b2b_ref[...])
    ewb1_ref[...] = (
        jnp.dot(e1.astype(jnp.bfloat16), wb1_ref[...],
                preferred_element_type=jnp.float32)
        + b11_ref[...]).astype(jnp.bfloat16)


def _layer0_edge(g0, ewb0, w2ac, cmsg, w2b, b2b, wb1, b11):
    return pl.pallas_call(
        _layer0_edge_body,
        grid=(GE,),
        in_specs=[
            pl.BlockSpec((BE, D), lambda i: (i, 0)),
            pl.BlockSpec((BE, D), lambda i: (i, 0)),
            _full((D, D)),
            _full((1, D)),
            _full((D, D)),
            _full((1, D)),
            _full((D, D)),
            _full((1, D)),
        ],
        out_specs=[
            pl.BlockSpec((BE, D), lambda i: (i, 0)),
            pl.BlockSpec((BE, D), lambda i: (i, 0)),
        ],
        out_shape=[
            jax.ShapeDtypeStruct((E, D), jnp.float32),
            jax.ShapeDtypeStruct((E, D), jnp.bfloat16),
        ],
    )(g0, ewb0, w2ac, cmsg, w2b, b2b, wb1, b11)


def _node_mm_body(x_ref, wa_ref, wc_ref, xa_ref, xc_ref):
    x = x_ref[...].astype(jnp.bfloat16)
    xa_ref[...] = jnp.dot(x, wa_ref[...], preferred_element_type=jnp.float32)
    xc_ref[...] = jnp.dot(x, wc_ref[...], preferred_element_type=jnp.float32)


def _node_mm(x, wa, wc):
    return pl.pallas_call(
        _node_mm_body,
        grid=(GN,),
        in_specs=[
            pl.BlockSpec((BN, D), lambda i: (i, 0)),
            _full((D, D)),
            _full((D, D)),
        ],
        out_specs=[
            pl.BlockSpec((BN, D), lambda i: (i, 0)),
            pl.BlockSpec((BN, D), lambda i: (i, 0)),
        ],
        out_shape=[
            jax.ShapeDtypeStruct((N, D), jnp.float32),
            jax.ShapeDtypeStruct((N, D), jnp.float32),
        ],
    )(x, wa, wc)


def _node_update_body(aggp_ref, degp_ref, x_ref, w1_ref, b1_ref, w2_ref,
                      b2_ref, wa_ref, wc_ref, xa_ref, xc_ref):
    deg = jnp.maximum(degp_ref[0, :, 0:1] + degp_ref[1, :, 0:1], 1.0)
    agg = (aggp_ref[0] + aggp_ref[1]) / deg
    h2 = jax.nn.relu(
        jnp.dot(agg.astype(jnp.bfloat16), w1_ref[...],
                preferred_element_type=jnp.float32)
        + b1_ref[...])
    xn = x_ref[...] + (
        jnp.dot(h2.astype(jnp.bfloat16), w2_ref[...],
                preferred_element_type=jnp.float32)
        + b2_ref[...])
    xn = jax.nn.relu(xn).astype(jnp.bfloat16)
    xa_ref[...] = jnp.dot(xn, wa_ref[...], preferred_element_type=jnp.float32)
    xc_ref[...] = jnp.dot(xn, wc_ref[...], preferred_element_type=jnp.float32)


def _node_update(aggp, degp, x, w1, b1, w2, b2, wa, wc):
    return pl.pallas_call(
        _node_update_body,
        grid=(GN,),
        in_specs=[
            pl.BlockSpec((2, BN, D), lambda i: (0, i, 0)),
            pl.BlockSpec((2, BN, D), lambda i: (0, i, 0)),
            pl.BlockSpec((BN, D), lambda i: (i, 0)),
            _full((D, D)),
            _full((1, D)),
            _full((D, D)),
            _full((1, D)),
            _full((D, D)),
            _full((D, D)),
        ],
        out_specs=[
            pl.BlockSpec((BN, D), lambda i: (i, 0)),
            pl.BlockSpec((BN, D), lambda i: (i, 0)),
        ],
        out_shape=[
            jax.ShapeDtypeStruct((N, D), jnp.float32),
            jax.ShapeDtypeStruct((N, D), jnp.float32),
        ],
    )(aggp, degp, x, w1, b1, w2, b2, wa, wc)


def _layer1_edge_body(g_ref, ewb_ref, w2b_ref, b2b_ref, cw_ref, cb_ref,
                      ef_ref, cpre_ref, ssum_ref, ssq_ref):
    h1 = jax.nn.relu(g_ref[...].astype(jnp.float32)
                     + ewb_ref[...].astype(jnp.float32))
    ef = (jnp.dot(h1.astype(jnp.bfloat16), w2b_ref[...],
                  preferred_element_type=jnp.float32)
          + b2b_ref[...])
    ef_ref[...] = ef
    cpre = (jnp.dot(ef.astype(jnp.bfloat16), cw_ref[...],
                    preferred_element_type=jnp.float32)
            + cb_ref[...])
    cpre_ref[...] = cpre.astype(jnp.bfloat16)

    @pl.when(pl.program_id(0) == 0)
    def _():
        ssum_ref[...] = jnp.zeros_like(ssum_ref)
        ssq_ref[...] = jnp.zeros_like(ssq_ref)

    ssum_ref[...] += jnp.sum(cpre, axis=0, keepdims=True)
    ssq_ref[...] += jnp.sum(cpre * cpre, axis=0, keepdims=True)


def _layer1_edge(g1, ewb1, w2b, b2b, cw1, cb1):
    hc = cw1.shape[1]
    return pl.pallas_call(
        _layer1_edge_body,
        grid=(GE,),
        in_specs=[
            pl.BlockSpec((BE, D), lambda i: (i, 0)),
            pl.BlockSpec((BE, D), lambda i: (i, 0)),
            _full((D, D)),
            _full((1, D)),
            _full((D, hc)),
            _full((1, hc)),
        ],
        out_specs=[
            pl.BlockSpec((BE, D), lambda i: (i, 0)),
            pl.BlockSpec((BE, hc), lambda i: (i, 0)),
            pl.BlockSpec((1, hc), lambda i: (0, 0)),
            pl.BlockSpec((1, hc), lambda i: (0, 0)),
        ],
        out_shape=[
            jax.ShapeDtypeStruct((E, D), jnp.float32),
            jax.ShapeDtypeStruct((E, hc), jnp.bfloat16),
            jax.ShapeDtypeStruct((1, hc), jnp.float32),
            jax.ShapeDtypeStruct((1, hc), jnp.float32),
        ],
    )(g1, ewb1, w2b, b2b, cw1, cb1)


def _cls_finish_body(c_ref, s_ref, t_ref, w_ref, b_ref, out_ref):
    c = jax.nn.relu(c_ref[...].astype(jnp.float32) * s_ref[...] + t_ref[...])
    logits = (jnp.dot(c.astype(jnp.bfloat16), w_ref[...],
                      preferred_element_type=jnp.float32)
              + b_ref[...])
    out_ref[...] = jax.nn.sigmoid(logits)


def _cls_finish(cpre, s, t, w, b):
    hc = cpre.shape[1]
    return pl.pallas_call(
        _cls_finish_body,
        grid=(GE,),
        in_specs=[
            pl.BlockSpec((BE, hc), lambda i: (i, 0)),
            _full((1, hc)),
            _full((1, hc)),
            _full((hc, R)),
            _full((1, R)),
        ],
        out_specs=pl.BlockSpec((BE, R), lambda i: (i, 0)),
        out_shape=jax.ShapeDtypeStruct((E, R), jnp.float32),
    )(cpre, s, t, w, b)



def _sc_gather_add(table_a, table_b, idx_ab):
    mesh = plsc.VectorSubcoreMesh(core_axis_name="c", subcore_axis_name="s")

    @functools.partial(
        pl.kernel,
        mesh=mesh,
        out_type=jax.ShapeDtypeStruct((E, D), jnp.float32),
        scratch_types=[
            pltpu.VMEM((2, 2, CH), jnp.int32),
            pltpu.VMEM((2, CH, D), jnp.float32),
            pltpu.VMEM((2, CH, D), jnp.float32),
            pltpu.SemaphoreType.DMA,
            pltpu.SemaphoreType.DMA,
            pltpu.SemaphoreType.DMA,
            pltpu.SemaphoreType.DMA,
            pltpu.SemaphoreType.DMA,
            pltpu.SemaphoreType.DMA,
        ],
    )
    def k(ta_h, tb_h, idx_h, out_h, iv, ra, rb,
          sga0, sga1, sgb0, sgb1, swr0, swr1):
        sga = (sga0, sga1)
        sgb = (sgb0, sgb1)
        swr = (swr0, swr1)
        wid = lax.axis_index("s") * 2 + lax.axis_index("c")
        tw = (NCH - 1 - wid) // NW + 1

        def issue(t, b):
            base = pl.multiple_of((t * NW + wid) * CH, CH)
            pltpu.sync_copy(idx_h.at[:, pl.ds(base, CH)], iv.at[b])
            pltpu.async_copy(ta_h.at[iv.at[b, 0]], ra.at[b], sga[b])
            pltpu.async_copy(tb_h.at[iv.at[b, 1]], rb.at[b], sgb[b])

        for b in (0, 1):
            issue(b, b)

        def pair(g, cc):
            for b in (0, 1):
                t = 2 * g + b

                @pl.when(t < tw)
                def _():
                    base = pl.multiple_of((t * NW + wid) * CH, CH)
                    pltpu.make_async_copy(
                        out_h.at[pl.ds(0, CH)], ra.at[b], sga[b]).wait()
                    pltpu.make_async_copy(
                        out_h.at[pl.ds(0, CH)], rb.at[b], sgb[b]).wait()

                    def addrow(r, cc2):
                        for j in range(D // 16):
                            sl = pl.ds(j * 16, 16)
                            ra[b, r, sl] = ra[b, r, sl] + rb[b, r, sl]
                        return cc2

                    lax.fori_loop(0, CH, addrow, 0)
                    pltpu.async_copy(ra.at[b], out_h.at[pl.ds(base, CH)],
                                     swr[b])

                t2 = t + 2

                @pl.when(t2 < tw)
                def _():
                    pltpu.make_async_copy(
                        out_h.at[pl.ds(0, CH)], ra.at[b], swr[b]).wait()
                    issue(t2, b)
            return cc

        lax.fori_loop(0, (TPW + 1) // 2, pair, 0)

        for b in (0, 1):
            pltpu.make_async_copy(
                out_h.at[pl.ds(0, CH)], ra.at[b], swr[b]).wait()

    return k(table_a, table_b, idx_ab)


def _sc_scatter_msg(msg, dst):
    mesh = plsc.VectorSubcoreMesh(core_axis_name="c", subcore_axis_name="s")

    @functools.partial(
        pl.kernel,
        mesh=mesh,
        out_type=jax.ShapeDtypeStruct((2 * N_PAD, D), jnp.float32),
        scratch_types=[
            pltpu.VMEM((CH,), jnp.int32),
            pltpu.VMEM((CH, D), jnp.float32),
            pltpu.VMEM_SHARED((N_PAD, D), jnp.float32),
        ],
    )
    def k(msg_h, dst_h, agg_h, idxv, rows, acc_s):
        cid = lax.axis_index("c")
        sid = lax.axis_index("s")
        wid = sid * 2 + cid

        def zrow(r, cc):
            for j in range(D // 16):
                rows[r, pl.ds(j * 16, 16)] = jnp.zeros((16,), jnp.float32)
            return cc

        lax.fori_loop(0, CH, zrow, 0)

        row0 = pl.multiple_of(sid * RPT, CH)
        for off in range(0, RPT, CH):
            pltpu.sync_copy(rows, acc_s.at[pl.ds(row0 + off, CH)])

        plsc.subcore_barrier()

        def step(t, carry):
            c = t * NW + wid

            @pl.when(c < NCH)
            def _():
                base = pl.multiple_of(c * CH, CH)
                pltpu.sync_copy(dst_h.at[pl.ds(base, CH)], idxv)
                pltpu.sync_copy(msg_h.at[pl.ds(base, CH)], rows)
                pltpu.sync_copy(rows, acc_s.at[idxv], add=True)

            return carry

        lax.fori_loop(0, TPW, step, 0)

        plsc.subcore_barrier()

        out_row0 = pl.multiple_of(cid * N_PAD + sid * RPT, CH)
        for off in range(0, RPT, CH):
            pltpu.sync_copy(acc_s.at[pl.ds(row0 + off, CH)], rows)
            pltpu.sync_copy(rows, agg_h.at[pl.ds(out_row0 + off, CH)])

    return k(msg, dst)


def _sc_scatter_ones(dst):
    mesh = plsc.VectorSubcoreMesh(core_axis_name="c", subcore_axis_name="s")

    @functools.partial(
        pl.kernel,
        mesh=mesh,
        out_type=jax.ShapeDtypeStruct((2 * N_PAD, D), jnp.float32),
        scratch_types=[
            pltpu.VMEM((CH,), jnp.int32),
            pltpu.VMEM((CH, D), jnp.float32),
            pltpu.VMEM((CH, D), jnp.float32),
            pltpu.VMEM_SHARED((N_PAD, D), jnp.float32),
        ],
    )
    def k(dst_h, deg_h, idxv, rows, onesv, acc_s):
        cid = lax.axis_index("c")
        sid = lax.axis_index("s")
        wid = sid * 2 + cid

        def fillrow(r, cc):
            for j in range(D // 16):
                rows[r, pl.ds(j * 16, 16)] = jnp.zeros((16,), jnp.float32)
                onesv[r, pl.ds(j * 16, 16)] = jnp.ones((16,), jnp.float32)
            return cc

        lax.fori_loop(0, CH, fillrow, 0)

        row0 = pl.multiple_of(sid * RPT, CH)
        for off in range(0, RPT, CH):
            pltpu.sync_copy(rows, acc_s.at[pl.ds(row0 + off, CH)])

        plsc.subcore_barrier()

        def step(t, carry):
            c = t * NW + wid

            @pl.when(c < NCH)
            def _():
                base = pl.multiple_of(c * CH, CH)
                pltpu.sync_copy(dst_h.at[pl.ds(base, CH)], idxv)
                pltpu.sync_copy(onesv, acc_s.at[idxv], add=True)

            return carry

        lax.fori_loop(0, TPW, step, 0)

        plsc.subcore_barrier()

        out_row0 = pl.multiple_of(cid * N_PAD + sid * RPT, CH)
        for off in range(0, RPT, CH):
            pltpu.sync_copy(acc_s.at[pl.ds(row0 + off, CH)], rows)
            pltpu.sync_copy(rows, deg_h.at[pl.ds(out_row0 + off, CH)])

    return k(dst)



def _bn_fold(ssum, ssq, g, be):
    m = ssum / E
    v = ssq / E - m * m
    s = g / jnp.sqrt(v + 1e-5)
    t = be - m * s
    return s, t


def kernel(obj_feature, rel_feature, edges_index, params):
    p = params
    f32 = jnp.float32
    bf = lambda a: a.astype(jnp.bfloat16)
    row = lambda a: jnp.reshape(a, (1, -1)).astype(f32)

    src = edges_index[0].astype(jnp.int32)
    dst = edges_index[1].astype(jnp.int32)
    idx_ds = jnp.stack([dst, src])

    g0p = p['gcn'][0]
    g1p = p['gcn'][1]
    wa0, wb0, wc0 = (g0p['nn1_w1'][:D], g0p['nn1_w1'][D:2 * D],
                     g0p['nn1_w1'][2 * D:])
    b1_0 = row(g0p['nn1_b1'])
    w2ac0 = g0p['nn1_w2'][:, :D] + g0p['nn1_w2'][:, 2 * D:]
    cmsg0 = row(g0p['nn1_b2'][:D] + g0p['nn1_b2'][2 * D:])
    w2b0 = g0p['nn1_w2'][:, D:2 * D]
    b2b0 = row(g0p['nn1_b2'][D:2 * D])
    wa1, wb1, wc1 = (g1p['nn1_w1'][:D], g1p['nn1_w1'][D:2 * D],
                     g1p['nn1_w1'][2 * D:])
    b1_1 = row(g1p['nn1_b1'])
    w2b1 = g1p['nn1_w2'][:, D:2 * D]
    b2b1 = row(g1p['nn1_b2'][D:2 * D])

    xa0, xc0 = _node_mm(obj_feature, bf(wa0), bf(wc0))
    gsum0 = _sc_gather_add(xa0, xc0, idx_ds)

    y1, ss1, sq1 = _mm_stats(rel_feature, bf(p['enc_w1']), row(p['enc_b1']))
    s1, t1 = _bn_fold(ss1, sq1, row(p['enc_g1']), row(p['enc_be1']))
    y2, ss2, sq2 = _affine_relu_mm_stats(y1, s1, t1, bf(p['enc_w2']),
                                         row(p['enc_b2']))
    s2, t2 = _bn_fold(ss2, sq2, row(p['enc_g2']), row(p['enc_be2']))
    edge_feature, ewb0 = _enc_finish(y2, s2, t2, bf(wb0), b1_0)

    msg0, ewb1 = _layer0_edge(gsum0, ewb0, bf(w2ac0), cmsg0, bf(w2b0), b2b0,
                              bf(wb1), b1_1)

    degp = _sc_scatter_ones(dst)
    aggp = _sc_scatter_msg(msg0, dst)
    xa1, xc1 = _node_update(
        aggp.reshape(2, N_PAD, D), degp.reshape(2, N_PAD, D), obj_feature,
        bf(g0p['nn2_w1']), row(g0p['nn2_b1']), bf(g0p['nn2_w2']),
        row(g0p['nn2_b2']), bf(wa1), bf(wc1))

    gsum1 = _sc_gather_add(xa1, xc1, idx_ds)

    e_final, cpre, ssc, sqc = _layer1_edge(gsum1, ewb1, bf(w2b1), b2b1,
                                           bf(p['cls_w1']), row(p['cls_b1']))
    s_c, t_c = _bn_fold(ssc, sqc, row(p['cls_g1']), row(p['cls_be1']))
    rel_cls = _cls_finish(cpre, s_c, t_c, bf(p['cls_w2']), row(p['cls_b2']))

    return rel_cls, obj_feature, edge_feature, e_final

# --- scband reference (transcript-rebuilt; emitter-appended) ---
"""Pipeline reference for scband-sgpnmodel-69492570849311 (READ-ONLY COPY).

The authoritative reference and input builder live on the scoring server;
editing this copy changes nothing except your own understanding.
"""

import jax, jax.numpy as jnp
import numpy as np

N = 10000
E = 160000
D = 128   # dim_obj
DE = 128  # edge_feature_size
H = 128   # gcn_hidden_feature_size
R = 26    # num_rel_cls
L = 2     # num_layer


def _bn(x, g, b):
    # training-mode batch norm over batch axis
    m = jnp.mean(x, axis=0)
    v = jnp.var(x, axis=0)
    return (x - m) / jnp.sqrt(v + 1e-5) * g + b


def _make_params(key):
    ks = jax.random.split(key, 64)
    s = 0.05
    i = 0
    def nxt():
        nonlocal i
        k = ks[i]; i += 1
        return k
    params = {
        'enc_w1': jax.random.normal(nxt(), (2 * D, DE), jnp.float32) * s,
        'enc_b1': jnp.zeros((DE,), jnp.float32),
        'enc_g1': jnp.ones((DE,), jnp.float32),
        'enc_be1': jnp.zeros((DE,), jnp.float32),
        'enc_w2': jax.random.normal(nxt(), (DE, DE), jnp.float32) * s,
        'enc_b2': jnp.zeros((DE,), jnp.float32),
        'enc_g2': jnp.ones((DE,), jnp.float32),
        'enc_be2': jnp.zeros((DE,), jnp.float32),
        'cls_w1': jax.random.normal(nxt(), (DE, DE // 2), jnp.float32) * s,
        'cls_b1': jnp.zeros((DE // 2,), jnp.float32),
        'cls_g1': jnp.ones((DE // 2,), jnp.float32),
        'cls_be1': jnp.zeros((DE // 2,), jnp.float32),
        'cls_w2': jax.random.normal(nxt(), (DE // 2, R), jnp.float32) * s,
        'cls_b2': jnp.zeros((R,), jnp.float32),
        'gcn': [],
    }
    for _ in range(L):
        params['gcn'].append({
            'nn1_w1': jax.random.normal(nxt(), (2 * D + DE, H), jnp.float32) * s,
            'nn1_b1': jnp.zeros((H,), jnp.float32),
            'nn1_w2': jax.random.normal(nxt(), (H, 2 * H + DE), jnp.float32) * s,
            'nn1_b2': jnp.zeros((2 * H + DE,), jnp.float32),
            'nn2_w1': jax.random.normal(nxt(), (H, H), jnp.float32) * s,
            'nn2_b1': jnp.zeros((H,), jnp.float32),
            'nn2_w2': jax.random.normal(nxt(), (H, D), jnp.float32) * s,
            'nn2_b2': jnp.zeros((D,), jnp.float32),
        })
    return params


def setup_inputs(seed: int = 0):
    key = jax.random.key(seed)
    k0, k1, k2, kp = jax.random.split(key, 4)
    obj_feature = jax.random.normal(k0, (N, D), jnp.float32)
    rel_feature = jax.random.normal(k1, (E, 2 * D), jnp.float32)
    edges_index = jax.random.randint(k2, (2, E), 0, N)
    params = _make_params(kp)
    return {'obj_feature': obj_feature, 'rel_feature': rel_feature,
            'edges_index': edges_index, 'params': params}


def _forward(obj_feature, rel_feature, edges_index, params):
    p = params
    # RelNetFeat: MLP (Linear -> BN -> ReLU) x2 on concatenated pair features
    e = jax.nn.relu(_bn(rel_feature @ p['enc_w1'] + p['enc_b1'], p['enc_g1'], p['enc_be1']))
    e = jax.nn.relu(_bn(e @ p['enc_w2'] + p['enc_b2'], p['enc_g2'], p['enc_be2']))
    edge_feature = e
    x = obj_feature
    src = edges_index[0]
    dst = edges_index[1]
    n = x.shape[0]
    deg = jax.ops.segment_sum(jnp.ones((e.shape[0],), jnp.float32), dst, num_segments=n)
    deg = jnp.maximum(deg, 1.0)[:, None]
    # TripletGCNModel: L layers of triplet message passing with mean aggregation
    for l in range(L):
        lp = p['gcn'][l]
        tri = jnp.concatenate([x[dst], e, x[src]], axis=1)  # [x_i, edge, x_j]
        h1 = jax.nn.relu(tri @ lp['nn1_w1'] + lp['nn1_b1'])
        out = h1 @ lp['nn1_w2'] + lp['nn1_b2']
        msg = out[:, :H] + out[:, H + DE:]
        new_e = out[:, H:H + DE]
        agg = jax.ops.segment_sum(msg, dst, num_segments=n) / deg
        h2 = jax.nn.relu(agg @ lp['nn2_w1'] + lp['nn2_b1'])
        x = x + (h2 @ lp['nn2_w2'] + lp['nn2_b2'])
        e = new_e
        if l < L - 1:
            x = jax.nn.relu(x)
            e = jax.nn.relu(e)
    # RelNetCls: Linear -> BN -> ReLU -> (dropout off) -> Linear -> sigmoid
    c = jax.nn.relu(_bn(e @ p['cls_w1'] + p['cls_b1'], p['cls_g1'], p['cls_be1']))
    rel_cls = jax.nn.sigmoid(c @ p['cls_w2'] + p['cls_b2'])
    return rel_cls, obj_feature, edge_feature, e


def reference(obj_feature, rel_feature, edges_index, params):
    return _forward(obj_feature, rel_feature, edges_index, params)

if __name__ == "__main__":
    import jax
    _d = setup_inputs()
    print(jax.jit(kernel)(*tuple(_d.values())))

</pallas_src>

<mosaic_0001>
#map = affine_map<(d0, d1) -> (0)>
#map1 = affine_map<(d0, d1) -> (0, 0)>
module attributes {stable_mosaic.version = 14 : i64} {
  func.func @k(%arg0: i32, %arg1: i32, %arg2: memref<160000xi32, #tpu.memory_space<hbm>>, %arg3: memref<20480x128xf32, #tpu.memory_space<hbm>>, %arg4: memref<128xi32, #tpu.memory_space<vmem>>, %arg5: memref<128x128xf32, #tpu.memory_space<vmem>>, %arg6: memref<128x128xf32, #tpu.memory_space<vmem>>, %arg7: memref<10240x128xf32, #tpu.memory_space<vmem_shared>>) attributes {dimension_semantics = [#tpu.dimension_semantics<core_parallel>, #tpu.dimension_semantics<subcore_parallel>], iteration_bounds = array<i64: 2, 16>, scalar_prefetch = 0 : i64, scratch_operands = 4 : i64, tpu.core_type = #tpu.core_type<sc_vector_subcore>, window_params = [{transform_indices = #map}, {transform_indices = #map1}]} {
    %mul3A = arith.constant 2 : i32
    %mul3A_0 = arith.muli %arg1, %mul3A : i32
    %add3A = arith.addi %mul3A_0, %arg0 : i32
    %scan3A = arith.constant 0 : i32
    %scan3A_1 = arith.constant 0 : i32
    %scan3A_2 = arith.constant 128 : i32
    %scan3A_3 = arith.addi %scan3A_1, %scan3A_2 : i32
    %scan3A_4 = arith.constant 1 : i32
    scf.for %scan3A_51 = %scan3A_1 to %scan3A_3 step %scan3A_4  : i32 {
      %broadcast_in_dim3A = arith.constant 0.000000e+00 : f32
      %broadcast_in_dim3A_52 = vector.broadcast %broadcast_in_dim3A : f32 to vector<16xf32>
      %swap3A = arith.index_cast %scan3A_51 : i32 to index
      %swap3A_53 = arith.constant 0 : index
      %swap3A_54 = tpu.vector_load %arg5[%swap3A, %swap3A_53] {strides = array<i32>} : memref<128x128xf32, #tpu.memory_space<vmem>>, vector<1x16xf32>,
      %swap3A_55 = vector.shape_cast %swap3A_54 : vector<1x16xf32> to vector<16xf32>
      %swap3A_56 = vector.shape_cast %broadcast_in_dim3A_52 : vector<16xf32> to vector<1x16xf32>
      tpu.vector_store %arg5[%swap3A, %swap3A_53], %swap3A_56 {strides = array<i32>} : memref<128x128xf32, #tpu.memory_space<vmem>>, vector<1x16xf32>,
      %broadcast_in_dim3A_57 = arith.constant 1.000000e+00 : f32
      %broadcast_in_dim3A_58 = vector.broadcast %broadcast_in_dim3A_57 : f32 to vector<16xf32>
      %swap3A_59 = arith.index_cast %scan3A_51 : i32 to index
      %swap3A_60 = arith.constant 0 : index
      %swap3A_61 = tpu.vector_load %arg6[%swap3A_59, %swap3A_60] {strides = array<i32>} : memref<128x128xf32, #tpu.memory_space<vmem>>, vector<1x16xf32>,
      %swap3A_62 = vector.shape_cast %swap3A_61 : vector<1x16xf32> to vector<16xf32>
      %swap3A_63 = vector.shape_cast %broadcast_in_dim3A_58 : vector<16xf32> to vector<1x16xf32>
      tpu.vector_store %arg6[%swap3A_59, %swap3A_60], %swap3A_63 {strides = array<i32>} : memref<128x128xf32, #tpu.memory_space<vmem>>, vector<1x16xf32>,
      %broadcast_in_dim3A_64 = arith.constant 0.000000e+00 : f32
      %broadcast_in_dim3A_65 = vector.broadcast %broadcast_in_dim3A_64 : f32 to vector<16xf32>
      %swap3A_66 = arith.index_cast %scan3A_51 : i32 to index
      %swap3A_67 = arith.constant 16 : index
      %swap3A_68 = tpu.vector_load %arg5[%swap3A_66, %swap3A_67] {strides = array<i32>} : memref<128x128xf32, #tpu.memory_space<vmem>>, vector<1x16xf32>,
      %swap3A_69 = vector.shape_cast %swap3A_68 : vector<1x16xf32> to vector<16xf32>
      %swap3A_70 = vector.shape_cast %broadcast_in_dim3A_65 : vector<16xf32> to vector<1x16xf32>
      tpu.vector_store %arg5[%swap3A_66, %swap3A_67], %swap3A_70 {strides = array<i32>} : memref<128x128xf32, #tpu.memory_space<vmem>>, vector<1x16xf32>,
      %broadcast_in_dim3A_71 = arith.constant 1.000000e+00 : f32
      %broadcast_in_dim3A_72 = vector.broadcast %broadcast_in_dim3A_71 : f32 to vector<16xf32>
      %swap3A_73 = arith.index_cast %scan3A_51 : i32 to index
      %swap3A_74 = arith.constant 16 : index
      %swap3A_75 = tpu.vector_load %arg6[%swap3A_73, %swap3A_74] {strides = array<i32>} : memref<128x128xf32, #tpu.memory_space<vmem>>, vector<1x16xf32>,
      %swap3A_76 = vector.shape_cast %swap3A_75 : vector<1x16xf32> to vector<16xf32>
      %swap3A_77 = vector.shape_cast %broadcast_in_dim3A_72 : vector<16xf32> to vector<1x16xf32>
      tpu.vector_store %arg6[%swap3A_73, %swap3A_74], %swap3A_77 {strides = array<i32>} : memref<128x128xf32, #tpu.memory_space<vmem>>, vector<1x16xf32>,
      %broadcast_in_dim3A_78 = arith.constant 0.000000e+00 : f32
      %broadcast_in_dim3A_79 = vector.broadcast %broadcast_in_dim3A_78 : f32 to vector<16xf32>
      %swap3A_80 = arith.index_cast %scan3A_51 : i32 to index
      %swap3A_81 = arith.constant 32 : index
      %swap3A_82 = tpu.vector_load %arg5[%swap3A_80, %swap3A_81] {strides = array<i32>} : memref<128x128xf32, #tpu.memory_space<vmem>>, vector<1x16xf32>,
      %swap3A_83 = vector.shape_cast %swap3A_82 : vector<1x16xf32> to vector<16xf32>
      %swap3A_84 = vector.shape_cast %broadcast_in_dim3A_79 : vector<16xf32> to vector<1x16xf32>
      tpu.vector_store %arg5[%swap3A_80, %swap3A_81], %swap3A_84 {strides = array<i32>} : memref<128x128xf32, #tpu.memory_space<vmem>>, vector<1x16xf32>,
      %broadcast_in_dim3A_85 = arith.constant 1.000000e+00 : f32
      %broadcast_in_dim3A_86 = vector.broadcast %broadcast_in_dim3A_85 : f32 to vector<16xf32>
      %swap3A_87 = arith.index_cast %scan3A_51 : i32 to index
      %swap3A_88 = arith.constant 32 : index
      %swap3A_89 = tpu.vector_load %arg6[%swap3A_87, %swap3A_88] {strides = array<i32>} : memref<128x128xf32, #tpu.memory_space<vmem>>, vector<1x16xf32>,
      %swap3A_90 = vector.shape_cast %swap3A_89 : vector<1x16xf32> to vector<16xf32>
      %swap3A_91 = vector.shape_cast %broadcast_in_dim3A_86 : vector<16xf32> to vector<1x16xf32>
      tpu.vector_store %arg6[%swap3A_87, %swap3A_88], %swap3A_91 {strides = array<i32>} : memref<128x128xf32, #tpu.memory_space<vmem>>, vector<1x16xf32>,
      %broadcast_in_dim3A_92 = arith.constant 0.000000e+00 : f32
      %broadcast_in_dim3A_93 = vector.broadcast %broadcast_in_dim3A_92 : f32 to vector<16xf32>
      %swap3A_94 = arith.index_cast %scan3A_51 : i32 to index
      %swap3A_95 = arith.constant 48 : index
      %swap3A_96 = tpu.vector_load %arg5[%swap3A_94, %swap3A_95] {strides = array<i32>} : memref<128x128xf32, #tpu.memory_space<vmem>>, vector<1x16xf32>,
      %swap3A_97 = vector.shape_cast %swap3A_96 : vector<1x16xf32> to vector<16xf32>
      %swap3A_98 = vector.shape_cast %broadcast_in_dim3A_93 : vector<16xf32> to vector<1x16xf32>
      tpu.vector_store %arg5[%swap3A_94, %swap3A_95], %swap3A_98 {strides = array<i32>} : memref<128x128xf32, #tpu.memory_space<vmem>>, vector<1x16xf32>,
      %broadcast_in_dim3A_99 = arith.constant 1.000000e+00 : f32
      %broadcast_in_dim3A_100 = vector.broadcast %broadcast_in_dim3A_99 : f32 to vector<16xf32>
      %swap3A_101 = arith.index_cast %scan3A_51 : i32 to index
      %swap3A_102 = arith.constant 48 : index
      %swap3A_103 = tpu.vector_load %arg6[%swap3A_101, %swap3A_102] {strides = array<i32>} : memref<128x128xf32, #tpu.memory_space<vmem>>, vector<1x16xf32>,
      %swap3A_104 = vector.shape_cast %swap3A_103 : vector<1x16xf32> to vector<16xf32>
      %swap3A_105 = vector.shape_cast %broadcast_in_dim3A_100 : vector<16xf32> to vector<1x16xf32>
      tpu.vector_store %arg6[%swap3A_101, %swap3A_102], %swap3A_105 {strides = array<i32>} : memref<128x128xf32, #tpu.memory_space<vmem>>, vector<1x16xf32>,
      %broadcast_in_dim3A_106 = arith.constant 0.000000e+00 : f32
      %broadcast_in_dim3A_107 = vector.broadcast %broadcast_in_dim3A_106 : f32 to vector<16xf32>
      %swap3A_108 = arith.index_cast %scan3A_51 : i32 to index
      %swap3A_109 = arith.constant 64 : index
      %swap3A_110 = tpu.vector_load %arg5[%swap3A_108, %swap3A_109] {strides = array<i32>} : memref<128x128xf32, #tpu.memory_space<vmem>>, vector<1x16xf32>,
      %swap3A_111 = vector.shape_cast %swap3A_110 : vector<1x16xf32> to vector<16xf32>
      %swap3A_112 = vector.shape_cast %broadcast_in_dim3A_107 : vector<16xf32> to vector<1x16xf32>
      tpu.vector_store %arg5[%swap3A_108, %swap3A_109], %swap3A_112 {strides = array<i32>} : memref<128x128xf32, #tpu.memory_space<vmem>>, vector<1x16xf32>,
      %broadcast_in_dim3A_113 = arith.constant 1.000000e+00 : f32
      %broadcast_in_dim3A_114 = vector.broadcast %broadcast_in_dim3A_113 : f32 to vector<16xf32>
      %swap3A_115 = arith.index_cast %scan3A_51 : i32 to index
      %swap3A_116 = arith.constant 64 : index
      %swap3A_117 = tpu.vector_load %arg6[%swap3A_115, %swap3A_116] {strides = array<i32>} : memref<128x128xf32, #tpu.memory_space<vmem>>, vector<1x16xf32>,
      %swap3A_118 = vector.shape_cast %swap3A_117 : vector<1x16xf32> to vector<16xf32>
      %swap3A_119 = vector.shape_cast %broadcast_in_dim3A_114 : vector<16xf32> to vector<1x16xf32>
      tpu.vector_store %arg6[%swap3A_115, %swap3A_116], %swap3A_119 {strides = array<i32>} : memref<128x128xf32, #tpu.memory_space<vmem>>, vector<1x16xf32>,
      %broadcast_in_dim3A_120 = arith.constant 0.000000e+00 : f32
      %broadcast_in_dim3A_121 = vector.broadcast %broadcast_in_dim3A_120 : f32 to vector<16xf32>
      %swap3A_122 = arith.index_cast %scan3A_51 : i32 to index
      %swap3A_123 = arith.constant 80 : index
      %swap3A_124 = tpu.vector_load %arg5[%swap3A_122, %swap3A_123] {strides = array<i32>} : memref<128x128xf32, #tpu.memory_space<vmem>>, vector<1x16xf32>,
      %swap3A_125 = vector.shape_cast %swap3A_124 : vector<1x16xf32> to vector<16xf32>
      %swap3A_126 = vector.shape_cast %broadcast_in_dim3A_121 : vector<16xf32> to vector<1x16xf32>
      tpu.vector_store %arg5[%swap3A_122, %swap3A_123], %swap3A_126 {strides = array<i32>} : memref<128x128xf32, #tpu.memory_space<vmem>>, vector<1x16xf32>,
      %broadcast_in_dim3A_127 = arith.constant 1.000000e+00 : f32
      %broadcast_in_dim3A_128 = vector.broadcast %broadcast_in_dim3A_127 : f32 to vector<16xf32>
      %swap3A_129 = arith.index_cast %scan3A_51 : i32 to index
      %swap3A_130 = arith.constant 80 : index
      %swap3A_131 = tpu.vector_load %arg6[%swap3A_129, %swap3A_130] {strides = array<i32>} : memref<128x128xf32, #tpu.memory_space<vmem>>, vector<1x16xf32>,
      %swap3A_132 = vector.shape_cast %swap3A_131 : vector<1x16xf32> to vector<16xf32>
      %swap3A_133 = vector.shape_cast %broadcast_in_dim3A_128 : vector<16xf32> to vector<1x16xf32>
      tpu.vector_store %arg6[%swap3A_129, %swap3A_130], %swap3A_133 {strides = array<i32>} : memref<128x128xf32, #tpu.memory_space<vmem>>, vector<1x16xf32>,
      %broadcast_in_dim3A_134 = arith.constant 0.000000e+00 : f32
      %broadcast_in_dim3A_135 = vector.broadcast %broadcast_in_dim3A_134 : f32 to vector<16xf32>
      %swap3A_136 = arith.index_cast %scan3A_51 : i32 to index
      %swap3A_137 = arith.constant 96 : index
      %swap3A_138 = tpu.vector_load %arg5[%swap3A_136, %swap3A_137] {strides = array<i32>} : memref<128x128xf32, #tpu.memory_space<vmem>>, vector<1x16xf32>,
      %swap3A_139 = vector.shape_cast %swap3A_138 : vector<1x16xf32> to vector<16xf32>
      %swap3A_140 = vector.shape_cast %broadcast_in_dim3A_135 : vector<16xf32> to vector<1x16xf32>
      tpu.vector_store %arg5[%swap3A_136, %swap3A_137], %swap3A_140 {strides = array<i32>} : memref<128x128xf32, #tpu.memory_space<vmem>>, vector<1x16xf32>,
      %broadcast_in_dim3A_141 = arith.constant 1.000000e+00 : f32
      %broadcast_in_dim3A_142 = vector.broadcast %broadcast_in_dim3A_141 : f32 to vector<16xf32>
      %swap3A_143 = arith.index_cast %scan3A_51 : i32 to index
      %swap3A_144 = arith.constant 96 : index
      %swap3A_145 = tpu.vector_load %arg6[%swap3A_143, %swap3A_144] {strides = array<i32>} : memref<128x128xf32, #tpu.memory_space<vmem>>, vector<1x16xf32>,
      %swap3A_146 = vector.shape_cast %swap3A_145 : vector<1x16xf32> to vector<16xf32>
      %swap3A_147 = vector.shape_cast %broadcast_in_dim3A_142 : vector<16xf32> to vector<1x16xf32>
      tpu.vector_store %arg6[%swap3A_143, %swap3A_144], %swap3A_147 {strides = array<i32>} : memref<128x128xf32, #tpu.memory_space<vmem>>, vector<1x16xf32>,
      %broadcast_in_dim3A_148 = arith.constant 0.000000e+00 : f32
      %broadcast_in_dim3A_149 = vector.broadcast %broadcast_in_dim3A_148 : f32 to vector<16xf32>
      %swap3A_150 = arith.index_cast %scan3A_51 : i32 to index
      %swap3A_151 = arith.constant 112 : index
      %swap3A_152 = tpu.vector_load %arg5[%swap3A_150, %swap3A_151] {strides = array<i32>} : memref<128x128xf32, #tpu.memory_space<vmem>>, vector<1x16xf32>,
      %swap3A_153 = vector.shape_cast %swap3A_152 : vector<1x16xf32> to vector<16xf32>
      %swap3A_154 = vector.shape_cast %broadcast_in_dim3A_149 : vector<16xf32> to vector<1x16xf32>
      tpu.vector_store %arg5[%swap3A_150, %swap3A_151], %swap3A_154 {strides = array<i32>} : memref<128x128xf32, #tpu.memory_space<vmem>>, vector<1x16xf32>,
      %broadcast_in_dim3A_155 = arith.constant 1.000000e+00 : f32
      %broadcast_in_dim3A_156 = vector.broadcast %broadcast_in_dim3A_155 : f32 to vector<16xf32>
      %swap3A_157 = arith.index_cast %scan3A_51 : i32 to index
      %swap3A_158 = arith.constant 112 : index
      %swap3A_159 = tpu.vector_load %arg6[%swap3A_157, %swap3A_158] {strides = array<i32>} : memref<128x128xf32, #tpu.memory_space<vmem>>, vector<1x16xf32>,
      %swap3A_160 = vector.shape_cast %swap3A_159 : vector<1x16xf32> to vector<16xf32>
      %swap3A_161 = vector.shape_cast %broadcast_in_dim3A_156 : vector<16xf32> to vector<1x16xf32>
      tpu.vector_store %arg6[%swap3A_157, %swap3A_158], %swap3A_161 {strides = array<i32>} : memref<128x128xf32, #tpu.memory_space<vmem>>, vector<1x16xf32>,
    }
    %scan3A_5 = arith.constant 128 : i32
    %mul3A_6 = arith.constant 640 : i32
    %mul3A_7 = arith.muli %arg1, %mul3A_6 : i32
    %multiple_of3A = tpu.assume_multiple %mul3A_7, 128 : i32
    %add3A_8 = arith.constant 0 : i32
    %add3A_9 = arith.addi %multiple_of3A, %add3A_8 : i32
    "tpu.region"() ({
      %run_scoped3A = tpu.sem_alloc : memref<!tpu.dma_semaphore, #tpu.memory_space<semaphore_mem>>
      %dma_start3A = arith.constant 0 : i32
      %dma_start3A_51 = tpu.memref_slice %arg7[%add3A_9, %dma_start3A] : memref<10240x128xf32, #tpu.memory_space<vmem_shared>> -> memref<128x128xf32, #tpu.memory_space<vmem_shared>>
      %dma_start3A_52 = arith.constant 0 : i32
      %dma_start3A_53 = tpu.memref_slice %arg7[%add3A_9, %dma_start3A_52] : memref<10240x128xf32, #tpu.memory_space<vmem_shared>> -> memref<128x128xf32, #tpu.memory_space<vmem_shared>>
      tpu.enqueue_dma source(%arg5 : memref<128x128xf32, #tpu.memory_space<vmem>>) target(%dma_start3A_53 : memref<128x128xf32, #tpu.memory_space<vmem_shared>>) target_semaphore(%run_scoped3A : memref<!tpu.dma_semaphore, #tpu.memory_space<semaphore_mem>>)
      %dma_wait3A = arith.constant 0 : i32
      %dma_wait3A_54 = tpu.memref_slice %arg7[%add3A_9, %dma_wait3A] : memref<10240x128xf32, #tpu.memory_space<vmem_shared>> -> memref<128x128xf32, #tpu.memory_space<vmem_shared>>
      %dma_wait3A_55 = arith.constant 0 : i32
      %dma_wait3A_56 = tpu.memref_slice %arg7[%add3A_9, %dma_wait3A_55] : memref<10240x128xf32, #tpu.memory_space<vmem_shared>> -> memref<128x128xf32, #tpu.memory_space<vmem_shared>>
      tpu.wait_dma2 semaphore(%run_scoped3A : memref<!tpu.dma_semaphore, #tpu.memory_space<semaphore_mem>>) src(%arg5 : memref<128x128xf32, #tpu.memory_space<vmem>>) dst(%dma_wait3A_56 : memref<128x128xf32, #tpu.memory_space<vmem_shared>>)
      tpu.yield
    }) : () -> ()
    %add3A_10 = arith.constant 128 : i32
    %add3A_11 = arith.addi %multiple_of3A, %add3A_10 : i32
    "tpu.region"() ({
      %run_scoped3A = tpu.sem_alloc : memref<!tpu.dma_semaphore, #tpu.memory_space<semaphore_mem>>
      %dma_start3A = arith.constant 0 : i32
      %dma_start3A_51 = tpu.memref_slice %arg7[%add3A_11, %dma_start3A] : memref<10240x128xf32, #tpu.memory_space<vmem_shared>> -> memref<128x128xf32, #tpu.memory_space<vmem_shared>>
      %dma_start3A_52 = arith.constant 0 : i32
      %dma_start3A_53 = tpu.memref_slice %arg7[%add3A_11, %dma_start3A_52] : memref<10240x128xf32, #tpu.memory_space<vmem_shared>> -> memref<128x128xf32, #tpu.memory_space<vmem_shared>>
      tpu.enqueue_dma source(%arg5 : memref<128x128xf32, #tpu.memory_space<vmem>>) target(%dma_start3A_53 : memref<128x128xf32, #tpu.memory_space<vmem_shared>>) target_semaphore(%run_scoped3A : memref<!tpu.dma_semaphore, #tpu.memory_space<semaphore_mem>>)
      %dma_wait3A = arith.constant 0 : i32
      %dma_wait3A_54 = tpu.memref_slice %arg7[%add3A_11, %dma_wait3A] : memref<10240x128xf32, #tpu.memory_space<vmem_shared>> -> memref<128x128xf32, #tpu.memory_space<vmem_shared>>
      %dma_wait3A_55 = arith.constant 0 : i32
      %dma_wait3A_56 = tpu.memref_slice %arg7[%add3A_11, %dma_wait3A_55] : memref<10240x128xf32, #tpu.memory_space<vmem_shared>> -> memref<128x128xf32, #tpu.memory_space<vmem_shared>>
      tpu.wait_dma2 semaphore(%run_scoped3A : memref<!tpu.dma_semaphore, #tpu.memory_space<semaphore_mem>>) src(%arg5 : memref<128x128xf32, #tpu.memory_space<vmem>>) dst(%dma_wait3A_56 : memref<128x128xf32, #tpu.memory_space<vmem_shared>>)
      tpu.yield
    }) : () -> ()
    %add3A_12 = arith.constant 256 : i32
    %add3A_13 = arith.addi %multiple_of3A, %add3A_12 : i32
    "tpu.region"() ({
      %run_scoped3A = tpu.sem_alloc : memref<!tpu.dma_semaphore, #tpu.memory_space<semaphore_mem>>
      %dma_start3A = arith.constant 0 : i32
      %dma_start3A_51 = tpu.memref_slice %arg7[%add3A_13, %dma_start3A] : memref<10240x128xf32, #tpu.memory_space<vmem_shared>> -> memref<128x128xf32, #tpu.memory_space<vmem_shared>>
      %dma_start3A_52 = arith.constant 0 : i32
      %dma_start3A_53 = tpu.memref_slice %arg7[%add3A_13, %dma_start3A_52] : memref<10240x128xf32, #tpu.memory_space<vmem_shared>> -> memref<128x128xf32, #tpu.memory_space<vmem_shared>>
      tpu.enqueue_dma source(%arg5 : memref<128x128xf32, #tpu.memory_space<vmem>>) target(%dma_start3A_53 : memref<128x128xf32, #tpu.memory_space<vmem_shared>>) target_semaphore(%run_scoped3A : memref<!tpu.dma_semaphore, #tpu.memory_space<semaphore_mem>>)
      %dma_wait3A = arith.constant 0 : i32
      %dma_wait3A_54 = tpu.memref_slice %arg7[%add3A_13, %dma_wait3A] : memref<10240x128xf32, #tpu.memory_space<vmem_shared>> -> memref<128x128xf32, #tpu.memory_space<vmem_shared>>
      %dma_wait3A_55 = arith.constant 0 : i32
      %dma_wait3A_56 = tpu.memref_slice %arg7[%add3A_13, %dma_wait3A_55] : memref<10240x128xf32, #tpu.memory_space<vmem_shared>> -> memref<128x128xf32, #tpu.memory_space<vmem_shared>>
      tpu.wait_dma2 semaphore(%run_scoped3A : memref<!tpu.dma_semaphore, #tpu.memory_space<semaphore_mem>>) src(%arg5 : memref<128x128xf32, #tpu.memory_space<vmem>>) dst(%dma_wait3A_56 : memref<128x128xf32, #tpu.memory_space<vmem_shared>>)
      tpu.yield
    }) : () -> ()
    %add3A_14 = arith.constant 384 : i32
    %add3A_15 = arith.addi %multiple_of3A, %add3A_14 : i32
    "tpu.region"() ({
      %run_scoped3A = tpu.sem_alloc : memref<!tpu.dma_semaphore, #tpu.memory_space<semaphore_mem>>
      %dma_start3A = arith.constant 0 : i32
      %dma_start3A_51 = tpu.memref_slice %arg7[%add3A_15, %dma_start3A] : memref<10240x128xf32, #tpu.memory_space<vmem_shared>> -> memref<128x128xf32, #tpu.memory_space<vmem_shared>>
      %dma_start3A_52 = arith.constant 0 : i32
      %dma_start3A_53 = tpu.memref_slice %arg7[%add3A_15, %dma_start3A_52] : memref<10240x128xf32, #tpu.memory_space<vmem_shared>> -> memref<128x128xf32, #tpu.memory_space<vmem_shared>>
      tpu.enqueue_dma source(%arg5 : memref<128x128xf32, #tpu.memory_space<vmem>>) target(%dma_start3A_53 : memref<128x128xf32, #tpu.memory_space<vmem_shared>>) target_semaphore(%run_scoped3A : memref<!tpu.dma_semaphore, #tpu.memory_space<semaphore_mem>>)
      %dma_wait3A = arith.constant 0 : i32
      %dma_wait3A_54 = tpu.memref_slice %arg7[%add3A_15, %dma_wait3A] : memref<10240x128xf32, #tpu.memory_space<vmem_shared>> -> memref<128x128xf32, #tpu.memory_space<vmem_shared>>
      %dma_wait3A_55 = arith.constant 0 : i32
      %dma_wait3A_56 = tpu.memref_slice %arg7[%add3A_15, %dma_wait3A_55] : memref<10240x128xf32, #tpu.memory_space<vmem_shared>> -> memref<128x128xf32, #tpu.memory_space<vmem_shared>>
      tpu.wait_dma2 semaphore(%run_scoped3A : memref<!tpu.dma_semaphore, #tpu.memory_space<semaphore_mem>>) src(%arg5 : memref<128x128xf32, #tpu.memory_space<vmem>>) dst(%dma_wait3A_56 : memref<128x128xf32, #tpu.memory_space<vmem_shared>>)
      tpu.yield
    }) : () -> ()
    %add3A_16 = arith.constant 512 : i32
    %add3A_17 = arith.addi %multiple_of3A, %add3A_16 : i32
    "tpu.region"() ({
      %run_scoped3A = tpu.sem_alloc : memref<!tpu.dma_semaphore, #tpu.memory_space<semaphore_mem>>
      %dma_start3A = arith.constant 0 : i32
      %dma_start3A_51 = tpu.memref_slice %arg7[%add3A_17, %dma_start3A] : memref<10240x128xf32, #tpu.memory_space<vmem_shared>> -> memref<128x128xf32, #tpu.memory_space<vmem_shared>>
      %dma_start3A_52 = arith.constant 0 : i32
      %dma_start3A_53 = tpu.memref_slice %arg7[%add3A_17, %dma_start3A_52] : memref<10240x128xf32, #tpu.memory_space<vmem_shared>> -> memref<128x128xf32, #tpu.memory_space<vmem_shared>>
      tpu.enqueue_dma source(%arg5 : memref<128x128xf32, #tpu.memory_space<vmem>>) target(%dma_start3A_53 : memref<128x128xf32, #tpu.memory_space<vmem_shared>>) target_semaphore(%run_scoped3A : memref<!tpu.dma_semaphore, #tpu.memory_space<semaphore_mem>>)
      %dma_wait3A = arith.constant 0 : i32
      %dma_wait3A_54 = tpu.memref_slice %arg7[%add3A_17, %dma_wait3A] : memref<10240x128xf32, #tpu.memory_space<vmem_shared>> -> memref<128x128xf32, #tpu.memory_space<vmem_shared>>
      %dma_wait3A_55 = arith.constant 0 : i32
      %dma_wait3A_56 = tpu.memref_slice %arg7[%add3A_17, %dma_wait3A_55] : memref<10240x128xf32, #tpu.memory_space<vmem_shared>> -> memref<128x128xf32, #tpu.memory_space<vmem_shared>>
      tpu.wait_dma2 semaphore(%run_scoped3A : memref<!tpu.dma_semaphore, #tpu.memory_space<semaphore_mem>>) src(%arg5 : memref<128x128xf32, #tpu.memory_space<vmem>>) dst(%dma_wait3A_56 : memref<128x128xf32, #tpu.memory_space<vmem_shared>>)
      tpu.yield
    }) : () -> ()
    %barrier3A = arith.constant 0 : index
    tpu.barrier barrier_id(%barrier3A)
    %scan3A_18 = arith.constant 0 : i32
    %scan3A_19 = arith.constant 0 : i32
    %scan3A_20 = arith.constant 40 : i32
    %scan3A_21 = arith.addi %scan3A_19, %scan3A_20 : i32
    %scan3A_22 = arith.constant 1 : i32
    scf.for %scan3A_51 = %scan3A_19 to %scan3A_21 step %scan3A_22  : i32 {
      %mul3A_52 = arith.constant 32 : i32
      %mul3A_53 = arith.muli %scan3A_51, %mul3A_52 : i32
      %add3A_54 = arith.addi %mul3A_53, %add3A : i32
      %lt3A = arith.constant 1250 : i32
      %lt3A_55 = arith.cmpi slt, %add3A_54, %lt3A : i32
      %convert_element_type3A = arith.extui %lt3A_55 : i1 to i32
      %cond3A = arith.constant 0 : i32
      %cond3A_56 = arith.cmpi ne, %convert_element_type3A, %cond3A : i32
      scf.if %cond3A_56 {
        %mul3A_57 = arith.constant 128 : i32
        %mul3A_58 = arith.muli %add3A_54, %mul3A_57 : i32
        %multiple_of3A_59 = tpu.assume_multiple %mul3A_58, 128 : i32
        "tpu.region"() ({
          %run_scoped3A = tpu.sem_alloc : memref<!tpu.dma_semaphore, #tpu.memory_space<semaphore_mem>>
          %dma_start3A = tpu.memref_slice %arg2[%multiple_of3A_59] : memref<160000xi32, #tpu.memory_space<hbm>> -> memref<128xi32, #tpu.memory_space<hbm>>
          %dma_start3A_60 = tpu.memref_slice %arg2[%multiple_of3A_59] : memref<160000xi32, #tpu.memory_space<hbm>> -> memref<128xi32, #tpu.memory_space<hbm>>
          tpu.enqueue_dma source(%dma_start3A_60 : memref<128xi32, #tpu.memory_space<hbm>>) target(%arg4 : memref<128xi32, #tpu.memory_space<vmem>>) target_semaphore(%run_scoped3A : memref<!tpu.dma_semaphore, #tpu.memory_space<semaphore_mem>>)
          %dma_wait3A = tpu.memref_slice %arg2[%multiple_of3A_59] : memref<160000xi32, #tpu.memory_space<hbm>> -> memref<128xi32, #tpu.memory_space<hbm>>
          %dma_wait3A_61 = tpu.memref_slice %arg2[%multiple_of3A_59] : memref<160000xi32, #tpu.memory_space<hbm>> -> memref<128xi32, #tpu.memory_space<hbm>>
          tpu.wait_dma2 semaphore(%run_scoped3A : memref<!tpu.dma_semaphore, #tpu.memory_space<semaphore_mem>>) src(%dma_wait3A_61 : memref<128xi32, #tpu.memory_space<hbm>>) dst(%arg4 : memref<128xi32, #tpu.memory_space<vmem>>)
          tpu.yield
        }) : () -> ()
        "tpu.region"() ({
          %run_scoped3A = tpu.sem_alloc : memref<!tpu.dma_semaphore, #tpu.memory_space<semaphore_mem>>
          %dma_start3A = arith.constant 0 : i32
          %dma_start3A_60 = arith.constant 0 : i32
          %dma_start3A_61 = tpu.memref_slice %arg7[%dma_start3A, %dma_start3A_60] : memref<10240x128xf32, #tpu.memory_space<vmem_shared>> -> memref<10240x128xf32, #tpu.memory_space<vmem_shared>>
          tpu.enqueue_indirect_dma source(%arg6 : memref<128x128xf32, #tpu.memory_space<vmem>>) target(%dma_start3A_61 : memref<10240x128xf32, #tpu.memory_space<vmem_shared>>) offsets(%arg4 : memref<128xi32, #tpu.memory_space<vmem>>) semaphore(%run_scoped3A : memref<!tpu.dma_semaphore, #tpu.memory_space<semaphore_mem>>) {add = true}
          %dma_wait3A = arith.constant 0 : i32
          %dma_wait3A_62 = arith.constant 0 : i32
          %dma_wait3A_63 = tpu.memref_slice %arg7[%dma_wait3A, %dma_wait3A_62] : memref<10240x128xf32, #tpu.memory_space<vmem_shared>> -> memref<10240x128xf32, #tpu.memory_space<vmem_shared>>
          tpu.wait_indirect_dma semaphore(%run_scoped3A : memref<!tpu.dma_semaphore, #tpu.memory_space<semaphore_mem>>) src(%arg6 : memref<128x128xf32, #tpu.memory_space<vmem>>) dst(%dma_wait3A_63 : memref<10240x128xf32, #tpu.memory_space<vmem_shared>>)
          tpu.yield
        }) : () -> ()
      } else {
      }
    }
    %scan3A_23 = arith.constant 40 : i32
    %barrier3A_24 = arith.constant 0 : index
    tpu.barrier barrier_id(%barrier3A_24)
    %mul3A_25 = arith.constant 10240 : i32
    %mul3A_26 = arith.muli %arg0, %mul3A_25 : i32
    %mul3A_27 = arith.constant 640 : i32
    %mul3A_28 = arith.muli %arg1, %mul3A_27 : i32
    %add3A_29 = arith.addi %mul3A_26, %mul3A_28 : i32
    %multiple_of3A_30 = tpu.assume_multiple %add3A_29, 128 : i32
    %add3A_31 = arith.constant 0 : i32
    %add3A_32 = arith.addi %multiple_of3A, %add3A_31 : i32
    "tpu.region"() ({
      %run_scoped3A = tpu.sem_alloc : memref<!tpu.dma_semaphore, #tpu.memory_space<semaphore_mem>>
      %dma_start3A = arith.constant 0 : i32
      %dma_start3A_51 = tpu.memref_slice %arg7[%add3A_32, %dma_start3A] : memref<10240x128xf32, #tpu.memory_space<vmem_shared>> -> memref<128x128xf32, #tpu.memory_space<vmem_shared>>
      %dma_start3A_52 = arith.constant 0 : i32
      %dma_start3A_53 = tpu.memref_slice %arg7[%add3A_32, %dma_start3A_52] : memref<10240x128xf32, #tpu.memory_space<vmem_shared>> -> memref<128x128xf32, #tpu.memory_space<vmem_shared>>
      tpu.enqueue_dma source(%dma_start3A_53 : memref<128x128xf32, #tpu.memory_space<vmem_shared>>) target(%arg5 : memref<128x128xf32, #tpu.memory_space<vmem>>) target_semaphore(%run_scoped3A : memref<!tpu.dma_semaphore, #tpu.memory_space<semaphore_mem>>)
      %dma_wait3A = arith.constant 0 : i32
      %dma_wait3A_54 = tpu.memref_slice %arg7[%add3A_32, %dma_wait3A] : memref<10240x128xf32, #tpu.memory_space<vmem_shared>> -> memref<128x128xf32, #tpu.memory_space<vmem_shared>>
      %dma_wait3A_55 = arith.constant 0 : i32
      %dma_wait3A_56 = tpu.memref_slice %arg7[%add3A_32, %dma_wait3A_55] : memref<10240x128xf32, #tpu.memory_space<vmem_shared>> -> memref<128x128xf32, #tpu.memory_space<vmem_shared>>
      tpu.wait_dma2 semaphore(%run_scoped3A : memref<!tpu.dma_semaphore, #tpu.memory_space<semaphore_mem>>) src(%dma_wait3A_56 : memref<128x128xf32, #tpu.memory_space<vmem_shared>>) dst(%arg5 : memref<128x128xf32, #tpu.memory_space<vmem>>)
      tpu.yield
    }) : () -> ()
    %add3A_33 = arith.constant 0 : i32
    %add3A_34 = arith.addi %multiple_of3A_30, %add3A_33 : i32
    "tpu.region"() ({
      %run_scoped3A = tpu.sem_alloc : memref<!tpu.dma_semaphore, #tpu.memory_space<semaphore_mem>>
      %dma_start3A = arith.constant 0 : i32
      %dma_start3A_51 = tpu.memref_slice %arg3[%add3A_34, %dma_start3A] : memref<20480x128xf32, #tpu.memory_space<hbm>> -> memref<128x128xf32, #tpu.memory_space<hbm>>
      %dma_start3A_52 = arith.constant 0 : i32
      %dma_start3A_53 = tpu.memref_slice %arg3[%add3A_34, %dma_start3A_52] : memref<20480x128xf32, #tpu.memory_space<hbm>> -> memref<128x128xf32, #tpu.memory_space<hbm>>
      tpu.enqueue_dma source(%arg5 : memref<128x128xf32, #tpu.memory_space<vmem>>) target(%dma_start3A_53 : memref<128x128xf32, #tpu.memory_space<hbm>>) target_semaphore(%run_scoped3A : memref<!tpu.dma_semaphore, #tpu.memory_space<semaphore_mem>>)
      %dma_wait3A = arith.constant 0 : i32
      %dma_wait3A_54 = tpu.memref_slice %arg3[%add3A_34, %dma_wait3A] : memref<20480x128xf32, #tpu.memory_space<hbm>> -> memref<128x128xf32, #tpu.memory_space<hbm>>
      %dma_wait3A_55 = arith.constant 0 : i32
      %dma_wait3A_56 = tpu.memref_slice %arg3[%add3A_34, %dma_wait3A_55] : memref<20480x128xf32, #tpu.memory_space<hbm>> -> memref<128x128xf32, #tpu.memory_space<hbm>>
      tpu.wait_dma2 semaphore(%run_scoped3A : memref<!tpu.dma_semaphore, #tpu.memory_space<semaphore_mem>>) src(%arg5 : memref<128x128xf32, #tpu.memory_space<vmem>>) dst(%dma_wait3A_56 : memref<128x128xf32, #tpu.memory_space<hbm>>)
      tpu.yield
    }) : () -> ()
    %add3A_35 = arith.constant 128 : i32
    %add3A_36 = arith.addi %multiple_of3A, %add3A_35 : i32
    "tpu.region"() ({
      %run_scoped3A = tpu.sem_alloc : memref<!tpu.dma_semaphore, #tpu.memory_space<semaphore_mem>>
      %dma_start3A = arith.constant 0 : i32
      %dma_start3A_51 = tpu.memref_slice %arg7[%add3A_36, %dma_start3A] : memref<10240x128xf32, #tpu.memory_space<vmem_shared>> -> memref<128x128xf32, #tpu.memory_space<vmem_shared>>
      %dma_start3A_52 = arith.constant 0 : i32
      %dma_start3A_53 = tpu.memref_slice %arg7[%add3A_36, %dma_start3A_52] : memref<10240x128xf32, #tpu.memory_space<vmem_shared>> -> memref<128x128xf32, #tpu.memory_space<vmem_shared>>
      tpu.enqueue_dma source(%dma_start3A_53 : memref<128x128xf32, #tpu.memory_space<vmem_shared>>) target(%arg5 : memref<128x128xf32, #tpu.memory_space<vmem>>) target_semaphore(%run_scoped3A : memref<!tpu.dma_semaphore, #tpu.memory_space<semaphore_mem>>)
      %dma_wait3A = arith.constant 0 : i32
      %dma_wait3A_54 = tpu.memref_slice %arg7[%add3A_36, %dma_wait3A] : memref<10240x128xf32, #tpu.memory_space<vmem_shared>> -> memref<128x128xf32, #tpu.memory_space<vmem_shared>>
      %dma_wait3A_55 = arith.constant 0 : i32
      %dma_wait3A_56 = tpu.memref_slice %arg7[%add3A_36, %dma_wait3A_55] : memref<10240x128xf32, #tpu.memory_space<vmem_shared>> -> memref<128x128xf32, #tpu.memory_space<vmem_shared>>
      tpu.wait_dma2 semaphore(%run_scoped3A : memref<!tpu.dma_semaphore, #tpu.memory_space<semaphore_mem>>) src(%dma_wait3A_56 : memref<128x128xf32, #tpu.memory_space<vmem_shared>>) dst(%arg5 : memref<128x128xf32, #tpu.memory_space<vmem>>)
      tpu.yield
    }) : () -> ()
    %add3A_37 = arith.constant 128 : i32
    %add3A_38 = arith.addi %multiple_of3A_30, %add3A_37 : i32
    "tpu.region"() ({
      %run_scoped3A = tpu.sem_alloc : memref<!tpu.dma_semaphore, #tpu.memory_space<semaphore_mem>>
      %dma_start3A = arith.constant 0 : i32
      %dma_start3A_51 = tpu.memref_slice %arg3[%add3A_38, %dma_start3A] : memref<20480x128xf32, #tpu.memory_space<hbm>> -> memref<128x128xf32, #tpu.memory_space<hbm>>
      %dma_start3A_52 = arith.constant 0 : i32
      %dma_start3A_53 = tpu.memref_slice %arg3[%add3A_38, %dma_start3A_52] : memref<20480x128xf32, #tpu.memory_space<hbm>> -> memref<128x128xf32, #tpu.memory_space<hbm>>
      tpu.enqueue_dma source(%arg5 : memref<128x128xf32, #tpu.memory_space<vmem>>) target(%dma_start3A_53 : memref<128x128xf32, #tpu.memory_space<hbm>>) target_semaphore(%run_scoped3A : memref<!tpu.dma_semaphore, #tpu.memory_space<semaphore_mem>>)
      %dma_wait3A = arith.constant 0 : i32
      %dma_wait3A_54 = tpu.memref_slice %arg3[%add3A_38, %dma_wait3A] : memref<20480x128xf32, #tpu.memory_space<hbm>> -> memref<128x128xf32, #tpu.memory_space<hbm>>
      %dma_wait3A_55 = arith.constant 0 : i32
      %dma_wait3A_56 = tpu.memref_slice %arg3[%add3A_38, %dma_wait3A_55] : memref<20480x128xf32, #tpu.memory_space<hbm>> -> memref<128x128xf32, #tpu.memory_space<hbm>>
      tpu.wait_dma2 semaphore(%run_scoped3A : memref<!tpu.dma_semaphore, #tpu.memory_space<semaphore_mem>>) src(%arg5 : memref<128x128xf32, #tpu.memory_space<vmem>>) dst(%dma_wait3A_56 : memref<128x128xf32, #tpu.memory_space<hbm>>)
      tpu.yield
    }) : () -> ()
    %add3A_39 = arith.constant 256 : i32
    %add3A_40 = arith.addi %multiple_of3A, %add3A_39 : i32
    "tpu.region"() ({
      %run_scoped3A = tpu.sem_alloc : memref<!tpu.dma_semaphore, #tpu.memory_space<semaphore_mem>>
      %dma_start3A = arith.constant 0 : i32
      %dma_start3A_51 = tpu.memref_slice %arg7[%add3A_40, %dma_start3A] : memref<10240x128xf32, #tpu.memory_space<vmem_shared>> -> memref<128x128xf32, #tpu.memory_space<vmem_shared>>
      %dma_start3A_52 = arith.constant 0 : i32
      %dma_start3A_53 = tpu.memref_slice %arg7[%add3A_40, %dma_start3A_52] : memref<10240x128xf32, #tpu.memory_space<vmem_shared>> -> memref<128x128xf32, #tpu.memory_space<vmem_shared>>
      tpu.enqueue_dma source(%dma_start3A_53 : memref<128x128xf32, #tpu.memory_space<vmem_shared>>) target(%arg5 : memref<128x128xf32, #tpu.memory_space<vmem>>) target_semaphore(%run_scoped3A : memref<!tpu.dma_semaphore, #tpu.memory_space<semaphore_mem>>)
      %dma_wait3A = arith.constant 0 : i32
      %dma_wait3A_54 = tpu.memref_slice %arg7[%add3A_40, %dma_wait3A] : memref<10240x128xf32, #tpu.memory_space<vmem_shared>> -> memref<128x128xf32, #tpu.memory_space<vmem_shared>>
      %dma_wait3A_55 = arith.constant 0 : i32
      %dma_wait3A_56 = tpu.memref_slice %arg7[%add3A_40, %dma_wait3A_55] : memref<10240x128xf32, #tpu.memory_space<vmem_shared>> -> memref<128x128xf32, #tpu.memory_space<vmem_shared>>
      tpu.wait_dma2 semaphore(%run_scoped3A : memref<!tpu.dma_semaphore, #tpu.memory_space<semaphore_mem>>) src(%dma_wait3A_56 : memref<128x128xf32, #tpu.memory_space<vmem_shared>>) dst(%arg5 : memref<128x128xf32, #tpu.memory_space<vmem>>)
      tpu.yield
    }) : () -> ()
    %add3A_41 = arith.constant 256 : i32
    %add3A_42 = arith.addi %multiple_of3A_30, %add3A_41 : i32
    "tpu.region"() ({
      %run_scoped3A = tpu.sem_alloc : memref<!tpu.dma_semaphore, #tpu.memory_space<semaphore_mem>>
      %dma_start3A = arith.constant 0 : i32
      %dma_start3A_51 = tpu.memref_slice %arg3[%add3A_42, %dma_start3A] : memref<20480x128xf32, #tpu.memory_space<hbm>> -> memref<128x128xf32, #tpu.memory_space<hbm>>
      %dma_start3A_52 = arith.constant 0 : i32
      %dma_start3A_53 = tpu.memref_slice %arg3[%add3A_42, %dma_start3A_52] : memref<20480x128xf32, #tpu.memory_space<hbm>> -> memref<128x128xf32, #tpu.memory_space<hbm>>
      tpu.enqueue_dma source(%arg5 : memref<128x128xf32, #tpu.memory_space<vmem>>) target(%dma_start3A_53 : memref<128x128xf32, #tpu.memory_space<hbm>>) target_semaphore(%run_scoped3A : memref<!tpu.dma_semaphore, #tpu.memory_space<semaphore_mem>>)
      %dma_wait3A = arith.constant 0 : i32
      %dma_wait3A_54 = tpu.memref_slice %arg3[%add3A_42, %dma_wait3A] : memref<20480x128xf32, #tpu.memory_space<hbm>> -> memref<128x128xf32, #tpu.memory_space<hbm>>
      %dma_wait3A_55 = arith.constant 0 : i32
      %dma_wait3A_56 = tpu.memref_slice %arg3[%add3A_42, %dma_wait3A_55] : memref<20480x128xf32, #tpu.memory_space<hbm>> -> memref<128x128xf32, #tpu.memory_space<hbm>>
      tpu.wait_dma2 semaphore(%run_scoped3A : memref<!tpu.dma_semaphore, #tpu.memory_space<semaphore_mem>>) src(%arg5 : memref<128x128xf32, #tpu.memory_space<vmem>>) dst(%dma_wait3A_56 : memref<128x128xf32, #tpu.memory_space<hbm>>)
      tpu.yield
    }) : () -> ()
    %add3A_43 = arith.constant 384 : i32
    %add3A_44 = arith.addi %multiple_of3A, %add3A_43 : i32
    "tpu.region"() ({
      %run_scoped3A = tpu.sem_alloc : memref<!tpu.dma_semaphore, #tpu.memory_space<semaphore_mem>>
      %dma_start3A = arith.constant 0 : i32
      %dma_start3A_51 = tpu.memref_slice %arg7[%add3A_44, %dma_start3A] : memref<10240x128xf32, #tpu.memory_space<vmem_shared>> -> memref<128x128xf32, #tpu.memory_space<vmem_shared>>
      %dma_start3A_52 = arith.constant 0 : i32
      %dma_start3A_53 = tpu.memref_slice %arg7[%add3A_44, %dma_start3A_52] : memref<10240x128xf32, #tpu.memory_space<vmem_shared>> -> memref<128x128xf32, #tpu.memory_space<vmem_shared>>
      tpu.enqueue_dma source(%dma_start3A_53 : memref<128x128xf32, #tpu.memory_space<vmem_shared>>) target(%arg5 : memref<128x128xf32, #tpu.memory_space<vmem>>) target_semaphore(%run_scoped3A : memref<!tpu.dma_semaphore, #tpu.memory_space<semaphore_mem>>)
      %dma_wait3A = arith.constant 0 : i32
      %dma_wait3A_54 = tpu.memref_slice %arg7[%add3A_44, %dma_wait3A] : memref<10240x128xf32, #tpu.memory_space<vmem_shared>> -> memref<128x128xf32, #tpu.memory_space<vmem_shared>>
      %dma_wait3A_55 = arith.constant 0 : i32
      %dma_wait3A_56 = tpu.memref_slice %arg7[%add3A_44, %dma_wait3A_55] : memref<10240x128xf32, #tpu.memory_space<vmem_shared>> -> memref<128x128xf32, #tpu.memory_space<vmem_shared>>
      tpu.wait_dma2 semaphore(%run_scoped3A : memref<!tpu.dma_semaphore, #tpu.memory_space<semaphore_mem>>) src(%dma_wait3A_56 : memref<128x128xf32, #tpu.memory_space<vmem_shared>>) dst(%arg5 : memref<128x128xf32, #tpu.memory_space<vmem>>)
      tpu.yield
    }) : () -> ()
    %add3A_45 = arith.constant 384 : i32
    %add3A_46 = arith.addi %multiple_of3A_30, %add3A_45 : i32
    "tpu.region"() ({
      %run_scoped3A = tpu.sem_alloc : memref<!tpu.dma_semaphore, #tpu.memory_space<semaphore_mem>>
      %dma_start3A = arith.constant 0 : i32
      %dma_start3A_51 = tpu.memref_slice %arg3[%add3A_46, %dma_start3A] : memref<20480x128xf32, #tpu.memory_space<hbm>> -> memref<128x128xf32, #tpu.memory_space<hbm>>
      %dma_start3A_52 = arith.constant 0 : i32
      %dma_start3A_53 = tpu.memref_slice %arg3[%add3A_46, %dma_start3A_52] : memref<20480x128xf32, #tpu.memory_space<hbm>> -> memref<128x128xf32, #tpu.memory_space<hbm>>
      tpu.enqueue_dma source(%arg5 : memref<128x128xf32, #tpu.memory_space<vmem>>) target(%dma_start3A_53 : memref<128x128xf32, #tpu.memory_space<hbm>>) target_semaphore(%run_scoped3A : memref<!tpu.dma_semaphore, #tpu.memory_space<semaphore_mem>>)
      %dma_wait3A = arith.constant 0 : i32
      %dma_wait3A_54 = tpu.memref_slice %arg3[%add3A_46, %dma_wait3A] : memref<20480x128xf32, #tpu.memory_space<hbm>> -> memref<128x128xf32, #tpu.memory_space<hbm>>
      %dma_wait3A_55 = arith.constant 0 : i32
      %dma_wait3A_56 = tpu.memref_slice %arg3[%add3A_46, %dma_wait3A_55] : memref<20480x128xf32, #tpu.memory_space<hbm>> -> memref<128x128xf32, #tpu.memory_space<hbm>>
      tpu.wait_dma2 semaphore(%run_scoped3A : memref<!tpu.dma_semaphore, #tpu.memory_space<semaphore_mem>>) src(%arg5 : memref<128x128xf32, #tpu.memory_space<vmem>>) dst(%dma_wait3A_56 : memref<128x128xf32, #tpu.memory_space<hbm>>)
      tpu.yield
    }) : () -> ()
    %add3A_47 = arith.constant 512 : i32
    %add3A_48 = arith.addi %multiple_of3A, %add3A_47 : i32
    "tpu.region"() ({
      %run_scoped3A = tpu.sem_alloc : memref<!tpu.dma_semaphore, #tpu.memory_space<semaphore_mem>>
      %dma_start3A = arith.constant 0 : i32
      %dma_start3A_51 = tpu.memref_slice %arg7[%add3A_48, %dma_start3A] : memref<10240x128xf32, #tpu.memory_space<vmem_shared>> -> memref<128x128xf32, #tpu.memory_space<vmem_shared>>
      %dma_start3A_52 = arith.constant 0 : i32
      %dma_start3A_53 = tpu.memref_slice %arg7[%add3A_48, %dma_start3A_52] : memref<10240x128xf32, #tpu.memory_space<vmem_shared>> -> memref<128x128xf32, #tpu.memory_space<vmem_shared>>
      tpu.enqueue_dma source(%dma_start3A_53 : memref<128x128xf32, #tpu.memory_space<vmem_shared>>) target(%arg5 : memref<128x128xf32, #tpu.memory_space<vmem>>) target_semaphore(%run_scoped3A : memref<!tpu.dma_semaphore, #tpu.memory_space<semaphore_mem>>)
      %dma_wait3A = arith.constant 0 : i32
      %dma_wait3A_54 = tpu.memref_slice %arg7[%add3A_48, %dma_wait3A] : memref<10240x128xf32, #tpu.memory_space<vmem_shared>> -> memref<128x128xf32, #tpu.memory_space<vmem_shared>>
      %dma_wait3A_55 = arith.constant 0 : i32
      %dma_wait3A_56 = tpu.memref_slice %arg7[%add3A_48, %dma_wait3A_55] : memref<10240x128xf32, #tpu.memory_space<vmem_shared>> -> memref<128x128xf32, #tpu.memory_space<vmem_shared>>
      tpu.wait_dma2 semaphore(%run_scoped3A : memref<!tpu.dma_semaphore, #tpu.memory_space<semaphore_mem>>) src(%dma_wait3A_56 : memref<128x128xf32, #tpu.memory_space<vmem_shared>>) dst(%arg5 : memref<128x128xf32, #tpu.memory_space<vmem>>)
      tpu.yield
    }) : () -> ()
    %add3A_49 = arith.constant 512 : i32
    %add3A_50 = arith.addi %multiple_of3A_30, %add3A_49 : i32
    "tpu.region"() ({
      %run_scoped3A = tpu.sem_alloc : memref<!tpu.dma_semaphore, #tpu.memory_space<semaphore_mem>>
      %dma_start3A = arith.constant 0 : i32
      %dma_start3A_51 = tpu.memref_slice %arg3[%add3A_50, %dma_start3A] : memref<20480x128xf32, #tpu.memory_space<hbm>> -> memref<128x128xf32, #tpu.memory_space<hbm>>
      %dma_start3A_52 = arith.constant 0 : i32
      %dma_start3A_53 = tpu.memref_slice %arg3[%add3A_50, %dma_start3A_52] : memref<20480x128xf32, #tpu.memory_space<hbm>> -> memref<128x128xf32, #tpu.memory_space<hbm>>
      tpu.enqueue_dma source(%arg5 : memref<128x128xf32, #tpu.memory_space<vmem>>) target(%dma_start3A_53 : memref<128x128xf32, #tpu.memory_space<hbm>>) target_semaphore(%run_scoped3A : memref<!tpu.dma_semaphore, #tpu.memory_space<semaphore_mem>>)
      %dma_wait3A = arith.constant 0 : i32
      %dma_wait3A_54 = tpu.memref_slice %arg3[%add3A_50, %dma_wait3A] : memref<20480x128xf32, #tpu.memory_space<hbm>> -> memref<128x128xf32, #tpu.memory_space<hbm>>
      %dma_wait3A_55 = arith.constant 0 : i32
      %dma_wait3A_56 = tpu.memref_slice %arg3[%add3A_50, %dma_wait3A_55] : memref<20480x128xf32, #tpu.memory_space<hbm>> -> memref<128x128xf32, #tpu.memory_space<hbm>>
      tpu.wait_dma2 semaphore(%run_scoped3A : memref<!tpu.dma_semaphore, #tpu.memory_space<semaphore_mem>>) src(%arg5 : memref<128x128xf32, #tpu.memory_space<vmem>>) dst(%dma_wait3A_56 : memref<128x128xf32, #tpu.memory_space<hbm>>)
      tpu.yield
    }) : () -> ()
    return
  }
}

#map = affine_map<(d0, d1) -> (0, 0)>
#map1 = affine_map<(d0, d1) -> (0)>
module attributes {stable_mosaic.version = 14 : i64} {
  func.func @k(%arg0: i32, %arg1: i32, %arg2: memref<160000x128xf32, #tpu.memory_space<hbm>>, %arg3: memref<160000xi32, #tpu.memory_space<hbm>>, %arg4: memref<20480x128xf32, #tpu.memory_space<hbm>>, %arg5: memref<128xi32, #tpu.memory_space<vmem>>, %arg6: memref<128x128xf32, #tpu.memory_space<vmem>>, %arg7: memref<10240x128xf32, #tpu.memory_space<vmem_shared>>) attributes {dimension_semantics = [#tpu.dimension_semantics<core_parallel>, #tpu.dimension_semantics<subcore_parallel>], iteration_bounds = array<i64: 2, 16>, scalar_prefetch = 0 : i64, scratch_operands = 3 : i64, tpu.core_type = #tpu.core_type<sc_vector_subcore>, window_params = [{transform_indices = #map}, {transform_indices = #map1}, {transform_indices = #map}]} {
    %mul3A = arith.constant 2 : i32
    %mul3A_0 = arith.muli %arg1, %mul3A : i32
    %add3A = arith.addi %mul3A_0, %arg0 : i32
    %scan3A = arith.constant 0 : i32
    %scan3A_1 = arith.constant 0 : i32
    %scan3A_2 = arith.constant 128 : i32
    %scan3A_3 = arith.addi %scan3A_1, %scan3A_2 : i32
    %scan3A_4 = arith.constant 1 : i32
    scf.for %scan3A_51 = %scan3A_1 to %scan3A_3 step %scan3A_4  : i32 {
      %broadcast_in_dim3A = arith.constant 0.000000e+00 : f32
      %broadcast_in_dim3A_52 = vector.broadcast %broadcast_in_dim3A : f32 to vector<16xf32>
      %swap3A = arith.index_cast %scan3A_51 : i32 to index
      %swap3A_53 = arith.constant 0 : index
      %swap3A_54 = tpu.vector_load %arg6[%swap3A, %swap3A_53] {strides = array<i32>} : memref<128x128xf32, #tpu.memory_space<vmem>>, vector<1x16xf32>,
      %swap3A_55 = vector.shape_cast %swap3A_54 : vector<1x16xf32> to vector<16xf32>
      %swap3A_56 = vector.shape_cast %broadcast_in_dim3A_52 : vector<16xf32> to vector<1x16xf32>
      tpu.vector_store %arg6[%swap3A, %swap3A_53], %swap3A_56 {strides = array<i32>} : memref<128x128xf32, #tpu.memory_space<vmem>>, vector<1x16xf32>,
      %broadcast_in_dim3A_57 = arith.constant 0.000000e+00 : f32
      %broadcast_in_dim3A_58 = vector.broadcast %broadcast_in_dim3A_57 : f32 to vector<16xf32>
      %swap3A_59 = arith.index_cast %scan3A_51 : i32 to index
      %swap3A_60 = arith.constant 16 : index
      %swap3A_61 = tpu.vector_load %arg6[%swap3A_59, %swap3A_60] {strides = array<i32>} : memref<128x128xf32, #tpu.memory_space<vmem>>, vector<1x16xf32>,
      %swap3A_62 = vector.shape_cast %swap3A_61 : vector<1x16xf32> to vector<16xf32>
      %swap3A_63 = vector.shape_cast %broadcast_in_dim3A_58 : vector<16xf32> to vector<1x16xf32>
      tpu.vector_store %arg6[%swap3A_59, %swap3A_60], %swap3A_63 {strides = array<i32>} : memref<128x128xf32, #tpu.memory_space<vmem>>, vector<1x16xf32>,
      %broadcast_in_dim3A_64 = arith.constant 0.000000e+00 : f32
      %broadcast_in_dim3A_65 = vector.broadcast %broadcast_in_dim3A_64 : f32 to vector<16xf32>
      %swap3A_66 = arith.index_cast %scan3A_51 : i32 to index
      %swap3A_67 = arith.constant 32 : index
      %swap3A_68 = tpu.vector_load %arg6[%swap3A_66, %swap3A_67] {strides = array<i32>} : memref<128x128xf32, #tpu.memory_space<vmem>>, vector<1x16xf32>,
      %swap3A_69 = vector.shape_cast %swap3A_68 : vector<1x16xf32> to vector<16xf32>
      %swap3A_70 = vector.shape_cast %broadcast_in_dim3A_65 : vector<16xf32> to vector<1x16xf32>
      tpu.vector_store %arg6[%swap3A_66, %swap3A_67], %swap3A_70 {strides = array<i32>} : memref<128x128xf32, #tpu.memory_space<vmem>>, vector<1x16xf32>,
      %broadcast_in_dim3A_71 = arith.constant 0.000000e+00 : f32
      %broadcast_in_dim3A_72 = vector.broadcast %broadcast_in_dim3A_71 : f32 to vector<16xf32>
      %swap3A_73 = arith.index_cast %scan3A_51 : i32 to index
      %swap3A_74 = arith.constant 48 : index
      %swap3A_75 = tpu.vector_load %arg6[%swap3A_73, %swap3A_74] {strides = array<i32>} : memref<128x128xf32, #tpu.memory_space<vmem>>, vector<1x16xf32>,
      %swap3A_76 = vector.shape_cast %swap3A_75 : vector<1x16xf32> to vector<16xf32>
      %swap3A_77 = vector.shape_cast %broadcast_in_dim3A_72 : vector<16xf32> to vector<1x16xf32>
      tpu.vector_store %arg6[%swap3A_73, %swap3A_74], %swap3A_77 {strides = array<i32>} : memref<128x128xf32, #tpu.memory_space<vmem>>, vector<1x16xf32>,
      %broadcast_in_dim3A_78 = arith.constant 0.000000e+00 : f32
      %broadcast_in_dim3A_79 = vector.broadcast %broadcast_in_dim3A_78 : f32 to vector<16xf32>
      %swap3A_80 = arith.index_cast %scan3A_51 : i32 to index
      %swap3A_81 = arith.constant 64 : index
      %swap3A_82 = tpu.vector_load %arg6[%swap3A_80, %swap3A_81] {strides = array<i32>} : memref<128x128xf32, #tpu.memory_space<vmem>>, vector<1x16xf32>,
      %swap3A_83 = vector.shape_cast %swap3A_82 : vector<1x16xf32> to vector<16xf32>
      %swap3A_84 = vector.shape_cast %broadcast_in_dim3A_79 : vector<16xf32> to vector<1x16xf32>
      tpu.vector_store %arg6[%swap3A_80, %swap3A_81], %swap3A_84 {strides = array<i32>} : memref<128x128xf32, #tpu.memory_space<vmem>>, vector<1x16xf32>,
      %broadcast_in_dim3A_85 = arith.constant 0.000000e+00 : f32
      %broadcast_in_dim3A_86 = vector.broadcast %broadcast_in_dim3A_85 : f32 to vector<16xf32>
      %swap3A_87 = arith.index_cast %scan3A_51 : i32 to index
      %swap3A_88 = arith.constant 80 : index
      %swap3A_89 = tpu.vector_load %arg6[%swap3A_87, %swap3A_88] {strides = array<i32>} : memref<128x128xf32, #tpu.memory_space<vmem>>, vector<1x16xf32>,
      %swap3A_90 = vector.shape_cast %swap3A_89 : vector<1x16xf32> to vector<16xf32>
      %swap3A_91 = vector.shape_cast %broadcast_in_dim3A_86 : vector<16xf32> to vector<1x16xf32>
      tpu.vector_store %arg6[%swap3A_87, %swap3A_88], %swap3A_91 {strides = array<i32>} : memref<128x128xf32, #tpu.memory_space<vmem>>, vector<1x16xf32>,
      %broadcast_in_dim3A_92 = arith.constant 0.000000e+00 : f32
      %broadcast_in_dim3A_93 = vector.broadcast %broadcast_in_dim3A_92 : f32 to vector<16xf32>
      %swap3A_94 = arith.index_cast %scan3A_51 : i32 to index
      %swap3A_95 = arith.constant 96 : index
      %swap3A_96 = tpu.vector_load %arg6[%swap3A_94, %swap3A_95] {strides = array<i32>} : memref<128x128xf32, #tpu.memory_space<vmem>>, vector<1x16xf32>,
      %swap3A_97 = vector.shape_cast %swap3A_96 : vector<1x16xf32> to vector<16xf32>
      %swap3A_98 = vector.shape_cast %broadcast_in_dim3A_93 : vector<16xf32> to vector<1x16xf32>
      tpu.vector_store %arg6[%swap3A_94, %swap3A_95], %swap3A_98 {strides = array<i32>} : memref<128x128xf32, #tpu.memory_space<vmem>>, vector<1x16xf32>,
      %broadcast_in_dim3A_99 = arith.constant 0.000000e+00 : f32
      %broadcast_in_dim3A_100 = vector.broadcast %broadcast_in_dim3A_99 : f32 to vector<16xf32>
      %swap3A_101 = arith.index_cast %scan3A_51 : i32 to index
      %swap3A_102 = arith.constant 112 : index
      %swap3A_103 = tpu.vector_load %arg6[%swap3A_101, %swap3A_102] {strides = array<i32>} : memref<128x128xf32, #tpu.memory_space<vmem>>, vector<1x16xf32>,
      %swap3A_104 = vector.shape_cast %swap3A_103 : vector<1x16xf32> to vector<16xf32>
      %swap3A_105 = vector.shape_cast %broadcast_in_dim3A_100 : vector<16xf32> to vector<1x16xf32>
      tpu.vector_store %arg6[%swap3A_101, %swap3A_102], %swap3A_105 {strides = array<i32>} : memref<128x128xf32, #tpu.memory_space<vmem>>, vector<1x16xf32>,
    }
    %scan3A_5 = arith.constant 128 : i32
    %mul3A_6 = arith.constant 640 : i32
    %mul3A_7 = arith.muli %arg1, %mul3A_6 : i32
    %multiple_of3A = tpu.assume_multiple %mul3A_7, 128 : i32
    %add3A_8 = arith.constant 0 : i32
    %add3A_9 = arith.addi %multiple_of3A, %add3A_8 : i32
    "tpu.region"() ({
      %run_scoped3A = tpu.sem_alloc : memref<!tpu.dma_semaphore, #tpu.memory_space<semaphore_mem>>
      %dma_start3A = arith.constant 0 : i32
      %dma_start3A_51 = tpu.memref_slice %arg7[%add3A_9, %dma_start3A] : memref<10240x128xf32, #tpu.memory_space<vmem_shared>> -> memref<128x128xf32, #tpu.memory_space<vmem_shared>>
      %dma_start3A_52 = arith.constant 0 : i32
      %dma_start3A_53 = tpu.memref_slice %arg7[%add3A_9, %dma_start3A_52] : memref<10240x128xf32, #tpu.memory_space<vmem_shared>> -> memref<128x128xf32, #tpu.memory_space<vmem_shared>>
      tpu.enqueue_dma source(%arg6 : memref<128x128xf32, #tpu.memory_space<vmem>>) target(%dma_start3A_53 : memref<128x128xf32, #tpu.memory_space<vmem_shared>>) target_semaphore(%run_scoped3A : memref<!tpu.dma_semaphore, #tpu.memory_space<semaphore_mem>>)
      %dma_wait3A = arith.constant 0 : i32
      %dma_wait3A_54 = tpu.memref_slice %arg7[%add3A_9, %dma_wait3A] : memref<10240x128xf32, #tpu.memory_space<vmem_shared>> -> memref<128x128xf32, #tpu.memory_space<vmem_shared>>
      %dma_wait3A_55 = arith.constant 0 : i32
      %dma_wait3A_56 = tpu.memref_slice %arg7[%add3A_9, %dma_wait3A_55] : memref<10240x128xf32, #tpu.memory_space<vmem_shared>> -> memref<128x128xf32, #tpu.memory_space<vmem_shared>>
      tpu.wait_dma2 semaphore(%run_scoped3A : memref<!tpu.dma_semaphore, #tpu.memory_space<semaphore_mem>>) src(%arg6 : memref<128x128xf32, #tpu.memory_space<vmem>>) dst(%dma_wait3A_56 : memref<128x128xf32, #tpu.memory_space<vmem_shared>>)
      tpu.yield
    }) : () -> ()
    %add3A_10 = arith.constant 128 : i32
    %add3A_11 = arith.addi %multiple_of3A, %add3A_10 : i32
    "tpu.region"() ({
      %run_scoped3A = tpu.sem_alloc : memref<!tpu.dma_semaphore, #tpu.memory_space<semaphore_mem>>
      %dma_start3A = arith.constant 0 : i32
      %dma_start3A_51 = tpu.memref_slice %arg7[%add3A_11, %dma_start3A] : memref<10240x128xf32, #tpu.memory_space<vmem_shared>> -> memref<128x128xf32, #tpu.memory_space<vmem_shared>>
      %dma_start3A_52 = arith.constant 0 : i32
      %dma_start3A_53 = tpu.memref_slice %arg7[%add3A_11, %dma_start3A_52] : memref<10240x128xf32, #tpu.memory_space<vmem_shared>> -> memref<128x128xf32, #tpu.memory_space<vmem_shared>>
      tpu.enqueue_dma source(%arg6 : memref<128x128xf32, #tpu.memory_space<vmem>>) target(%dma_start3A_53 : memref<128x128xf32, #tpu.memory_space<vmem_shared>>) target_semaphore(%run_scoped3A : memref<!tpu.dma_semaphore, #tpu.memory_space<semaphore_mem>>)
      %dma_wait3A = arith.constant 0 : i32
      %dma_wait3A_54 = tpu.memref_slice %arg7[%add3A_11, %dma_wait3A] : memref<10240x128xf32, #tpu.memory_space<vmem_shared>> -> memref<128x128xf32, #tpu.memory_space<vmem_shared>>
      %dma_wait3A_55 = arith.constant 0 : i32
      %dma_wait3A_56 = tpu.memref_slice %arg7[%add3A_11, %dma_wait3A_55] : memref<10240x128xf32, #tpu.memory_space<vmem_shared>> -> memref<128x128xf32, #tpu.memory_space<vmem_shared>>
      tpu.wait_dma2 semaphore(%run_scoped3A : memref<!tpu.dma_semaphore, #tpu.memory_space<semaphore_mem>>) src(%arg6 : memref<128x128xf32, #tpu.memory_space<vmem>>) dst(%dma_wait3A_56 : memref<128x128xf32, #tpu.memory_space<vmem_shared>>)
      tpu.yield
    }) : () -> ()
    %add3A_12 = arith.constant 256 : i32
    %add3A_13 = arith.addi %multiple_of3A, %add3A_12 : i32
    "tpu.region"() ({
      %run_scoped3A = tpu.sem_alloc : memref<!tpu.dma_semaphore, #tpu.memory_space<semaphore_mem>>
      %dma_start3A = arith.constant 0 : i32
      %dma_start3A_51 = tpu.memref_slice %arg7[%add3A_13, %dma_start3A] : memref<10240x128xf32, #tpu.memory_space<vmem_shared>> -> memref<128x128xf32, #tpu.memory_space<vmem_shared>>
      %dma_start3A_52 = arith.constant 0 : i32
      %dma_start3A_53 = tpu.memref_slice %arg7[%add3A_13, %dma_start3A_52] : memref<10240x128xf32, #tpu.memory_space<vmem_shared>> -> memref<128x128xf32, #tpu.memory_space<vmem_shared>>
      tpu.enqueue_dma source(%arg6 : memref<128x128xf32, #tpu.memory_space<vmem>>) target(%dma_start3A_53 : memref<128x128xf32, #tpu.memory_space<vmem_shared>>) target_semaphore(%run_scoped3A : memref<!tpu.dma_semaphore, #tpu.memory_space<semaphore_mem>>)
      %dma_wait3A = arith.constant 0 : i32
      %dma_wait3A_54 = tpu.memref_slice %arg7[%add3A_13, %dma_wait3A] : memref<10240x128xf32, #tpu.memory_space<vmem_shared>> -> memref<128x128xf32, #tpu.memory_space<vmem_shared>>
      %dma_wait3A_55 = arith.constant 0 : i32
      %dma_wait3A_56 = tpu.memref_slice %arg7[%add3A_13, %dma_wait3A_55] : memref<10240x128xf32, #tpu.memory_space<vmem_shared>> -> memref<128x128xf32, #tpu.memory_space<vmem_shared>>
      tpu.wait_dma2 semaphore(%run_scoped3A : memref<!tpu.dma_semaphore, #tpu.memory_space<semaphore_mem>>) src(%arg6 : memref<128x128xf32, #tpu.memory_space<vmem>>) dst(%dma_wait3A_56 : memref<128x128xf32, #tpu.memory_space<vmem_shared>>)
      tpu.yield
    }) : () -> ()
    %add3A_14 = arith.constant 384 : i32
    %add3A_15 = arith.addi %multiple_of3A, %add3A_14 : i32
    "tpu.region"() ({
      %run_scoped3A = tpu.sem_alloc : memref<!tpu.dma_semaphore, #tpu.memory_space<semaphore_mem>>
      %dma_start3A = arith.constant 0 : i32
      %dma_start3A_51 = tpu.memref_slice %arg7[%add3A_15, %dma_start3A] : memref<10240x128xf32, #tpu.memory_space<vmem_shared>> -> memref<128x128xf32, #tpu.memory_space<vmem_shared>>
      %dma_start3A_52 = arith.constant 0 : i32
      %dma_start3A_53 = tpu.memref_slice %arg7[%add3A_15, %dma_start3A_52] : memref<10240x128xf32, #tpu.memory_space<vmem_shared>> -> memref<128x128xf32, #tpu.memory_space<vmem_shared>>
      tpu.enqueue_dma source(%arg6 : memref<128x128xf32, #tpu.memory_space<vmem>>) target(%dma_start3A_53 : memref<128x128xf32, #tpu.memory_space<vmem_shared>>) target_semaphore(%run_scoped3A : memref<!tpu.dma_semaphore, #tpu.memory_space<semaphore_mem>>)
      %dma_wait3A = arith.constant 0 : i32
      %dma_wait3A_54 = tpu.memref_slice %arg7[%add3A_15, %dma_wait3A] : memref<10240x128xf32, #tpu.memory_space<vmem_shared>> -> memref<128x128xf32, #tpu.memory_space<vmem_shared>>
      %dma_wait3A_55 = arith.constant 0 : i32
      %dma_wait3A_56 = tpu.memref_slice %arg7[%add3A_15, %dma_wait3A_55] : memref<10240x128xf32, #tpu.memory_space<vmem_shared>> -> memref<128x128xf32, #tpu.memory_space<vmem_shared>>
      tpu.wait_dma2 semaphore(%run_scoped3A : memref<!tpu.dma_semaphore, #tpu.memory_space<semaphore_mem>>) src(%arg6 : memref<128x128xf32, #tpu.memory_space<vmem>>) dst(%dma_wait3A_56 : memref<128x128xf32, #tpu.memory_space<vmem_shared>>)
      tpu.yield
    }) : () -> ()
    %add3A_16 = arith.constant 512 : i32
    %add3A_17 = arith.addi %multiple_of3A, %add3A_16 : i32
    "tpu.region"() ({
      %run_scoped3A = tpu.sem_alloc : memref<!tpu.dma_semaphore, #tpu.memory_space<semaphore_mem>>
      %dma_start3A = arith.constant 0 : i32
      %dma_start3A_51 = tpu.memref_slice %arg7[%add3A_17, %dma_start3A] : memref<10240x128xf32, #tpu.memory_space<vmem_shared>> -> memref<128x128xf32, #tpu.memory_space<vmem_shared>>
      %dma_start3A_52 = arith.constant 0 : i32
      %dma_start3A_53 = tpu.memref_slice %arg7[%add3A_17, %dma_start3A_52] : memref<10240x128xf32, #tpu.memory_space<vmem_shared>> -> memref<128x128xf32, #tpu.memory_space<vmem_shared>>
      tpu.enqueue_dma source(%arg6 : memref<128x128xf32, #tpu.memory_space<vmem>>) target(%dma_start3A_53 : memref<128x128xf32, #tpu.memory_space<vmem_shared>>) target_semaphore(%run_scoped3A : memref<!tpu.dma_semaphore, #tpu.memory_space<semaphore_mem>>)
      %dma_wait3A = arith.constant 0 : i32
      %dma_wait3A_54 = tpu.memref_slice %arg7[%add3A_17, %dma_wait3A] : memref<10240x128xf32, #tpu.memory_space<vmem_shared>> -> memref<128x128xf32, #tpu.memory_space<vmem_shared>>
      %dma_wait3A_55 = arith.constant 0 : i32
      %dma_wait3A_56 = tpu.memref_slice %arg7[%add3A_17, %dma_wait3A_55] : memref<10240x128xf32, #tpu.memory_space<vmem_shared>> -> memref<128x128xf32, #tpu.memory_space<vmem_shared>>
      tpu.wait_dma2 semaphore(%run_scoped3A : memref<!tpu.dma_semaphore, #tpu.memory_space<semaphore_mem>>) src(%arg6 : memref<128x128xf32, #tpu.memory_space<vmem>>) dst(%dma_wait3A_56 : memref<128x128xf32, #tpu.memory_space<vmem_shared>>)
      tpu.yield
    }) : () -> ()
    %barrier3A = arith.constant 0 : index
    tpu.barrier barrier_id(%barrier3A)
    %scan3A_18 = arith.constant 0 : i32
    %scan3A_19 = arith.constant 0 : i32
    %scan3A_20 = arith.constant 40 : i32
    %scan3A_21 = arith.addi %scan3A_19, %scan3A_20 : i32
    %scan3A_22 = arith.constant 1 : i32
    scf.for %scan3A_51 = %scan3A_19 to %scan3A_21 step %scan3A_22  : i32 {
      %mul3A_52 = arith.constant 32 : i32
      %mul3A_53 = arith.muli %scan3A_51, %mul3A_52 : i32
      %add3A_54 = arith.addi %mul3A_53, %add3A : i32
      %lt3A = arith.constant 1250 : i32
      %lt3A_55 = arith.cmpi slt, %add3A_54, %lt3A : i32
      %convert_element_type3A = arith.extui %lt3A_55 : i1 to i32
      %cond3A = arith.constant 0 : i32
      %cond3A_56 = arith.cmpi ne, %convert_element_type3A, %cond3A : i32
      scf.if %cond3A_56 {
        %mul3A_57 = arith.constant 128 : i32
        %mul3A_58 = arith.muli %add3A_54, %mul3A_57 : i32
        %multiple_of3A_59 = tpu.assume_multiple %mul3A_58, 128 : i32
        "tpu.region"() ({
          %run_scoped3A = tpu.sem_alloc : memref<!tpu.dma_semaphore, #tpu.memory_space<semaphore_mem>>
          %dma_start3A = tpu.memref_slice %arg3[%multiple_of3A_59] : memref<160000xi32, #tpu.memory_space<hbm>> -> memref<128xi32, #tpu.memory_space<hbm>>
          %dma_start3A_60 = tpu.memref_slice %arg3[%multiple_of3A_59] : memref<160000xi32, #tpu.memory_space<hbm>> -> memref<128xi32, #tpu.memory_space<hbm>>
          tpu.enqueue_dma source(%dma_start3A_60 : memref<128xi32, #tpu.memory_space<hbm>>) target(%arg5 : memref<128xi32, #tpu.memory_space<vmem>>) target_semaphore(%run_scoped3A : memref<!tpu.dma_semaphore, #tpu.memory_space<semaphore_mem>>)
          %dma_wait3A = tpu.memref_slice %arg3[%multiple_of3A_59] : memref<160000xi32, #tpu.memory_space<hbm>> -> memref<128xi32, #tpu.memory_space<hbm>>
          %dma_wait3A_61 = tpu.memref_slice %arg3[%multiple_of3A_59] : memref<160000xi32, #tpu.memory_space<hbm>> -> memref<128xi32, #tpu.memory_space<hbm>>
          tpu.wait_dma2 semaphore(%run_scoped3A : memref<!tpu.dma_semaphore, #tpu.memory_space<semaphore_mem>>) src(%dma_wait3A_61 : memref<128xi32, #tpu.memory_space<hbm>>) dst(%arg5 : memref<128xi32, #tpu.memory_space<vmem>>)
          tpu.yield
        }) : () -> ()
        "tpu.region"() ({
          %run_scoped3A = tpu.sem_alloc : memref<!tpu.dma_semaphore, #tpu.memory_space<semaphore_mem>>
          %dma_start3A = arith.constant 0 : i32
          %dma_start3A_60 = tpu.memref_slice %arg2[%multiple_of3A_59, %dma_start3A] : memref<160000x128xf32, #tpu.memory_space<hbm>> -> memref<128x128xf32, #tpu.memory_space<hbm>>
          %dma_start3A_61 = arith.constant 0 : i32
          %dma_start3A_62 = tpu.memref_slice %arg2[%multiple_of3A_59, %dma_start3A_61] : memref<160000x128xf32, #tpu.memory_space<hbm>> -> memref<128x128xf32, #tpu.memory_space<hbm>>
          tpu.enqueue_dma source(%dma_start3A_62 : memref<128x128xf32, #tpu.memory_space<hbm>>) target(%arg6 : memref<128x128xf32, #tpu.memory_space<vmem>>) target_semaphore(%run_scoped3A : memref<!tpu.dma_semaphore, #tpu.memory_space<semaphore_mem>>)
          %dma_wait3A = arith.constant 0 : i32
          %dma_wait3A_63 = tpu.memref_slice %arg2[%multiple_of3A_59, %dma_wait3A] : memref<160000x128xf32, #tpu.memory_space<hbm>> -> memref<128x128xf32, #tpu.memory_space<hbm>>
          %dma_wait3A_64 = arith.constant 0 : i32
          %dma_wait3A_65 = tpu.memref_slice %arg2[%multiple_of3A_59, %dma_wait3A_64] : memref<160000x128xf32, #tpu.memory_space<hbm>> -> memref<128x128xf32, #tpu.memory_space<hbm>>
          tpu.wait_dma2 semaphore(%run_scoped3A : memref<!tpu.dma_semaphore, #tpu.memory_space<semaphore_mem>>) src(%dma_wait3A_65 : memref<128x128xf32, #tpu.memory_space<hbm>>) dst(%arg6 : memref<128x128xf32, #tpu.memory_space<vmem>>)
          tpu.yield
        }) : () -> ()
        "tpu.region"() ({
          %run_scoped3A = tpu.sem_alloc : memref<!tpu.dma_semaphore, #tpu.memory_space<semaphore_mem>>
          %dma_start3A = arith.constant 0 : i32
          %dma_start3A_60 = arith.constant 0 : i32
          %dma_start3A_61 = tpu.memref_slice %arg7[%dma_start3A, %dma_start3A_60] : memref<10240x128xf32, #tpu.memory_space<vmem_shared>> -> memref<10240x128xf32, #tpu.memory_space<vmem_shared>>
          tpu.enqueue_indirect_dma source(%arg6 : memref<128x128xf32, #tpu.memory_space<vmem>>) target(%dma_start3A_61 : memref<10240x128xf32, #tpu.memory_space<vmem_shared>>) offsets(%arg5 : memref<128xi32, #tpu.memory_space<vmem>>) semaphore(%run_scoped3A : memref<!tpu.dma_semaphore, #tpu.memory_space<semaphore_mem>>) {add = true}
          %dma_wait3A = arith.constant 0 : i32
          %dma_wait3A_62 = arith.constant 0 : i32
          %dma_wait3A_63 = tpu.memref_slice %arg7[%dma_wait3A, %dma_wait3A_62] : memref<10240x128xf32, #tpu.memory_space<vmem_shared>> -> memref<10240x128xf32, #tpu.memory_space<vmem_shared>>
          tpu.wait_indirect_dma semaphore(%run_scoped3A : memref<!tpu.dma_semaphore, #tpu.memory_space<semaphore_mem>>) src(%arg6 : memref<128x128xf32, #tpu.memory_space<vmem>>) dst(%dma_wait3A_63 : memref<10240x128xf32, #tpu.memory_space<vmem_shared>>)
          tpu.yield
        }) : () -> ()
      } else {
      }
    }
    %scan3A_23 = arith.constant 40 : i32
    %barrier3A_24 = arith.constant 0 : index
    tpu.barrier barrier_id(%barrier3A_24)
    %mul3A_25 = arith.constant 10240 : i32
    %mul3A_26 = arith.muli %arg0, %mul3A_25 : i32
    %mul3A_27 = arith.constant 640 : i32
    %mul3A_28 = arith.muli %arg1, %mul3A_27 : i32
    %add3A_29 = arith.addi %mul3A_26, %mul3A_28 : i32
    %multiple_of3A_30 = tpu.assume_multiple %add3A_29, 128 : i32
    %add3A_31 = arith.constant 0 : i32
    %add3A_32 = arith.addi %multiple_of3A, %add3A_31 : i32
    "tpu.region"() ({
      %run_scoped3A = tpu.sem_alloc : memref<!tpu.dma_semaphore, #tpu.memory_space<semaphore_mem>>
      %dma_start3A = arith.constant 0 : i32
      %dma_start3A_51 = tpu.memref_slice %arg7[%add3A_32, %dma_start3A] : memref<10240x128xf32, #tpu.memory_space<vmem_shared>> -> memref<128x128xf32, #tpu.memory_space<vmem_shared>>
      %dma_start3A_52 = arith.constant 0 : i32
      %dma_start3A_53 = tpu.memref_slice %arg7[%add3A_32, %dma_start3A_52] : memref<10240x128xf32, #tpu.memory_space<vmem_shared>> -> memref<128x128xf32, #tpu.memory_space<vmem_shared>>
      tpu.enqueue_dma source(%dma_start3A_53 : memref<128x128xf32, #tpu.memory_space<vmem_shared>>) target(%arg6 : memref<128x128xf32, #tpu.memory_space<vmem>>) target_semaphore(%run_scoped3A : memref<!tpu.dma_semaphore, #tpu.memory_space<semaphore_mem>>)
      %dma_wait3A = arith.constant 0 : i32
      %dma_wait3A_54 = tpu.memref_slice %arg7[%add3A_32, %dma_wait3A] : memref<10240x128xf32, #tpu.memory_space<vmem_shared>> -> memref<128x128xf32, #tpu.memory_space<vmem_shared>>
      %dma_wait3A_55 = arith.constant 0 : i32
      %dma_wait3A_56 = tpu.memref_slice %arg7[%add3A_32, %dma_wait3A_55] : memref<10240x128xf32, #tpu.memory_space<vmem_shared>> -> memref<128x128xf32, #tpu.memory_space<vmem_shared>>
      tpu.wait_dma2 semaphore(%run_scoped3A : memref<!tpu.dma_semaphore, #tpu.memory_space<semaphore_mem>>) src(%dma_wait3A_56 : memref<128x128xf32, #tpu.memory_space<vmem_shared>>) dst(%arg6 : memref<128x128xf32, #tpu.memory_space<vmem>>)
      tpu.yield
    }) : () -> ()
    %add3A_33 = arith.constant 0 : i32
    %add3A_34 = arith.addi %multiple_of3A_30, %add3A_33 : i32
    "tpu.region"() ({
      %run_scoped3A = tpu.sem_alloc : memref<!tpu.dma_semaphore, #tpu.memory_space<semaphore_mem>>
      %dma_start3A = arith.constant 0 : i32
      %dma_start3A_51 = tpu.memref_slice %arg4[%add3A_34, %dma_start3A] : memref<20480x128xf32, #tpu.memory_space<hbm>> -> memref<128x128xf32, #tpu.memory_space<hbm>>
      %dma_start3A_52 = arith.constant 0 : i32
      %dma_start3A_53 = tpu.memref_slice %arg4[%add3A_34, %dma_start3A_52] : memref<20480x128xf32, #tpu.memory_space<hbm>> -> memref<128x128xf32, #tpu.memory_space<hbm>>
      tpu.enqueue_dma source(%arg6 : memref<128x128xf32, #tpu.memory_space<vmem>>) target(%dma_start3A_53 : memref<128x128xf32, #tpu.memory_space<hbm>>) target_semaphore(%run_scoped3A : memref<!tpu.dma_semaphore, #tpu.memory_space<semaphore_mem>>)
      %dma_wait3A = arith.constant 0 : i32
      %dma_wait3A_54 = tpu.memref_slice %arg4[%add3A_34, %dma_wait3A] : memref<20480x128xf32, #tpu.memory_space<hbm>> -> memref<128x128xf32, #tpu.memory_space<hbm>>
      %dma_wait3A_55 = arith.constant 0 : i32
      %dma_wait3A_56 = tpu.memref_slice %arg4[%add3A_34, %dma_wait3A_55] : memref<20480x128xf32, #tpu.memory_space<hbm>> -> memref<128x128xf32, #tpu.memory_space<hbm>>
      tpu.wait_dma2 semaphore(%run_scoped3A : memref<!tpu.dma_semaphore, #tpu.memory_space<semaphore_mem>>) src(%arg6 : memref<128x128xf32, #tpu.memory_space<vmem>>) dst(%dma_wait3A_56 : memref<128x128xf32, #tpu.memory_space<hbm>>)
      tpu.yield
    }) : () -> ()
    %add3A_35 = arith.constant 128 : i32
    %add3A_36 = arith.addi %multiple_of3A, %add3A_35 : i32
    "tpu.region"() ({
      %run_scoped3A = tpu.sem_alloc : memref<!tpu.dma_semaphore, #tpu.memory_space<semaphore_mem>>
      %dma_start3A = arith.constant 0 : i32
      %dma_start3A_51 = tpu.memref_slice %arg7[%add3A_36, %dma_start3A] : memref<10240x128xf32, #tpu.memory_space<vmem_shared>> -> memref<128x128xf32, #tpu.memory_space<vmem_shared>>
      %dma_start3A_52 = arith.constant 0 : i32
      %dma_start3A_53 = tpu.memref_slice %arg7[%add3A_36, %dma_start3A_52] : memref<10240x128xf32, #tpu.memory_space<vmem_shared>> -> memref<128x128xf32, #tpu.memory_space<vmem_shared>>
      tpu.enqueue_dma source(%dma_start3A_53 : memref<128x128xf32, #tpu.memory_space<vmem_shared>>) target(%arg6 : memref<128x128xf32, #tpu.memory_space<vmem>>) target_semaphore(%run_scoped3A : memref<!tpu.dma_semaphore, #tpu.memory_space<semaphore_mem>>)
      %dma_wait3A = arith.constant 0 : i32
      %dma_wait3A_54 = tpu.memref_slice %arg7[%add3A_36, %dma_wait3A] : memref<10240x128xf32, #tpu.memory_space<vmem_shared>> -> memref<128x128xf32, #tpu.memory_space<vmem_shared>>
      %dma_wait3A_55 = arith.constant 0 : i32
      %dma_wait3A_56 = tpu.memref_slice %arg7[%add3A_36, %dma_wait3A_55] : memref<10240x128xf32, #tpu.memory_space<vmem_shared>> -> memref<128x128xf32, #tpu.memory_space<vmem_shared>>
      tpu.wait_dma2 semaphore(%run_scoped3A : memref<!tpu.dma_semaphore, #tpu.memory_space<semaphore_mem>>) src(%dma_wait3A_56 : memref<128x128xf32, #tpu.memory_space<vmem_shared>>) dst(%arg6 : memref<128x128xf32, #tpu.memory_space<vmem>>)
      tpu.yield
    }) : () -> ()
    %add3A_37 = arith.constant 128 : i32
    %add3A_38 = arith.addi %multiple_of3A_30, %add3A_37 : i32
    "tpu.region"() ({
      %run_scoped3A = tpu.sem_alloc : memref<!tpu.dma_semaphore, #tpu.memory_space<semaphore_mem>>
      %dma_start3A = arith.constant 0 : i32
      %dma_start3A_51 = tpu.memref_slice %arg4[%add3A_38, %dma_start3A] : memref<20480x128xf32, #tpu.memory_space<hbm>> -> memref<128x128xf32, #tpu.memory_space<hbm>>
      %dma_start3A_52 = arith.constant 0 : i32
      %dma_start3A_53 = tpu.memref_slice %arg4[%add3A_38, %dma_start3A_52] : memref<20480x128xf32, #tpu.memory_space<hbm>> -> memref<128x128xf32, #tpu.memory_space<hbm>>
      tpu.enqueue_dma source(%arg6 : memref<128x128xf32, #tpu.memory_space<vmem>>) target(%dma_start3A_53 : memref<128x128xf32, #tpu.memory_space<hbm>>) target_semaphore(%run_scoped3A : memref<!tpu.dma_semaphore, #tpu.memory_space<semaphore_mem>>)
      %dma_wait3A = arith.constant 0 : i32
      %dma_wait3A_54 = tpu.memref_slice %arg4[%add3A_38, %dma_wait3A] : memref<20480x128xf32, #tpu.memory_space<hbm>> -> memref<128x128xf32, #tpu.memory_space<hbm>>
      %dma_wait3A_55 = arith.constant 0 : i32
      %dma_wait3A_56 = tpu.memref_slice %arg4[%add3A_38, %dma_wait3A_55] : memref<20480x128xf32, #tpu.memory_space<hbm>> -> memref<128x128xf32, #tpu.memory_space<hbm>>
      tpu.wait_dma2 semaphore(%run_scoped3A : memref<!tpu.dma_semaphore, #tpu.memory_space<semaphore_mem>>) src(%arg6 : memref<128x128xf32, #tpu.memory_space<vmem>>) dst(%dma_wait3A_56 : memref<128x128xf32, #tpu.memory_space<hbm>>)
      tpu.yield
    }) : () -> ()
    %add3A_39 = arith.constant 256 : i32
    %add3A_40 = arith.addi %multiple_of3A, %add3A_39 : i32
    "tpu.region"() ({
      %run_scoped3A = tpu.sem_alloc : memref<!tpu.dma_semaphore, #tpu.memory_space<semaphore_mem>>
      %dma_start3A = arith.constant 0 : i32
      %dma_start3A_51 = tpu.memref_slice %arg7[%add3A_40, %dma_start3A] : memref<10240x128xf32, #tpu.memory_space<vmem_shared>> -> memref<128x128xf32, #tpu.memory_space<vmem_shared>>
      %dma_start3A_52 = arith.constant 0 : i32
      %dma_start3A_53 = tpu.memref_slice %arg7[%add3A_40, %dma_start3A_52] : memref<10240x128xf32, #tpu.memory_space<vmem_shared>> -> memref<128x128xf32, #tpu.memory_space<vmem_shared>>
      tpu.enqueue_dma source(%dma_start3A_53 : memref<128x128xf32, #tpu.memory_space<vmem_shared>>) target(%arg6 : memref<128x128xf32, #tpu.memory_space<vmem>>) target_semaphore(%run_scoped3A : memref<!tpu.dma_semaphore, #tpu.memory_space<semaphore_mem>>)
      %dma_wait3A = arith.constant 0 : i32
      %dma_wait3A_54 = tpu.memref_slice %arg7[%add3A_40, %dma_wait3A] : memref<10240x128xf32, #tpu.memory_space<vmem_shared>> -> memref<128x128xf32, #tpu.memory_space<vmem_shared>>
      %dma_wait3A_55 = arith.constant 0 : i32
      %dma_wait3A_56 = tpu.memref_slice %arg7[%add3A_40, %dma_wait3A_55] : memref<10240x128xf32, #tpu.memory_space<vmem_shared>> -> memref<128x128xf32, #tpu.memory_space<vmem_shared>>
      tpu.wait_dma2 semaphore(%run_scoped3A : memref<!tpu.dma_semaphore, #tpu.memory_space<semaphore_mem>>) src(%dma_wait3A_56 : memref<128x128xf32, #tpu.memory_space<vmem_shared>>) dst(%arg6 : memref<128x128xf32, #tpu.memory_space<vmem>>)
      tpu.yield
    }) : () -> ()
    %add3A_41 = arith.constant 256 : i32
    %add3A_42 = arith.addi %multiple_of3A_30, %add3A_41 : i32
    "tpu.region"() ({
      %run_scoped3A = tpu.sem_alloc : memref<!tpu.dma_semaphore, #tpu.memory_space<semaphore_mem>>
      %dma_start3A = arith.constant 0 : i32
      %dma_start3A_51 = tpu.memref_slice %arg4[%add3A_42, %dma_start3A] : memref<20480x128xf32, #tpu.memory_space<hbm>> -> memref<128x128xf32, #tpu.memory_space<hbm>>
      %dma_start3A_52 = arith.constant 0 : i32
      %dma_start3A_53 = tpu.memref_slice %arg4[%add3A_42, %dma_start3A_52] : memref<20480x128xf32, #tpu.memory_space<hbm>> -> memref<128x128xf32, #tpu.memory_space<hbm>>
      tpu.enqueue_dma source(%arg6 : memref<128x128xf32, #tpu.memory_space<vmem>>) target(%dma_start3A_53 : memref<128x128xf32, #tpu.memory_space<hbm>>) target_semaphore(%run_scoped3A : memref<!tpu.dma_semaphore, #tpu.memory_space<semaphore_mem>>)
      %dma_wait3A = arith.constant 0 : i32
      %dma_wait3A_54 = tpu.memref_slice %arg4[%add3A_42, %dma_wait3A] : memref<20480x128xf32, #tpu.memory_space<hbm>> -> memref<128x128xf32, #tpu.memory_space<hbm>>
      %dma_wait3A_55 = arith.constant 0 : i32
      %dma_wait3A_56 = tpu.memref_slice %arg4[%add3A_42, %dma_wait3A_55] : memref<20480x128xf32, #tpu.memory_space<hbm>> -> memref<128x128xf32, #tpu.memory_space<hbm>>
      tpu.wait_dma2 semaphore(%run_scoped3A : memref<!tpu.dma_semaphore, #tpu.memory_space<semaphore_mem>>) src(%arg6 : memref<128x128xf32, #tpu.memory_space<vmem>>) dst(%dma_wait3A_56 : memref<128x128xf32, #tpu.memory_space<hbm>>)
      tpu.yield
    }) : () -> ()
    %add3A_43 = arith.constant 384 : i32
    %add3A_44 = arith.addi %multiple_of3A, %add3A_43 : i32
    "tpu.region"() ({
      %run_scoped3A = tpu.sem_alloc : memref<!tpu.dma_semaphore, #tpu.memory_space<semaphore_mem>>
      %dma_start3A = arith.constant 0 : i32
      %dma_start3A_51 = tpu.memref_slice %arg7[%add3A_44, %dma_start3A] : memref<10240x128xf32, #tpu.memory_space<vmem_shared>> -> memref<128x128xf32, #tpu.memory_space<vmem_shared>>
      %dma_start3A_52 = arith.constant 0 : i32
      %dma_start3A_53 = tpu.memref_slice %arg7[%add3A_44, %dma_start3A_52] : memref<10240x128xf32, #tpu.memory_space<vmem_shared>> -> memref<128x128xf32, #tpu.memory_space<vmem_shared>>
      tpu.enqueue_dma source(%dma_start3A_53 : memref<128x128xf32, #tpu.memory_space<vmem_shared>>) target(%arg6 : memref<128x128xf32, #tpu.memory_space<vmem>>) target_semaphore(%run_scoped3A : memref<!tpu.dma_semaphore, #tpu.memory_space<semaphore_mem>>)
      %dma_wait3A = arith.constant 0 : i32
      %dma_wait3A_54 = tpu.memref_slice %arg7[%add3A_44, %dma_wait3A] : memref<10240x128xf32, #tpu.memory_space<vmem_shared>> -> memref<128x128xf32, #tpu.memory_space<vmem_shared>>
      %dma_wait3A_55 = arith.constant 0 : i32
      %dma_wait3A_56 = tpu.memref_slice %arg7[%add3A_44, %dma_wait3A_55] : memref<10240x128xf32, #tpu.memory_space<vmem_shared>> -> memref<128x128xf32, #tpu.memory_space<vmem_shared>>
      tpu.wait_dma2 semaphore(%run_scoped3A : memref<!tpu.dma_semaphore, #tpu.memory_space<semaphore_mem>>) src(%dma_wait3A_56 : memref<128x128xf32, #tpu.memory_space<vmem_shared>>) dst(%arg6 : memref<128x128xf32, #tpu.memory_space<vmem>>)
      tpu.yield
    }) : () -> ()
    %add3A_45 = arith.constant 384 : i32
    %add3A_46 = arith.addi %multiple_of3A_30, %add3A_45 : i32
    "tpu.region"() ({
      %run_scoped3A = tpu.sem_alloc : memref<!tpu.dma_semaphore, #tpu.memory_space<semaphore_mem>>
      %dma_start3A = arith.constant 0 : i32
      %dma_start3A_51 = tpu.memref_slice %arg4[%add3A_46, %dma_start3A] : memref<20480x128xf32, #tpu.memory_space<hbm>> -> memref<128x128xf32, #tpu.memory_space<hbm>>
      %dma_start3A_52 = arith.constant 0 : i32
      %dma_start3A_53 = tpu.memref_slice %arg4[%add3A_46, %dma_start3A_52] : memref<20480x128xf32, #tpu.memory_space<hbm>> -> memref<128x128xf32, #tpu.memory_space<hbm>>
      tpu.enqueue_dma source(%arg6 : memref<128x128xf32, #tpu.memory_space<vmem>>) target(%dma_start3A_53 : memref<128x128xf32, #tpu.memory_space<hbm>>) target_semaphore(%run_scoped3A : memref<!tpu.dma_semaphore, #tpu.memory_space<semaphore_mem>>)
      %dma_wait3A = arith.constant 0 : i32
      %dma_wait3A_54 = tpu.memref_slice %arg4[%add3A_46, %dma_wait3A] : memref<20480x128xf32, #tpu.memory_space<hbm>> -> memref<128x128xf32, #tpu.memory_space<hbm>>
      %dma_wait3A_55 = arith.constant 0 : i32
      %dma_wait3A_56 = tpu.memref_slice %arg4[%add3A_46, %dma_wait3A_55] : memref<20480x128xf32, #tpu.memory_space<hbm>> -> memref<128x128xf32, #tpu.memory_space<hbm>>
      tpu.wait_dma2 semaphore(%run_scoped3A : memref<!tpu.dma_semaphore, #tpu.memory_space<semaphore_mem>>) src(%arg6 : memref<128x128xf32, #tpu.memory_space<vmem>>) dst(%dma_wait3A_56 : memref<128x128xf32, #tpu.memory_space<hbm>>)
      tpu.yield
    }) : () -> ()
    %add3A_47 = arith.constant 512 : i32
    %add3A_48 = arith.addi %multiple_of3A, %add3A_47 : i32
    "tpu.region"() ({
      %run_scoped3A = tpu.sem_alloc : memref<!tpu.dma_semaphore, #tpu.memory_space<semaphore_mem>>
      %dma_start3A = arith.constant 0 : i32
      %dma_start3A_51 = tpu.memref_slice %arg7[%add3A_48, %dma_start3A] : memref<10240x128xf32, #tpu.memory_space<vmem_shared>> -> memref<128x128xf32, #tpu.memory_space<vmem_shared>>
      %dma_start3A_52 = arith.constant 0 : i32
      %dma_start3A_53 = tpu.memref_slice %arg7[%add3A_48, %dma_start3A_52] : memref<10240x128xf32, #tpu.memory_space<vmem_shared>> -> memref<128x128xf32, #tpu.memory_space<vmem_shared>>
      tpu.enqueue_dma source(%dma_start3A_53 : memref<128x128xf32, #tpu.memory_space<vmem_shared>>) target(%arg6 : memref<128x128xf32, #tpu.memory_space<vmem>>) target_semaphore(%run_scoped3A : memref<!tpu.dma_semaphore, #tpu.memory_space<semaphore_mem>>)
      %dma_wait3A = arith.constant 0 : i32
      %dma_wait3A_54 = tpu.memref_slice %arg7[%add3A_48, %dma_wait3A] : memref<10240x128xf32, #tpu.memory_space<vmem_shared>> -> memref<128x128xf32, #tpu.memory_space<vmem_shared>>
      %dma_wait3A_55 = arith.constant 0 : i32
      %dma_wait3A_56 = tpu.memref_slice %arg7[%add3A_48, %dma_wait3A_55] : memref<10240x128xf32, #tpu.memory_space<vmem_shared>> -> memref<128x128xf32, #tpu.memory_space<vmem_shared>>
      tpu.wait_dma2 semaphore(%run_scoped3A : memref<!tpu.dma_semaphore, #tpu.memory_space<semaphore_mem>>) src(%dma_wait3A_56 : memref<128x128xf32, #tpu.memory_space<vmem_shared>>) dst(%arg6 : memref<128x128xf32, #tpu.memory_space<vmem>>)
      tpu.yield
    }) : () -> ()
    %add3A_49 = arith.constant 512 : i32
    %add3A_50 = arith.addi %multiple_of3A_30, %add3A_49 : i32
    "tpu.region"() ({
      %run_scoped3A = tpu.sem_alloc : memref<!tpu.dma_semaphore, #tpu.memory_space<semaphore_mem>>
      %dma_start3A = arith.constant 0 : i32
      %dma_start3A_51 = tpu.memref_slice %arg4[%add3A_50, %dma_start3A] : memref<20480x128xf32, #tpu.memory_space<hbm>> -> memref<128x128xf32, #tpu.memory_space<hbm>>
      %dma_start3A_52 = arith.constant 0 : i32
      %dma_start3A_53 = tpu.memref_slice %arg4[%add3A_50, %dma_start3A_52] : memref<20480x128xf32, #tpu.memory_space<hbm>> -> memref<128x128xf32, #tpu.memory_space<hbm>>
      tpu.enqueue_dma source(%arg6 : memref<128x128xf32, #tpu.memory_space<vmem>>) target(%dma_start3A_53 : memref<128x128xf32, #tpu.memory_space<hbm>>) target_semaphore(%run_scoped3A : memref<!tpu.dma_semaphore, #tpu.memory_space<semaphore_mem>>)
      %dma_wait3A = arith.constant 0 : i32
      %dma_wait3A_54 = tpu.memref_slice %arg4[%add3A_50, %dma_wait3A] : memref<20480x128xf32, #tpu.memory_space<hbm>> -> memref<128x128xf32, #tpu.memory_space<hbm>>
      %dma_wait3A_55 = arith.constant 0 : i32
      %dma_wait3A_56 = tpu.memref_slice %arg4[%add3A_50, %dma_wait3A_55] : memref<20480x128xf32, #tpu.memory_space<hbm>> -> memref<128x128xf32, #tpu.memory_space<hbm>>
      tpu.wait_dma2 semaphore(%run_scoped3A : memref<!tpu.dma_semaphore, #tpu.memory_space<semaphore_mem>>) src(%arg6 : memref<128x128xf32, #tpu.memory_space<vmem>>) dst(%dma_wait3A_56 : memref<128x128xf32, #tpu.memory_space<hbm>>)
      tpu.yield
    }) : () -> ()
    return
  }
}

#map = affine_map<(d0, d1) -> (0, 0)>
module attributes {stable_mosaic.version = 14 : i64} {
  func.func @k(%arg0: i32, %arg1: i32, %arg2: memref<10000x128xf32, #tpu.memory_space<hbm>>, %arg3: memref<10000x128xf32, #tpu.memory_space<hbm>>, %arg4: memref<2x160000xi32, #tpu.memory_space<hbm>>, %arg5: memref<160000x128xf32, #tpu.memory_space<hbm>>, %arg6: memref<2x2x128xi32, #tpu.memory_space<vmem>>, %arg7: memref<2x128x128xf32, #tpu.memory_space<vmem>>, %arg8: memref<2x128x128xf32, #tpu.memory_space<vmem>>, %arg9: memref<!tpu.dma_semaphore, #tpu.memory_space<semaphore_mem>>, %arg10: memref<!tpu.dma_semaphore, #tpu.memory_space<semaphore_mem>>, %arg11: memref<!tpu.dma_semaphore, #tpu.memory_space<semaphore_mem>>, %arg12: memref<!tpu.dma_semaphore, #tpu.memory_space<semaphore_mem>>, %arg13: memref<!tpu.dma_semaphore, #tpu.memory_space<semaphore_mem>>, %arg14: memref<!tpu.dma_semaphore, #tpu.memory_space<semaphore_mem>>) attributes {dimension_semantics = [#tpu.dimension_semantics<core_parallel>, #tpu.dimension_semantics<subcore_parallel>], iteration_bounds = array<i64: 2, 16>, scalar_prefetch = 0 : i64, scratch_operands = 9 : i64, tpu.core_type = #tpu.core_type<sc_vector_subcore>, window_params = [{transform_indices = #map}, {transform_indices = #map}, {transform_indices = #map}, {transform_indices = #map}]} {
    %mul3A = arith.constant 2 : i32
    %mul3A_0 = arith.muli %arg1, %mul3A : i32
    %add3A = arith.addi %mul3A_0, %arg0 : i32
    %sub3A = arith.constant 1249 : i32
    %sub3A_1 = arith.subi %sub3A, %add3A : i32
    %jit3A = arith.constant 32 : i32
    %div3A = arith.divsi %sub3A_1, %jit3A : i32
    %sign3A = arith.constant 0 : i32
    %sign3A_2 = arith.cmpi sgt, %sub3A_1, %sign3A : i32
    %sign3A_3 = arith.extui %sign3A_2 : i1 to i32
    %sign3A_4 = arith.constant 0 : i32
    %sign3A_5 = arith.cmpi slt, %sub3A_1, %sign3A_4 : i32
    %sign3A_6 = arith.extui %sign3A_5 : i1 to i32
    %sign3A_7 = arith.subi %sign3A_3, %sign3A_6 : i32
    %sign3A_8 = arith.constant 0 : i32
    %sign3A_9 = arith.cmpi sgt, %jit3A, %sign3A_8 : i32
    %sign3A_10 = arith.extui %sign3A_9 : i1 to i32
    %sign3A_11 = arith.constant 0 : i32
    %sign3A_12 = arith.cmpi slt, %jit3A, %sign3A_11 : i32
    %sign3A_13 = arith.extui %sign3A_12 : i1 to i32
    %sign3A_14 = arith.subi %sign3A_10, %sign3A_13 : i32
    %ne3A = arith.cmpi ne, %sign3A_7, %sign3A_14 : i32
    %rem3A = arith.remsi %sub3A_1, %jit3A : i32
    %ne3A_15 = arith.constant 0 : i32
    %ne3A_16 = arith.cmpi ne, %rem3A, %ne3A_15 : i32
    %and3A = arith.andi %ne3A, %ne3A_16 : i1
    %sub3A_17 = arith.constant 1 : i32
    %sub3A_18 = arith.subi %div3A, %sub3A_17 : i32
    %select_n3A = arith.select %and3A, %sub3A_18, %div3A : i32
    %add3A_19 = arith.constant 1 : i32
    %add3A_20 = arith.addi %select_n3A, %add3A_19 : i32
    %add3A_21 = arith.constant 0 : i32
    %add3A_22 = arith.addi %add3A_21, %add3A : i32
    %mul3A_23 = arith.constant 128 : i32
    %mul3A_24 = arith.muli %add3A_22, %mul3A_23 : i32
    %multiple_of3A = tpu.assume_multiple %mul3A_24, 128 : i32
    %run_scoped3A = arith.constant 0 : i32
    "tpu.region"() ({
      %run_scoped3A_116 = tpu.sem_alloc : memref<!tpu.dma_semaphore, #tpu.memory_space<semaphore_mem>>
      %dma_start3A_117 = arith.constant 0 : i32
      %dma_start3A_118 = arith.constant 0 : i32
      %dma_start3A_119 = tpu.memref_slice %arg6[%run_scoped3A, %dma_start3A_117, %dma_start3A_118] : memref<2x2x128xi32, #tpu.memory_space<vmem>> -> memref<1x2x128xi32, #tpu.memory_space<vmem>>
      %dma_start3A_120 = tpu.memref_squeeze %dma_start3A_119 : memref<1x2x128xi32, #tpu.memory_space<vmem>> -> memref<2x128xi32, #tpu.memory_space<vmem>>
      %dma_start3A_121 = arith.constant 0 : i32
      %dma_start3A_122 = tpu.memref_slice %arg4[%dma_start3A_121, %multiple_of3A] : memref<2x160000xi32, #tpu.memory_space<hbm>> -> memref<2x128xi32, #tpu.memory_space<hbm>>
      %dma_start3A_123 = arith.constant 0 : i32
      %dma_start3A_124 = arith.constant 0 : i32
      %dma_start3A_125 = tpu.memref_slice %arg6[%run_scoped3A, %dma_start3A_123, %dma_start3A_124] : memref<2x2x128xi32, #tpu.memory_space<vmem>> -> memref<1x2x128xi32, #tpu.memory_space<vmem>>
      %dma_start3A_126 = tpu.memref_squeeze %dma_start3A_125 : memref<1x2x128xi32, #tpu.memory_space<vmem>> -> memref<2x128xi32, #tpu.memory_space<vmem>>
      %dma_start3A_127 = arith.constant 0 : i32
      %dma_start3A_128 = tpu.memref_slice %arg4[%dma_start3A_127, %multiple_of3A] : memref<2x160000xi32, #tpu.memory_space<hbm>> -> memref<2x128xi32, #tpu.memory_space<hbm>>
      tpu.enqueue_dma source(%dma_start3A_128 : memref<2x128xi32, #tpu.memory_space<hbm>>) target(%dma_start3A_126 : memref<2x128xi32, #tpu.memory_space<vmem>>) target_semaphore(%run_scoped3A_116 : memref<!tpu.dma_semaphore, #tpu.memory_space<semaphore_mem>>)
      %dma_wait3A_129 = arith.constant 0 : i32
      %dma_wait3A_130 = arith.constant 0 : i32
      %dma_wait3A_131 = tpu.memref_slice %arg6[%run_scoped3A, %dma_wait3A_129, %dma_wait3A_130] : memref<2x2x128xi32, #tpu.memory_space<vmem>> -> memref<1x2x128xi32, #tpu.memory_space<vmem>>
      %dma_wait3A_132 = tpu.memref_squeeze %dma_wait3A_131 : memref<1x2x128xi32, #tpu.memory_space<vmem>> -> memref<2x128xi32, #tpu.memory_space<vmem>>
      %dma_wait3A_133 = arith.constant 0 : i32
      %dma_wait3A_134 = tpu.memref_slice %arg4[%dma_wait3A_133, %multiple_of3A] : memref<2x160000xi32, #tpu.memory_space<hbm>> -> memref<2x128xi32, #tpu.memory_space<hbm>>
      %dma_wait3A_135 = arith.constant 0 : i32
      %dma_wait3A_136 = arith.constant 0 : i32
      %dma_wait3A_137 = tpu.memref_slice %arg6[%run_scoped3A, %dma_wait3A_135, %dma_wait3A_136] : memref<2x2x128xi32, #tpu.memory_space<vmem>> -> memref<1x2x128xi32, #tpu.memory_space<vmem>>
      %dma_wait3A_138 = tpu.memref_squeeze %dma_wait3A_137 : memref<1x2x128xi32, #tpu.memory_space<vmem>> -> memref<2x128xi32, #tpu.memory_space<vmem>>
      %dma_wait3A_139 = arith.constant 0 : i32
      %dma_wait3A_140 = tpu.memref_slice %arg4[%dma_wait3A_139, %multiple_of3A] : memref<2x160000xi32, #tpu.memory_space<hbm>> -> memref<2x128xi32, #tpu.memory_space<hbm>>
      tpu.wait_dma2 semaphore(%run_scoped3A_116 : memref<!tpu.dma_semaphore, #tpu.memory_space<semaphore_mem>>) src(%dma_wait3A_140 : memref<2x128xi32, #tpu.memory_space<hbm>>) dst(%dma_wait3A_138 : memref<2x128xi32, #tpu.memory_space<vmem>>)
      tpu.yield
    }) : () -> ()
    %dma_start3A = arith.constant 0 : i32
    %dma_start3A_25 = arith.constant 0 : i32
    %dma_start3A_26 = arith.constant 0 : i32
    %dma_start3A_27 = arith.constant 0 : i32
    %dma_start3A_28 = arith.constant 0 : i32
    %dma_start3A_29 = tpu.memref_slice %arg7[%dma_start3A_26, %dma_start3A_27, %dma_start3A_28] : memref<2x128x128xf32, #tpu.memory_space<vmem>> -> memref<1x128x128xf32, #tpu.memory_space<vmem>>
    %dma_start3A_30 = tpu.memref_squeeze %dma_start3A_29 : memref<1x128x128xf32, #tpu.memory_space<vmem>> -> memref<128x128xf32, #tpu.memory_space<vmem>>
    %dma_start3A_31 = arith.constant 0 : i32
    %dma_start3A_32 = tpu.memref_slice %arg6[%dma_start3A, %dma_start3A_25, %dma_start3A_31] : memref<2x2x128xi32, #tpu.memory_space<vmem>> -> memref<1x1x128xi32, #tpu.memory_space<vmem>>
    %dma_start3A_33 = tpu.memref_squeeze %dma_start3A_32 : memref<1x1x128xi32, #tpu.memory_space<vmem>> -> memref<128xi32, #tpu.memory_space<vmem>>
    %dma_start3A_34 = arith.constant 0 : i32
    %dma_start3A_35 = arith.constant 0 : i32
    %dma_start3A_36 = tpu.memref_slice %arg2[%dma_start3A_34, %dma_start3A_35] : memref<10000x128xf32, #tpu.memory_space<hbm>> -> memref<10000x128xf32, #tpu.memory_space<hbm>>
    tpu.enqueue_indirect_dma source(%dma_start3A_36 : memref<10000x128xf32, #tpu.memory_space<hbm>>) target(%dma_start3A_30 : memref<128x128xf32, #tpu.memory_space<vmem>>) offsets(%dma_start3A_33 : memref<128xi32, #tpu.memory_space<vmem>>) semaphore(%arg9 : memref<!tpu.dma_semaphore, #tpu.memory_space<semaphore_mem>>)
    %dma_start3A_37 = arith.constant 0 : i32
    %dma_start3A_38 = arith.constant 1 : i32
    %dma_start3A_39 = arith.constant 0 : i32
    %dma_start3A_40 = arith.constant 0 : i32
    %dma_start3A_41 = arith.constant 0 : i32
    %dma_start3A_42 = tpu.memref_slice %arg8[%dma_start3A_39, %dma_start3A_40, %dma_start3A_41] : memref<2x128x128xf32, #tpu.memory_space<vmem>> -> memref<1x128x128xf32, #tpu.memory_space<vmem>>
    %dma_start3A_43 = tpu.memref_squeeze %dma_start3A_42 : memref<1x128x128xf32, #tpu.memory_space<vmem>> -> memref<128x128xf32, #tpu.memory_space<vmem>>
    %dma_start3A_44 = arith.constant 0 : i32
    %dma_start3A_45 = tpu.memref_slice %arg6[%dma_start3A_37, %dma_start3A_38, %dma_start3A_44] : memref<2x2x128xi32, #tpu.memory_space<vmem>> -> memref<1x1x128xi32, #tpu.memory_space<vmem>>
    %dma_start3A_46 = tpu.memref_squeeze %dma_start3A_45 : memref<1x1x128xi32, #tpu.memory_space<vmem>> -> memref<128xi32, #tpu.memory_space<vmem>>
    %dma_start3A_47 = arith.constant 0 : i32
    %dma_start3A_48 = arith.constant 0 : i32
    %dma_start3A_49 = tpu.memref_slice %arg3[%dma_start3A_47, %dma_start3A_48] : memref<10000x128xf32, #tpu.memory_space<hbm>> -> memref<10000x128xf32, #tpu.memory_space<hbm>>
    tpu.enqueue_indirect_dma source(%dma_start3A_49 : memref<10000x128xf32, #tpu.memory_space<hbm>>) target(%dma_start3A_43 : memref<128x128xf32, #tpu.memory_space<vmem>>) offsets(%dma_start3A_46 : memref<128xi32, #tpu.memory_space<vmem>>) semaphore(%arg11 : memref<!tpu.dma_semaphore, #tpu.memory_space<semaphore_mem>>)
    %add3A_50 = arith.constant 32 : i32
    %add3A_51 = arith.addi %add3A_50, %add3A : i32
    %mul3A_52 = arith.constant 128 : i32
    %mul3A_53 = arith.muli %add3A_51, %mul3A_52 : i32
    %multiple_of3A_54 = tpu.assume_multiple %mul3A_53, 128 : i32
    %run_scoped3A_55 = arith.constant 1 : i32
    "tpu.region"() ({
      %run_scoped3A_116 = tpu.sem_alloc : memref<!tpu.dma_semaphore, #tpu.memory_space<semaphore_mem>>
      %dma_start3A_117 = arith.constant 0 : i32
      %dma_start3A_118 = arith.constant 0 : i32
      %dma_start3A_119 = tpu.memref_slice %arg6[%run_scoped3A_55, %dma_start3A_117, %dma_start3A_118] : memref<2x2x128xi32, #tpu.memory_space<vmem>> -> memref<1x2x128xi32, #tpu.memory_space<vmem>>
      %dma_start3A_120 = tpu.memref_squeeze %dma_start3A_119 : memref<1x2x128xi32, #tpu.memory_space<vmem>> -> memref<2x128xi32, #tpu.memory_space<vmem>>
      %dma_start3A_121 = arith.constant 0 : i32
      %dma_start3A_122 = tpu.memref_slice %arg4[%dma_start3A_121, %multiple_of3A_54] : memref<2x160000xi32, #tpu.memory_space<hbm>> -> memref<2x128xi32, #tpu.memory_space<hbm>>
      %dma_start3A_123 = arith.constant 0 : i32
      %dma_start3A_124 = arith.constant 0 : i32
      %dma_start3A_125 = tpu.memref_slice %arg6[%run_scoped3A_55, %dma_start3A_123, %dma_start3A_124] : memref<2x2x128xi32, #tpu.memory_space<vmem>> -> memref<1x2x128xi32, #tpu.memory_space<vmem>>
      %dma_start3A_126 = tpu.memref_squeeze %dma_start3A_125 : memref<1x2x128xi32, #tpu.memory_space<vmem>> -> memref<2x128xi32, #tpu.memory_space<vmem>>
      %dma_start3A_127 = arith.constant 0 : i32
      %dma_start3A_128 = tpu.memref_slice %arg4[%dma_start3A_127, %multiple_of3A_54] : memref<2x160000xi32, #tpu.memory_space<hbm>> -> memref<2x128xi32, #tpu.memory_space<hbm>>
      tpu.enqueue_dma source(%dma_start3A_128 : memref<2x128xi32, #tpu.memory_space<hbm>>) target(%dma_start3A_126 : memref<2x128xi32, #tpu.memory_space<vmem>>) target_semaphore(%run_scoped3A_116 : memref<!tpu.dma_semaphore, #tpu.memory_space<semaphore_mem>>)
      %dma_wait3A_129 = arith.constant 0 : i32
      %dma_wait3A_130 = arith.constant 0 : i32
      %dma_wait3A_131 = tpu.memref_slice %arg6[%run_scoped3A_55, %dma_wait3A_129, %dma_wait3A_130] : memref<2x2x128xi32, #tpu.memory_space<vmem>> -> memref<1x2x128xi32, #tpu.memory_space<vmem>>
      %dma_wait3A_132 = tpu.memref_squeeze %dma_wait3A_131 : memref<1x2x128xi32, #tpu.memory_space<vmem>> -> memref<2x128xi32, #tpu.memory_space<vmem>>
      %dma_wait3A_133 = arith.constant 0 : i32
      %dma_wait3A_134 = tpu.memref_slice %arg4[%dma_wait3A_133, %multiple_of3A_54] : memref<2x160000xi32, #tpu.memory_space<hbm>> -> memref<2x128xi32, #tpu.memory_space<hbm>>
      %dma_wait3A_135 = arith.constant 0 : i32
      %dma_wait3A_136 = arith.constant 0 : i32
      %dma_wait3A_137 = tpu.memref_slice %arg6[%run_scoped3A_55, %dma_wait3A_135, %dma_wait3A_136] : memref<2x2x128xi32, #tpu.memory_space<vmem>> -> memref<1x2x128xi32, #tpu.memory_space<vmem>>
      %dma_wait3A_138 = tpu.memref_squeeze %dma_wait3A_137 : memref<1x2x128xi32, #tpu.memory_space<vmem>> -> memref<2x128xi32, #tpu.memory_space<vmem>>
      %dma_wait3A_139 = arith.constant 0 : i32
      %dma_wait3A_140 = tpu.memref_slice %arg4[%dma_wait3A_139, %multiple_of3A_54] : memref<2x160000xi32, #tpu.memory_space<hbm>> -> memref<2x128xi32, #tpu.memory_space<hbm>>
      tpu.wait_dma2 semaphore(%run_scoped3A_116 : memref<!tpu.dma_semaphore, #tpu.memory_space<semaphore_mem>>) src(%dma_wait3A_140 : memref<2x128xi32, #tpu.memory_space<hbm>>) dst(%dma_wait3A_138 : memref<2x128xi32, #tpu.memory_space<vmem>>)
      tpu.yield
    }) : () -> ()
    %dma_start3A_56 = arith.constant 1 : i32
    %dma_start3A_57 = arith.constant 0 : i32
    %dma_start3A_58 = arith.constant 1 : i32
    %dma_start3A_59 = arith.constant 0 : i32
    %dma_start3A_60 = arith.constant 0 : i32
    %dma_start3A_61 = tpu.memref_slice %arg7[%dma_start3A_58, %dma_start3A_59, %dma_start3A_60] : memref<2x128x128xf32, #tpu.memory_space<vmem>> -> memref<1x128x128xf32, #tpu.memory_space<vmem>>
    %dma_start3A_62 = tpu.memref_squeeze %dma_start3A_61 : memref<1x128x128xf32, #tpu.memory_space<vmem>> -> memref<128x128xf32, #tpu.memory_space<vmem>>
    %dma_start3A_63 = arith.constant 0 : i32
    %dma_start3A_64 = tpu.memref_slice %arg6[%dma_start3A_56, %dma_start3A_57, %dma_start3A_63] : memref<2x2x128xi32, #tpu.memory_space<vmem>> -> memref<1x1x128xi32, #tpu.memory_space<vmem>>
    %dma_start3A_65 = tpu.memref_squeeze %dma_start3A_64 : memref<1x1x128xi32, #tpu.memory_space<vmem>> -> memref<128xi32, #tpu.memory_space<vmem>>
    %dma_start3A_66 = arith.constant 0 : i32
    %dma_start3A_67 = arith.constant 0 : i32
    %dma_start3A_68 = tpu.memref_slice %arg2[%dma_start3A_66, %dma_start3A_67] : memref<10000x128xf32, #tpu.memory_space<hbm>> -> memref<10000x128xf32, #tpu.memory_space<hbm>>
    tpu.enqueue_indirect_dma source(%dma_start3A_68 : memref<10000x128xf32, #tpu.memory_space<hbm>>) target(%dma_start3A_62 : memref<128x128xf32, #tpu.memory_space<vmem>>) offsets(%dma_start3A_65 : memref<128xi32, #tpu.memory_space<vmem>>) semaphore(%arg10 : memref<!tpu.dma_semaphore, #tpu.memory_space<semaphore_mem>>)
    %dma_start3A_69 = arith.constant 1 : i32
    %dma_start3A_70 = arith.constant 1 : i32
    %dma_start3A_71 = arith.constant 1 : i32
    %dma_start3A_72 = arith.constant 0 : i32
    %dma_start3A_73 = arith.constant 0 : i32
    %dma_start3A_74 = tpu.memref_slice %arg8[%dma_start3A_71, %dma_start3A_72, %dma_start3A_73] : memref<2x128x128xf32, #tpu.memory_space<vmem>> -> memref<1x128x128xf32, #tpu.memory_space<vmem>>
    %dma_start3A_75 = tpu.memref_squeeze %dma_start3A_74 : memref<1x128x128xf32, #tpu.memory_space<vmem>> -> memref<128x128xf32, #tpu.memory_space<vmem>>
    %dma_start3A_76 = arith.constant 0 : i32
    %dma_start3A_77 = tpu.memref_slice %arg6[%dma_start3A_69, %dma_start3A_70, %dma_start3A_76] : memref<2x2x128xi32, #tpu.memory_space<vmem>> -> memref<1x1x128xi32, #tpu.memory_space<vmem>>
    %dma_start3A_78 = tpu.memref_squeeze %dma_start3A_77 : memref<1x1x128xi32, #tpu.memory_space<vmem>> -> memref<128xi32, #tpu.memory_space<vmem>>
    %dma_start3A_79 = arith.constant 0 : i32
    %dma_start3A_80 = arith.constant 0 : i32
    %dma_start3A_81 = tpu.memref_slice %arg3[%dma_start3A_79, %dma_start3A_80] : memref<10000x128xf32, #tpu.memory_space<hbm>> -> memref<10000x128xf32, #tpu.memory_space<hbm>>
    tpu.enqueue_indirect_dma source(%dma_start3A_81 : memref<10000x128xf32, #tpu.memory_space<hbm>>) target(%dma_start3A_75 : memref<128x128xf32, #tpu.memory_space<vmem>>) offsets(%dma_start3A_78 : memref<128xi32, #tpu.memory_space<vmem>>) semaphore(%arg12 : memref<!tpu.dma_semaphore, #tpu.memory_space<semaphore_mem>>)
    %scan3A = arith.constant 0 : i32
    %scan3A_82 = arith.constant 0 : i32
    %scan3A_83 = arith.constant 20 : i32
    %scan3A_84 = arith.addi %scan3A_82, %scan3A_83 : i32
    %scan3A_85 = arith.constant 1 : i32
    scf.for %scan3A_116 = %scan3A_82 to %scan3A_84 step %scan3A_85  : i32 {
      %mul3A_117 = arith.constant 2 : i32
      %mul3A_118 = arith.muli %mul3A_117, %scan3A_116 : i32
      %add3A_119 = arith.constant 0 : i32
      %add3A_120 = arith.addi %mul3A_118, %add3A_119 : i32
      %lt3A = arith.cmpi slt, %add3A_120, %add3A_20 : i32
      %convert_element_type3A = arith.extui %lt3A : i1 to i32
      %cond3A = arith.constant 0 : i32
      %cond3A_121 = arith.cmpi ne, %convert_element_type3A, %cond3A : i32
      scf.if %cond3A_121 {
        %mul3A_142 = arith.constant 32 : i32
        %mul3A_143 = arith.muli %add3A_120, %mul3A_142 : i32
        %add3A_144 = arith.addi %mul3A_143, %add3A : i32
        %mul3A_145 = arith.constant 128 : i32
        %mul3A_146 = arith.muli %add3A_144, %mul3A_145 : i32
        %multiple_of3A_147 = tpu.assume_multiple %mul3A_146, 128 : i32
        %dma_wait3A_148 = arith.constant 0 : i32
        %dma_wait3A_149 = arith.constant 0 : i32
        %dma_wait3A_150 = arith.constant 0 : i32
        %dma_wait3A_151 = tpu.memref_slice %arg7[%dma_wait3A_148, %dma_wait3A_149, %dma_wait3A_150] : memref<2x128x128xf32, #tpu.memory_space<vmem>> -> memref<1x128x128xf32, #tpu.memory_space<vmem>>
        %dma_wait3A_152 = tpu.memref_squeeze %dma_wait3A_151 : memref<1x128x128xf32, #tpu.memory_space<vmem>> -> memref<128x128xf32, #tpu.memory_space<vmem>>
        %dma_wait3A_153 = arith.constant 0 : i32
        %dma_wait3A_154 = arith.constant 0 : i32
        %dma_wait3A_155 = tpu.memref_slice %arg5[%dma_wait3A_153, %dma_wait3A_154] : memref<160000x128xf32, #tpu.memory_space<hbm>> -> memref<128x128xf32, #tpu.memory_space<hbm>>
        %dma_wait3A_156 = arith.constant 0 : i32
        %dma_wait3A_157 = arith.constant 0 : i32
        %dma_wait3A_158 = tpu.memref_slice %arg7[%dma_wait3A_148, %dma_wait3A_156, %dma_wait3A_157] : memref<2x128x128xf32, #tpu.memory_space<vmem>> -> memref<1x128x128xf32, #tpu.memory_space<vmem>>
        %dma_wait3A_159 = tpu.memref_squeeze %dma_wait3A_158 : memref<1x128x128xf32, #tpu.memory_space<vmem>> -> memref<128x128xf32, #tpu.memory_space<vmem>>
        %dma_wait3A_160 = arith.constant 0 : i32
        %dma_wait3A_161 = arith.constant 0 : i32
        %dma_wait3A_162 = tpu.memref_slice %arg5[%dma_wait3A_160, %dma_wait3A_161] : memref<160000x128xf32, #tpu.memory_space<hbm>> -> memref<128x128xf32, #tpu.memory_space<hbm>>
        tpu.wait_dma2 semaphore(%arg9 : memref<!tpu.dma_semaphore, #tpu.memory_space<semaphore_mem>>) src(%dma_wait3A_162 : memref<128x128xf32, #tpu.memory_space<hbm>>) dst(%dma_wait3A_159 : memref<128x128xf32, #tpu.memory_space<vmem>>)
        %dma_wait3A_163 = arith.constant 0 : i32
        %dma_wait3A_164 = arith.constant 0 : i32
        %dma_wait3A_165 = arith.constant 0 : i32
        %dma_wait3A_166 = tpu.memref_slice %arg8[%dma_wait3A_163, %dma_wait3A_164, %dma_wait3A_165] : memref<2x128x128xf32, #tpu.memory_space<vmem>> -> memref<1x128x128xf32, #tpu.memory_space<vmem>>
        %dma_wait3A_167 = tpu.memref_squeeze %dma_wait3A_166 : memref<1x128x128xf32, #tpu.memory_space<vmem>> -> memref<128x128xf32, #tpu.memory_space<vmem>>
        %dma_wait3A_168 = arith.constant 0 : i32
        %dma_wait3A_169 = arith.constant 0 : i32
        %dma_wait3A_170 = tpu.memref_slice %arg5[%dma_wait3A_168, %dma_wait3A_169] : memref<160000x128xf32, #tpu.memory_space<hbm>> -> memref<128x128xf32, #tpu.memory_space<hbm>>
        %dma_wait3A_171 = arith.constant 0 : i32
        %dma_wait3A_172 = arith.constant 0 : i32
        %dma_wait3A_173 = tpu.memref_slice %arg8[%dma_wait3A_163, %dma_wait3A_171, %dma_wait3A_172] : memref<2x128x128xf32, #tpu.memory_space<vmem>> -> memref<1x128x128xf32, #tpu.memory_space<vmem>>
        %dma_wait3A_174 = tpu.memref_squeeze %dma_wait3A_173 : memref<1x128x128xf32, #tpu.memory_space<vmem>> -> memref<128x128xf32, #tpu.memory_space<vmem>>
        %dma_wait3A_175 = arith.constant 0 : i32
        %dma_wait3A_176 = arith.constant 0 : i32
        %dma_wait3A_177 = tpu.memref_slice %arg5[%dma_wait3A_175, %dma_wait3A_176] : memref<160000x128xf32, #tpu.memory_space<hbm>> -> memref<128x128xf32, #tpu.memory_space<hbm>>
        tpu.wait_dma2 semaphore(%arg11 : memref<!tpu.dma_semaphore, #tpu.memory_space<semaphore_mem>>) src(%dma_wait3A_177 : memref<128x128xf32, #tpu.memory_space<hbm>>) dst(%dma_wait3A_174 : memref<128x128xf32, #tpu.memory_space<vmem>>)
        %scan3A_178 = arith.constant 0 : i32
        %scan3A_179 = arith.constant 0 : i32
        %scan3A_180 = arith.constant 128 : i32
        %scan3A_181 = arith.addi %scan3A_179, %scan3A_180 : i32
        %scan3A_182 = arith.constant 1 : i32
        scf.for %scan3A_197 = %scan3A_179 to %scan3A_181 step %scan3A_182  : i32 {
          %get3A = arith.constant 0 : i32
          %get3A_198 = arith.index_cast %get3A : i32 to index
          %get3A_199 = arith.index_cast %scan3A_197 : i32 to index
          %get3A_200 = arith.constant 0 : index
          %get3A_201 = tpu.vector_load %arg7[%get3A_198, %get3A_199, %get3A_200] {strides = array<i32>} : memref<2x128x128xf32, #tpu.memory_space<vmem>>, vector<1x1x16xf32>,
          %get3A_202 = vector.shape_cast %get3A_201 : vector<1x1x16xf32> to vector<16xf32>
          %get3A_203 = arith.constant 0 : i32
          %get3A_204 = arith.index_cast %get3A_203 : i32 to index
          %get3A_205 = arith.index_cast %scan3A_197 : i32 to index
          %get3A_206 = arith.constant 0 : index
          %get3A_207 = tpu.vector_load %arg8[%get3A_204, %get3A_205, %get3A_206] {strides = array<i32>} : memref<2x128x128xf32, #tpu.memory_space<vmem>>, vector<1x1x16xf32>,
          %get3A_208 = vector.shape_cast %get3A_207 : vector<1x1x16xf32> to vector<16xf32>
          %add3A_209 = arith.addf %get3A_202, %get3A_208 : vector<16xf32>
          %swap3A = arith.constant 0 : i32
          %swap3A_210 = arith.index_cast %swap3A : i32 to index
          %swap3A_211 = arith.index_cast %scan3A_197 : i32 to index
          %swap3A_212 = arith.constant 0 : index
          %swap3A_213 = tpu.vector_load %arg7[%swap3A_210, %swap3A_211, %swap3A_212] {strides = array<i32>} : memref<2x128x128xf32, #tpu.memory_space<vmem>>, vector<1x1x16xf32>,
          %swap3A_214 = vector.shape_cast %swap3A_213 : vector<1x1x16xf32> to vector<16xf32>
          %swap3A_215 = vector.shape_cast %add3A_209 : vector<16xf32> to vector<1x1x16xf32>
          tpu.vector_store %arg7[%swap3A_210, %swap3A_211, %swap3A_212], %swap3A_215 {strides = array<i32>} : memref<2x128x128xf32, #tpu.memory_space<vmem>>, vector<1x1x16xf32>,
          %get3A_216 = arith.constant 0 : i32
          %get3A_217 = arith.index_cast %get3A_216 : i32 to index
          %get3A_218 = arith.index_cast %scan3A_197 : i32 to index
          %get3A_219 = arith.constant 16 : index
          %get3A_220 = tpu.vector_load %arg7[%get3A_217, %get3A_218, %get3A_219] {strides = array<i32>} : memref<2x128x128xf32, #tpu.memory_space<vmem>>, vector<1x1x16xf32>,
          %get3A_221 = vector.shape_cast %get3A_220 : vector<1x1x16xf32> to vector<16xf32>
          %get3A_222 = arith.constant 0 : i32
          %get3A_223 = arith.index_cast %get3A_222 : i32 to index
          %get3A_224 = arith.index_cast %scan3A_197 : i32 to index
          %get3A_225 = arith.constant 16 : index
          %get3A_226 = tpu.vector_load %arg8[%get3A_223, %get3A_224, %get3A_225] {strides = array<i32>} : memref<2x128x128xf32, #tpu.memory_space<vmem>>, vector<1x1x16xf32>,
          %get3A_227 = vector.shape_cast %get3A_226 : vector<1x1x16xf32> to vector<16xf32>
          %add3A_228 = arith.addf %get3A_221, %get3A_227 : vector<16xf32>
          %swap3A_229 = arith.constant 0 : i32
          %swap3A_230 = arith.index_cast %swap3A_229 : i32 to index
          %swap3A_231 = arith.index_cast %scan3A_197 : i32 to index
          %swap3A_232 = arith.constant 16 : index
          %swap3A_233 = tpu.vector_load %arg7[%swap3A_230, %swap3A_231, %swap3A_232] {strides = array<i32>} : memref<2x128x128xf32, #tpu.memory_space<vmem>>, vector<1x1x16xf32>,
          %swap3A_234 = vector.shape_cast %swap3A_233 : vector<1x1x16xf32> to vector<16xf32>
          %swap3A_235 = vector.shape_cast %add3A_228 : vector<16xf32> to vector<1x1x16xf32>
          tpu.vector_store %arg7[%swap3A_230, %swap3A_231, %swap3A_232], %swap3A_235 {strides = array<i32>} : memref<2x128x128xf32, #tpu.memory_space<vmem>>, vector<1x1x16xf32>,
          %get3A_236 = arith.constant 0 : i32
          %get3A_237 = arith.index_cast %get3A_236 : i32 to index
          %get3A_238 = arith.index_cast %scan3A_197 : i32 to index
          %get3A_239 = arith.constant 32 : index
          %get3A_240 = tpu.vector_load %arg7[%get3A_237, %get3A_238, %get3A_239] {strides = array<i32>} : memref<2x128x128xf32, #tpu.memory_space<vmem>>, vector<1x1x16xf32>,
          %get3A_241 = vector.shape_cast %get3A_240 : vector<1x1x16xf32> to vector<16xf32>
          %get3A_242 = arith.constant 0 : i32
          %get3A_243 = arith.index_cast %get3A_242 : i32 to index
          %get3A_244 = arith.index_cast %scan3A_197 : i32 to index
          %get3A_245 = arith.constant 32 : index
          %get3A_246 = tpu.vector_load %arg8[%get3A_243, %get3A_244, %get3A_245] {strides = array<i32>} : memref<2x128x128xf32, #tpu.memory_space<vmem>>, vector<1x1x16xf32>,
          %get3A_247 = vector.shape_cast %get3A_246 : vector<1x1x16xf32> to vector<16xf32>
          %add3A_248 = arith.addf %get3A_241, %get3A_247 : vector<16xf32>
          %swap3A_249 = arith.constant 0 : i32
          %swap3A_250 = arith.index_cast %swap3A_249 : i32 to index
          %swap3A_251 = arith.index_cast %scan3A_197 : i32 to index
          %swap3A_252 = arith.constant 32 : index
          %swap3A_253 = tpu.vector_load %arg7[%swap3A_250, %swap3A_251, %swap3A_252] {strides = array<i32>} : memref<2x128x128xf32, #tpu.memory_space<vmem>>, vector<1x1x16xf32>,
          %swap3A_254 = vector.shape_cast %swap3A_253 : vector<1x1x16xf32> to vector<16xf32>
          %swap3A_255 = vector.shape_cast %add3A_248 : vector<16xf32> to vector<1x1x16xf32>
          tpu.vector_store %arg7[%swap3A_250, %swap3A_251, %swap3A_252], %swap3A_255 {strides = array<i32>} : memref<2x128x128xf32, #tpu.memory_space<vmem>>, vector<1x1x16xf32>,
          %get3A_256 = arith.constant 0 : i32
          %get3A_257 = arith.index_cast %get3A_256 : i32 to index
          %get3A_258 = arith.index_cast %scan3A_197 : i32 to index
          %get3A_259 = arith.constant 48 : index
          %get3A_260 = tpu.vector_load %arg7[%get3A_257, %get3A_258, %get3A_259] {strides = array<i32>} : memref<2x128x128xf32, #tpu.memory_space<vmem>>, vector<1x1x16xf32>,
          %get3A_261 = vector.shape_cast %get3A_260 : vector<1x1x16xf32> to vector<16xf32>
          %get3A_262 = arith.constant 0 : i32
          %get3A_263 = arith.index_cast %get3A_262 : i32 to index
          %get3A_264 = arith.index_cast %scan3A_197 : i32 to index
          %get3A_265 = arith.constant 48 : index
          %get3A_266 = tpu.vector_load %arg8[%get3A_263, %get3A_264, %get3A_265] {strides = array<i32>} : memref<2x128x128xf32, #tpu.memory_space<vmem>>, vector<1x1x16xf32>,
          %get3A_267 = vector.shape_cast %get3A_266 : vector<1x1x16xf32> to vector<16xf32>
          %add3A_268 = arith.addf %get3A_261, %get3A_267 : vector<16xf32>
          %swap3A_269 = arith.constant 0 : i32
          %swap3A_270 = arith.index_cast %swap3A_269 : i32 to index
          %swap3A_271 = arith.index_cast %scan3A_197 : i32 to index
          %swap3A_272 = arith.constant 48 : index
          %swap3A_273 = tpu.vector_load %arg7[%swap3A_270, %swap3A_271, %swap3A_272] {strides = array<i32>} : memref<2x128x128xf32, #tpu.memory_space<vmem>>, vector<1x1x16xf32>,
          %swap3A_274 = vector.shape_cast %swap3A_273 : vector<1x1x16xf32> to vector<16xf32>
          %swap3A_275 = vector.shape_cast %add3A_268 : vector<16xf32> to vector<1x1x16xf32>
          tpu.vector_store %arg7[%swap3A_270, %swap3A_271, %swap3A_272], %swap3A_275 {strides = array<i32>} : memref<2x128x128xf32, #tpu.memory_space<vmem>>, vector<1x1x16xf32>,
          %get3A_276 = arith.constant 0 : i32
          %get3A_277 = arith.index_cast %get3A_276 : i32 to index
          %get3A_278 = arith.index_cast %scan3A_197 : i32 to index
          %get3A_279 = arith.constant 64 : index
          %get3A_280 = tpu.vector_load %arg7[%get3A_277, %get3A_278, %get3A_279] {strides = array<i32>} : memref<2x128x128xf32, #tpu.memory_space<vmem>>, vector<1x1x16xf32>,
          %get3A_281 = vector.shape_cast %get3A_280 : vector<1x1x16xf32> to vector<16xf32>
          %get3A_282 = arith.constant 0 : i32
          %get3A_283 = arith.index_cast %get3A_282 : i32 to index
          %get3A_284 = arith.index_cast %scan3A_197 : i32 to index
          %get3A_285 = arith.constant 64 : index
          %get3A_286 = tpu.vector_load %arg8[%get3A_283, %get3A_284, %get3A_285] {strides = array<i32>} : memref<2x128x128xf32, #tpu.memory_space<vmem>>, vector<1x1x16xf32>,
          %get3A_287 = vector.shape_cast %get3A_286 : vector<1x1x16xf32> to vector<16xf32>
          %add3A_288 = arith.addf %get3A_281, %get3A_287 : vector<16xf32>
          %swap3A_289 = arith.constant 0 : i32
          %swap3A_290 = arith.index_cast %swap3A_289 : i32 to index
          %swap3A_291 = arith.index_cast %scan3A_197 : i32 to index
          %swap3A_292 = arith.constant 64 : index
          %swap3A_293 = tpu.vector_load %arg7[%swap3A_290, %swap3A_291, %swap3A_292] {strides = array<i32>} : memref<2x128x128xf32, #tpu.memory_space<vmem>>, vector<1x1x16xf32>,
          %swap3A_294 = vector.shape_cast %swap3A_293 : vector<1x1x16xf32> to vector<16xf32>
          %swap3A_295 = vector.shape_cast %add3A_288 : vector<16xf32> to vector<1x1x16xf32>
          tpu.vector_store %arg7[%swap3A_290, %swap3A_291, %swap3A_292], %swap3A_295 {strides = array<i32>} : memref<2x128x128xf32, #tpu.memory_space<vmem>>, vector<1x1x16xf32>,
          %get3A_296 = arith.constant 0 : i32
          %get3A_297 = arith.index_cast %get3A_296 : i32 to index
          %get3A_298 = arith.index_cast %scan3A_197 : i32 to index
          %get3A_299 = arith.constant 80 : index
          %get3A_300 = tpu.vector_load %arg7[%get3A_297, %get3A_298, %get3A_299] {strides = array<i32>} : memref<2x128x128xf32, #tpu.memory_space<vmem>>, vector<1x1x16xf32>,
          %get3A_301 = vector.shape_cast %get3A_300 : vector<1x1x16xf32> to vector<16xf32>
          %get3A_302 = arith.constant 0 : i32
          %get3A_303 = arith.index_cast %get3A_302 : i32 to index
          %get3A_304 = arith.index_cast %scan3A_197 : i32 to index
          %get3A_305 = arith.constant 80 : index
          %get3A_306 = tpu.vector_load %arg8[%get3A_303, %get3A_304, %get3A_305] {strides = array<i32>} : memref<2x128x128xf32, #tpu.memory_space<vmem>>, vector<1x1x16xf32>,
          %get3A_307 = vector.shape_cast %get3A_306 : vector<1x1x16xf32> to vector<16xf32>
          %add3A_308 = arith.addf %get3A_301, %get3A_307 : vector<16xf32>
          %swap3A_309 = arith.constant 0 : i32
          %swap3A_310 = arith.index_cast %swap3A_309 : i32 to index
          %swap3A_311 = arith.index_cast %scan3A_197 : i32 to index
          %swap3A_312 = arith.constant 80 : index
          %swap3A_313 = tpu.vector_load %arg7[%swap3A_310, %swap3A_311, %swap3A_312] {strides = array<i32>} : memref<2x128x128xf32, #tpu.memory_space<vmem>>, vector<1x1x16xf32>,
          %swap3A_314 = vector.shape_cast %swap3A_313 : vector<1x1x16xf32> to vector<16xf32>
          %swap3A_315 = vector.shape_cast %add3A_308 : vector<16xf32> to vector<1x1x16xf32>
          tpu.vector_store %arg7[%swap3A_310, %swap3A_311, %swap3A_312], %swap3A_315 {strides = array<i32>} : memref<2x128x128xf32, #tpu.memory_space<vmem>>, vector<1x1x16xf32>,
          %get3A_316 = arith.constant 0 : i32
          %get3A_317 = arith.index_cast %get3A_316 : i32 to index
          %get3A_318 = arith.index_cast %scan3A_197 : i32 to index
          %get3A_319 = arith.constant 96 : index
          %get3A_320 = tpu.vector_load %arg7[%get3A_317, %get3A_318, %get3A_319] {strides = array<i32>} : memref<2x128x128xf32, #tpu.memory_space<vmem>>, vector<1x1x16xf32>,
          %get3A_321 = vector.shape_cast %get3A_320 : vector<1x1x16xf32> to vector<16xf32>
          %get3A_322 = arith.constant 0 : i32
          %get3A_323 = arith.index_cast %get3A_322 : i32 to index
          %get3A_324 = arith.index_cast %scan3A_197 : i32 to index
          %get3A_325 = arith.constant 96 : index
          %get3A_326 = tpu.vector_load %arg8[%get3A_323, %get3A_324, %get3A_325] {strides = array<i32>} : memref<2x128x128xf32, #tpu.memory_space<vmem>>, vector<1x1x16xf32>,
          %get3A_327 = vector.shape_cast %get3A_326 : vector<1x1x16xf32> to vector<16xf32>
          %add3A_328 = arith.addf %get3A_321, %get3A_327 : vector<16xf32>
          %swap3A_329 = arith.constant 0 : i32
          %swap3A_330 = arith.index_cast %swap3A_329 : i32 to index
          %swap3A_331 = arith.index_cast %scan3A_197 : i32 to index
          %swap3A_332 = arith.constant 96 : index
          %swap3A_333 = tpu.vector_load %arg7[%swap3A_330, %swap3A_331, %swap3A_332] {strides = array<i32>} : memref<2x128x128xf32, #tpu.memory_space<vmem>>, vector<1x1x16xf32>,
          %swap3A_334 = vector.shape_cast %swap3A_333 : vector<1x1x16xf32> to vector<16xf32>
          %swap3A_335 = vector.shape_cast %add3A_328 : vector<16xf32> to vector<1x1x16xf32>
          tpu.vector_store %arg7[%swap3A_330, %swap3A_331, %swap3A_332], %swap3A_335 {strides = array<i32>} : memref<2x128x128xf32, #tpu.memory_space<vmem>>, vector<1x1x16xf32>,
          %get3A_336 = arith.constant 0 : i32
          %get3A_337 = arith.index_cast %get3A_336 : i32 to index
          %get3A_338 = arith.index_cast %scan3A_197 : i32 to index
          %get3A_339 = arith.constant 112 : index
          %get3A_340 = tpu.vector_load %arg7[%get3A_337, %get3A_338, %get3A_339] {strides = array<i32>} : memref<2x128x128xf32, #tpu.memory_space<vmem>>, vector<1x1x16xf32>,
          %get3A_341 = vector.shape_cast %get3A_340 : vector<1x1x16xf32> to vector<16xf32>
          %get3A_342 = arith.constant 0 : i32
          %get3A_343 = arith.index_cast %get3A_342 : i32 to index
          %get3A_344 = arith.index_cast %scan3A_197 : i32 to index
          %get3A_345 = arith.constant 112 : index
          %get3A_346 = tpu.vector_load %arg8[%get3A_343, %get3A_344, %get3A_345] {strides = array<i32>} : memref<2x128x128xf32, #tpu.memory_space<vmem>>, vector<1x1x16xf32>,
          %get3A_347 = vector.shape_cast %get3A_346 : vector<1x1x16xf32> to vector<16xf32>
          %add3A_348 = arith.addf %get3A_341, %get3A_347 : vector<16xf32>
          %swap3A_349 = arith.constant 0 : i32
          %swap3A_350 = arith.index_cast %swap3A_349 : i32 to index
          %swap3A_351 = arith.index_cast %scan3A_197 : i32 to index
          %swap3A_352 = arith.constant 112 : index
          %swap3A_353 = tpu.vector_load %arg7[%swap3A_350, %swap3A_351, %swap3A_352] {strides = array<i32>} : memref<2x128x128xf32, #tpu.memory_space<vmem>>, vector<1x1x16xf32>,
          %swap3A_354 = vector.shape_cast %swap3A_353 : vector<1x1x16xf32> to vector<16xf32>
          %swap3A_355 = vector.shape_cast %add3A_348 : vector<16xf32> to vector<1x1x16xf32>
          tpu.vector_store %arg7[%swap3A_350, %swap3A_351, %swap3A_352], %swap3A_355 {strides = array<i32>} : memref<2x128x128xf32, #tpu.memory_space<vmem>>, vector<1x1x16xf32>,
        }
        %scan3A_183 = arith.constant 128 : i32
        %dma_start3A_184 = arith.constant 0 : i32
        %dma_start3A_185 = arith.constant 0 : i32
        %dma_start3A_186 = arith.constant 0 : i32
        %dma_start3A_187 = tpu.memref_slice %arg7[%dma_start3A_184, %dma_start3A_185, %dma_start3A_186] : memref<2x128x128xf32, #tpu.memory_space<vmem>> -> memref<1x128x128xf32, #tpu.memory_space<vmem>>
        %dma_start3A_188 = tpu.memref_squeeze %dma_start3A_187 : memref<1x128x128xf32, #tpu.memory_space<vmem>> -> memref<128x128xf32, #tpu.memory_space<vmem>>
        %dma_start3A_189 = arith.constant 0 : i32
        %dma_start3A_190 = tpu.memref_slice %arg5[%multiple_of3A_147, %dma_start3A_189] : memref<160000x128xf32, #tpu.memory_space<hbm>> -> memref<128x128xf32, #tpu.memory_space<hbm>>
        %dma_start3A_191 = arith.constant 0 : i32
        %dma_start3A_192 = tpu.memref_slice %arg5[%multiple_of3A_147, %dma_start3A_191] : memref<160000x128xf32, #tpu.memory_space<hbm>> -> memref<128x128xf32, #tpu.memory_space<hbm>>
        %dma_start3A_193 = arith.constant 0 : i32
        %dma_start3A_194 = arith.constant 0 : i32
        %dma_start3A_195 = tpu.memref_slice %arg7[%dma_start3A_184, %dma_start3A_193, %dma_start3A_194] : memref<2x128x128xf32, #tpu.memory_space<vmem>> -> memref<1x128x128xf32, #tpu.memory_space<vmem>>
        %dma_start3A_196 = tpu.memref_squeeze %dma_start3A_195 : memref<1x128x128xf32, #tpu.memory_space<vmem>> -> memref<128x128xf32, #tpu.memory_space<vmem>>
        tpu.enqueue_dma source(%dma_start3A_196 : memref<128x128xf32, #tpu.memory_space<vmem>>) target(%dma_start3A_192 : memref<128x128xf32, #tpu.memory_space<hbm>>) target_semaphore(%arg13 : memref<!tpu.dma_semaphore, #tpu.memory_space<semaphore_mem>>)
      } else {
      }
      %add3A_122 = arith.constant 2 : i32
      %add3A_123 = arith.addi %add3A_120, %add3A_122 : i32
      %lt3A_124 = arith.cmpi slt, %add3A_123, %add3A_20 : i32
      %convert_element_type3A_125 = arith.extui %lt3A_124 : i1 to i32
      %cond3A_126 = arith.constant 0 : i32
      %cond3A_127 = arith.cmpi ne, %convert_element_type3A_125, %cond3A_126 : i32
      scf.if %cond3A_127 {
        %dma_wait3A_142 = arith.constant 0 : i32
        %dma_wait3A_143 = arith.constant 0 : i32
        %dma_wait3A_144 = arith.constant 0 : i32
        %dma_wait3A_145 = tpu.memref_slice %arg7[%dma_wait3A_142, %dma_wait3A_143, %dma_wait3A_144] : memref<2x128x128xf32, #tpu.memory_space<vmem>> -> memref<1x128x128xf32, #tpu.memory_space<vmem>>
        %dma_wait3A_146 = tpu.memref_squeeze %dma_wait3A_145 : memref<1x128x128xf32, #tpu.memory_space<vmem>> -> memref<128x128xf32, #tpu.memory_space<vmem>>
        %dma_wait3A_147 = arith.constant 0 : i32
        %dma_wait3A_148 = arith.constant 0 : i32
        %dma_wait3A_149 = tpu.memref_slice %arg5[%dma_wait3A_147, %dma_wait3A_148] : memref<160000x128xf32, #tpu.memory_space<hbm>> -> memref<128x128xf32, #tpu.memory_space<hbm>>
        %dma_wait3A_150 = arith.constant 0 : i32
        %dma_wait3A_151 = arith.constant 0 : i32
        %dma_wait3A_152 = tpu.memref_slice %arg7[%dma_wait3A_142, %dma_wait3A_150, %dma_wait3A_151] : memref<2x128x128xf32, #tpu.memory_space<vmem>> -> memref<1x128x128xf32, #tpu.memory_space<vmem>>
        %dma_wait3A_153 = tpu.memref_squeeze %dma_wait3A_152 : memref<1x128x128xf32, #tpu.memory_space<vmem>> -> memref<128x128xf32, #tpu.memory_space<vmem>>
        %dma_wait3A_154 = arith.constant 0 : i32
        %dma_wait3A_155 = arith.constant 0 : i32
        %dma_wait3A_156 = tpu.memref_slice %arg5[%dma_wait3A_154, %dma_wait3A_155] : memref<160000x128xf32, #tpu.memory_space<hbm>> -> memref<128x128xf32, #tpu.memory_space<hbm>>
        tpu.wait_dma2 semaphore(%arg13 : memref<!tpu.dma_semaphore, #tpu.memory_space<semaphore_mem>>) src(%dma_wait3A_156 : memref<128x128xf32, #tpu.memory_space<hbm>>) dst(%dma_wait3A_153 : memref<128x128xf32, #tpu.memory_space<vmem>>)
        %mul3A_157 = arith.constant 32 : i32
        %mul3A_158 = arith.muli %add3A_123, %mul3A_157 : i32
        %add3A_159 = arith.addi %mul3A_158, %add3A : i32
        %mul3A_160 = arith.constant 128 : i32
        %mul3A_161 = arith.muli %add3A_159, %mul3A_160 : i32
        %multiple_of3A_162 = tpu.assume_multiple %mul3A_161, 128 : i32
        %run_scoped3A_163 = arith.constant 0 : i32
        "tpu.region"() ({
          %run_scoped3A_190 = tpu.sem_alloc : memref<!tpu.dma_semaphore, #tpu.memory_space<semaphore_mem>>
          %dma_start3A_191 = arith.constant 0 : i32
          %dma_start3A_192 = arith.constant 0 : i32
          %dma_start3A_193 = tpu.memref_slice %arg6[%run_scoped3A_163, %dma_start3A_191, %dma_start3A_192] : memref<2x2x128xi32, #tpu.memory_space<vmem>> -> memref<1x2x128xi32, #tpu.memory_space<vmem>>
          %dma_start3A_194 = tpu.memref_squeeze %dma_start3A_193 : memref<1x2x128xi32, #tpu.memory_space<vmem>> -> memref<2x128xi32, #tpu.memory_space<vmem>>
          %dma_start3A_195 = arith.constant 0 : i32
          %dma_start3A_196 = tpu.memref_slice %arg4[%dma_start3A_195, %multiple_of3A_162] : memref<2x160000xi32, #tpu.memory_space<hbm>> -> memref<2x128xi32, #tpu.memory_space<hbm>>
          %dma_start3A_197 = arith.constant 0 : i32
          %dma_start3A_198 = arith.constant 0 : i32
          %dma_start3A_199 = tpu.memref_slice %arg6[%run_scoped3A_163, %dma_start3A_197, %dma_start3A_198] : memref<2x2x128xi32, #tpu.memory_space<vmem>> -> memref<1x2x128xi32, #tpu.memory_space<vmem>>
          %dma_start3A_200 = tpu.memref_squeeze %dma_start3A_199 : memref<1x2x128xi32, #tpu.memory_space<vmem>> -> memref<2x128xi32, #tpu.memory_space<vmem>>
          %dma_start3A_201 = arith.constant 0 : i32
          %dma_start3A_202 = tpu.memref_slice %arg4[%dma_start3A_201, %multiple_of3A_162] : memref<2x160000xi32, #tpu.memory_space<hbm>> -> memref<2x128xi32, #tpu.memory_space<hbm>>
          tpu.enqueue_dma source(%dma_start3A_202 : memref<2x128xi32, #tpu.memory_space<hbm>>) target(%dma_start3A_200 : memref<2x128xi32, #tpu.memory_space<vmem>>) target_semaphore(%run_scoped3A_190 : memref<!tpu.dma_semaphore, #tpu.memory_space<semaphore_mem>>)
          %dma_wait3A_203 = arith.constant 0 : i32
          %dma_wait3A_204 = arith.constant 0 : i32
          %dma_wait3A_205 = tpu.memref_slice %arg6[%run_scoped3A_163, %dma_wait3A_203, %dma_wait3A_204] : memref<2x2x128xi32, #tpu.memory_space<vmem>> -> memref<1x2x128xi32, #tpu.memory_space<vmem>>
          %dma_wait3A_206 = tpu.memref_squeeze %dma_wait3A_205 : memref<1x2x128xi32, #tpu.memory_space<vmem>> -> memref<2x128xi32, #tpu.memory_space<vmem>>
          %dma_wait3A_207 = arith.constant 0 : i32
          %dma_wait3A_208 = tpu.memref_slice %arg4[%dma_wait3A_207, %multiple_of3A_162] : memref<2x160000xi32, #tpu.memory_space<hbm>> -> memref<2x128xi32, #tpu.memory_space<hbm>>
          %dma_wait3A_209 = arith.constant 0 : i32
          %dma_wait3A_210 = arith.constant 0 : i32
          %dma_wait3A_211 = tpu.memref_slice %arg6[%run_scoped3A_163, %dma_wait3A_209, %dma_wait3A_210] : memref<2x2x128xi32, #tpu.memory_space<vmem>> -> memref<1x2x128xi32, #tpu.memory_space<vmem>>
          %dma_wait3A_212 = tpu.memref_squeeze %dma_wait3A_211 : memref<1x2x128xi32, #tpu.memory_space<vmem>> -> memref<2x128xi32, #tpu.memory_space<vmem>>
          %dma_wait3A_213 = arith.constant 0 : i32
          %dma_wait3A_214 = tpu.memref_slice %arg4[%dma_wait3A_213, %multiple_of3A_162] : memref<2x160000xi32, #tpu.memory_space<hbm>> -> memref<2x128xi32, #tpu.memory_space<hbm>>
          tpu.wait_dma2 semaphore(%run_scoped3A_190 : memref<!tpu.dma_semaphore, #tpu.memory_space<semaphore_mem>>) src(%dma_wait3A_214 : memref<2x128xi32, #tpu.memory_space<hbm>>) dst(%dma_wait3A_212 : memref<2x128xi32, #tpu.memory_space<vmem>>)
          tpu.yield
        }) : () -> ()
        %dma_start3A_164 = arith.constant 0 : i32
        %dma_start3A_165 = arith.constant 0 : i32
        %dma_start3A_166 = arith.constant 0 : i32
        %dma_start3A_167 = arith.constant 0 : i32
        %dma_start3A_168 = arith.constant 0 : i32
        %dma_start3A_169 = tpu.memref_slice %arg7[%dma_start3A_166, %dma_start3A_167, %dma_start3A_168] : memref<2x128x128xf32, #tpu.memory_space<vmem>> -> memref<1x128x128xf32, #tpu.memory_space<vmem>>
        %dma_start3A_170 = tpu.memref_squeeze %dma_start3A_169 : memref<1x128x128xf32, #tpu.memory_space<vmem>> -> memref<128x128xf32, #tpu.memory_space<vmem>>
        %dma_start3A_171 = arith.constant 0 : i32
        %dma_start3A_172 = tpu.memref_slice %arg6[%dma_start3A_164, %dma_start3A_165, %dma_start3A_171] : memref<2x2x128xi32, #tpu.memory_space<vmem>> -> memref<1x1x128xi32, #tpu.memory_space<vmem>>
        %dma_start3A_173 = tpu.memref_squeeze %dma_start3A_172 : memref<1x1x128xi32, #tpu.memory_space<vmem>> -> memref<128xi32, #tpu.memory_space<vmem>>
        %dma_start3A_174 = arith.constant 0 : i32
        %dma_start3A_175 = arith.constant 0 : i32
        %dma_start3A_176 = tpu.memref_slice %arg2[%dma_start3A_174, %dma_start3A_175] : memref<10000x128xf32, #tpu.memory_space<hbm>> -> memref<10000x128xf32, #tpu.memory_space<hbm>>
        tpu.enqueue_indirect_dma source(%dma_start3A_176 : memref<10000x128xf32, #tpu.memory_space<hbm>>) target(%dma_start3A_170 : memref<128x128xf32, #tpu.memory_space<vmem>>) offsets(%dma_start3A_173 : memref<128xi32, #tpu.memory_space<vmem>>) semaphore(%arg9 : memref<!tpu.dma_semaphore, #tpu.memory_space<semaphore_mem>>)
        %dma_start3A_177 = arith.constant 0 : i32
        %dma_start3A_178 = arith.constant 1 : i32
        %dma_start3A_179 = arith.constant 0 : i32
        %dma_start3A_180 = arith.constant 0 : i32
        %dma_start3A_181 = arith.constant 0 : i32
        %dma_start3A_182 = tpu.memref_slice %arg8[%dma_start3A_179, %dma_start3A_180, %dma_start3A_181] : memref<2x128x128xf32, #tpu.memory_space<vmem>> -> memref<1x128x128xf32, #tpu.memory_space<vmem>>
        %dma_start3A_183 = tpu.memref_squeeze %dma_start3A_182 : memref<1x128x128xf32, #tpu.memory_space<vmem>> -> memref<128x128xf32, #tpu.memory_space<vmem>>
        %dma_start3A_184 = arith.constant 0 : i32
        %dma_start3A_185 = tpu.memref_slice %arg6[%dma_start3A_177, %dma_start3A_178, %dma_start3A_184] : memref<2x2x128xi32, #tpu.memory_space<vmem>> -> memref<1x1x128xi32, #tpu.memory_space<vmem>>
        %dma_start3A_186 = tpu.memref_squeeze %dma_start3A_185 : memref<1x1x128xi32, #tpu.memory_space<vmem>> -> memref<128xi32, #tpu.memory_space<vmem>>
        %dma_start3A_187 = arith.constant 0 : i32
        %dma_start3A_188 = arith.constant 0 : i32
        %dma_start3A_189 = tpu.memref_slice %arg3[%dma_start3A_187, %dma_start3A_188] : memref<10000x128xf32, #tpu.memory_space<hbm>> -> memref<10000x128xf32, #tpu.memory_space<hbm>>
        tpu.enqueue_indirect_dma source(%dma_start3A_189 : memref<10000x128xf32, #tpu.memory_space<hbm>>) target(%dma_start3A_183 : memref<128x128xf32, #tpu.memory_space<vmem>>) offsets(%dma_start3A_186 : memref<128xi32, #tpu.memory_space<vmem>>) semaphore(%arg11 : memref<!tpu.dma_semaphore, #tpu.memory_space<semaphore_mem>>)
      } else {
      }
      %mul3A_128 = arith.constant 2 : i32
      %mul3A_129 = arith.muli %mul3A_128, %scan3A_116 : i32
      %add3A_130 = arith.constant 1 : i32
      %add3A_131 = arith.addi %mul3A_129, %add3A_130 : i32
      %lt3A_132 = arith.cmpi slt, %add3A_131, %add3A_20 : i32
      %convert_element_type3A_133 = arith.extui %lt3A_132 : i1 to i32
      %cond3A_134 = arith.constant 0 : i32
      %cond3A_135 = arith.cmpi ne, %convert_element_type3A_133, %cond3A_134 : i32
      scf.if %cond3A_135 {
        %mul3A_142 = arith.constant 32 : i32
        %mul3A_143 = arith.muli %add3A_131, %mul3A_142 : i32
        %add3A_144 = arith.addi %mul3A_143, %add3A : i32
        %mul3A_145 = arith.constant 128 : i32
        %mul3A_146 = arith.muli %add3A_144, %mul3A_145 : i32
        %multiple_of3A_147 = tpu.assume_multiple %mul3A_146, 128 : i32
        %dma_wait3A_148 = arith.constant 1 : i32
        %dma_wait3A_149 = arith.constant 0 : i32
        %dma_wait3A_150 = arith.constant 0 : i32
        %dma_wait3A_151 = tpu.memref_slice %arg7[%dma_wait3A_148, %dma_wait3A_149, %dma_wait3A_150] : memref<2x128x128xf32, #tpu.memory_space<vmem>> -> memref<1x128x128xf32, #tpu.memory_space<vmem>>
        %dma_wait3A_152 = tpu.memref_squeeze %dma_wait3A_151 : memref<1x128x128xf32, #tpu.memory_space<vmem>> -> memref<128x128xf32, #tpu.memory_space<vmem>>
        %dma_wait3A_153 = arith.constant 0 : i32
        %dma_wait3A_154 = arith.constant 0 : i32
        %dma_wait3A_155 = tpu.memref_slice %arg5[%dma_wait3A_153, %dma_wait3A_154] : memref<160000x128xf32, #tpu.memory_space<hbm>> -> memref<128x128xf32, #tpu.memory_space<hbm>>
        %dma_wait3A_156 = arith.constant 0 : i32
        %dma_wait3A_157 = arith.constant 0 : i32
        %dma_wait3A_158 = tpu.memref_slice %arg7[%dma_wait3A_148, %dma_wait3A_156, %dma_wait3A_157] : memref<2x128x128xf32, #tpu.memory_space<vmem>> -> memref<1x128x128xf32, #tpu.memory_space<vmem>>
        %dma_wait3A_159 = tpu.memref_squeeze %dma_wait3A_158 : memref<1x128x128xf32, #tpu.memory_space<vmem>> -> memref<128x128xf32, #tpu.memory_space<vmem>>
        %dma_wait3A_160 = arith.constant 0 : i32
        %dma_wait3A_161 = arith.constant 0 : i32
        %dma_wait3A_162 = tpu.memref_slice %arg5[%dma_wait3A_160, %dma_wait3A_161] : memref<160000x128xf32, #tpu.memory_space<hbm>> -> memref<128x128xf32, #tpu.memory_space<hbm>>
        tpu.wait_dma2 semaphore(%arg10 : memref<!tpu.dma_semaphore, #tpu.memory_space<semaphore_mem>>) src(%dma_wait3A_162 : memref<128x128xf32, #tpu.memory_space<hbm>>) dst(%dma_wait3A_159 : memref<128x128xf32, #tpu.memory_space<vmem>>)
        %dma_wait3A_163 = arith.constant 1 : i32
        %dma_wait3A_164 = arith.constant 0 : i32
        %dma_wait3A_165 = arith.constant 0 : i32
        %dma_wait3A_166 = tpu.memref_slice %arg8[%dma_wait3A_163, %dma_wait3A_164, %dma_wait3A_165] : memref<2x128x128xf32, #tpu.memory_space<vmem>> -> memref<1x128x128xf32, #tpu.memory_space<vmem>>
        %dma_wait3A_167 = tpu.memref_squeeze %dma_wait3A_166 : memref<1x128x128xf32, #tpu.memory_space<vmem>> -> memref<128x128xf32, #tpu.memory_space<vmem>>
        %dma_wait3A_168 = arith.constant 0 : i32
        %dma_wait3A_169 = arith.constant 0 : i32
        %dma_wait3A_170 = tpu.memref_slice %arg5[%dma_wait3A_168, %dma_wait3A_169] : memref<160000x128xf32, #tpu.memory_space<hbm>> -> memref<128x128xf32, #tpu.memory_space<hbm>>
        %dma_wait3A_171 = arith.constant 0 : i32
        %dma_wait3A_172 = arith.constant 0 : i32
        %dma_wait3A_173 = tpu.memref_slice %arg8[%dma_wait3A_163, %dma_wait3A_171, %dma_wait3A_172] : memref<2x128x128xf32, #tpu.memory_space<vmem>> -> memref<1x128x128xf32, #tpu.memory_space<vmem>>
        %dma_wait3A_174 = tpu.memref_squeeze %dma_wait3A_173 : memref<1x128x128xf32, #tpu.memory_space<vmem>> -> memref<128x128xf32, #tpu.memory_space<vmem>>
        %dma_wait3A_175 = arith.constant 0 : i32
        %dma_wait3A_176 = arith.constant 0 : i32
        %dma_wait3A_177 = tpu.memref_slice %arg5[%dma_wait3A_175, %dma_wait3A_176] : memref<160000x128xf32, #tpu.memory_space<hbm>> -> memref<128x128xf32, #tpu.memory_space<hbm>>
        tpu.wait_dma2 semaphore(%arg12 : memref<!tpu.dma_semaphore, #tpu.memory_space<semaphore_mem>>) src(%dma_wait3A_177 : memref<128x128xf32, #tpu.memory_space<hbm>>) dst(%dma_wait3A_174 : memref<128x128xf32, #tpu.memory_space<vmem>>)
        %scan3A_178 = arith.constant 0 : i32
        %scan3A_179 = arith.constant 0 : i32
        %scan3A_180 = arith.constant 128 : i32
        %scan3A_181 = arith.addi %scan3A_179, %scan3A_180 : i32
        %scan3A_182 = arith.constant 1 : i32
        scf.for %scan3A_197 = %scan3A_179 to %scan3A_181 step %scan3A_182  : i32 {
          %get3A = arith.constant 1 : i32
          %get3A_198 = arith.index_cast %get3A : i32 to index
          %get3A_199 = arith.index_cast %scan3A_197 : i32 to index
          %get3A_200 = arith.constant 0 : index
          %get3A_201 = tpu.vector_load %arg7[%get3A_198, %get3A_199, %get3A_200] {strides = array<i32>} : memref<2x128x128xf32, #tpu.memory_space<vmem>>, vector<1x1x16xf32>,
          %get3A_202 = vector.shape_cast %get3A_201 : vector<1x1x16xf32> to vector<16xf32>
          %get3A_203 = arith.constant 1 : i32
          %get3A_204 = arith.index_cast %get3A_203 : i32 to index
          %get3A_205 = arith.index_cast %scan3A_197 : i32 to index
          %get3A_206 = arith.constant 0 : index
          %get3A_207 = tpu.vector_load %arg8[%get3A_204, %get3A_205, %get3A_206] {strides = array<i32>} : memref<2x128x128xf32, #tpu.memory_space<vmem>>, vector<1x1x16xf32>,
          %get3A_208 = vector.shape_cast %get3A_207 : vector<1x1x16xf32> to vector<16xf32>
          %add3A_209 = arith.addf %get3A_202, %get3A_208 : vector<16xf32>
          %swap3A = arith.constant 1 : i32
          %swap3A_210 = arith.index_cast %swap3A : i32 to index
          %swap3A_211 = arith.index_cast %scan3A_197 : i32 to index
          %swap3A_212 = arith.constant 0 : index
          %swap3A_213 = tpu.vector_load %arg7[%swap3A_210, %swap3A_211, %swap3A_212] {strides = array<i32>} : memref<2x128x128xf32, #tpu.memory_space<vmem>>, vector<1x1x16xf32>,
          %swap3A_214 = vector.shape_cast %swap3A_213 : vector<1x1x16xf32> to vector<16xf32>
          %swap3A_215 = vector.shape_cast %add3A_209 : vector<16xf32> to vector<1x1x16xf32>
          tpu.vector_store %arg7[%swap3A_210, %swap3A_211, %swap3A_212], %swap3A_215 {strides = array<i32>} : memref<2x128x128xf32, #tpu.memory_space<vmem>>, vector<1x1x16xf32>,
          %get3A_216 = arith.constant 1 : i32
          %get3A_217 = arith.index_cast %get3A_216 : i32 to index
          %get3A_218 = arith.index_cast %scan3A_197 : i32 to index
          %get3A_219 = arith.constant 16 : index
          %get3A_220 = tpu.vector_load %arg7[%get3A_217, %get3A_218, %get3A_219] {strides = array<i32>} : memref<2x128x128xf32, #tpu.memory_space<vmem>>, vector<1x1x16xf32>,
          %get3A_221 = vector.shape_cast %get3A_220 : vector<1x1x16xf32> to vector<16xf32>
          %get3A_222 = arith.constant 1 : i32
          %get3A_223 = arith.index_cast %get3A_222 : i32 to index
          %get3A_224 = arith.index_cast %scan3A_197 : i32 to index
          %get3A_225 = arith.constant 16 : index
          %get3A_226 = tpu.vector_load %arg8[%get3A_223, %get3A_224, %get3A_225] {strides = array<i32>} : memref<2x128x128xf32, #tpu.memory_space<vmem>>, vector<1x1x16xf32>,
          %get3A_227 = vector.shape_cast %get3A_226 : vector<1x1x16xf32> to vector<16xf32>
          %add3A_228 = arith.addf %get3A_221, %get3A_227 : vector<16xf32>
          %swap3A_229 = arith.constant 1 : i32
          %swap3A_230 = arith.index_cast %swap3A_229 : i32 to index
          %swap3A_231 = arith.index_cast %scan3A_197 : i32 to index
          %swap3A_232 = arith.constant 16 : index
          %swap3A_233 = tpu.vector_load %arg7[%swap3A_230, %swap3A_231, %swap3A_232] {strides = array<i32>} : memref<2x128x128xf32, #tpu.memory_space<vmem>>, vector<1x1x16xf32>,
          %swap3A_234 = vector.shape_cast %swap3A_233 : vector<1x1x16xf32> to vector<16xf32>
          %swap3A_235 = vector.shape_cast %add3A_228 : vector<16xf32> to vector<1x1x16xf32>
          tpu.vector_store %arg7[%swap3A_230, %swap3A_231, %swap3A_232], %swap3A_235 {strides = array<i32>} : memref<2x128x128xf32, #tpu.memory_space<vmem>>, vector<1x1x16xf32>,
          %get3A_236 = arith.constant 1 : i32
          %get3A_237 = arith.index_cast %get3A_236 : i32 to index
          %get3A_238 = arith.index_cast %scan3A_197 : i32 to index
          %get3A_239 = arith.constant 32 : index
          %get3A_240 = tpu.vector_load %arg7[%get3A_237, %get3A_238, %get3A_239] {strides = array<i32>} : memref<2x128x128xf32, #tpu.memory_space<vmem>>, vector<1x1x16xf32>,
          %get3A_241 = vector.shape_cast %get3A_240 : vector<1x1x16xf32> to vector<16xf32>
          %get3A_242 = arith.constant 1 : i32
          %get3A_243 = arith.index_cast %get3A_242 : i32 to index
          %get3A_244 = arith.index_cast %scan3A_197 : i32 to index
          %get3A_245 = arith.constant 32 : index
          %get3A_246 = tpu.vector_load %arg8[%get3A_243, %get3A_244, %get3A_245] {strides = array<i32>} : memref<2x128x128xf32, #tpu.memory_space<vmem>>, vector<1x1x16xf32>,
          %get3A_247 = vector.shape_cast %get3A_246 : vector<1x1x16xf32> to vector<16xf32>
          %add3A_248 = arith.addf %get3A_241, %get3A_247 : vector<16xf32>
          %swap3A_249 = arith.constant 1 : i32
          %swap3A_250 = arith.index_cast %swap3A_249 : i32 to index
          %swap3A_251 = arith.index_cast %scan3A_197 : i32 to index
          %swap3A_252 = arith.constant 32 : index
          %swap3A_253 = tpu.vector_load %arg7[%swap3A_250, %swap3A_251, %swap3A_252] {strides = array<i32>} : memref<2x128x128xf32, #tpu.memory_space<vmem>>, vector<1x1x16xf32>,
          %swap3A_254 = vector.shape_cast %swap3A_253 : vector<1x1x16xf32> to vector<16xf32>
          %swap3A_255 = vector.shape_cast %add3A_248 : vector<16xf32> to vector<1x1x16xf32>
          tpu.vector_store %arg7[%swap3A_250, %swap3A_251, %swap3A_252], %swap3A_255 {strides = array<i32>} : memref<2x128x128xf32, #tpu.memory_space<vmem>>, vector<1x1x16xf32>,
          %get3A_256 = arith.constant 1 : i32
          %get3A_257 = arith.index_cast %get3A_256 : i32 to index
          %get3A_258 = arith.index_cast %scan3A_197 : i32 to index
          %get3A_259 = arith.constant 48 : index
          %get3A_260 = tpu.vector_load %arg7[%get3A_257, %get3A_258, %get3A_259] {strides = array<i32>} : memref<2x128x128xf32, #tpu.memory_space<vmem>>, vector<1x1x16xf32>,
          %get3A_261 = vector.shape_cast %get3A_260 : vector<1x1x16xf32> to vector<16xf32>
          %get3A_262 = arith.constant 1 : i32
          %get3A_263 = arith.index_cast %get3A_262 : i32 to index
          %get3A_264 = arith.index_cast %scan3A_197 : i32 to index
          %get3A_265 = arith.constant 48 : index
          %get3A_266 = tpu.vector_load %arg8[%get3A_263, %get3A_264, %get3A_265] {strides = array<i32>} : memref<2x128x128xf32, #tpu.memory_space<vmem>>, vector<1x1x16xf32>,
          %get3A_267 = vector.shape_cast %get3A_266 : vector<1x1x16xf32> to vector<16xf32>
          %add3A_268 = arith.addf %get3A_261, %get3A_267 : vector<16xf32>
          %swap3A_269 = arith.constant 1 : i32
          %swap3A_270 = arith.index_cast %swap3A_269 : i32 to index
          %swap3A_271 = arith.index_cast %scan3A_197 : i32 to index
          %swap3A_272 = arith.constant 48 : index
          %swap3A_273 = tpu.vector_load %arg7[%swap3A_270, %swap3A_271, %swap3A_272] {strides = array<i32>} : memref<2x128x128xf32, #tpu.memory_space<vmem>>, vector<1x1x16xf32>,
          %swap3A_274 = vector.shape_cast %swap3A_273 : vector<1x1x16xf32> to vector<16xf32>
          %swap3A_275 = vector.shape_cast %add3A_268 : vector<16xf32> to vector<1x1x16xf32>
          tpu.vector_store %arg7[%swap3A_270, %swap3A_271, %swap3A_272], %swap3A_275 {strides = array<i32>} : memref<2x128x128xf32, #tpu.memory_space<vmem>>, vector<1x1x16xf32>,
          %get3A_276 = arith.constant 1 : i32
          %get3A_277 = arith.index_cast %get3A_276 : i32 to index
          %get3A_278 = arith.index_cast %scan3A_197 : i32 to index
          %get3A_279 = arith.constant 64 : index
          %get3A_280 = tpu.vector_load %arg7[%get3A_277, %get3A_278, %get3A_279] {strides = array<i32>} : memref<2x128x128xf32, #tpu.memory_space<vmem>>, vector<1x1x16xf32>,
          %get3A_281 = vector.shape_cast %get3A_280 : vector<1x1x16xf32> to vector<16xf32>
          %get3A_282 = arith.constant 1 : i32
          %get3A_283 = arith.index_cast %get3A_282 : i32 to index
          %get3A_284 = arith.index_cast %scan3A_197 : i32 to index
          %get3A_285 = arith.constant 64 : index
          %get3A_286 = tpu.vector_load %arg8[%get3A_283, %get3A_284, %get3A_285] {strides = array<i32>} : memref<2x128x128xf32, #tpu.memory_space<vmem>>, vector<1x1x16xf32>,
          %get3A_287 = vector.shape_cast %get3A_286 : vector<1x1x16xf32> to vector<16xf32>
          %add3A_288 = arith.addf %get3A_281, %get3A_287 : vector<16xf32>
          %swap3A_289 = arith.constant 1 : i32
          %swap3A_290 = arith.index_cast %swap3A_289 : i32 to index
          %swap3A_291 = arith.index_cast %scan3A_197 : i32 to index
          %swap3A_292 = arith.constant 64 : index
          %swap3A_293 = tpu.vector_load %arg7[%swap3A_290, %swap3A_291, %swap3A_292] {strides = array<i32>} : memref<2x128x128xf32, #tpu.memory_space<vmem>>, vector<1x1x16xf32>,
          %swap3A_294 = vector.shape_cast %swap3A_293 : vector<1x1x16xf32> to vector<16xf32>
          %swap3A_295 = vector.shape_cast %add3A_288 : vector<16xf32> to vector<1x1x16xf32>
          tpu.vector_store %arg7[%swap3A_290, %swap3A_291, %swap3A_292], %swap3A_295 {strides = array<i32>} : memref<2x128x128xf32, #tpu.memory_space<vmem>>, vector<1x1x16xf32>,
          %get3A_296 = arith.constant 1 : i32
          %get3A_297 = arith.index_cast %get3A_296 : i32 to index
          %get3A_298 = arith.index_cast %scan3A_197 : i32 to index
          %get3A_299 = arith.constant 80 : index
          %get3A_300 = tpu.vector_load %arg7[%get3A_297, %get3A_298, %get3A_299] {strides = array<i32>} : memref<2x128x128xf32, #tpu.memory_space<vmem>>, vector<1x1x16xf32>,
          %get3A_301 = vector.shape_cast %get3A_300 : vector<1x1x16xf32> to vector<16xf32>
          %get3A_302 = arith.constant 1 : i32
          %get3A_303 = arith.index_cast %get3A_302 : i32 to index
          %get3A_304 = arith.index_cast %scan3A_197 : i32 to index
          %get3A_305 = arith.constant 80 : index
          %get3A_306 = tpu.vector_load %arg8[%get3A_303, %get3A_304, %get3A_305] {strides = array<i32>} : memref<2x128x128xf32, #tpu.memory_space<vmem>>, vector<1x1x16xf32>,
          %get3A_307 = vector.shape_cast %get3A_306 : vector<1x1x16xf32> to vector<16xf32>
          %add3A_308 = arith.addf %get3A_301, %get3A_307 : vector<16xf32>
          %swap3A_309 = arith.constant 1 : i32
          %swap3A_310 = arith.index_cast %swap3A_309 : i32 to index
          %swap3A_311 = arith.index_cast %scan3A_197 : i32 to index
          %swap3A_312 = arith.constant 80 : index
          %swap3A_313 = tpu.vector_load %arg7[%swap3A_310, %swap3A_311, %swap3A_312] {strides = array<i32>} : memref<2x128x128xf32, #tpu.memory_space<vmem>>, vector<1x1x16xf32>,
          %swap3A_314 = vector.shape_cast %swap3A_313 : vector<1x1x16xf32> to vector<16xf32>
          %swap3A_315 = vector.shape_cast %add3A_308 : vector<16xf32> to vector<1x1x16xf32>
          tpu.vector_store %arg7[%swap3A_310, %swap3A_311, %swap3A_312], %swap3A_315 {strides = array<i32>} : memref<2x128x128xf32, #tpu.memory_space<vmem>>, vector<1x1x16xf32>,
          %get3A_316 = arith.constant 1 : i32
          %get3A_317 = arith.index_cast %get3A_316 : i32 to index
          %get3A_318 = arith.index_cast %scan3A_197 : i32 to index
          %get3A_319 = arith.constant 96 : index
          %get3A_320 = tpu.vector_load %arg7[%get3A_317, %get3A_318, %get3A_319] {strides = array<i32>} : memref<2x128x128xf32, #tpu.memory_space<vmem>>, vector<1x1x16xf32>,
          %get3A_321 = vector.shape_cast %get3A_320 : vector<1x1x16xf32> to vector<16xf32>
          %get3A_322 = arith.constant 1 : i32
          %get3A_323 = arith.index_cast %get3A_322 : i32 to index
          %get3A_324 = arith.index_cast %scan3A_197 : i32 to index
          %get3A_325 = arith.constant 96 : index
          %get3A_326 = tpu.vector_load %arg8[%get3A_323, %get3A_324, %get3A_325] {strides = array<i32>} : memref<2x128x128xf32, #tpu.memory_space<vmem>>, vector<1x1x16xf32>,
          %get3A_327 = vector.shape_cast %get3A_326 : vector<1x1x16xf32> to vector<16xf32>
          %add3A_328 = arith.addf %get3A_321, %get3A_327 : vector<16xf32>
          %swap3A_329 = arith.constant 1 : i32
          %swap3A_330 = arith.index_cast %swap3A_329 : i32 to index
          %swap3A_331 = arith.index_cast %scan3A_197 : i32 to index
          %swap3A_332 = arith.constant 96 : index
          %swap3A_333 = tpu.vector_load %arg7[%swap3A_330, %swap3A_331, %swap3A_332] {strides = array<i32>} : memref<2x128x128xf32, #tpu.memory_space<vmem>>, vector<1x1x16xf32>,
          %swap3A_334 = vector.shape_cast %swap3A_333 : vector<1x1x16xf32> to vector<16xf32>
          %swap3A_335 = vector.shape_cast %add3A_328 : vector<16xf32> to vector<1x1x16xf32>
          tpu.vector_store %arg7[%swap3A_330, %swap3A_331, %swap3A_332], %swap3A_335 {strides = array<i32>} : memref<2x128x128xf32, #tpu.memory_space<vmem>>, vector<1x1x16xf32>,
          %get3A_336 = arith.constant 1 : i32
          %get3A_337 = arith.index_cast %get3A_336 : i32 to index
          %get3A_338 = arith.index_cast %scan3A_197 : i32 to index
          %get3A_339 = arith.constant 112 : index
          %get3A_340 = tpu.vector_load %arg7[%get3A_337, %get3A_338, %get3A_339] {strides = array<i32>} : memref<2x128x128xf32, #tpu.memory_space<vmem>>, vector<1x1x16xf32>,
          %get3A_341 = vector.shape_cast %get3A_340 : vector<1x1x16xf32> to vector<16xf32>
          %get3A_342 = arith.constant 1 : i32
          %get3A_343 = arith.index_cast %get3A_342 : i32 to index
          %get3A_344 = arith.index_cast %scan3A_197 : i32 to index
          %get3A_345 = arith.constant 112 : index
          %get3A_346 = tpu.vector_load %arg8[%get3A_343, %get3A_344, %get3A_345] {strides = array<i32>} : memref<2x128x128xf32, #tpu.memory_space<vmem>>, vector<1x1x16xf32>,
          %get3A_347 = vector.shape_cast %get3A_346 : vector<1x1x16xf32> to vector<16xf32>
          %add3A_348 = arith.addf %get3A_341, %get3A_347 : vector<16xf32>
          %swap3A_349 = arith.constant 1 : i32
          %swap3A_350 = arith.index_cast %swap3A_349 : i32 to index
          %swap3A_351 = arith.index_cast %scan3A_197 : i32 to index
          %swap3A_352 = arith.constant 112 : index
          %swap3A_353 = tpu.vector_load %arg7[%swap3A_350, %swap3A_351, %swap3A_352] {strides = array<i32>} : memref<2x128x128xf32, #tpu.memory_space<vmem>>, vector<1x1x16xf32>,
          %swap3A_354 = vector.shape_cast %swap3A_353 : vector<1x1x16xf32> to vector<16xf32>
          %swap3A_355 = vector.shape_cast %add3A_348 : vector<16xf32> to vector<1x1x16xf32>
          tpu.vector_store %arg7[%swap3A_350, %swap3A_351, %swap3A_352], %swap3A_355 {strides = array<i32>} : memref<2x128x128xf32, #tpu.memory_space<vmem>>, vector<1x1x16xf32>,
        }
        %scan3A_183 = arith.constant 128 : i32
        %dma_start3A_184 = arith.constant 1 : i32
        %dma_start3A_185 = arith.constant 0 : i32
        %dma_start3A_186 = arith.constant 0 : i32
        %dma_start3A_187 = tpu.memref_slice %arg7[%dma_start3A_184, %dma_start3A_185, %dma_start3A_186] : memref<2x128x128xf32, #tpu.memory_space<vmem>> -> memref<1x128x128xf32, #tpu.memory_space<vmem>>
        %dma_start3A_188 = tpu.memref_squeeze %dma_start3A_187 : memref<1x128x128xf32, #tpu.memory_space<vmem>> -> memref<128x128xf32, #tpu.memory_space<vmem>>
        %dma_start3A_189 = arith.constant 0 : i32
        %dma_start3A_190 = tpu.memref_slice %arg5[%multiple_of3A_147, %dma_start3A_189] : memref<160000x128xf32, #tpu.memory_space<hbm>> -> memref<128x128xf32, #tpu.memory_space<hbm>>
        %dma_start3A_191 = arith.constant 0 : i32
        %dma_start3A_192 = tpu.memref_slice %arg5[%multiple_of3A_147, %dma_start3A_191] : memref<160000x128xf32, #tpu.memory_space<hbm>> -> memref<128x128xf32, #tpu.memory_space<hbm>>
        %dma_start3A_193 = arith.constant 0 : i32
        %dma_start3A_194 = arith.constant 0 : i32
        %dma_start3A_195 = tpu.memref_slice %arg7[%dma_start3A_184, %dma_start3A_193, %dma_start3A_194] : memref<2x128x128xf32, #tpu.memory_space<vmem>> -> memref<1x128x128xf32, #tpu.memory_space<vmem>>
        %dma_start3A_196 = tpu.memref_squeeze %dma_start3A_195 : memref<1x128x128xf32, #tpu.memory_space<vmem>> -> memref<128x128xf32, #tpu.memory_space<vmem>>
        tpu.enqueue_dma source(%dma_start3A_196 : memref<128x128xf32, #tpu.memory_space<vmem>>) target(%dma_start3A_192 : memref<128x128xf32, #tpu.memory_space<hbm>>) target_semaphore(%arg14 : memref<!tpu.dma_semaphore, #tpu.memory_space<semaphore_mem>>)
      } else {
      }
      %add3A_136 = arith.constant 2 : i32
      %add3A_137 = arith.addi %add3A_131, %add3A_136 : i32
      %lt3A_138 = arith.cmpi slt, %add3A_137, %add3A_20 : i32
      %convert_element_type3A_139 = arith.extui %lt3A_138 : i1 to i32
      %cond3A_140 = arith.constant 0 : i32
      %cond3A_141 = arith.cmpi ne, %convert_element_type3A_139, %cond3A_140 : i32
      scf.if %cond3A_141 {
        %dma_wait3A_142 = arith.constant 1 : i32
        %dma_wait3A_143 = arith.constant 0 : i32
        %dma_wait3A_144 = arith.constant 0 : i32
        %dma_wait3A_145 = tpu.memref_slice %arg7[%dma_wait3A_142, %dma_wait3A_143, %dma_wait3A_144] : memref<2x128x128xf32, #tpu.memory_space<vmem>> -> memref<1x128x128xf32, #tpu.memory_space<vmem>>
        %dma_wait3A_146 = tpu.memref_squeeze %dma_wait3A_145 : memref<1x128x128xf32, #tpu.memory_space<vmem>> -> memref<128x128xf32, #tpu.memory_space<vmem>>
        %dma_wait3A_147 = arith.constant 0 : i32
        %dma_wait3A_148 = arith.constant 0 : i32
        %dma_wait3A_149 = tpu.memref_slice %arg5[%dma_wait3A_147, %dma_wait3A_148] : memref<160000x128xf32, #tpu.memory_space<hbm>> -> memref<128x128xf32, #tpu.memory_space<hbm>>
        %dma_wait3A_150 = arith.constant 0 : i32
        %dma_wait3A_151 = arith.constant 0 : i32
        %dma_wait3A_152 = tpu.memref_slice %arg7[%dma_wait3A_142, %dma_wait3A_150, %dma_wait3A_151] : memref<2x128x128xf32, #tpu.memory_space<vmem>> -> memref<1x128x128xf32, #tpu.memory_space<vmem>>
        %dma_wait3A_153 = tpu.memref_squeeze %dma_wait3A_152 : memref<1x128x128xf32, #tpu.memory_space<vmem>> -> memref<128x128xf32, #tpu.memory_space<vmem>>
        %dma_wait3A_154 = arith.constant 0 : i32
        %dma_wait3A_155 = arith.constant 0 : i32
        %dma_wait3A_156 = tpu.memref_slice %arg5[%dma_wait3A_154, %dma_wait3A_155] : memref<160000x128xf32, #tpu.memory_space<hbm>> -> memref<128x128xf32, #tpu.memory_space<hbm>>
        tpu.wait_dma2 semaphore(%arg14 : memref<!tpu.dma_semaphore, #tpu.memory_space<semaphore_mem>>) src(%dma_wait3A_156 : memref<128x128xf32, #tpu.memory_space<hbm>>) dst(%dma_wait3A_153 : memref<128x128xf32, #tpu.memory_space<vmem>>)
        %mul3A_157 = arith.constant 32 : i32
        %mul3A_158 = arith.muli %add3A_137, %mul3A_157 : i32
        %add3A_159 = arith.addi %mul3A_158, %add3A : i32
        %mul3A_160 = arith.constant 128 : i32
        %mul3A_161 = arith.muli %add3A_159, %mul3A_160 : i32
        %multiple_of3A_162 = tpu.assume_multiple %mul3A_161, 128 : i32
        %run_scoped3A_163 = arith.constant 1 : i32
        "tpu.region"() ({
          %run_scoped3A_190 = tpu.sem_alloc : memref<!tpu.dma_semaphore, #tpu.memory_space<semaphore_mem>>
          %dma_start3A_191 = arith.constant 0 : i32
          %dma_start3A_192 = arith.constant 0 : i32
          %dma_start3A_193 = tpu.memref_slice %arg6[%run_scoped3A_163, %dma_start3A_191, %dma_start3A_192] : memref<2x2x128xi32, #tpu.memory_space<vmem>> -> memref<1x2x128xi32, #tpu.memory_space<vmem>>
          %dma_start3A_194 = tpu.memref_squeeze %dma_start3A_193 : memref<1x2x128xi32, #tpu.memory_space<vmem>> -> memref<2x128xi32, #tpu.memory_space<vmem>>
          %dma_start3A_195 = arith.constant 0 : i32
          %dma_start3A_196 = tpu.memref_slice %arg4[%dma_start3A_195, %multiple_of3A_162] : memref<2x160000xi32, #tpu.memory_space<hbm>> -> memref<2x128xi32, #tpu.memory_space<hbm>>
          %dma_start3A_197 = arith.constant 0 : i32
          %dma_start3A_198 = arith.constant 0 : i32
          %dma_start3A_199 = tpu.memref_slice %arg6[%run_scoped3A_163, %dma_start3A_197, %dma_start3A_198] : memref<2x2x128xi32, #tpu.memory_space<vmem>> -> memref<1x2x128xi32, #tpu.memory_space<vmem>>
          %dma_start3A_200 = tpu.memref_squeeze %dma_start3A_199 : memref<1x2x128xi32, #tpu.memory_space<vmem>> -> memref<2x128xi32, #tpu.memory_space<vmem>>
          %dma_start3A_201 = arith.constant 0 : i32
          %dma_start3A_202 = tpu.memref_slice %arg4[%dma_start3A_201, %multiple_of3A_162] : memref<2x160000xi32, #tpu.memory_space<hbm>> -> memref<2x128xi32, #tpu.memory_space<hbm>>
          tpu.enqueue_dma source(%dma_start3A_202 : memref<2x128xi32, #tpu.memory_space<hbm>>) target(%dma_start3A_200 : memref<2x128xi32, #tpu.memory_space<vmem>>) target_semaphore(%run_scoped3A_190 : memref<!tpu.dma_semaphore, #tpu.memory_space<semaphore_mem>>)
          %dma_wait3A_203 = arith.constant 0 : i32
          %dma_wait3A_204 = arith.constant 0 : i32
          %dma_wait3A_205 = tpu.memref_slice %arg6[%run_scoped3A_163, %dma_wait3A_203, %dma_wait3A_204] : memref<2x2x128xi32, #tpu.memory_space<vmem>> -> memref<1x2x128xi32, #tpu.memory_space<vmem>>
          %dma_wait3A_206 = tpu.memref_squeeze %dma_wait3A_205 : memref<1x2x128xi32, #tpu.memory_space<vmem>> -> memref<2x128xi32, #tpu.memory_space<vmem>>
          %dma_wait3A_207 = arith.constant 0 : i32
          %dma_wait3A_208 = tpu.memref_slice %arg4[%dma_wait3A_207, %multiple_of3A_162] : memref<2x160000xi32, #tpu.memory_space<hbm>> -> memref<2x128xi32, #tpu.memory_space<hbm>>
          %dma_wait3A_209 = arith.constant 0 : i32
          %dma_wait3A_210 = arith.constant 0 : i32
          %dma_wait3A_211 = tpu.memref_slice %arg6[%run_scoped3A_163, %dma_wait3A_209, %dma_wait3A_210] : memref<2x2x128xi32, #tpu.memory_space<vmem>> -> memref<1x2x128xi32, #tpu.memory_space<vmem>>
          %dma_wait3A_212 = tpu.memref_squeeze %dma_wait3A_211 : memref<1x2x128xi32, #tpu.memory_space<vmem>> -> memref<2x128xi32, #tpu.memory_space<vmem>>
          %dma_wait3A_213 = arith.constant 0 : i32
          %dma_wait3A_214 = tpu.memref_slice %arg4[%dma_wait3A_213, %multiple_of3A_162] : memref<2x160000xi32, #tpu.memory_space<hbm>> -> memref<2x128xi32, #tpu.memory_space<hbm>>
          tpu.wait_dma2 semaphore(%run_scoped3A_190 : memref<!tpu.dma_semaphore, #tpu.memory_space<semaphore_mem>>) src(%dma_wait3A_214 : memref<2x128xi32, #tpu.memory_space<hbm>>) dst(%dma_wait3A_212 : memref<2x128xi32, #tpu.memory_space<vmem>>)
          tpu.yield
        }) : () -> ()
        %dma_start3A_164 = arith.constant 1 : i32
        %dma_start3A_165 = arith.constant 0 : i32
        %dma_start3A_166 = arith.constant 1 : i32
        %dma_start3A_167 = arith.constant 0 : i32
        %dma_start3A_168 = arith.constant 0 : i32
        %dma_start3A_169 = tpu.memref_slice %arg7[%dma_start3A_166, %dma_start3A_167, %dma_start3A_168] : memref<2x128x128xf32, #tpu.memory_space<vmem>> -> memref<1x128x128xf32, #tpu.memory_space<vmem>>
        %dma_start3A_170 = tpu.memref_squeeze %dma_start3A_169 : memref<1x128x128xf32, #tpu.memory_space<vmem>> -> memref<128x128xf32, #tpu.memory_space<vmem>>
        %dma_start3A_171 = arith.constant 0 : i32
        %dma_start3A_172 = tpu.memref_slice %arg6[%dma_start3A_164, %dma_start3A_165, %dma_start3A_171] : memref<2x2x128xi32, #tpu.memory_space<vmem>> -> memref<1x1x128xi32, #tpu.memory_space<vmem>>
        %dma_start3A_173 = tpu.memref_squeeze %dma_start3A_172 : memref<1x1x128xi32, #tpu.memory_space<vmem>> -> memref<128xi32, #tpu.memory_space<vmem>>
        %dma_start3A_174 = arith.constant 0 : i32
        %dma_start3A_175 = arith.constant 0 : i32
        %dma_start3A_176 = tpu.memref_slice %arg2[%dma_start3A_174, %dma_start3A_175] : memref<10000x128xf32, #tpu.memory_space<hbm>> -> memref<10000x128xf32, #tpu.memory_space<hbm>>
        tpu.enqueue_indirect_dma source(%dma_start3A_176 : memref<10000x128xf32, #tpu.memory_space<hbm>>) target(%dma_start3A_170 : memref<128x128xf32, #tpu.memory_space<vmem>>) offsets(%dma_start3A_173 : memref<128xi32, #tpu.memory_space<vmem>>) semaphore(%arg10 : memref<!tpu.dma_semaphore, #tpu.memory_space<semaphore_mem>>)
        %dma_start3A_177 = arith.constant 1 : i32
        %dma_start3A_178 = arith.constant 1 : i32
        %dma_start3A_179 = arith.constant 1 : i32
        %dma_start3A_180 = arith.constant 0 : i32
        %dma_start3A_181 = arith.constant 0 : i32
        %dma_start3A_182 = tpu.memref_slice %arg8[%dma_start3A_179, %dma_start3A_180, %dma_start3A_181] : memref<2x128x128xf32, #tpu.memory_space<vmem>> -> memref<1x128x128xf32, #tpu.memory_space<vmem>>
        %dma_start3A_183 = tpu.memref_squeeze %dma_start3A_182 : memref<1x128x128xf32, #tpu.memory_space<vmem>> -> memref<128x128xf32, #tpu.memory_space<vmem>>
        %dma_start3A_184 = arith.constant 0 : i32
        %dma_start3A_185 = tpu.memref_slice %arg6[%dma_start3A_177, %dma_start3A_178, %dma_start3A_184] : memref<2x2x128xi32, #tpu.memory_space<vmem>> -> memref<1x1x128xi32, #tpu.memory_space<vmem>>
        %dma_start3A_186 = tpu.memref_squeeze %dma_start3A_185 : memref<1x1x128xi32, #tpu.memory_space<vmem>> -> memref<128xi32, #tpu.memory_space<vmem>>
        %dma_start3A_187 = arith.constant 0 : i32
        %dma_start3A_188 = arith.constant 0 : i32
        %dma_start3A_189 = tpu.memref_slice %arg3[%dma_start3A_187, %dma_start3A_188] : memref<10000x128xf32, #tpu.memory_space<hbm>> -> memref<10000x128xf32, #tpu.memory_space<hbm>>
        tpu.enqueue_indirect_dma source(%dma_start3A_189 : memref<10000x128xf32, #tpu.memory_space<hbm>>) target(%dma_start3A_183 : memref<128x128xf32, #tpu.memory_space<vmem>>) offsets(%dma_start3A_186 : memref<128xi32, #tpu.memory_space<vmem>>) semaphore(%arg12 : memref<!tpu.dma_semaphore, #tpu.memory_space<semaphore_mem>>)
      } else {
      }
    }
    %scan3A_86 = arith.constant 20 : i32
    %dma_wait3A = arith.constant 0 : i32
    %dma_wait3A_87 = arith.constant 0 : i32
    %dma_wait3A_88 = arith.constant 0 : i32
    %dma_wait3A_89 = tpu.memref_slice %arg7[%dma_wait3A, %dma_wait3A_87, %dma_wait3A_88] : memref<2x128x128xf32, #tpu.memory_space<vmem>> -> memref<1x128x128xf32, #tpu.memory_space<vmem>>
    %dma_wait3A_90 = tpu.memref_squeeze %dma_wait3A_89 : memref<1x128x128xf32, #tpu.memory_space<vmem>> -> memref<128x128xf32, #tpu.memory_space<vmem>>
    %dma_wait3A_91 = arith.constant 0 : i32
    %dma_wait3A_92 = arith.constant 0 : i32
    %dma_wait3A_93 = tpu.memref_slice %arg5[%dma_wait3A_91, %dma_wait3A_92] : memref<160000x128xf32, #tpu.memory_space<hbm>> -> memref<128x128xf32, #tpu.memory_space<hbm>>
    %dma_wait3A_94 = arith.constant 0 : i32
    %dma_wait3A_95 = arith.constant 0 : i32
    %dma_wait3A_96 = tpu.memref_slice %arg7[%dma_wait3A, %dma_wait3A_94, %dma_wait3A_95] : memref<2x128x128xf32, #tpu.memory_space<vmem>> -> memref<1x128x128xf32, #tpu.memory_space<vmem>>
    %dma_wait3A_97 = tpu.memref_squeeze %dma_wait3A_96 : memref<1x128x128xf32, #tpu.memory_space<vmem>> -> memref<128x128xf32, #tpu.memory_space<vmem>>
    %dma_wait3A_98 = arith.constant 0 : i32
    %dma_wait3A_99 = arith.constant 0 : i32
    %dma_wait3A_100 = tpu.memref_slice %arg5[%dma_wait3A_98, %dma_wait3A_99] : memref<160000x128xf32, #tpu.memory_space<hbm>> -> memref<128x128xf32, #tpu.memory_space<hbm>>
    tpu.wait_dma2 semaphore(%arg13 : memref<!tpu.dma_semaphore, #tpu.memory_space<semaphore_mem>>) src(%dma_wait3A_100 : memref<128x128xf32, #tpu.memory_space<hbm>>) dst(%dma_wait3A_97 : memref<128x128xf32, #tpu.memory_space<vmem>>)
    %dma_wait3A_101 = arith.constant 1 : i32
    %dma_wait3A_102 = arith.constant 0 : i32
    %dma_wait3A_103 = arith.constant 0 : i32
    %dma_wait3A_104 = tpu.memref_slice %arg7[%dma_wait3A_101, %dma_wait3A_102, %dma_wait3A_103] : memref<2x128x128xf32, #tpu.memory_space<vmem>> -> memref<1x128x128xf32, #tpu.memory_space<vmem>>
    %dma_wait3A_105 = tpu.memref_squeeze %dma_wait3A_104 : memref<1x128x128xf32, #tpu.memory_space<vmem>> -> memref<128x128xf32, #tpu.memory_space<vmem>>
    %dma_wait3A_106 = arith.constant 0 : i32
    %dma_wait3A_107 = arith.constant 0 : i32
    %dma_wait3A_108 = tpu.memref_slice %arg5[%dma_wait3A_106, %dma_wait3A_107] : memref<160000x128xf32, #tpu.memory_space<hbm>> -> memref<128x128xf32, #tpu.memory_space<hbm>>
    %dma_wait3A_109 = arith.constant 0 : i32
    %dma_wait3A_110 = arith.constant 0 : i32
    %dma_wait3A_111 = tpu.memref_slice %arg7[%dma_wait3A_101, %dma_wait3A_109, %dma_wait3A_110] : memref<2x128x128xf32, #tpu.memory_space<vmem>> -> memref<1x128x128xf32, #tpu.memory_space<vmem>>
    %dma_wait3A_112 = tpu.memref_squeeze %dma_wait3A_111 : memref<1x128x128xf32, #tpu.memory_space<vmem>> -> memref<128x128xf32, #tpu.memory_space<vmem>>
    %dma_wait3A_113 = arith.constant 0 : i32
    %dma_wait3A_114 = arith.constant 0 : i32
    %dma_wait3A_115 = tpu.memref_slice %arg5[%dma_wait3A_113, %dma_wait3A_114] : memref<160000x128xf32, #tpu.memory_space<hbm>> -> memref<128x128xf32, #tpu.memory_space<hbm>>
    tpu.wait_dma2 semaphore(%arg14 : memref<!tpu.dma_semaphore, #tpu.memory_space<semaphore_mem>>) src(%dma_wait3A_115 : memref<128x128xf32, #tpu.memory_space<hbm>>) dst(%dma_wait3A_112 : memref<128x128xf32, #tpu.memory_space<vmem>>)
    return
  }
}

#map = affine_map<(d0, d1) -> (0, 0)>
module attributes {stable_mosaic.version = 14 : i64} {
  func.func @k(%arg0: i32, %arg1: i32, %arg2: memref<10000x128xf32, #tpu.memory_space<hbm>>, %arg3: memref<10000x128xf32, #tpu.memory_space<hbm>>, %arg4: memref<2x160000xi32, #tpu.memory_space<hbm>>, %arg5: memref<160000x128xf32, #tpu.memory_space<hbm>>, %arg6: memref<2x2x128xi32, #tpu.memory_space<vmem>>, %arg7: memref<2x128x128xf32, #tpu.memory_space<vmem>>, %arg8: memref<2x128x128xf32, #tpu.memory_space<vmem>>, %arg9: memref<!tpu.dma_semaphore, #tpu.memory_space<semaphore_mem>>, %arg10: memref<!tpu.dma_semaphore, #tpu.memory_space<semaphore_mem>>, %arg11: memref<!tpu.dma_semaphore, #tpu.memory_space<semaphore_mem>>, %arg12: memref<!tpu.dma_semaphore, #tpu.memory_space<semaphore_mem>>, %arg13: memref<!tpu.dma_semaphore, #tpu.memory_space<semaphore_mem>>, %arg14: memref<!tpu.dma_semaphore, #tpu.memory_space<semaphore_mem>>) attributes {dimension_semantics = [#tpu.dimension_semantics<core_parallel>, #tpu.dimension_semantics<subcore_parallel>], iteration_bounds = array<i64: 2, 16>, scalar_prefetch = 0 : i64, scratch_operands = 9 : i64, tpu.core_type = #tpu.core_type<sc_vector_subcore>, window_params = [{transform_indices = #map}, {transform_indices = #map}, {transform_indices = #map}, {transform_indices = #map}]} {
    %mul3A = arith.constant 2 : i32
    %mul3A_0 = arith.muli %arg1, %mul3A : i32
    %add3A = arith.addi %mul3A_0, %arg0 : i32
    %sub3A = arith.constant 1249 : i32
    %sub3A_1 = arith.subi %sub3A, %add3A : i32
    %jit3A = arith.constant 32 : i32
    %div3A = arith.divsi %sub3A_1, %jit3A : i32
    %sign3A = arith.constant 0 : i32
    %sign3A_2 = arith.cmpi sgt, %sub3A_1, %sign3A : i32
    %sign3A_3 = arith.extui %sign3A_2 : i1 to i32
    %sign3A_4 = arith.constant 0 : i32
    %sign3A_5 = arith.cmpi slt, %sub3A_1, %sign3A_4 : i32
    %sign3A_6 = arith.extui %sign3A_5 : i1 to i32
    %sign3A_7 = arith.subi %sign3A_3, %sign3A_6 : i32
    %sign3A_8 = arith.constant 0 : i32
    %sign3A_9 = arith.cmpi sgt, %jit3A, %sign3A_8 : i32
    %sign3A_10 = arith.extui %sign3A_9 : i1 to i32
    %sign3A_11 = arith.constant 0 : i32
    %sign3A_12 = arith.cmpi slt, %jit3A, %sign3A_11 : i32
    %sign3A_13 = arith.extui %sign3A_12 : i1 to i32
    %sign3A_14 = arith.subi %sign3A_10, %sign3A_13 : i32
    %ne3A = arith.cmpi ne, %sign3A_7, %sign3A_14 : i32
    %rem3A = arith.remsi %sub3A_1, %jit3A : i32
    %ne3A_15 = arith.constant 0 : i32
    %ne3A_16 = arith.cmpi ne, %rem3A, %ne3A_15 : i32
    %and3A = arith.andi %ne3A, %ne3A_16 : i1
    %sub3A_17 = arith.constant 1 : i32
    %sub3A_18 = arith.subi %div3A, %sub3A_17 : i32
    %select_n3A = arith.select %and3A, %sub3A_18, %div3A : i32
    %add3A_19 = arith.constant 1 : i32
    %add3A_20 = arith.addi %select_n3A, %add3A_19 : i32
    %add3A_21 = arith.constant 0 : i32
    %add3A_22 = arith.addi %add3A_21, %add3A : i32
    %mul3A_23 = arith.constant 128 : i32
    %mul3A_24 = arith.muli %add3A_22, %mul3A_23 : i32
    %multiple_of3A = tpu.assume_multiple %mul3A_24, 128 : i32
    %run_scoped3A = arith.constant 0 : i32
    "tpu.region"() ({
      %run_scoped3A_116 = tpu.sem_alloc : memref<!tpu.dma_semaphore, #tpu.memory_space<semaphore_mem>>
      %dma_start3A_117 = arith.constant 0 : i32
      %dma_start3A_118 = arith.constant 0 : i32
      %dma_start3A_119 = tpu.memref_slice %arg6[%run_scoped3A, %dma_start3A_117, %dma_start3A_118] : memref<2x2x128xi32, #tpu.memory_space<vmem>> -> memref<1x2x128xi32, #tpu.memory_space<vmem>>
      %dma_start3A_120 = tpu.memref_squeeze %dma_start3A_119 : memref<1x2x128xi32, #tpu.memory_space<vmem>> -> memref<2x128xi32, #tpu.memory_space<vmem>>
      %dma_start3A_121 = arith.constant 0 : i32
      %dma_start3A_122 = tpu.memref_slice %arg4[%dma_start3A_121, %multiple_of3A] : memref<2x160000xi32, #tpu.memory_space<hbm>> -> memref<2x128xi32, #tpu.memory_space<hbm>>
      %dma_start3A_123 = arith.constant 0 : i32
      %dma_start3A_124 = arith.constant 0 : i32
      %dma_start3A_125 = tpu.memref_slice %arg6[%run_scoped3A, %dma_start3A_123, %dma_start3A_124] : memref<2x2x128xi32, #tpu.memory_space<vmem>> -> memref<1x2x128xi32, #tpu.memory_space<vmem>>
      %dma_start3A_126 = tpu.memref_squeeze %dma_start3A_125 : memref<1x2x128xi32, #tpu.memory_space<vmem>> -> memref<2x128xi32, #tpu.memory_space<vmem>>
      %dma_start3A_127 = arith.constant 0 : i32
      %dma_start3A_128 = tpu.memref_slice %arg4[%dma_start3A_127, %multiple_of3A] : memref<2x160000xi32, #tpu.memory_space<hbm>> -> memref<2x128xi32, #tpu.memory_space<hbm>>
      tpu.enqueue_dma source(%dma_start3A_128 : memref<2x128xi32, #tpu.memory_space<hbm>>) target(%dma_start3A_126 : memref<2x128xi32, #tpu.memory_space<vmem>>) target_semaphore(%run_scoped3A_116 : memref<!tpu.dma_semaphore, #tpu.memory_space<semaphore_mem>>)
      %dma_wait3A_129 = arith.constant 0 : i32
      %dma_wait3A_130 = arith.constant 0 : i32
      %dma_wait3A_131 = tpu.memref_slice %arg6[%run_scoped3A, %dma_wait3A_129, %dma_wait3A_130] : memref<2x2x128xi32, #tpu.memory_space<vmem>> -> memref<1x2x128xi32, #tpu.memory_space<vmem>>
      %dma_wait3A_132 = tpu.memref_squeeze %dma_wait3A_131 : memref<1x2x128xi32, #tpu.memory_space<vmem>> -> memref<2x128xi32, #tpu.memory_space<vmem>>
      %dma_wait3A_133 = arith.constant 0 : i32
      %dma_wait3A_134 = tpu.memref_slice %arg4[%dma_wait3A_133, %multiple_of3A] : memref<2x160000xi32, #tpu.memory_space<hbm>> -> memref<2x128xi32, #tpu.memory_space<hbm>>
      %dma_wait3A_135 = arith.constant 0 : i32
      %dma_wait3A_136 = arith.constant 0 : i32
      %dma_wait3A_137 = tpu.memref_slice %arg6[%run_scoped3A, %dma_wait3A_135, %dma_wait3A_136] : memref<2x2x128xi32, #tpu.memory_space<vmem>> -> memref<1x2x128xi32, #tpu.memory_space<vmem>>
      %dma_wait3A_138 = tpu.memref_squeeze %dma_wait3A_137 : memref<1x2x128xi32, #tpu.memory_space<vmem>> -> memref<2x128xi32, #tpu.memory_space<vmem>>
      %dma_wait3A_139 = arith.constant 0 : i32
      %dma_wait3A_140 = tpu.memref_slice %arg4[%dma_wait3A_139, %multiple_of3A] : memref<2x160000xi32, #tpu.memory_space<hbm>> -> memref<2x128xi32, #tpu.memory_space<hbm>>
      tpu.wait_dma2 semaphore(%run_scoped3A_116 : memref<!tpu.dma_semaphore, #tpu.memory_space<semaphore_mem>>) src(%dma_wait3A_140 : memref<2x128xi32, #tpu.memory_space<hbm>>) dst(%dma_wait3A_138 : memref<2x128xi32, #tpu.memory_space<vmem>>)
      tpu.yield
    }) : () -> ()
    %dma_start3A = arith.constant 0 : i32
    %dma_start3A_25 = arith.constant 0 : i32
    %dma_start3A_26 = arith.constant 0 : i32
    %dma_start3A_27 = arith.constant 0 : i32
    %dma_start3A_28 = arith.constant 0 : i32
    %dma_start3A_29 = tpu.memref_slice %arg7[%dma_start3A_26, %dma_start3A_27, %dma_start3A_28] : memref<2x128x128xf32, #tpu.memory_space<vmem>> -> memref<1x128x128xf32, #tpu.memory_space<vmem>>
    %dma_start3A_30 = tpu.memref_squeeze %dma_start3A_29 : memref<1x128x128xf32, #tpu.memory_space<vmem>> -> memref<128x128xf32, #tpu.memory_space<vmem>>
    %dma_start3A_31 = arith.constant 0 : i32
    %dma_start3A_32 = tpu.memref_slice %arg6[%dma_start3A, %dma_start3A_25, %dma_start3A_31] : memref<2x2x128xi32, #tpu.memory_space<vmem>> -> memref<1x1x128xi32, #tpu.memory_space<vmem>>
    %dma_start3A_33 = tpu.memref_squeeze %dma_start3A_32 : memref<1x1x128xi32, #tpu.memory_space<vmem>> -> memref<128xi32, #tpu.memory_space<vmem>>
    %dma_start3A_34 = arith.constant 0 : i32
    %dma_start3A_35 = arith.constant 0 : i32
    %dma_start3A_36 = tpu.memref_slice %arg2[%dma_start3A_34, %dma_start3A_35] : memref<10000x128xf32, #tpu.memory_space<hbm>> -> memref<10000x128xf32, #tpu.memory_space<hbm>>
    tpu.enqueue_indirect_dma source(%dma_start3A_36 : memref<10000x128xf32, #tpu.memory_space<hbm>>) target(%dma_start3A_30 : memref<128x128xf32, #tpu.memory_space<vmem>>) offsets(%dma_start3A_33 : memref<128xi32, #tpu.memory_space<vmem>>) semaphore(%arg9 : memref<!tpu.dma_semaphore, #tpu.memory_space<semaphore_mem>>)
    %dma_start3A_37 = arith.constant 0 : i32
    %dma_start3A_38 = arith.constant 1 : i32
    %dma_start3A_39 = arith.constant 0 : i32
    %dma_start3A_40 = arith.constant 0 : i32
    %dma_start3A_41 = arith.constant 0 : i32
    %dma_start3A_42 = tpu.memref_slice %arg8[%dma_start3A_39, %dma_start3A_40, %dma_start3A_41] : memref<2x128x128xf32, #tpu.memory_space<vmem>> -> memref<1x128x128xf32, #tpu.memory_space<vmem>>
    %dma_start3A_43 = tpu.memref_squeeze %dma_start3A_42 : memref<1x128x128xf32, #tpu.memory_space<vmem>> -> memref<128x128xf32, #tpu.memory_space<vmem>>
    %dma_start3A_44 = arith.constant 0 : i32
    %dma_start3A_45 = tpu.memref_slice %arg6[%dma_start3A_37, %dma_start3A_38, %dma_start3A_44] : memref<2x2x128xi32, #tpu.memory_space<vmem>> -> memref<1x1x128xi32, #tpu.memory_space<vmem>>
    %dma_start3A_46 = tpu.memref_squeeze %dma_start3A_45 : memref<1x1x128xi32, #tpu.memory_space<vmem>> -> memref<128xi32, #tpu.memory_space<vmem>>
    %dma_start3A_47 = arith.constant 0 : i32
    %dma_start3A_48 = arith.constant 0 : i32
    %dma_start3A_49 = tpu.memref_slice %arg3[%dma_start3A_47, %dma_start3A_48] : memref<10000x128xf32, #tpu.memory_space<hbm>> -> memref<10000x128xf32, #tpu.memory_space<hbm>>
    tpu.enqueue_indirect_dma source(%dma_start3A_49 : memref<10000x128xf32, #tpu.memory_space<hbm>>) target(%dma_start3A_43 : memref<128x128xf32, #tpu.memory_space<vmem>>) offsets(%dma_start3A_46 : memref<128xi32, #tpu.memory_space<vmem>>) semaphore(%arg11 : memref<!tpu.dma_semaphore, #tpu.memory_space<semaphore_mem>>)
    %add3A_50 = arith.constant 32 : i32
    %add3A_51 = arith.addi %add3A_50, %add3A : i32
    %mul3A_52 = arith.constant 128 : i32
    %mul3A_53 = arith.muli %add3A_51, %mul3A_52 : i32
    %multiple_of3A_54 = tpu.assume_multiple %mul3A_53, 128 : i32
    %run_scoped3A_55 = arith.constant 1 : i32
    "tpu.region"() ({
      %run_scoped3A_116 = tpu.sem_alloc : memref<!tpu.dma_semaphore, #tpu.memory_space<semaphore_mem>>
      %dma_start3A_117 = arith.constant 0 : i32
      %dma_start3A_118 = arith.constant 0 : i32
      %dma_start3A_119 = tpu.memref_slice %arg6[%run_scoped3A_55, %dma_start3A_117, %dma_start3A_118] : memref<2x2x128xi32, #tpu.memory_space<vmem>> -> memref<1x2x128xi32, #tpu.memory_space<vmem>>
      %dma_start3A_120 = tpu.memref_squeeze %dma_start3A_119 : memref<1x2x128xi32, #tpu.memory_space<vmem>> -> memref<2x128xi32, #tpu.memory_space<vmem>>
      %dma_start3A_121 = arith.constant 0 : i32
      %dma_start3A_122 = tpu.memref_slice %arg4[%dma_start3A_121, %multiple_of3A_54] : memref<2x160000xi32, #tpu.memory_space<hbm>> -> memref<2x128xi32, #tpu.memory_space<hbm>>
      %dma_start3A_123 = arith.constant 0 : i32
      %dma_start3A_124 = arith.constant 0 : i32
      %dma_start3A_125 = tpu.memref_slice %arg6[%run_scoped3A_55, %dma_start3A_123, %dma_start3A_124] : memref<2x2x128xi32, #tpu.memory_space<vmem>> -> memref<1x2x128xi32, #tpu.memory_space<vmem>>
      %dma_start3A_126 = tpu.memref_squeeze %dma_start3A_125 : memref<1x2x128xi32, #tpu.memory_space<vmem>> -> memref<2x128xi32, #tpu.memory_space<vmem>>
      %dma_start3A_127 = arith.constant 0 : i32
      %dma_start3A_128 = tpu.memref_slice %arg4[%dma_start3A_127, %multiple_of3A_54] : memref<2x160000xi32, #tpu.memory_space<hbm>> -> memref<2x128xi32, #tpu.memory_space<hbm>>
      tpu.enqueue_dma source(%dma_start3A_128 : memref<2x128xi32, #tpu.memory_space<hbm>>) target(%dma_start3A_126 : memref<2x128xi32, #tpu.memory_space<vmem>>) target_semaphore(%run_scoped3A_116 : memref<!tpu.dma_semaphore, #tpu.memory_space<semaphore_mem>>)
      %dma_wait3A_129 = arith.constant 0 : i32
      %dma_wait3A_130 = arith.constant 0 : i32
      %dma_wait3A_131 = tpu.memref_slice %arg6[%run_scoped3A_55, %dma_wait3A_129, %dma_wait3A_130] : memref<2x2x128xi32, #tpu.memory_space<vmem>> -> memref<1x2x128xi32, #tpu.memory_space<vmem>>
      %dma_wait3A_132 = tpu.memref_squeeze %dma_wait3A_131 : memref<1x2x128xi32, #tpu.memory_space<vmem>> -> memref<2x128xi32, #tpu.memory_space<vmem>>
      %dma_wait3A_133 = arith.constant 0 : i32
      %dma_wait3A_134 = tpu.memref_slice %arg4[%dma_wait3A_133, %multiple_of3A_54] : memref<2x160000xi32, #tpu.memory_space<hbm>> -> memref<2x128xi32, #tpu.memory_space<hbm>>
      %dma_wait3A_135 = arith.constant 0 : i32
      %dma_wait3A_136 = arith.constant 0 : i32
      %dma_wait3A_137 = tpu.memref_slice %arg6[%run_scoped3A_55, %dma_wait3A_135, %dma_wait3A_136] : memref<2x2x128xi32, #tpu.memory_space<vmem>> -> memref<1x2x128xi32, #tpu.memory_space<vmem>>
      %dma_wait3A_138 = tpu.memref_squeeze %dma_wait3A_137 : memref<1x2x128xi32, #tpu.memory_space<vmem>> -> memref<2x128xi32, #tpu.memory_space<vmem>>
      %dma_wait3A_139 = arith.constant 0 : i32
      %dma_wait3A_140 = tpu.memref_slice %arg4[%dma_wait3A_139, %multiple_of3A_54] : memref<2x160000xi32, #tpu.memory_space<hbm>> -> memref<2x128xi32, #tpu.memory_space<hbm>>
      tpu.wait_dma2 semaphore(%run_scoped3A_116 : memref<!tpu.dma_semaphore, #tpu.memory_space<semaphore_mem>>) src(%dma_wait3A_140 : memref<2x128xi32, #tpu.memory_space<hbm>>) dst(%dma_wait3A_138 : memref<2x128xi32, #tpu.memory_space<vmem>>)
      tpu.yield
    }) : () -> ()
    %dma_start3A_56 = arith.constant 1 : i32
    %dma_start3A_57 = arith.constant 0 : i32
    %dma_start3A_58 = arith.constant 1 : i32
    %dma_start3A_59 = arith.constant 0 : i32
    %dma_start3A_60 = arith.constant 0 : i32
    %dma_start3A_61 = tpu.memref_slice %arg7[%dma_start3A_58, %dma_start3A_59, %dma_start3A_60] : memref<2x128x128xf32, #tpu.memory_space<vmem>> -> memref<1x128x128xf32, #tpu.memory_space<vmem>>
    %dma_start3A_62 = tpu.memref_squeeze %dma_start3A_61 : memref<1x128x128xf32, #tpu.memory_space<vmem>> -> memref<128x128xf32, #tpu.memory_space<vmem>>
    %dma_start3A_63 = arith.constant 0 : i32
    %dma_start3A_64 = tpu.memref_slice %arg6[%dma_start3A_56, %dma_start3A_57, %dma_start3A_63] : memref<2x2x128xi32, #tpu.memory_space<vmem>> -> memref<1x1x128xi32, #tpu.memory_space<vmem>>
    %dma_start3A_65 = tpu.memref_squeeze %dma_start3A_64 : memref<1x1x128xi32, #tpu.memory_space<vmem>> -> memref<128xi32, #tpu.memory_space<vmem>>
    %dma_start3A_66 = arith.constant 0 : i32
    %dma_start3A_67 = arith.constant 0 : i32
    %dma_start3A_68 = tpu.memref_slice %arg2[%dma_start3A_66, %dma_start3A_67] : memref<10000x128xf32, #tpu.memory_space<hbm>> -> memref<10000x128xf32, #tpu.memory_space<hbm>>
    tpu.enqueue_indirect_dma source(%dma_start3A_68 : memref<10000x128xf32, #tpu.memory_space<hbm>>) target(%dma_start3A_62 : memref<128x128xf32, #tpu.memory_space<vmem>>) offsets(%dma_start3A_65 : memref<128xi32, #tpu.memory_space<vmem>>) semaphore(%arg10 : memref<!tpu.dma_semaphore, #tpu.memory_space<semaphore_mem>>)
    %dma_start3A_69 = arith.constant 1 : i32
    %dma_start3A_70 = arith.constant 1 : i32
    %dma_start3A_71 = arith.constant 1 : i32
    %dma_start3A_72 = arith.constant 0 : i32
    %dma_start3A_73 = arith.constant 0 : i32
    %dma_start3A_74 = tpu.memref_slice %arg8[%dma_start3A_71, %dma_start3A_72, %dma_start3A_73] : memref<2x128x128xf32, #tpu.memory_space<vmem>> -> memref<1x128x128xf32, #tpu.memory_space<vmem>>
    %dma_start3A_75 = tpu.memref_squeeze %dma_start3A_74 : memref<1x128x128xf32, #tpu.memory_space<vmem>> -> memref<128x128xf32, #tpu.memory_space<vmem>>
    %dma_start3A_76 = arith.constant 0 : i32
    %dma_start3A_77 = tpu.memref_slice %arg6[%dma_start3A_69, %dma_start3A_70, %dma_start3A_76] : memref<2x2x128xi32, #tpu.memory_space<vmem>> -> memref<1x1x128xi32, #tpu.memory_space<vmem>>
    %dma_start3A_78 = tpu.memref_squeeze %dma_start3A_77 : memref<1x1x128xi32, #tpu.memory_space<vmem>> -> memref<128xi32, #tpu.memory_space<vmem>>
    %dma_start3A_79 = arith.constant 0 : i32
    %dma_start3A_80 = arith.constant 0 : i32
    %dma_start3A_81 = tpu.memref_slice %arg3[%dma_start3A_79, %dma_start3A_80] : memref<10000x128xf32, #tpu.memory_space<hbm>> -> memref<10000x128xf32, #tpu.memory_space<hbm>>
    tpu.enqueue_indirect_dma source(%dma_start3A_81 : memref<10000x128xf32, #tpu.memory_space<hbm>>) target(%dma_start3A_75 : memref<128x128xf32, #tpu.memory_space<vmem>>) offsets(%dma_start3A_78 : memref<128xi32, #tpu.memory_space<vmem>>) semaphore(%arg12 : memref<!tpu.dma_semaphore, #tpu.memory_space<semaphore_mem>>)
    %scan3A = arith.constant 0 : i32
    %scan3A_82 = arith.constant 0 : i32
    %scan3A_83 = arith.constant 20 : i32
    %scan3A_84 = arith.addi %scan3A_82, %scan3A_83 : i32
    %scan3A_85 = arith.constant 1 : i32
    scf.for %scan3A_116 = %scan3A_82 to %scan3A_84 step %scan3A_85  : i32 {
      %mul3A_117 = arith.constant 2 : i32
      %mul3A_118 = arith.muli %mul3A_117, %scan3A_116 : i32
      %add3A_119 = arith.constant 0 : i32
      %add3A_120 = arith.addi %mul3A_118, %add3A_119 : i32
      %lt3A = arith.cmpi slt, %add3A_120, %add3A_20 : i32
      %convert_element_type3A = arith.extui %lt3A : i1 to i32
      %cond3A = arith.constant 0 : i32
      %cond3A_121 = arith.cmpi ne, %convert_element_type3A, %cond3A : i32
      scf.if %cond3A_121 {
        %mul3A_142 = arith.constant 32 : i32
        %mul3A_143 = arith.muli %add3A_120, %mul3A_142 : i32
        %add3A_144 = arith.addi %mul3A_143, %add3A : i32
        %mul3A_145 = arith.constant 128 : i32
        %mul3A_146 = arith.muli %add3A_144, %mul3A_145 : i32
        %multiple_of3A_147 = tpu.assume_multiple %mul3A_146, 128 : i32
        %dma_wait3A_148 = arith.constant 0 : i32
        %dma_wait3A_149 = arith.constant 0 : i32
        %dma_wait3A_150 = arith.constant 0 : i32
        %dma_wait3A_151 = tpu.memref_slice %arg7[%dma_wait3A_148, %dma_wait3A_149, %dma_wait3A_150] : memref<2x128x128xf32, #tpu.memory_space<vmem>> -> memref<1x128x128xf32, #tpu.memory_space<vmem>>
        %dma_wait3A_152 = tpu.memref_squeeze %dma_wait3A_151 : memref<1x128x128xf32, #tpu.memory_space<vmem>> -> memref<128x128xf32, #tpu.memory_space<vmem>>
        %dma_wait3A_153 = arith.constant 0 : i32
        %dma_wait3A_154 = arith.constant 0 : i32
        %dma_wait3A_155 = tpu.memref_slice %arg5[%dma_wait3A_153, %dma_wait3A_154] : memref<160000x128xf32, #tpu.memory_space<hbm>> -> memref<128x128xf32, #tpu.memory_space<hbm>>
        %dma_wait3A_156 = arith.constant 0 : i32
        %dma_wait3A_157 = arith.constant 0 : i32
        %dma_wait3A_158 = tpu.memref_slice %arg7[%dma_wait3A_148, %dma_wait3A_156, %dma_wait3A_157] : memref<2x128x128xf32, #tpu.memory_space<vmem>> -> memref<1x128x128xf32, #tpu.memory_space<vmem>>
        %dma_wait3A_159 = tpu.memref_squeeze %dma_wait3A_158 : memref<1x128x128xf32, #tpu.memory_space<vmem>> -> memref<128x128xf32, #tpu.memory_space<vmem>>
        %dma_wait3A_160 = arith.constant 0 : i32
        %dma_wait3A_161 = arith.constant 0 : i32
        %dma_wait3A_162 = tpu.memref_slice %arg5[%dma_wait3A_160, %dma_wait3A_161] : memref<160000x128xf32, #tpu.memory_space<hbm>> -> memref<128x128xf32, #tpu.memory_space<hbm>>
        tpu.wait_dma2 semaphore(%arg9 : memref<!tpu.dma_semaphore, #tpu.memory_space<semaphore_mem>>) src(%dma_wait3A_162 : memref<128x128xf32, #tpu.memory_space<hbm>>) dst(%dma_wait3A_159 : memref<128x128xf32, #tpu.memory_space<vmem>>)
        %dma_wait3A_163 = arith.constant 0 : i32
        %dma_wait3A_164 = arith.constant 0 : i32
        %dma_wait3A_165 = arith.constant 0 : i32
        %dma_wait3A_166 = tpu.memref_slice %arg8[%dma_wait3A_163, %dma_wait3A_164, %dma_wait3A_165] : memref<2x128x128xf32, #tpu.memory_space<vmem>> -> memref<1x128x128xf32, #tpu.memory_space<vmem>>
        %dma_wait3A_167 = tpu.memref_squeeze %dma_wait3A_166 : memref<1x128x128xf32, #tpu.memory_space<vmem>> -> memref<128x128xf32, #tpu.memory_space<vmem>>
        %dma_wait3A_168 = arith.constant 0 : i32
        %dma_wait3A_169 = arith.constant 0 : i32
        %dma_wait3A_170 = tpu.memref_slice %arg5[%dma_wait3A_168, %dma_wait3A_169] : memref<160000x128xf32, #tpu.memory_space<hbm>> -> memref<128x128xf32, #tpu.memory_space<hbm>>
        %dma_wait3A_171 = arith.constant 0 : i32
        %dma_wait3A_172 = arith.constant 0 : i32
        %dma_wait3A_173 = tpu.memref_slice %arg8[%dma_wait3A_163, %dma_wait3A_171, %dma_wait3A_172] : memref<2x128x128xf32, #tpu.memory_space<vmem>> -> memref<1x128x128xf32, #tpu.memory_space<vmem>>
        %dma_wait3A_174 = tpu.memref_squeeze %dma_wait3A_173 : memref<1x128x128xf32, #tpu.memory_space<vmem>> -> memref<128x128xf32, #tpu.memory_space<vmem>>
        %dma_wait3A_175 = arith.constant 0 : i32
        %dma_wait3A_176 = arith.constant 0 : i32
        %dma_wait3A_177 = tpu.memref_slice %arg5[%dma_wait3A_175, %dma_wait3A_176] : memref<160000x128xf32, #tpu.memory_space<hbm>> -> memref<128x128xf32, #tpu.memory_space<hbm>>
        tpu.wait_dma2 semaphore(%arg11 : memref<!tpu.dma_semaphore, #tpu.memory_space<semaphore_mem>>) src(%dma_wait3A_177 : memref<128x128xf32, #tpu.memory_space<hbm>>) dst(%dma_wait3A_174 : memref<128x128xf32, #tpu.memory_space<vmem>>)
        %scan3A_178 = arith.constant 0 : i32
        %scan3A_179 = arith.constant 0 : i32
        %scan3A_180 = arith.constant 128 : i32
        %scan3A_181 = arith.addi %scan3A_179, %scan3A_180 : i32
        %scan3A_182 = arith.constant 1 : i32
        scf.for %scan3A_197 = %scan3A_179 to %scan3A_181 step %scan3A_182  : i32 {
          %get3A = arith.constant 0 : i32
          %get3A_198 = arith.index_cast %get3A : i32 to index
          %get3A_199 = arith.index_cast %scan3A_197 : i32 to index
          %get3A_200 = arith.constant 0 : index
          %get3A_201 = tpu.vector_load %arg7[%get3A_198, %get3A_199, %get3A_200] {strides = array<i32>} : memref<2x128x128xf32, #tpu.memory_space<vmem>>, vector<1x1x16xf32>,
          %get3A_202 = vector.shape_cast %get3A_201 : vector<1x1x16xf32> to vector<16xf32>
          %get3A_203 = arith.constant 0 : i32
          %get3A_204 = arith.index_cast %get3A_203 : i32 to index
          %get3A_205 = arith.index_cast %scan3A_197 : i32 to index
          %get3A_206 = arith.constant 0 : index
          %get3A_207 = tpu.vector_load %arg8[%get3A_204, %get3A_205, %get3A_206] {strides = array<i32>} : memref<2x128x128xf32, #tpu.memory_space<vmem>>, vector<1x1x16xf32>,
          %get3A_208 = vector.shape_cast %get3A_207 : vector<1x1x16xf32> to vector<16xf32>
          %add3A_209 = arith.addf %get3A_202, %get3A_208 : vector<16xf32>
          %swap3A = arith.constant 0 : i32
          %swap3A_210 = arith.index_cast %swap3A : i32 to index
          %swap3A_211 = arith.index_cast %scan3A_197 : i32 to index
          %swap3A_212 = arith.constant 0 : index
          %swap3A_213 = tpu.vector_load %arg7[%swap3A_210, %swap3A_211, %swap3A_212] {strides = array<i32>} : memref<2x128x128xf32, #tpu.memory_space<vmem>>, vector<1x1x16xf32>,
          %swap3A_214 = vector.shape_cast %swap3A_213 : vector<1x1x16xf32> to vector<16xf32>
          %swap3A_215 = vector.shape_cast %add3A_209 : vector<16xf32> to vector<1x1x16xf32>
          tpu.vector_store %arg7[%swap3A_210, %swap3A_211, %swap3A_212], %swap3A_215 {strides = array<i32>} : memref<2x128x128xf32, #tpu.memory_space<vmem>>, vector<1x1x16xf32>,
          %get3A_216 = arith.constant 0 : i32
          %get3A_217 = arith.index_cast %get3A_216 : i32 to index
          %get3A_218 = arith.index_cast %scan3A_197 : i32 to index
          %get3A_219 = arith.constant 16 : index
          %get3A_220 = tpu.vector_load %arg7[%get3A_217, %get3A_218, %get3A_219] {strides = array<i32>} : memref<2x128x128xf32, #tpu.memory_space<vmem>>, vector<1x1x16xf32>,
          %get3A_221 = vector.shape_cast %get3A_220 : vector<1x1x16xf32> to vector<16xf32>
          %get3A_222 = arith.constant 0 : i32
          %get3A_223 = arith.index_cast %get3A_222 : i32 to index
          %get3A_224 = arith.index_cast %scan3A_197 : i32 to index
          %get3A_225 = arith.constant 16 : index
          %get3A_226 = tpu.vector_load %arg8[%get3A_223, %get3A_224, %get3A_225] {strides = array<i32>} : memref<2x128x128xf32, #tpu.memory_space<vmem>>, vector<1x1x16xf32>,
          %get3A_227 = vector.shape_cast %get3A_226 : vector<1x1x16xf32> to vector<16xf32>
          %add3A_228 = arith.addf %get3A_221, %get3A_227 : vector<16xf32>
          %swap3A_229 = arith.constant 0 : i32
          %swap3A_230 = arith.index_cast %swap3A_229 : i32 to index
          %swap3A_231 = arith.index_cast %scan3A_197 : i32 to index
          %swap3A_232 = arith.constant 16 : index
          %swap3A_233 = tpu.vector_load %arg7[%swap3A_230, %swap3A_231, %swap3A_232] {strides = array<i32>} : memref<2x128x128xf32, #tpu.memory_space<vmem>>, vector<1x1x16xf32>,
          %swap3A_234 = vector.shape_cast %swap3A_233 : vector<1x1x16xf32> to vector<16xf32>
          %swap3A_235 = vector.shape_cast %add3A_228 : vector<16xf32> to vector<1x1x16xf32>
          tpu.vector_store %arg7[%swap3A_230, %swap3A_231, %swap3A_232], %swap3A_235 {strides = array<i32>} : memref<2x128x128xf32, #tpu.memory_space<vmem>>, vector<1x1x16xf32>,
          %get3A_236 = arith.constant 0 : i32
          %get3A_237 = arith.index_cast %get3A_236 : i32 to index
          %get3A_238 = arith.index_cast %scan3A_197 : i32 to index
          %get3A_239 = arith.constant 32 : index
          %get3A_240 = tpu.vector_load %arg7[%get3A_237, %get3A_238, %get3A_239] {strides = array<i32>} : memref<2x128x128xf32, #tpu.memory_space<vmem>>, vector<1x1x16xf32>,
          %get3A_241 = vector.shape_cast %get3A_240 : vector<1x1x16xf32> to vector<16xf32>
          %get3A_242 = arith.constant 0 : i32
          %get3A_243 = arith.index_cast %get3A_242 : i32 to index
          %get3A_244 = arith.index_cast %scan3A_197 : i32 to index
          %get3A_245 = arith.constant 32 : index
          %get3A_246 = tpu.vector_load %arg8[%get3A_243, %get3A_244, %get3A_245] {strides = array<i32>} : memref<2x128x128xf32, #tpu.memory_space<vmem>>, vector<1x1x16xf32>,
          %get3A_247 = vector.shape_cast %get3A_246 : vector<1x1x16xf32> to vector<16xf32>
          %add3A_248 = arith.addf %get3A_241, %get3A_247 : vector<16xf32>
          %swap3A_249 = arith.constant 0 : i32
          %swap3A_250 = arith.index_cast %swap3A_249 : i32 to index
          %swap3A_251 = arith.index_cast %scan3A_197 : i32 to index
          %swap3A_252 = arith.constant 32 : index
          %swap3A_253 = tpu.vector_load %arg7[%swap3A_250, %swap3A_251, %swap3A_252] {strides = array<i32>} : memref<2x128x128xf32, #tpu.memory_space<vmem>>, vector<1x1x16xf32>,
          %swap3A_254 = vector.shape_cast %swap3A_253 : vector<1x1x16xf32> to vector<16xf32>
          %swap3A_255 = vector.shape_cast %add3A_248 : vector<16xf32> to vector<1x1x16xf32>
          tpu.vector_store %arg7[%swap3A_250, %swap3A_251, %swap3A_252], %swap3A_255 {strides = array<i32>} : memref<2x128x128xf32, #tpu.memory_space<vmem>>, vector<1x1x16xf32>,
          %get3A_256 = arith.constant 0 : i32
          %get3A_257 = arith.index_cast %get3A_256 : i32 to index
          %get3A_258 = arith.index_cast %scan3A_197 : i32 to index
          %get3A_259 = arith.constant 48 : index
          %get3A_260 = tpu.vector_load %arg7[%get3A_257, %get3A_258, %get3A_259] {strides = array<i32>} : memref<2x128x128xf32, #tpu.memory_space<vmem>>, vector<1x1x16xf32>,
          %get3A_261 = vector.shape_cast %get3A_260 : vector<1x1x16xf32> to vector<16xf32>
          %get3A_262 = arith.constant 0 : i32
          %get3A_263 = arith.index_cast %get3A_262 : i32 to index
          %get3A_264 = arith.index_cast %scan3A_197 : i32 to index
          %get3A_265 = arith.constant 48 : index
          %get3A_266 = tpu.vector_load %arg8[%get3A_263, %get3A_264, %get3A_265] {strides = array<i32>} : memref<2x128x128xf32, #tpu.memory_space<vmem>>, vector<1x1x16xf32>,
          %get3A_267 = vector.shape_cast %get3A_266 : vector<1x1x16xf32> to vector<16xf32>
          %add3A_268 = arith.addf %get3A_261, %get3A_267 : vector<16xf32>
          %swap3A_269 = arith.constant 0 : i32
          %swap3A_270 = arith.index_cast %swap3A_269 : i32 to index
          %swap3A_271 = arith.index_cast %scan3A_197 : i32 to index
          %swap3A_272 = arith.constant 48 : index
          %swap3A_273 = tpu.vector_load %arg7[%swap3A_270, %swap3A_271, %swap3A_272] {strides = array<i32>} : memref<2x128x128xf32, #tpu.memory_space<vmem>>, vector<1x1x16xf32>,
          %swap3A_274 = vector.shape_cast %swap3A_273 : vector<1x1x16xf32> to vector<16xf32>
          %swap3A_275 = vector.shape_cast %add3A_268 : vector<16xf32> to vector<1x1x16xf32>
          tpu.vector_store %arg7[%swap3A_270, %swap3A_271, %swap3A_272], %swap3A_275 {strides = array<i32>} : memref<2x128x128xf32, #tpu.memory_space<vmem>>, vector<1x1x16xf32>,
          %get3A_276 = arith.constant 0 : i32
          %get3A_277 = arith.index_cast %get3A_276 : i32 to index
          %get3A_278 = arith.index_cast %scan3A_197 : i32 to index
          %get3A_279 = arith.constant 64 : index
          %get3A_280 = tpu.vector_load %arg7[%get3A_277, %get3A_278, %get3A_279] {strides = array<i32>} : memref<2x128x128xf32, #tpu.memory_space<vmem>>, vector<1x1x16xf32>,
          %get3A_281 = vector.shape_cast %get3A_280 : vector<1x1x16xf32> to vector<16xf32>
          %get3A_282 = arith.constant 0 : i32
          %get3A_283 = arith.index_cast %get3A_282 : i32 to index
          %get3A_284 = arith.index_cast %scan3A_197 : i32 to index
          %get3A_285 = arith.constant 64 : index
          %get3A_286 = tpu.vector_load %arg8[%get3A_283, %get3A_284, %get3A_285] {strides = array<i32>} : memref<2x128x128xf32, #tpu.memory_space<vmem>>, vector<1x1x16xf32>,
          %get3A_287 = vector.shape_cast %get3A_286 : vector<1x1x16xf32> to vector<16xf32>
          %add3A_288 = arith.addf %get3A_281, %get3A_287 : vector<16xf32>
          %swap3A_289 = arith.constant 0 : i32
          %swap3A_290 = arith.index_cast %swap3A_289 : i32 to index
          %swap3A_291 = arith.index_cast %scan3A_197 : i32 to index
          %swap3A_292 = arith.constant 64 : index
          %swap3A_293 = tpu.vector_load %arg7[%swap3A_290, %swap3A_291, %swap3A_292] {strides = array<i32>} : memref<2x128x128xf32, #tpu.memory_space<vmem>>, vector<1x1x16xf32>,
          %swap3A_294 = vector.shape_cast %swap3A_293 : vector<1x1x16xf32> to vector<16xf32>
          %swap3A_295 = vector.shape_cast %add3A_288 : vector<16xf32> to vector<1x1x16xf32>
          tpu.vector_store %arg7[%swap3A_290, %swap3A_291, %swap3A_292], %swap3A_295 {strides = array<i32>} : memref<2x128x128xf32, #tpu.memory_space<vmem>>, vector<1x1x16xf32>,
          %get3A_296 = arith.constant 0 : i32
          %get3A_297 = arith.index_cast %get3A_296 : i32 to index
          %get3A_298 = arith.index_cast %scan3A_197 : i32 to index
          %get3A_299 = arith.constant 80 : index
          %get3A_300 = tpu.vector_load %arg7[%get3A_297, %get3A_298, %get3A_299] {strides = array<i32>} : memref<2x128x128xf32, #tpu.memory_space<vmem>>, vector<1x1x16xf32>,
          %get3A_301 = vector.shape_cast %get3A_300 : vector<1x1x16xf32> to vector<16xf32>
          %get3A_302 = arith.constant 0 : i32
          %get3A_303 = arith.index_cast %get3A_302 : i32 to index
          %get3A_304 = arith.index_cast %scan3A_197 : i32 to index
          %get3A_305 = arith.constant 80 : index
          %get3A_306 = tpu.vector_load %arg8[%get3A_303, %get3A_304, %get3A_305] {strides = array<i32>} : memref<2x128x128xf32, #tpu.memory_space<vmem>>, vector<1x1x16xf32>,
          %get3A_307 = vector.shape_cast %get3A_306 : vector<1x1x16xf32> to vector<16xf32>
          %add3A_308 = arith.addf %get3A_301, %get3A_307 : vector<16xf32>
          %swap3A_309 = arith.constant 0 : i32
          %swap3A_310 = arith.index_cast %swap3A_309 : i32 to index
          %swap3A_311 = arith.index_cast %scan3A_197 : i32 to index
          %swap3A_312 = arith.constant 80 : index
          %swap3A_313 = tpu.vector_load %arg7[%swap3A_310, %swap3A_311, %swap3A_312] {strides = array<i32>} : memref<2x128x128xf32, #tpu.memory_space<vmem>>, vector<1x1x16xf32>,
          %swap3A_314 = vector.shape_cast %swap3A_313 : vector<1x1x16xf32> to vector<16xf32>
          %swap3A_315 = vector.shape_cast %add3A_308 : vector<16xf32> to vector<1x1x16xf32>
          tpu.vector_store %arg7[%swap3A_310, %swap3A_311, %swap3A_312], %swap3A_315 {strides = array<i32>} : memref<2x128x128xf32, #tpu.memory_space<vmem>>, vector<1x1x16xf32>,
          %get3A_316 = arith.constant 0 : i32
          %get3A_317 = arith.index_cast %get3A_316 : i32 to index
          %get3A_318 = arith.index_cast %scan3A_197 : i32 to index
          %get3A_319 = arith.constant 96 : index
          %get3A_320 = tpu.vector_load %arg7[%get3A_317, %get3A_318, %get3A_319] {strides = array<i32>} : memref<2x128x128xf32, #tpu.memory_space<vmem>>, vector<1x1x16xf32>,
          %get3A_321 = vector.shape_cast %get3A_320 : vector<1x1x16xf32> to vector<16xf32>
          %get3A_322 = arith.constant 0 : i32
          %get3A_323 = arith.index_cast %get3A_322 : i32 to index
          %get3A_324 = arith.index_cast %scan3A_197 : i32 to index
          %get3A_325 = arith.constant 96 : index
          %get3A_326 = tpu.vector_load %arg8[%get3A_323, %get3A_324, %get3A_325] {strides = array<i32>} : memref<2x128x128xf32, #tpu.memory_space<vmem>>, vector<1x1x16xf32>,
          %get3A_327 = vector.shape_cast %get3A_326 : vector<1x1x16xf32> to vector<16xf32>
          %add3A_328 = arith.addf %get3A_321, %get3A_327 : vector<16xf32>
          %swap3A_329 = arith.constant 0 : i32
          %swap3A_330 = arith.index_cast %swap3A_329 : i32 to index
          %swap3A_331 = arith.index_cast %scan3A_197 : i32 to index
          %swap3A_332 = arith.constant 96 : index
          %swap3A_333 = tpu.vector_load %arg7[%swap3A_330, %swap3A_331, %swap3A_332] {strides = array<i32>} : memref<2x128x128xf32, #tpu.memory_space<vmem>>, vector<1x1x16xf32>,
          %swap3A_334 = vector.shape_cast %swap3A_333 : vector<1x1x16xf32> to vector<16xf32>
          %swap3A_335 = vector.shape_cast %add3A_328 : vector<16xf32> to vector<1x1x16xf32>
          tpu.vector_store %arg7[%swap3A_330, %swap3A_331, %swap3A_332], %swap3A_335 {strides = array<i32>} : memref<2x128x128xf32, #tpu.memory_space<vmem>>, vector<1x1x16xf32>,
          %get3A_336 = arith.constant 0 : i32
          %get3A_337 = arith.index_cast %get3A_336 : i32 to index
          %get3A_338 = arith.index_cast %scan3A_197 : i32 to index
          %get3A_339 = arith.constant 112 : index
          %get3A_340 = tpu.vector_load %arg7[%get3A_337, %get3A_338, %get3A_339] {strides = array<i32>} : memref<2x128x128xf32, #tpu.memory_space<vmem>>, vector<1x1x16xf32>,
          %get3A_341 = vector.shape_cast %get3A_340 : vector<1x1x16xf32> to vector<16xf32>
          %get3A_342 = arith.constant 0 : i32
          %get3A_343 = arith.index_cast %get3A_342 : i32 to index
          %get3A_344 = arith.index_cast %scan3A_197 : i32 to index
          %get3A_345 = arith.constant 112 : index
          %get3A_346 = tpu.vector_load %arg8[%get3A_343, %get3A_344, %get3A_345] {strides = array<i32>} : memref<2x128x128xf32, #tpu.memory_space<vmem>>, vector<1x1x16xf32>,
          %get3A_347 = vector.shape_cast %get3A_346 : vector<1x1x16xf32> to vector<16xf32>
          %add3A_348 = arith.addf %get3A_341, %get3A_347 : vector<16xf32>
          %swap3A_349 = arith.constant 0 : i32
          %swap3A_350 = arith.index_cast %swap3A_349 : i32 to index
          %swap3A_351 = arith.index_cast %scan3A_197 : i32 to index
          %swap3A_352 = arith.constant 112 : index
          %swap3A_353 = tpu.vector_load %arg7[%swap3A_350, %swap3A_351, %swap3A_352] {strides = array<i32>} : memref<2x128x128xf32, #tpu.memory_space<vmem>>, vector<1x1x16xf32>,
          %swap3A_354 = vector.shape_cast %swap3A_353 : vector<1x1x16xf32> to vector<16xf32>
          %swap3A_355 = vector.shape_cast %add3A_348 : vector<16xf32> to vector<1x1x16xf32>
          tpu.vector_store %arg7[%swap3A_350, %swap3A_351, %swap3A_352], %swap3A_355 {strides = array<i32>} : memref<2x128x128xf32, #tpu.memory_space<vmem>>, vector<1x1x16xf32>,
        }
        %scan3A_183 = arith.constant 128 : i32
        %dma_start3A_184 = arith.constant 0 : i32
        %dma_start3A_185 = arith.constant 0 : i32
        %dma_start3A_186 = arith.constant 0 : i32
        %dma_start3A_187 = tpu.memref_slice %arg7[%dma_start3A_184, %dma_start3A_185, %dma_start3A_186] : memref<2x128x128xf32, #tpu.memory_space<vmem>> -> memref<1x128x128xf32, #tpu.memory_space<vmem>>
        %dma_start3A_188 = tpu.memref_squeeze %dma_start3A_187 : memref<1x128x128xf32, #tpu.memory_space<vmem>> -> memref<128x128xf32, #tpu.memory_space<vmem>>
        %dma_start3A_189 = arith.constant 0 : i32
        %dma_start3A_190 = tpu.memref_slice %arg5[%multiple_of3A_147, %dma_start3A_189] : memref<160000x128xf32, #tpu.memory_space<hbm>> -> memref<128x128xf32, #tpu.memory_space<hbm>>
        %dma_start3A_191 = arith.constant 0 : i32
        %dma_start3A_192 = tpu.memref_slice %arg5[%multiple_of3A_147, %dma_start3A_191] : memref<160000x128xf32, #tpu.memory_space<hbm>> -> memref<128x128xf32, #tpu.memory_space<hbm>>
        %dma_start3A_193 = arith.constant 0 : i32
        %dma_start3A_194 = arith.constant 0 : i32
        %dma_start3A_195 = tpu.memref_slice %arg7[%dma_start3A_184, %dma_start3A_193, %dma_start3A_194] : memref<2x128x128xf32, #tpu.memory_space<vmem>> -> memref<1x128x128xf32, #tpu.memory_space<vmem>>
        %dma_start3A_196 = tpu.memref_squeeze %dma_start3A_195 : memref<1x128x128xf32, #tpu.memory_space<vmem>> -> memref<128x128xf32, #tpu.memory_space<vmem>>
        tpu.enqueue_dma source(%dma_start3A_196 : memref<128x128xf32, #tpu.memory_space<vmem>>) target(%dma_start3A_192 : memref<128x128xf32, #tpu.memory_space<hbm>>) target_semaphore(%arg13 : memref<!tpu.dma_semaphore, #tpu.memory_space<semaphore_mem>>)
      } else {
      }
      %add3A_122 = arith.constant 2 : i32
      %add3A_123 = arith.addi %add3A_120, %add3A_122 : i32
      %lt3A_124 = arith.cmpi slt, %add3A_123, %add3A_20 : i32
      %convert_element_type3A_125 = arith.extui %lt3A_124 : i1 to i32
      %cond3A_126 = arith.constant 0 : i32
      %cond3A_127 = arith.cmpi ne, %convert_element_type3A_125, %cond3A_126 : i32
      scf.if %cond3A_127 {
        %dma_wait3A_142 = arith.constant 0 : i32
        %dma_wait3A_143 = arith.constant 0 : i32
        %dma_wait3A_144 = arith.constant 0 : i32
        %dma_wait3A_145 = tpu.memref_slice %arg7[%dma_wait3A_142, %dma_wait3A_143, %dma_wait3A_144] : memref<2x128x128xf32, #tpu.memory_space<vmem>> -> memref<1x128x128xf32, #tpu.memory_space<vmem>>
        %dma_wait3A_146 = tpu.memref_squeeze %dma_wait3A_145 : memref<1x128x128xf32, #tpu.memory_space<vmem>> -> memref<128x128xf32, #tpu.memory_space<vmem>>
        %dma_wait3A_147 = arith.constant 0 : i32
        %dma_wait3A_148 = arith.constant 0 : i32
        %dma_wait3A_149 = tpu.memref_slice %arg5[%dma_wait3A_147, %dma_wait3A_148] : memref<160000x128xf32, #tpu.memory_space<hbm>> -> memref<128x128xf32, #tpu.memory_space<hbm>>
        %dma_wait3A_150 = arith.constant 0 : i32
        %dma_wait3A_151 = arith.constant 0 : i32
        %dma_wait3A_152 = tpu.memref_slice %arg7[%dma_wait3A_142, %dma_wait3A_150, %dma_wait3A_151] : memref<2x128x128xf32, #tpu.memory_space<vmem>> -> memref<1x128x128xf32, #tpu.memory_space<vmem>>
        %dma_wait3A_153 = tpu.memref_squeeze %dma_wait3A_152 : memref<1x128x128xf32, #tpu.memory_space<vmem>> -> memref<128x128xf32, #tpu.memory_space<vmem>>
        %dma_wait3A_154 = arith.constant 0 : i32
        %dma_wait3A_155 = arith.constant 0 : i32
        %dma_wait3A_156 = tpu.memref_slice %arg5[%dma_wait3A_154, %dma_wait3A_155] : memref<160000x128xf32, #tpu.memory_space<hbm>> -> memref<128x128xf32, #tpu.memory_space<hbm>>
        tpu.wait_dma2 semaphore(%arg13 : memref<!tpu.dma_semaphore, #tpu.memory_space<semaphore_mem>>) src(%dma_wait3A_156 : memref<128x128xf32, #tpu.memory_space<hbm>>) dst(%dma_wait3A_153 : memref<128x128xf32, #tpu.memory_space<vmem>>)
        %mul3A_157 = arith.constant 32 : i32
        %mul3A_158 = arith.muli %add3A_123, %mul3A_157 : i32
        %add3A_159 = arith.addi %mul3A_158, %add3A : i32
        %mul3A_160 = arith.constant 128 : i32
        %mul3A_161 = arith.muli %add3A_159, %mul3A_160 : i32
        %multiple_of3A_162 = tpu.assume_multiple %mul3A_161, 128 : i32
        %run_scoped3A_163 = arith.constant 0 : i32
        "tpu.region"() ({
          %run_scoped3A_190 = tpu.sem_alloc : memref<!tpu.dma_semaphore, #tpu.memory_space<semaphore_mem>>
          %dma_start3A_191 = arith.constant 0 : i32
          %dma_start3A_192 = arith.constant 0 : i32
          %dma_start3A_193 = tpu.memref_slice %arg6[%run_scoped3A_163, %dma_start3A_191, %dma_start3A_192] : memref<2x2x128xi32, #tpu.memory_space<vmem>> -> memref<1x2x128xi32, #tpu.memory_space<vmem>>
          %dma_start3A_194 = tpu.memref_squeeze %dma_start3A_193 : memref<1x2x128xi32, #tpu.memory_space<vmem>> -> memref<2x128xi32, #tpu.memory_space<vmem>>
          %dma_start3A_195 = arith.constant 0 : i32
          %dma_start3A_196 = tpu.memref_slice %arg4[%dma_start3A_195, %multiple_of3A_162] : memref<2x160000xi32, #tpu.memory_space<hbm>> -> memref<2x128xi32, #tpu.memory_space<hbm>>
          %dma_start3A_197 = arith.constant 0 : i32
          %dma_start3A_198 = arith.constant 0 : i32
          %dma_start3A_199 = tpu.memref_slice %arg6[%run_scoped3A_163, %dma_start3A_197, %dma_start3A_198] : memref<2x2x128xi32, #tpu.memory_space<vmem>> -> memref<1x2x128xi32, #tpu.memory_space<vmem>>
          %dma_start3A_200 = tpu.memref_squeeze %dma_start3A_199 : memref<1x2x128xi32, #tpu.memory_space<vmem>> -> memref<2x128xi32, #tpu.memory_space<vmem>>
          %dma_start3A_201 = arith.constant 0 : i32
          %dma_start3A_202 = tpu.memref_slice %arg4[%dma_start3A_201, %multiple_of3A_162] : memref<2x160000xi32, #tpu.memory_space<hbm>> -> memref<2x128xi32, #tpu.memory_space<hbm>>
          tpu.enqueue_dma source(%dma_start3A_202 : memref<2x128xi32, #tpu.memory_space<hbm>>) target(%dma_start3A_200 : memref<2x128xi32, #tpu.memory_space<vmem>>) target_semaphore(%run_scoped3A_190 : memref<!tpu.dma_semaphore, #tpu.memory_space<semaphore_mem>>)
          %dma_wait3A_203 = arith.constant 0 : i32
          %dma_wait3A_204 = arith.constant 0 : i32
          %dma_wait3A_205 = tpu.memref_slice %arg6[%run_scoped3A_163, %dma_wait3A_203, %dma_wait3A_204] : memref<2x2x128xi32, #tpu.memory_space<vmem>> -> memref<1x2x128xi32, #tpu.memory_space<vmem>>
          %dma_wait3A_206 = tpu.memref_squeeze %dma_wait3A_205 : memref<1x2x128xi32, #tpu.memory_space<vmem>> -> memref<2x128xi32, #tpu.memory_space<vmem>>
          %dma_wait3A_207 = arith.constant 0 : i32
          %dma_wait3A_208 = tpu.memref_slice %arg4[%dma_wait3A_207, %multiple_of3A_162] : memref<2x160000xi32, #tpu.memory_space<hbm>> -> memref<2x128xi32, #tpu.memory_space<hbm>>
          %dma_wait3A_209 = arith.constant 0 : i32
          %dma_wait3A_210 = arith.constant 0 : i32
          %dma_wait3A_211 = tpu.memref_slice %arg6[%run_scoped3A_163, %dma_wait3A_209, %dma_wait3A_210] : memref<2x2x128xi32, #tpu.memory_space<vmem>> -> memref<1x2x128xi32, #tpu.memory_space<vmem>>
          %dma_wait3A_212 = tpu.memref_squeeze %dma_wait3A_211 : memref<1x2x128xi32, #tpu.memory_space<vmem>> -> memref<2x128xi32, #tpu.memory_space<vmem>>
          %dma_wait3A_213 = arith.constant 0 : i32
          %dma_wait3A_214 = tpu.memref_slice %arg4[%dma_wait3A_213, %multiple_of3A_162] : memref<2x160000xi32, #tpu.memory_space<hbm>> -> memref<2x128xi32, #tpu.memory_space<hbm>>
          tpu.wait_dma2 semaphore(%run_scoped3A_190 : memref<!tpu.dma_semaphore, #tpu.memory_space<semaphore_mem>>) src(%dma_wait3A_214 : memref<2x128xi32, #tpu.memory_space<hbm>>) dst(%dma_wait3A_212 : memref<2x128xi32, #tpu.memory_space<vmem>>)
          tpu.yield
        }) : () -> ()
        %dma_start3A_164 = arith.constant 0 : i32
        %dma_start3A_165 = arith.constant 0 : i32
        %dma_start3A_166 = arith.constant 0 : i32
        %dma_start3A_167 = arith.constant 0 : i32
        %dma_start3A_168 = arith.constant 0 : i32
        %dma_start3A_169 = tpu.memref_slice %arg7[%dma_start3A_166, %dma_start3A_167, %dma_start3A_168] : memref<2x128x128xf32, #tpu.memory_space<vmem>> -> memref<1x128x128xf32, #tpu.memory_space<vmem>>
        %dma_start3A_170 = tpu.memref_squeeze %dma_start3A_169 : memref<1x128x128xf32, #tpu.memory_space<vmem>> -> memref<128x128xf32, #tpu.memory_space<vmem>>
        %dma_start3A_171 = arith.constant 0 : i32
        %dma_start3A_172 = tpu.memref_slice %arg6[%dma_start3A_164, %dma_start3A_165, %dma_start3A_171] : memref<2x2x128xi32, #tpu.memory_space<vmem>> -> memref<1x1x128xi32, #tpu.memory_space<vmem>>
        %dma_start3A_173 = tpu.memref_squeeze %dma_start3A_172 : memref<1x1x128xi32, #tpu.memory_space<vmem>> -> memref<128xi32, #tpu.memory_space<vmem>>
        %dma_start3A_174 = arith.constant 0 : i32
        %dma_start3A_175 = arith.constant 0 : i32
        %dma_start3A_176 = tpu.memref_slice %arg2[%dma_start3A_174, %dma_start3A_175] : memref<10000x128xf32, #tpu.memory_space<hbm>> -> memref<10000x128xf32, #tpu.memory_space<hbm>>
        tpu.enqueue_indirect_dma source(%dma_start3A_176 : memref<10000x128xf32, #tpu.memory_space<hbm>>) target(%dma_start3A_170 : memref<128x128xf32, #tpu.memory_space<vmem>>) offsets(%dma_start3A_173 : memref<128xi32, #tpu.memory_space<vmem>>) semaphore(%arg9 : memref<!tpu.dma_semaphore, #tpu.memory_space<semaphore_mem>>)
        %dma_start3A_177 = arith.constant 0 : i32
        %dma_start3A_178 = arith.constant 1 : i32
        %dma_start3A_179 = arith.constant 0 : i32
        %dma_start3A_180 = arith.constant 0 : i32
        %dma_start3A_181 = arith.constant 0 : i32
        %dma_start3A_182 = tpu.memref_slice %arg8[%dma_start3A_179, %dma_start3A_180, %dma_start3A_181] : memref<2x128x128xf32, #tpu.memory_space<vmem>> -> memref<1x128x128xf32, #tpu.memory_space<vmem>>
        %dma_start3A_183 = tpu.memref_squeeze %dma_start3A_182 : memref<1x128x128xf32, #tpu.memory_space<vmem>> -> memref<128x128xf32, #tpu.memory_space<vmem>>
        %dma_start3A_184 = arith.constant 0 : i32
        %dma_start3A_185 = tpu.memref_slice %arg6[%dma_start3A_177, %dma_start3A_178, %dma_start3A_184] : memref<2x2x128xi32, #tpu.memory_space<vmem>> -> memref<1x1x128xi32, #tpu.memory_space<vmem>>
        %dma_start3A_186 = tpu.memref_squeeze %dma_start3A_185 : memref<1x1x128xi32, #tpu.memory_space<vmem>> -> memref<128xi32, #tpu.memory_space<vmem>>
        %dma_start3A_187 = arith.constant 0 : i32
        %dma_start3A_188 = arith.constant 0 : i32
        %dma_start3A_189 = tpu.memref_slice %arg3[%dma_start3A_187, %dma_start3A_188] : memref<10000x128xf32, #tpu.memory_space<hbm>> -> memref<10000x128xf32, #tpu.memory_space<hbm>>
        tpu.enqueue_indirect_dma source(%dma_start3A_189 : memref<10000x128xf32, #tpu.memory_space<hbm>>) target(%dma_start3A_183 : memref<128x128xf32, #tpu.memory_space<vmem>>) offsets(%dma_start3A_186 : memref<128xi32, #tpu.memory_space<vmem>>) semaphore(%arg11 : memref<!tpu.dma_semaphore, #tpu.memory_space<semaphore_mem>>)
      } else {
      }
      %mul3A_128 = arith.constant 2 : i32
      %mul3A_129 = arith.muli %mul3A_128, %scan3A_116 : i32
      %add3A_130 = arith.constant 1 : i32
      %add3A_131 = arith.addi %mul3A_129, %add3A_130 : i32
      %lt3A_132 = arith.cmpi slt, %add3A_131, %add3A_20 : i32
      %convert_element_type3A_133 = arith.extui %lt3A_132 : i1 to i32
      %cond3A_134 = arith.constant 0 : i32
      %cond3A_135 = arith.cmpi ne, %convert_element_type3A_133, %cond3A_134 : i32
      scf.if %cond3A_135 {
        %mul3A_142 = arith.constant 32 : i32
        %mul3A_143 = arith.muli %add3A_131, %mul3A_142 : i32
        %add3A_144 = arith.addi %mul3A_143, %add3A : i32
        %mul3A_145 = arith.constant 128 : i32
        %mul3A_146 = arith.muli %add3A_144, %mul3A_145 : i32
        %multiple_of3A_147 = tpu.assume_multiple %mul3A_146, 128 : i32
        %dma_wait3A_148 = arith.constant 1 : i32
        %dma_wait3A_149 = arith.constant 0 : i32
        %dma_wait3A_150 = arith.constant 0 : i32
        %dma_wait3A_151 = tpu.memref_slice %arg7[%dma_wait3A_148, %dma_wait3A_149, %dma_wait3A_150] : memref<2x128x128xf32, #tpu.memory_space<vmem>> -> memref<1x128x128xf32, #tpu.memory_space<vmem>>
        %dma_wait3A_152 = tpu.memref_squeeze %dma_wait3A_151 : memref<1x128x128xf32, #tpu.memory_space<vmem>> -> memref<128x128xf32, #tpu.memory_space<vmem>>
        %dma_wait3A_153 = arith.constant 0 : i32
        %dma_wait3A_154 = arith.constant 0 : i32
        %dma_wait3A_155 = tpu.memref_slice %arg5[%dma_wait3A_153, %dma_wait3A_154] : memref<160000x128xf32, #tpu.memory_space<hbm>> -> memref<128x128xf32, #tpu.memory_space<hbm>>
        %dma_wait3A_156 = arith.constant 0 : i32
        %dma_wait3A_157 = arith.constant 0 : i32
        %dma_wait3A_158 = tpu.memref_slice %arg7[%dma_wait3A_148, %dma_wait3A_156, %dma_wait3A_157] : memref<2x128x128xf32, #tpu.memory_space<vmem>> -> memref<1x128x128xf32, #tpu.memory_space<vmem>>
        %dma_wait3A_159 = tpu.memref_squeeze %dma_wait3A_158 : memref<1x128x128xf32, #tpu.memory_space<vmem>> -> memref<128x128xf32, #tpu.memory_space<vmem>>
        %dma_wait3A_160 = arith.constant 0 : i32
        %dma_wait3A_161 = arith.constant 0 : i32
        %dma_wait3A_162 = tpu.memref_slice %arg5[%dma_wait3A_160, %dma_wait3A_161] : memref<160000x128xf32, #tpu.memory_space<hbm>> -> memref<128x128xf32, #tpu.memory_space<hbm>>
        tpu.wait_dma2 semaphore(%arg10 : memref<!tpu.dma_semaphore, #tpu.memory_space<semaphore_mem>>) src(%dma_wait3A_162 : memref<128x128xf32, #tpu.memory_space<hbm>>) dst(%dma_wait3A_159 : memref<128x128xf32, #tpu.memory_space<vmem>>)
        %dma_wait3A_163 = arith.constant 1 : i32
        %dma_wait3A_164 = arith.constant 0 : i32
        %dma_wait3A_165 = arith.constant 0 : i32
        %dma_wait3A_166 = tpu.memref_slice %arg8[%dma_wait3A_163, %dma_wait3A_164, %dma_wait3A_165] : memref<2x128x128xf32, #tpu.memory_space<vmem>> -> memref<1x128x128xf32, #tpu.memory_space<vmem>>
        %dma_wait3A_167 = tpu.memref_squeeze %dma_wait3A_166 : memref<1x128x128xf32, #tpu.memory_space<vmem>> -> memref<128x128xf32, #tpu.memory_space<vmem>>
        %dma_wait3A_168 = arith.constant 0 : i32
        %dma_wait3A_169 = arith.constant 0 : i32
        %dma_wait3A_170 = tpu.memref_slice %arg5[%dma_wait3A_168, %dma_wait3A_169] : memref<160000x128xf32, #tpu.memory_space<hbm>> -> memref<128x128xf32, #tpu.memory_space<hbm>>
        %dma_wait3A_171 = arith.constant 0 : i32
        %dma_wait3A_172 = arith.constant 0 : i32
        %dma_wait3A_173 = tpu.memref_slice %arg8[%dma_wait3A_163, %dma_wait3A_171, %dma_wait3A_172] : memref<2x128x128xf32, #tpu.memory_space<vmem>> -> memref<1x128x128xf32, #tpu.memory_space<vmem>>
        %dma_wait3A_174 = tpu.memref_squeeze %dma_wait3A_173 : memref<1x128x128xf32, #tpu.memory_space<vmem>> -> memref<128x128xf32, #tpu.memory_space<vmem>>
        %dma_wait3A_175 = arith.constant 0 : i32
        %dma_wait3A_176 = arith.constant 0 : i32
        %dma_wait3A_177 = tpu.memref_slice %arg5[%dma_wait3A_175, %dma_wait3A_176] : memref<160000x128xf32, #tpu.memory_space<hbm>> -> memref<128x128xf32, #tpu.memory_space<hbm>>
        tpu.wait_dma2 semaphore(%arg12 : memref<!tpu.dma_semaphore, #tpu.memory_space<semaphore_mem>>) src(%dma_wait3A_177 : memref<128x128xf32, #tpu.memory_space<hbm>>) dst(%dma_wait3A_174 : memref<128x128xf32, #tpu.memory_space<vmem>>)
        %scan3A_178 = arith.constant 0 : i32
        %scan3A_179 = arith.constant 0 : i32
        %scan3A_180 = arith.constant 128 : i32
        %scan3A_181 = arith.addi %scan3A_179, %scan3A_180 : i32
        %scan3A_182 = arith.constant 1 : i32
        scf.for %scan3A_197 = %scan3A_179 to %scan3A_181 step %scan3A_182  : i32 {
          %get3A = arith.constant 1 : i32
          %get3A_198 = arith.index_cast %get3A : i32 to index
          %get3A_199 = arith.index_cast %scan3A_197 : i32 to index
          %get3A_200 = arith.constant 0 : index
          %get3A_201 = tpu.vector_load %arg7[%get3A_198, %get3A_199, %get3A_200] {strides = array<i32>} : memref<2x128x128xf32, #tpu.memory_space<vmem>>, vector<1x1x16xf32>,
          %get3A_202 = vector.shape_cast %get3A_201 : vector<1x1x16xf32> to vector<16xf32>
          %get3A_203 = arith.constant 1 : i32
          %get3A_204 = arith.index_cast %get3A_203 : i32 to index
          %get3A_205 = arith.index_cast %scan3A_197 : i32 to index
          %get3A_206 = arith.constant 0 : index
          %get3A_207 = tpu.vector_load %arg8[%get3A_204, %get3A_205, %get3A_206] {strides = array<i32>} : memref<2x128x128xf32, #tpu.memory_space<vmem>>, vector<1x1x16xf32>,
          %get3A_208 = vector.shape_cast %get3A_207 : vector<1x1x16xf32> to vector<16xf32>
          %add3A_209 = arith.addf %get3A_202, %get3A_208 : vector<16xf32>
          %swap3A = arith.constant 1 : i32
          %swap3A_210 = arith.index_cast %swap3A : i32 to index
          %swap3A_211 = arith.index_cast %scan3A_197 : i32 to index
          %swap3A_212 = arith.constant 0 : index
          %swap3A_213 = tpu.vector_load %arg7[%swap3A_210, %swap3A_211, %swap3A_212] {strides = array<i32>} : memref<2x128x128xf32, #tpu.memory_space<vmem>>, vector<1x1x16xf32>,
          %swap3A_214 = vector.shape_cast %swap3A_213 : vector<1x1x16xf32> to vector<16xf32>
          %swap3A_215 = vector.shape_cast %add3A_209 : vector<16xf32> to vector<1x1x16xf32>
          tpu.vector_store %arg7[%swap3A_210, %swap3A_211, %swap3A_212], %swap3A_215 {strides = array<i32>} : memref<2x128x128xf32, #tpu.memory_space<vmem>>, vector<1x1x16xf32>,
          %get3A_216 = arith.constant 1 : i32
          %get3A_217 = arith.index_cast %get3A_216 : i32 to index
          %get3A_218 = arith.index_cast %scan3A_197 : i32 to index
          %get3A_219 = arith.constant 16 : index
          %get3A_220 = tpu.vector_load %arg7[%get3A_217, %get3A_218, %get3A_219] {strides = array<i32>} : memref<2x128x128xf32, #tpu.memory_space<vmem>>, vector<1x1x16xf32>,
          %get3A_221 = vector.shape_cast %get3A_220 : vector<1x1x16xf32> to vector<16xf32>
          %get3A_222 = arith.constant 1 : i32
          %get3A_223 = arith.index_cast %get3A_222 : i32 to index
          %get3A_224 = arith.index_cast %scan3A_197 : i32 to index
          %get3A_225 = arith.constant 16 : index
          %get3A_226 = tpu.vector_load %arg8[%get3A_223, %get3A_224, %get3A_225] {strides = array<i32>} : memref<2x128x128xf32, #tpu.memory_space<vmem>>, vector<1x1x16xf32>,
          %get3A_227 = vector.shape_cast %get3A_226 : vector<1x1x16xf32> to vector<16xf32>
          %add3A_228 = arith.addf %get3A_221, %get3A_227 : vector<16xf32>
          %swap3A_229 = arith.constant 1 : i32
          %swap3A_230 = arith.index_cast %swap3A_229 : i32 to index
          %swap3A_231 = arith.index_cast %scan3A_197 : i32 to index
          %swap3A_232 = arith.constant 16 : index
          %swap3A_233 = tpu.vector_load %arg7[%swap3A_230, %swap3A_231, %swap3A_232] {strides = array<i32>} : memref<2x128x128xf32, #tpu.memory_space<vmem>>, vector<1x1x16xf32>,
          %swap3A_234 = vector.shape_cast %swap3A_233 : vector<1x1x16xf32> to vector<16xf32>
          %swap3A_235 = vector.shape_cast %add3A_228 : vector<16xf32> to vector<1x1x16xf32>
          tpu.vector_store %arg7[%swap3A_230, %swap3A_231, %swap3A_232], %swap3A_235 {strides = array<i32>} : memref<2x128x128xf32, #tpu.memory_space<vmem>>, vector<1x1x16xf32>,
          %get3A_236 = arith.constant 1 : i32
          %get3A_237 = arith.index_cast %get3A_236 : i32 to index
          %get3A_238 = arith.index_cast %scan3A_197 : i32 to index
          %get3A_239 = arith.constant 32 : index
          %get3A_240 = tpu.vector_load %arg7[%get3A_237, %get3A_238, %get3A_239] {strides = array<i32>} : memref<2x128x128xf32, #tpu.memory_space<vmem>>, vector<1x1x16xf32>,
          %get3A_241 = vector.shape_cast %get3A_240 : vector<1x1x16xf32> to vector<16xf32>
          %get3A_242 = arith.constant 1 : i32
          %get3A_243 = arith.index_cast %get3A_242 : i32 to index
          %get3A_244 = arith.index_cast %scan3A_197 : i32 to index
          %get3A_245 = arith.constant 32 : index
          %get3A_246 = tpu.vector_load %arg8[%get3A_243, %get3A_244, %get3A_245] {strides = array<i32>} : memref<2x128x128xf32, #tpu.memory_space<vmem>>, vector<1x1x16xf32>,
          %get3A_247 = vector.shape_cast %get3A_246 : vector<1x1x16xf32> to vector<16xf32>
          %add3A_248 = arith.addf %get3A_241, %get3A_247 : vector<16xf32>
          %swap3A_249 = arith.constant 1 : i32
          %swap3A_250 = arith.index_cast %swap3A_249 : i32 to index
          %swap3A_251 = arith.index_cast %scan3A_197 : i32 to index
          %swap3A_252 = arith.constant 32 : index
          %swap3A_253 = tpu.vector_load %arg7[%swap3A_250, %swap3A_251, %swap3A_252] {strides = array<i32>} : memref<2x128x128xf32, #tpu.memory_space<vmem>>, vector<1x1x16xf32>,
          %swap3A_254 = vector.shape_cast %swap3A_253 : vector<1x1x16xf32> to vector<16xf32>
          %swap3A_255 = vector.shape_cast %add3A_248 : vector<16xf32> to vector<1x1x16xf32>
          tpu.vector_store %arg7[%swap3A_250, %swap3A_251, %swap3A_252], %swap3A_255 {strides = array<i32>} : memref<2x128x128xf32, #tpu.memory_space<vmem>>, vector<1x1x16xf32>,
          %get3A_256 = arith.constant 1 : i32
          %get3A_257 = arith.index_cast %get3A_256 : i32 to index
          %get3A_258 = arith.index_cast %scan3A_197 : i32 to index
          %get3A_259 = arith.constant 48 : index
          %get3A_260 = tpu.vector_load %arg7[%get3A_257, %get3A_258, %get3A_259] {strides = array<i32>} : memref<2x128x128xf32, #tpu.memory_space<vmem>>, vector<1x1x16xf32>,
          %get3A_261 = vector.shape_cast %get3A_260 : vector<1x1x16xf32> to vector<16xf32>
          %get3A_262 = arith.constant 1 : i32
          %get3A_263 = arith.index_cast %get3A_262 : i32 to index
          %get3A_264 = arith.index_cast %scan3A_197 : i32 to index
          %get3A_265 = arith.constant 48 : index
          %get3A_266 = tpu.vector_load %arg8[%get3A_263, %get3A_264, %get3A_265] {strides = array<i32>} : memref<2x128x128xf32, #tpu.memory_space<vmem>>, vector<1x1x16xf32>,
          %get3A_267 = vector.shape_cast %get3A_266 : vector<1x1x16xf32> to vector<16xf32>
          %add3A_268 = arith.addf %get3A_261, %get3A_267 : vector<16xf32>
          %swap3A_269 = arith.constant 1 : i32
          %swap3A_270 = arith.index_cast %swap3A_269 : i32 to index
          %swap3A_271 = arith.index_cast %scan3A_197 : i32 to index
          %swap3A_272 = arith.constant 48 : index
          %swap3A_273 = tpu.vector_load %arg7[%swap3A_270, %swap3A_271, %swap3A_272] {strides = array<i32>} : memref<2x128x128xf32, #tpu.memory_space<vmem>>, vector<1x1x16xf32>,
          %swap3A_274 = vector.shape_cast %swap3A_273 : vector<1x1x16xf32> to vector<16xf32>
          %swap3A_275 = vector.shape_cast %add3A_268 : vector<16xf32> to vector<1x1x16xf32>
          tpu.vector_store %arg7[%swap3A_270, %swap3A_271, %swap3A_272], %swap3A_275 {strides = array<i32>} : memref<2x128x128xf32, #tpu.memory_space<vmem>>, vector<1x1x16xf32>,
          %get3A_276 = arith.constant 1 : i32
          %get3A_277 = arith.index_cast %get3A_276 : i32 to index
          %get3A_278 = arith.index_cast %scan3A_197 : i32 to index
          %get3A_279 = arith.constant 64 : index
          %get3A_280 = tpu.vector_load %arg7[%get3A_277, %get3A_278, %get3A_279] {strides = array<i32>} : memref<2x128x128xf32, #tpu.memory_space<vmem>>, vector<1x1x16xf32>,
          %get3A_281 = vector.shape_cast %get3A_280 : vector<1x1x16xf32> to vector<16xf32>
          %get3A_282 = arith.constant 1 : i32
          %get3A_283 = arith.index_cast %get3A_282 : i32 to index
          %get3A_284 = arith.index_cast %scan3A_197 : i32 to index
          %get3A_285 = arith.constant 64 : index
          %get3A_286 = tpu.vector_load %arg8[%get3A_283, %get3A_284, %get3A_285] {strides = array<i32>} : memref<2x128x128xf32, #tpu.memory_space<vmem>>, vector<1x1x16xf32>,
          %get3A_287 = vector.shape_cast %get3A_286 : vector<1x1x16xf32> to vector<16xf32>
          %add3A_288 = arith.addf %get3A_281, %get3A_287 : vector<16xf32>
          %swap3A_289 = arith.constant 1 : i32
          %swap3A_290 = arith.index_cast %swap3A_289 : i32 to index
          %swap3A_291 = arith.index_cast %scan3A_197 : i32 to index
          %swap3A_292 = arith.constant 64 : index
          %swap3A_293 = tpu.vector_load %arg7[%swap3A_290, %swap3A_291, %swap3A_292] {strides = array<i32>} : memref<2x128x128xf32, #tpu.memory_space<vmem>>, vector<1x1x16xf32>,
          %swap3A_294 = vector.shape_cast %swap3A_293 : vector<1x1x16xf32> to vector<16xf32>
          %swap3A_295 = vector.shape_cast %add3A_288 : vector<16xf32> to vector<1x1x16xf32>
          tpu.vector_store %arg7[%swap3A_290, %swap3A_291, %swap3A_292], %swap3A_295 {strides = array<i32>} : memref<2x128x128xf32, #tpu.memory_space<vmem>>, vector<1x1x16xf32>,
          %get3A_296 = arith.constant 1 : i32
          %get3A_297 = arith.index_cast %get3A_296 : i32 to index
          %get3A_298 = arith.index_cast %scan3A_197 : i32 to index
          %get3A_299 = arith.constant 80 : index
          %get3A_300 = tpu.vector_load %arg7[%get3A_297, %get3A_298, %get3A_299] {strides = array<i32>} : memref<2x128x128xf32, #tpu.memory_space<vmem>>, vector<1x1x16xf32>,
          %get3A_301 = vector.shape_cast %get3A_300 : vector<1x1x16xf32> to vector<16xf32>
          %get3A_302 = arith.constant 1 : i32
          %get3A_303 = arith.index_cast %get3A_302 : i32 to index
          %get3A_304 = arith.index_cast %scan3A_197 : i32 to index
          %get3A_305 = arith.constant 80 : index
          %get3A_306 = tpu.vector_load %arg8[%get3A_303, %get3A_304, %get3A_305] {strides = array<i32>} : memref<2x128x128xf32, #tpu.memory_space<vmem>>, vector<1x1x16xf32>,
          %get3A_307 = vector.shape_cast %get3A_306 : vector<1x1x16xf32> to vector<16xf32>
          %add3A_308 = arith.addf %get3A_301, %get3A_307 : vector<16xf32>
          %swap3A_309 = arith.constant 1 : i32
          %swap3A_310 = arith.index_cast %swap3A_309 : i32 to index
          %swap3A_311 = arith.index_cast %scan3A_197 : i32 to index
          %swap3A_312 = arith.constant 80 : index
          %swap3A_313 = tpu.vector_load %arg7[%swap3A_310, %swap3A_311, %swap3A_312] {strides = array<i32>} : memref<2x128x128xf32, #tpu.memory_space<vmem>>, vector<1x1x16xf32>,
          %swap3A_314 = vector.shape_cast %swap3A_313 : vector<1x1x16xf32> to vector<16xf32>
          %swap3A_315 = vector.shape_cast %add3A_308 : vector<16xf32> to vector<1x1x16xf32>
          tpu.vector_store %arg7[%swap3A_310, %swap3A_311, %swap3A_312], %swap3A_315 {strides = array<i32>} : memref<2x128x128xf32, #tpu.memory_space<vmem>>, vector<1x1x16xf32>,
          %get3A_316 = arith.constant 1 : i32
          %get3A_317 = arith.index_cast %get3A_316 : i32 to index
          %get3A_318 = arith.index_cast %scan3A_197 : i32 to index
          %get3A_319 = arith.constant 96 : index
          %get3A_320 = tpu.vector_load %arg7[%get3A_317, %get3A_318, %get3A_319] {strides = array<i32>} : memref<2x128x128xf32, #tpu.memory_space<vmem>>, vector<1x1x16xf32>,
          %get3A_321 = vector.shape_cast %get3A_320 : vector<1x1x16xf32> to vector<16xf32>
          %get3A_322 = arith.constant 1 : i32
          %get3A_323 = arith.index_cast %get3A_322 : i32 to index
          %get3A_324 = arith.index_cast %scan3A_197 : i32 to index
          %get3A_325 = arith.constant 96 : index
          %get3A_326 = tpu.vector_load %arg8[%get3A_323, %get3A_324, %get3A_325] {strides = array<i32>} : memref<2x128x128xf32, #tpu.memory_space<vmem>>, vector<1x1x16xf32>,
          %get3A_327 = vector.shape_cast %get3A_326 : vector<1x1x16xf32> to vector<16xf32>
          %add3A_328 = arith.addf %get3A_321, %get3A_327 : vector<16xf32>
          %swap3A_329 = arith.constant 1 : i32
          %swap3A_330 = arith.index_cast %swap3A_329 : i32 to index
          %swap3A_331 = arith.index_cast %scan3A_197 : i32 to index
          %swap3A_332 = arith.constant 96 : index
          %swap3A_333 = tpu.vector_load %arg7[%swap3A_330, %swap3A_331, %swap3A_332] {strides = array<i32>} : memref<2x128x128xf32, #tpu.memory_space<vmem>>, vector<1x1x16xf32>,
          %swap3A_334 = vector.shape_cast %swap3A_333 : vector<1x1x16xf32> to vector<16xf32>
          %swap3A_335 = vector.shape_cast %add3A_328 : vector<16xf32> to vector<1x1x16xf32>
          tpu.vector_store %arg7[%swap3A_330, %swap3A_331, %swap3A_332], %swap3A_335 {strides = array<i32>} : memref<2x128x128xf32, #tpu.memory_space<vmem>>, vector<1x1x16xf32>,
          %get3A_336 = arith.constant 1 : i32
          %get3A_337 = arith.index_cast %get3A_336 : i32 to index
          %get3A_338 = arith.index_cast %scan3A_197 : i32 to index
          %get3A_339 = arith.constant 112 : index
          %get3A_340 = tpu.vector_load %arg7[%get3A_337, %get3A_338, %get3A_339] {strides = array<i32>} : memref<2x128x128xf32, #tpu.memory_space<vmem>>, vector<1x1x16xf32>,
          %get3A_341 = vector.shape_cast %get3A_340 : vector<1x1x16xf32> to vector<16xf32>
          %get3A_342 = arith.constant 1 : i32
          %get3A_343 = arith.index_cast %get3A_342 : i32 to index
          %get3A_344 = arith.index_cast %scan3A_197 : i32 to index
          %get3A_345 = arith.constant 112 : index
          %get3A_346 = tpu.vector_load %arg8[%get3A_343, %get3A_344, %get3A_345] {strides = array<i32>} : memref<2x128x128xf32, #tpu.memory_space<vmem>>, vector<1x1x16xf32>,
          %get3A_347 = vector.shape_cast %get3A_346 : vector<1x1x16xf32> to vector<16xf32>
          %add3A_348 = arith.addf %get3A_341, %get3A_347 : vector<16xf32>
          %swap3A_349 = arith.constant 1 : i32
          %swap3A_350 = arith.index_cast %swap3A_349 : i32 to index
          %swap3A_351 = arith.index_cast %scan3A_197 : i32 to index
          %swap3A_352 = arith.constant 112 : index
          %swap3A_353 = tpu.vector_load %arg7[%swap3A_350, %swap3A_351, %swap3A_352] {strides = array<i32>} : memref<2x128x128xf32, #tpu.memory_space<vmem>>, vector<1x1x16xf32>,
          %swap3A_354 = vector.shape_cast %swap3A_353 : vector<1x1x16xf32> to vector<16xf32>
          %swap3A_355 = vector.shape_cast %add3A_348 : vector<16xf32> to vector<1x1x16xf32>
          tpu.vector_store %arg7[%swap3A_350, %swap3A_351, %swap3A_352], %swap3A_355 {strides = array<i32>} : memref<2x128x128xf32, #tpu.memory_space<vmem>>, vector<1x1x16xf32>,
        }
        %scan3A_183 = arith.constant 128 : i32
        %dma_start3A_184 = arith.constant 1 : i32
        %dma_start3A_185 = arith.constant 0 : i32
        %dma_start3A_186 = arith.constant 0 : i32
        %dma_start3A_187 = tpu.memref_slice %arg7[%dma_start3A_184, %dma_start3A_185, %dma_start3A_186] : memref<2x128x128xf32, #tpu.memory_space<vmem>> -> memref<1x128x128xf32, #tpu.memory_space<vmem>>
        %dma_start3A_188 = tpu.memref_squeeze %dma_start3A_187 : memref<1x128x128xf32, #tpu.memory_space<vmem>> -> memref<128x128xf32, #tpu.memory_space<vmem>>
        %dma_start3A_189 = arith.constant 0 : i32
        %dma_start3A_190 = tpu.memref_slice %arg5[%multiple_of3A_147, %dma_start3A_189] : memref<160000x128xf32, #tpu.memory_space<hbm>> -> memref<128x128xf32, #tpu.memory_space<hbm>>
        %dma_start3A_191 = arith.constant 0 : i32
        %dma_start3A_192 = tpu.memref_slice %arg5[%multiple_of3A_147, %dma_start3A_191] : memref<160000x128xf32, #tpu.memory_space<hbm>> -> memref<128x128xf32, #tpu.memory_space<hbm>>
        %dma_start3A_193 = arith.constant 0 : i32
        %dma_start3A_194 = arith.constant 0 : i32
        %dma_start3A_195 = tpu.memref_slice %arg7[%dma_start3A_184, %dma_start3A_193, %dma_start3A_194] : memref<2x128x128xf32, #tpu.memory_space<vmem>> -> memref<1x128x128xf32, #tpu.memory_space<vmem>>
        %dma_start3A_196 = tpu.memref_squeeze %dma_start3A_195 : memref<1x128x128xf32, #tpu.memory_space<vmem>> -> memref<128x128xf32, #tpu.memory_space<vmem>>
        tpu.enqueue_dma source(%dma_start3A_196 : memref<128x128xf32, #tpu.memory_space<vmem>>) target(%dma_start3A_192 : memref<128x128xf32, #tpu.memory_space<hbm>>) target_semaphore(%arg14 : memref<!tpu.dma_semaphore, #tpu.memory_space<semaphore_mem>>)
      } else {
      }
      %add3A_136 = arith.constant 2 : i32
      %add3A_137 = arith.addi %add3A_131, %add3A_136 : i32
      %lt3A_138 = arith.cmpi slt, %add3A_137, %add3A_20 : i32
      %convert_element_type3A_139 = arith.extui %lt3A_138 : i1 to i32
      %cond3A_140 = arith.constant 0 : i32
      %cond3A_141 = arith.cmpi ne, %convert_element_type3A_139, %cond3A_140 : i32
      scf.if %cond3A_141 {
        %dma_wait3A_142 = arith.constant 1 : i32
        %dma_wait3A_143 = arith.constant 0 : i32
        %dma_wait3A_144 = arith.constant 0 : i32
        %dma_wait3A_145 = tpu.memref_slice %arg7[%dma_wait3A_142, %dma_wait3A_143, %dma_wait3A_144] : memref<2x128x128xf32, #tpu.memory_space<vmem>> -> memref<1x128x128xf32, #tpu.memory_space<vmem>>
        %dma_wait3A_146 = tpu.memref_squeeze %dma_wait3A_145 : memref<1x128x128xf32, #tpu.memory_space<vmem>> -> memref<128x128xf32, #tpu.memory_space<vmem>>
        %dma_wait3A_147 = arith.constant 0 : i32
        %dma_wait3A_148 = arith.constant 0 : i32
        %dma_wait3A_149 = tpu.memref_slice %arg5[%dma_wait3A_147, %dma_wait3A_148] : memref<160000x128xf32, #tpu.memory_space<hbm>> -> memref<128x128xf32, #tpu.memory_space<hbm>>
        %dma_wait3A_150 = arith.constant 0 : i32
        %dma_wait3A_151 = arith.constant 0 : i32
        %dma_wait3A_152 = tpu.memref_slice %arg7[%dma_wait3A_142, %dma_wait3A_150, %dma_wait3A_151] : memref<2x128x128xf32, #tpu.memory_space<vmem>> -> memref<1x128x128xf32, #tpu.memory_space<vmem>>
        %dma_wait3A_153 = tpu.memref_squeeze %dma_wait3A_152 : memref<1x128x128xf32, #tpu.memory_space<vmem>> -> memref<128x128xf32, #tpu.memory_space<vmem>>
        %dma_wait3A_154 = arith.constant 0 : i32
        %dma_wait3A_155 = arith.constant 0 : i32
        %dma_wait3A_156 = tpu.memref_slice %arg5[%dma_wait3A_154, %dma_wait3A_155] : memref<160000x128xf32, #tpu.memory_space<hbm>> -> memref<128x128xf32, #tpu.memory_space<hbm>>
        tpu.wait_dma2 semaphore(%arg14 : memref<!tpu.dma_semaphore, #tpu.memory_space<semaphore_mem>>) src(%dma_wait3A_156 : memref<128x128xf32, #tpu.memory_space<hbm>>) dst(%dma_wait3A_153 : memref<128x128xf32, #tpu.memory_space<vmem>>)
        %mul3A_157 = arith.constant 32 : i32
        %mul3A_158 = arith.muli %add3A_137, %mul3A_157 : i32
        %add3A_159 = arith.addi %mul3A_158, %add3A : i32
        %mul3A_160 = arith.constant 128 : i32
        %mul3A_161 = arith.muli %add3A_159, %mul3A_160 : i32
        %multiple_of3A_162 = tpu.assume_multiple %mul3A_161, 128 : i32
        %run_scoped3A_163 = arith.constant 1 : i32
        "tpu.region"() ({
          %run_scoped3A_190 = tpu.sem_alloc : memref<!tpu.dma_semaphore, #tpu.memory_space<semaphore_mem>>
          %dma_start3A_191 = arith.constant 0 : i32
          %dma_start3A_192 = arith.constant 0 : i32
          %dma_start3A_193 = tpu.memref_slice %arg6[%run_scoped3A_163, %dma_start3A_191, %dma_start3A_192] : memref<2x2x128xi32, #tpu.memory_space<vmem>> -> memref<1x2x128xi32, #tpu.memory_space<vmem>>
          %dma_start3A_194 = tpu.memref_squeeze %dma_start3A_193 : memref<1x2x128xi32, #tpu.memory_space<vmem>> -> memref<2x128xi32, #tpu.memory_space<vmem>>
          %dma_start3A_195 = arith.constant 0 : i32
          %dma_start3A_196 = tpu.memref_slice %arg4[%dma_start3A_195, %multiple_of3A_162] : memref<2x160000xi32, #tpu.memory_space<hbm>> -> memref<2x128xi32, #tpu.memory_space<hbm>>
          %dma_start3A_197 = arith.constant 0 : i32
          %dma_start3A_198 = arith.constant 0 : i32
          %dma_start3A_199 = tpu.memref_slice %arg6[%run_scoped3A_163, %dma_start3A_197, %dma_start3A_198] : memref<2x2x128xi32, #tpu.memory_space<vmem>> -> memref<1x2x128xi32, #tpu.memory_space<vmem>>
          %dma_start3A_200 = tpu.memref_squeeze %dma_start3A_199 : memref<1x2x128xi32, #tpu.memory_space<vmem>> -> memref<2x128xi32, #tpu.memory_space<vmem>>
          %dma_start3A_201 = arith.constant 0 : i32
          %dma_start3A_202 = tpu.memref_slice %arg4[%dma_start3A_201, %multiple_of3A_162] : memref<2x160000xi32, #tpu.memory_space<hbm>> -> memref<2x128xi32, #tpu.memory_space<hbm>>
          tpu.enqueue_dma source(%dma_start3A_202 : memref<2x128xi32, #tpu.memory_space<hbm>>) target(%dma_start3A_200 : memref<2x128xi32, #tpu.memory_space<vmem>>) target_semaphore(%run_scoped3A_190 : memref<!tpu.dma_semaphore, #tpu.memory_space<semaphore_mem>>)
          %dma_wait3A_203 = arith.constant 0 : i32
          %dma_wait3A_204 = arith.constant 0 : i32
          %dma_wait3A_205 = tpu.memref_slice %arg6[%run_scoped3A_163, %dma_wait3A_203, %dma_wait3A_204] : memref<2x2x128xi32, #tpu.memory_space<vmem>> -> memref<1x2x128xi32, #tpu.memory_space<vmem>>
          %dma_wait3A_206 = tpu.memref_squeeze %dma_wait3A_205 : memref<1x2x128xi32, #tpu.memory_space<vmem>> -> memref<2x128xi32, #tpu.memory_space<vmem>>
          %dma_wait3A_207 = arith.constant 0 : i32
          %dma_wait3A_208 = tpu.memref_slice %arg4[%dma_wait3A_207, %multiple_of3A_162] : memref<2x160000xi32, #tpu.memory_space<hbm>> -> memref<2x128xi32, #tpu.memory_space<hbm>>
          %dma_wait3A_209 = arith.constant 0 : i32
          %dma_wait3A_210 = arith.constant 0 : i32
          %dma_wait3A_211 = tpu.memref_slice %arg6[%run_scoped3A_163, %dma_wait3A_209, %dma_wait3A_210] : memref<2x2x128xi32, #tpu.memory_space<vmem>> -> memref<1x2x128xi32, #tpu.memory_space<vmem>>
          %dma_wait3A_212 = tpu.memref_squeeze %dma_wait3A_211 : memref<1x2x128xi32, #tpu.memory_space<vmem>> -> memref<2x128xi32, #tpu.memory_space<vmem>>
          %dma_wait3A_213 = arith.constant 0 : i32
          %dma_wait3A_214 = tpu.memref_slice %arg4[%dma_wait3A_213, %multiple_of3A_162] : memref<2x160000xi32, #tpu.memory_space<hbm>> -> memref<2x128xi32, #tpu.memory_space<hbm>>
          tpu.wait_dma2 semaphore(%run_scoped3A_190 : memref<!tpu.dma_semaphore, #tpu.memory_space<semaphore_mem>>) src(%dma_wait3A_214 : memref<2x128xi32, #tpu.memory_space<hbm>>) dst(%dma_wait3A_212 : memref<2x128xi32, #tpu.memory_space<vmem>>)
          tpu.yield
        }) : () -> ()
        %dma_start3A_164 = arith.constant 1 : i32
        %dma_start3A_165 = arith.constant 0 : i32
        %dma_start3A_166 = arith.constant 1 : i32
        %dma_start3A_167 = arith.constant 0 : i32
        %dma_start3A_168 = arith.constant 0 : i32
        %dma_start3A_169 = tpu.memref_slice %arg7[%dma_start3A_166, %dma_start3A_167, %dma_start3A_168] : memref<2x128x128xf32, #tpu.memory_space<vmem>> -> memref<1x128x128xf32, #tpu.memory_space<vmem>>
        %dma_start3A_170 = tpu.memref_squeeze %dma_start3A_169 : memref<1x128x128xf32, #tpu.memory_space<vmem>> -> memref<128x128xf32, #tpu.memory_space<vmem>>
        %dma_start3A_171 = arith.constant 0 : i32
        %dma_start3A_172 = tpu.memref_slice %arg6[%dma_start3A_164, %dma_start3A_165, %dma_start3A_171] : memref<2x2x128xi32, #tpu.memory_space<vmem>> -> memref<1x1x128xi32, #tpu.memory_space<vmem>>
        %dma_start3A_173 = tpu.memref_squeeze %dma_start3A_172 : memref<1x1x128xi32, #tpu.memory_space<vmem>> -> memref<128xi32, #tpu.memory_space<vmem>>
        %dma_start3A_174 = arith.constant 0 : i32
        %dma_start3A_175 = arith.constant 0 : i32
        %dma_start3A_176 = tpu.memref_slice %arg2[%dma_start3A_174, %dma_start3A_175] : memref<10000x128xf32, #tpu.memory_space<hbm>> -> memref<10000x128xf32, #tpu.memory_space<hbm>>
        tpu.enqueue_indirect_dma source(%dma_start3A_176 : memref<10000x128xf32, #tpu.memory_space<hbm>>) target(%dma_start3A_170 : memref<128x128xf32, #tpu.memory_space<vmem>>) offsets(%dma_start3A_173 : memref<128xi32, #tpu.memory_space<vmem>>) semaphore(%arg10 : memref<!tpu.dma_semaphore, #tpu.memory_space<semaphore_mem>>)
        %dma_start3A_177 = arith.constant 1 : i32
        %dma_start3A_178 = arith.constant 1 : i32
        %dma_start3A_179 = arith.constant 1 : i32
        %dma_start3A_180 = arith.constant 0 : i32
        %dma_start3A_181 = arith.constant 0 : i32
        %dma_start3A_182 = tpu.memref_slice %arg8[%dma_start3A_179, %dma_start3A_180, %dma_start3A_181] : memref<2x128x128xf32, #tpu.memory_space<vmem>> -> memref<1x128x128xf32, #tpu.memory_space<vmem>>
        %dma_start3A_183 = tpu.memref_squeeze %dma_start3A_182 : memref<1x128x128xf32, #tpu.memory_space<vmem>> -> memref<128x128xf32, #tpu.memory_space<vmem>>
        %dma_start3A_184 = arith.constant 0 : i32
        %dma_start3A_185 = tpu.memref_slice %arg6[%dma_start3A_177, %dma_start3A_178, %dma_start3A_184] : memref<2x2x128xi32, #tpu.memory_space<vmem>> -> memref<1x1x128xi32, #tpu.memory_space<vmem>>
        %dma_start3A_186 = tpu.memref_squeeze %dma_start3A_185 : memref<1x1x128xi32, #tpu.memory_space<vmem>> -> memref<128xi32, #tpu.memory_space<vmem>>
        %dma_start3A_187 = arith.constant 0 : i32
        %dma_start3A_188 = arith.constant 0 : i32
        %dma_start3A_189 = tpu.memref_slice %arg3[%dma_start3A_187, %dma_start3A_188] : memref<10000x128xf32, #tpu.memory_space<hbm>> -> memref<10000x128xf32, #tpu.memory_space<hbm>>
        tpu.enqueue_indirect_dma source(%dma_start3A_189 : memref<10000x128xf32, #tpu.memory_space<hbm>>) target(%dma_start3A_183 : memref<128x128xf32, #tpu.memory_space<vmem>>) offsets(%dma_start3A_186 : memref<128xi32, #tpu.memory_space<vmem>>) semaphore(%arg12 : memref<!tpu.dma_semaphore, #tpu.memory_space<semaphore_mem>>)
      } else {
      }
    }
    %scan3A_86 = arith.constant 20 : i32
    %dma_wait3A = arith.constant 0 : i32
    %dma_wait3A_87 = arith.constant 0 : i32
    %dma_wait3A_88 = arith.constant 0 : i32
    %dma_wait3A_89 = tpu.memref_slice %arg7[%dma_wait3A, %dma_wait3A_87, %dma_wait3A_88] : memref<2x128x128xf32, #tpu.memory_space<vmem>> -> memref<1x128x128xf32, #tpu.memory_space<vmem>>
    %dma_wait3A_90 = tpu.memref_squeeze %dma_wait3A_89 : memref<1x128x128xf32, #tpu.memory_space<vmem>> -> memref<128x128xf32, #tpu.memory_space<vmem>>
    %dma_wait3A_91 = arith.constant 0 : i32
    %dma_wait3A_92 = arith.constant 0 : i32
    %dma_wait3A_93 = tpu.memref_slice %arg5[%dma_wait3A_91, %dma_wait3A_92] : memref<160000x128xf32, #tpu.memory_space<hbm>> -> memref<128x128xf32, #tpu.memory_space<hbm>>
    %dma_wait3A_94 = arith.constant 0 : i32
    %dma_wait3A_95 = arith.constant 0 : i32
    %dma_wait3A_96 = tpu.memref_slice %arg7[%dma_wait3A, %dma_wait3A_94, %dma_wait3A_95] : memref<2x128x128xf32, #tpu.memory_space<vmem>> -> memref<1x128x128xf32, #tpu.memory_space<vmem>>
    %dma_wait3A_97 = tpu.memref_squeeze %dma_wait3A_96 : memref<1x128x128xf32, #tpu.memory_space<vmem>> -> memref<128x128xf32, #tpu.memory_space<vmem>>
    %dma_wait3A_98 = arith.constant 0 : i32
    %dma_wait3A_99 = arith.constant 0 : i32
    %dma_wait3A_100 = tpu.memref_slice %arg5[%dma_wait3A_98, %dma_wait3A_99] : memref<160000x128xf32, #tpu.memory_space<hbm>> -> memref<128x128xf32, #tpu.memory_space<hbm>>
    tpu.wait_dma2 semaphore(%arg13 : memref<!tpu.dma_semaphore, #tpu.memory_space<semaphore_mem>>) src(%dma_wait3A_100 : memref<128x128xf32, #tpu.memory_space<hbm>>) dst(%dma_wait3A_97 : memref<128x128xf32, #tpu.memory_space<vmem>>)
    %dma_wait3A_101 = arith.constant 1 : i32
    %dma_wait3A_102 = arith.constant 0 : i32
    %dma_wait3A_103 = arith.constant 0 : i32
    %dma_wait3A_104 = tpu.memref_slice %arg7[%dma_wait3A_101, %dma_wait3A_102, %dma_wait3A_103] : memref<2x128x128xf32, #tpu.memory_space<vmem>> -> memref<1x128x128xf32, #tpu.memory_space<vmem>>
    %dma_wait3A_105 = tpu.memref_squeeze %dma_wait3A_104 : memref<1x128x128xf32, #tpu.memory_space<vmem>> -> memref<128x128xf32, #tpu.memory_space<vmem>>
    %dma_wait3A_106 = arith.constant 0 : i32
    %dma_wait3A_107 = arith.constant 0 : i32
    %dma_wait3A_108 = tpu.memref_slice %arg5[%dma_wait3A_106, %dma_wait3A_107] : memref<160000x128xf32, #tpu.memory_space<hbm>> -> memref<128x128xf32, #tpu.memory_space<hbm>>
    %dma_wait3A_109 = arith.constant 0 : i32
    %dma_wait3A_110 = arith.constant 0 : i32
    %dma_wait3A_111 = tpu.memref_slice %arg7[%dma_wait3A_101, %dma_wait3A_109, %dma_wait3A_110] : memref<2x128x128xf32, #tpu.memory_space<vmem>> -> memref<1x128x128xf32, #tpu.memory_space<vmem>>
    %dma_wait3A_112 = tpu.memref_squeeze %dma_wait3A_111 : memref<1x128x128xf32, #tpu.memory_space<vmem>> -> memref<128x128xf32, #tpu.memory_space<vmem>>
    %dma_wait3A_113 = arith.constant 0 : i32
    %dma_wait3A_114 = arith.constant 0 : i32
    %dma_wait3A_115 = tpu.memref_slice %arg5[%dma_wait3A_113, %dma_wait3A_114] : memref<160000x128xf32, #tpu.memory_space<hbm>> -> memref<128x128xf32, #tpu.memory_space<hbm>>
    tpu.wait_dma2 semaphore(%arg14 : memref<!tpu.dma_semaphore, #tpu.memory_space<semaphore_mem>>) src(%dma_wait3A_115 : memref<128x128xf32, #tpu.memory_space<hbm>>) dst(%dma_wait3A_112 : memref<128x128xf32, #tpu.memory_space<vmem>>)
    return
  }
}

module attributes {stable_mosaic.version = 14 : i64} {
  func.func @_node_mm_body(%arg0: i32, %arg1: memref<2000x128xf32, #tpu.memory_space<vmem>>, %arg2: memref<128x128xbf16, #tpu.memory_space<vmem>>, %arg3: memref<128x128xbf16, #tpu.memory_space<vmem>>, %arg4: memref<2000x128xf32, #tpu.memory_space<vmem>>, %arg5: memref<2000x128xf32, #tpu.memory_space<vmem>>) attributes {dimension_semantics = [#tpu.dimension_semantics<arbitrary>], iteration_bounds = array<i64: 5>, scalar_prefetch = 0 : i64, scratch_operands = 0 : i64, tpu.core_type = #tpu.core_type<tc>, window_params = [{transform_indices = @transform_0, window_bounds = array<i64: 2000, 128>}, {pipeline_mode = #tpu.pipeline_mode<synchronous>, transform_indices = @transform_1, window_bounds = array<i64: 128, 128>}, {pipeline_mode = #tpu.pipeline_mode<synchronous>, transform_indices = @transform_2, window_bounds = array<i64: 128, 128>}, {transform_indices = @transform_3, window_bounds = array<i64: 2000, 128>}, {transform_indices = @transform_4, window_bounds = array<i64: 2000, 128>}]} {
    %get3A = arith.constant 0 : index
    %get3A_0 = arith.constant 0 : index
    %get3A_1 = vector.load %arg1[%get3A, %get3A_0] : memref<2000x128xf32, #tpu.memory_space<vmem>>, vector<2000x128xf32>
    %convert_element_type3A = arith.truncf %get3A_1 : vector<2000x128xf32> to vector<2000x128xbf16>
    %get3A_2 = arith.constant 0 : index
    %get3A_3 = arith.constant 0 : index
    %get3A_4 = vector.load %arg2[%get3A_2, %get3A_3] : memref<128x128xbf16, #tpu.memory_space<vmem>>, vector<128x128xbf16>
    %dot_general3A = arith.constant dense<0.000000e+00> : vector<2000x128xf32>
    %dot_general3A_5 = tpu.matmul %convert_element_type3A, %get3A_4, %dot_general3A {dimension_numbers = #tpu.dot_dimension_numbers<[1], [0], [0], [1], [0, 0, 1, 1], [], []>, transpose_lhs_hint = false} : vector<2000x128xbf16>, vector<128x128xbf16>, vector<2000x128xf32> -> vector<2000x128xf32>
    %swap3A = arith.constant 0 : index
    %swap3A_6 = arith.constant 0 : index
    %swap3A_7 = vector.load %arg4[%swap3A, %swap3A_6] : memref<2000x128xf32, #tpu.memory_space<vmem>>, vector<2000x128xf32>
    tpu.vector_store %arg4[%swap3A, %swap3A_6], %dot_general3A_5 {strides = array<i32>} : memref<2000x128xf32, #tpu.memory_space<vmem>>, vector<2000x128xf32>,
    %get3A_8 = arith.constant 0 : index
    %get3A_9 = arith.constant 0 : index
    %get3A_10 = vector.load %arg3[%get3A_8, %get3A_9] : memref<128x128xbf16, #tpu.memory_space<vmem>>, vector<128x128xbf16>
    %dot_general3A_11 = arith.constant dense<0.000000e+00> : vector<2000x128xf32>
    %dot_general3A_12 = tpu.matmul %convert_element_type3A, %get3A_10, %dot_general3A_11 {dimension_numbers = #tpu.dot_dimension_numbers<[1], [0], [0], [1], [0, 0, 1, 1], [], []>, transpose_lhs_hint = false} : vector<2000x128xbf16>, vector<128x128xbf16>, vector<2000x128xf32> -> vector<2000x128xf32>
    %swap3A_13 = arith.constant 0 : index
    %swap3A_14 = arith.constant 0 : index
    %swap3A_15 = vector.load %arg5[%swap3A_13, %swap3A_14] : memref<2000x128xf32, #tpu.memory_space<vmem>>, vector<2000x128xf32>
    tpu.vector_store %arg5[%swap3A_13, %swap3A_14], %dot_general3A_12 {strides = array<i32>} : memref<2000x128xf32, #tpu.memory_space<vmem>>, vector<2000x128xf32>,
    return
  }
  func.func @transform_0(%arg0: i32) -> (i32, i32) {
    %c0_i32 = arith.constant 0 : i32
    %c0_i32_0 = arith.constant 0 : i32
    return %arg0, %c0_i32 : i32, i32
  }
  func.func @transform_1(%arg0: i32) -> (i32, i32) {
    %c0_i32 = arith.constant 0 : i32
    %c0_i32_0 = arith.constant 0 : i32
    %c0_i32_1 = arith.constant 0 : i32
    return %c0_i32, %c0_i32_0 : i32, i32
  }
  func.func @transform_2(%arg0: i32) -> (i32, i32) {
    %c0_i32 = arith.constant 0 : i32
    %c0_i32_0 = arith.constant 0 : i32
    %c0_i32_1 = arith.constant 0 : i32
    return %c0_i32, %c0_i32_0 : i32, i32
  }
  func.func @transform_3(%arg0: i32) -> (i32, i32) {
    %c0_i32 = arith.constant 0 : i32
    %c0_i32_0 = arith.constant 0 : i32
    return %arg0, %c0_i32 : i32, i32
  }
  func.func @transform_4(%arg0: i32) -> (i32, i32) {
    %c0_i32 = arith.constant 0 : i32
    %c0_i32_0 = arith.constant 0 : i32
    return %arg0, %c0_i32 : i32, i32
  }
}

module attributes {stable_mosaic.version = 14 : i64} {
  func.func @_mm_stats_body(%arg0: i32, %arg1: memref<4000x256xf32, #tpu.memory_space<vmem>>, %arg2: memref<256x128xbf16, #tpu.memory_space<vmem>>, %arg3: memref<1x128xf32, #tpu.memory_space<vmem>>, %arg4: memref<4000x128xbf16, #tpu.memory_space<vmem>>, %arg5: memref<1x128xf32, #tpu.memory_space<vmem>>, %arg6: memref<1x128xf32, #tpu.memory_space<vmem>>) attributes {dimension_semantics = [#tpu.dimension_semantics<arbitrary>], iteration_bounds = array<i64: 40>, scalar_prefetch = 0 : i64, scratch_operands = 0 : i64, tpu.core_type = #tpu.core_type<tc>, window_params = [{transform_indices = @transform_0, window_bounds = array<i64: 4000, 256>}, {pipeline_mode = #tpu.pipeline_mode<synchronous>, transform_indices = @transform_1, window_bounds = array<i64: 256, 128>}, {pipeline_mode = #tpu.pipeline_mode<synchronous>, transform_indices = @transform_2, window_bounds = array<i64: 1, 128>}, {transform_indices = @transform_3, window_bounds = array<i64: 4000, 128>}, {pipeline_mode = #tpu.pipeline_mode<synchronous>, transform_indices = @transform_4, window_bounds = array<i64: 1, 128>}, {pipeline_mode = #tpu.pipeline_mode<synchronous>, transform_indices = @transform_5, window_bounds = array<i64: 1, 128>}]} {
    %get3A = arith.constant 0 : index
    %get3A_0 = arith.constant 0 : index
    %get3A_1 = vector.load %arg1[%get3A, %get3A_0] : memref<4000x256xf32, #tpu.memory_space<vmem>>, vector<4000x256xf32>
    %convert_element_type3A = arith.truncf %get3A_1 : vector<4000x256xf32> to vector<4000x256xbf16>
    %get3A_2 = arith.constant 0 : index
    %get3A_3 = arith.constant 0 : index
    %get3A_4 = vector.load %arg2[%get3A_2, %get3A_3] : memref<256x128xbf16, #tpu.memory_space<vmem>>, vector<256x128xbf16>
    %dot_general3A = arith.constant dense<0.000000e+00> : vector<4000x128xf32>
    %dot_general3A_5 = tpu.matmul %convert_element_type3A, %get3A_4, %dot_general3A {dimension_numbers = #tpu.dot_dimension_numbers<[1], [0], [0], [1], [0, 0, 1, 1], [], []>, transpose_lhs_hint = false} : vector<4000x256xbf16>, vector<256x128xbf16>, vector<4000x128xf32> -> vector<4000x128xf32>
    %get3A_6 = arith.constant 0 : index
    %get3A_7 = arith.constant 0 : index
    %get3A_8 = vector.load %arg3[%get3A_6, %get3A_7] : memref<1x128xf32, #tpu.memory_space<vmem>>, vector<1x128xf32>
    %add3A = vector.broadcast %get3A_8 : vector<1x128xf32> to vector<4000x128xf32>
    %add3A_9 = arith.addf %dot_general3A_5, %add3A : vector<4000x128xf32>
    %convert_element_type3A_10 = arith.truncf %add3A_9 : vector<4000x128xf32> to vector<4000x128xbf16>
    %swap3A = arith.constant 0 : index
    %swap3A_11 = arith.constant 0 : index
    %swap3A_12 = vector.load %arg4[%swap3A, %swap3A_11] : memref<4000x128xbf16, #tpu.memory_space<vmem>>, vector<4000x128xbf16>
    tpu.vector_store %arg4[%swap3A, %swap3A_11], %convert_element_type3A_10 {strides = array<i32>} : memref<4000x128xbf16, #tpu.memory_space<vmem>>, vector<4000x128xbf16>,
    %eq3A = arith.constant 0 : i32
    %eq3A_13 = arith.cmpi eq, %arg0, %eq3A : i32
    %convert_element_type3A_14 = arith.extui %eq3A_13 : i1 to i32
    %cond3A = arith.constant 0 : i32
    %cond3A_15 = arith.cmpi ne, %convert_element_type3A_14, %cond3A : i32
    scf.if %cond3A_15 {
      %broadcast_in_dim3A_34 = arith.constant 0.000000e+00 : f32
      %broadcast_in_dim3A_35 = vector.broadcast %broadcast_in_dim3A_34 : f32 to vector<1x128xf32>
      %swap3A_36 = arith.constant 0 : index
      %swap3A_37 = arith.constant 0 : index
      %swap3A_38 = vector.load %arg5[%swap3A_36, %swap3A_37] : memref<1x128xf32, #tpu.memory_space<vmem>>, vector<1x128xf32>
      tpu.vector_store %arg5[%swap3A_36, %swap3A_37], %broadcast_in_dim3A_35 {strides = array<i32>} : memref<1x128xf32, #tpu.memory_space<vmem>>, vector<1x128xf32>,
      %broadcast_in_dim3A_39 = arith.constant 0.000000e+00 : f32
      %broadcast_in_dim3A_40 = vector.broadcast %broadcast_in_dim3A_39 : f32 to vector<1x128xf32>
      %swap3A_41 = arith.constant 0 : index
      %swap3A_42 = arith.constant 0 : index
      %swap3A_43 = vector.load %arg6[%swap3A_41, %swap3A_42] : memref<1x128xf32, #tpu.memory_space<vmem>>, vector<1x128xf32>
      tpu.vector_store %arg6[%swap3A_41, %swap3A_42], %broadcast_in_dim3A_40 {strides = array<i32>} : memref<1x128xf32, #tpu.memory_space<vmem>>, vector<1x128xf32>,
    } else {
    }
    %get3A_16 = arith.constant 0 : index
    %get3A_17 = arith.constant 0 : index
    %get3A_18 = vector.load %arg5[%get3A_16, %get3A_17] : memref<1x128xf32, #tpu.memory_space<vmem>>, vector<1x128xf32>
    %reduce_sum3A = arith.constant dense<0.000000e+00> : vector<128xf32>
    %reduce_sum3A_19 = vector.multi_reduction <add>, %add3A_9, %reduce_sum3A [0] : vector<4000x128xf32> to vector<128xf32>
    %broadcast_in_dim3A = vector.shape_cast %reduce_sum3A_19 : vector<128xf32> to vector<1x128xf32>
    %add3A_20 = arith.addf %get3A_18, %broadcast_in_dim3A : vector<1x128xf32>
    %swap3A_21 = arith.constant 0 : index
    %swap3A_22 = arith.constant 0 : index
    %swap3A_23 = vector.load %arg5[%swap3A_21, %swap3A_22] : memref<1x128xf32, #tpu.memory_space<vmem>>, vector<1x128xf32>
    tpu.vector_store %arg5[%swap3A_21, %swap3A_22], %add3A_20 {strides = array<i32>} : memref<1x128xf32, #tpu.memory_space<vmem>>, vector<1x128xf32>,
    %get3A_24 = arith.constant 0 : index
    %get3A_25 = arith.constant 0 : index
    %get3A_26 = vector.load %arg6[%get3A_24, %get3A_25] : memref<1x128xf32, #tpu.memory_space<vmem>>, vector<1x128xf32>
    %mul3A = arith.mulf %add3A_9, %add3A_9 : vector<4000x128xf32>
    %reduce_sum3A_27 = arith.constant dense<0.000000e+00> : vector<128xf32>
    %reduce_sum3A_28 = vector.multi_reduction <add>, %mul3A, %reduce_sum3A_27 [0] : vector<4000x128xf32> to vector<128xf32>
    %broadcast_in_dim3A_29 = vector.shape_cast %reduce_sum3A_28 : vector<128xf32> to vector<1x128xf32>
    %add3A_30 = arith.addf %get3A_26, %broadcast_in_dim3A_29 : vector<1x128xf32>
    %swap3A_31 = arith.constant 0 : index
    %swap3A_32 = arith.constant 0 : index
    %swap3A_33 = vector.load %arg6[%swap3A_31, %swap3A_32] : memref<1x128xf32, #tpu.memory_space<vmem>>, vector<1x128xf32>
    tpu.vector_store %arg6[%swap3A_31, %swap3A_32], %add3A_30 {strides = array<i32>} : memref<1x128xf32, #tpu.memory_space<vmem>>, vector<1x128xf32>,
    return
  }
  func.func @transform_0(%arg0: i32) -> (i32, i32) {
    %c0_i32 = arith.constant 0 : i32
    %c0_i32_0 = arith.constant 0 : i32
    return %arg0, %c0_i32 : i32, i32
  }
  func.func @transform_1(%arg0: i32) -> (i32, i32) {
    %c0_i32 = arith.constant 0 : i32
    %c0_i32_0 = arith.constant 0 : i32
    %c0_i32_1 = arith.constant 0 : i32
    return %c0_i32, %c0_i32_0 : i32, i32
  }
  func.func @transform_2(%arg0: i32) -> (i32, i32) {
    %c0_i32 = arith.constant 0 : i32
    %c0_i32_0 = arith.constant 0 : i32
    %c0_i32_1 = arith.constant 0 : i32
    return %c0_i32, %c0_i32_0 : i32, i32
  }
  func.func @transform_3(%arg0: i32) -> (i32, i32) {
    %c0_i32 = arith.constant 0 : i32
    %c0_i32_0 = arith.constant 0 : i32
    return %arg0, %c0_i32 : i32, i32
  }
  func.func @transform_4(%arg0: i32) -> (i32, i32) {
    %c0_i32 = arith.constant 0 : i32
    %c0_i32_0 = arith.constant 0 : i32
    %c0_i32_1 = arith.constant 0 : i32
    return %c0_i32, %c0_i32_0 : i32, i32
  }
  func.func @transform_5(%arg0: i32) -> (i32, i32) {
    %c0_i32 = arith.constant 0 : i32
    %c0_i32_0 = arith.constant 0 : i32
    %c0_i32_1 = arith.constant 0 : i32
    return %c0_i32, %c0_i32_0 : i32, i32
  }
}

module attributes {stable_mosaic.version = 14 : i64} {
  func.func @_affine_relu_mm_stats_body(%arg0: i32, %arg1: memref<4000x128xbf16, #tpu.memory_space<vmem>>, %arg2: memref<1x128xf32, #tpu.memory_space<vmem>>, %arg3: memref<1x128xf32, #tpu.memory_space<vmem>>, %arg4: memref<128x128xbf16, #tpu.memory_space<vmem>>, %arg5: memref<1x128xf32, #tpu.memory_space<vmem>>, %arg6: memref<4000x128xbf16, #tpu.memory_space<vmem>>, %arg7: memref<1x128xf32, #tpu.memory_space<vmem>>, %arg8: memref<1x128xf32, #tpu.memory_space<vmem>>) attributes {dimension_semantics = [#tpu.dimension_semantics<arbitrary>], iteration_bounds = array<i64: 40>, scalar_prefetch = 0 : i64, scratch_operands = 0 : i64, tpu.core_type = #tpu.core_type<tc>, window_params = [{transform_indices = @transform_0, window_bounds = array<i64: 4000, 128>}, {pipeline_mode = #tpu.pipeline_mode<synchronous>, transform_indices = @transform_1, window_bounds = array<i64: 1, 128>}, {pipeline_mode = #tpu.pipeline_mode<synchronous>, transform_indices = @transform_2, window_bounds = array<i64: 1, 128>}, {pipeline_mode = #tpu.pipeline_mode<synchronous>, transform_indices = @transform_3, window_bounds = array<i64: 128, 128>}, {pipeline_mode = #tpu.pipeline_mode<synchronous>, transform_indices = @transform_4, window_bounds = array<i64: 1, 128>}, {transform_indices = @transform_5, window_bounds = array<i64: 4000, 128>}, {pipeline_mode = #tpu.pipeline_mode<synchronous>, transform_indices = @transform_6, window_bounds = array<i64: 1, 128>}, {pipeline_mode = #tpu.pipeline_mode<synchronous>, transform_indices = @transform_7, window_bounds = array<i64: 1, 128>}]} {
    %get3A = arith.constant 0 : index
    %get3A_0 = arith.constant 0 : index
    %get3A_1 = vector.load %arg1[%get3A, %get3A_0] : memref<4000x128xbf16, #tpu.memory_space<vmem>>, vector<4000x128xbf16>
    %convert_element_type3A = arith.extf %get3A_1 : vector<4000x128xbf16> to vector<4000x128xf32>
    %get3A_2 = arith.constant 0 : index
    %get3A_3 = arith.constant 0 : index
    %get3A_4 = vector.load %arg2[%get3A_2, %get3A_3] : memref<1x128xf32, #tpu.memory_space<vmem>>, vector<1x128xf32>
    %mul3A = vector.broadcast %get3A_4 : vector<1x128xf32> to vector<4000x128xf32>
    %mul3A_5 = arith.mulf %convert_element_type3A, %mul3A : vector<4000x128xf32>
    %get3A_6 = arith.constant 0 : index
    %get3A_7 = arith.constant 0 : index
    %get3A_8 = vector.load %arg3[%get3A_6, %get3A_7] : memref<1x128xf32, #tpu.memory_space<vmem>>, vector<1x128xf32>
    %add3A = vector.broadcast %get3A_8 : vector<1x128xf32> to vector<4000x128xf32>
    %add3A_9 = arith.addf %mul3A_5, %add3A : vector<4000x128xf32>
    %max3A = arith.constant 0.000000e+00 : f32
    %max3A_10 = vector.broadcast %max3A : f32 to vector<4000x128xf32>
    %max3A_11 = arith.maximumf %add3A_9, %max3A_10 : vector<4000x128xf32>
    %convert_element_type3A_12 = arith.truncf %max3A_11 : vector<4000x128xf32> to vector<4000x128xbf16>
    %get3A_13 = arith.constant 0 : index
    %get3A_14 = arith.constant 0 : index
    %get3A_15 = vector.load %arg4[%get3A_13, %get3A_14] : memref<128x128xbf16, #tpu.memory_space<vmem>>, vector<128x128xbf16>
    %dot_general3A = arith.constant dense<0.000000e+00> : vector<4000x128xf32>
    %dot_general3A_16 = tpu.matmul %convert_element_type3A_12, %get3A_15, %dot_general3A {dimension_numbers = #tpu.dot_dimension_numbers<[1], [0], [0], [1], [0, 0, 1, 1], [], []>, transpose_lhs_hint = false} : vector<4000x128xbf16>, vector<128x128xbf16>, vector<4000x128xf32> -> vector<4000x128xf32>
    %get3A_17 = arith.constant 0 : index
    %get3A_18 = arith.constant 0 : index
    %get3A_19 = vector.load %arg5[%get3A_17, %get3A_18] : memref<1x128xf32, #tpu.memory_space<vmem>>, vector<1x128xf32>
    %add3A_20 = vector.broadcast %get3A_19 : vector<1x128xf32> to vector<4000x128xf32>
    %add3A_21 = arith.addf %dot_general3A_16, %add3A_20 : vector<4000x128xf32>
    %convert_element_type3A_22 = arith.truncf %add3A_21 : vector<4000x128xf32> to vector<4000x128xbf16>
    %swap3A = arith.constant 0 : index
    %swap3A_23 = arith.constant 0 : index
    %swap3A_24 = vector.load %arg6[%swap3A, %swap3A_23] : memref<4000x128xbf16, #tpu.memory_space<vmem>>, vector<4000x128xbf16>
    tpu.vector_store %arg6[%swap3A, %swap3A_23], %convert_element_type3A_22 {strides = array<i32>} : memref<4000x128xbf16, #tpu.memory_space<vmem>>, vector<4000x128xbf16>,
    %eq3A = arith.constant 0 : i32
    %eq3A_25 = arith.cmpi eq, %arg0, %eq3A : i32
    %convert_element_type3A_26 = arith.extui %eq3A_25 : i1 to i32
    %cond3A = arith.constant 0 : i32
    %cond3A_27 = arith.cmpi ne, %convert_element_type3A_26, %cond3A : i32
    scf.if %cond3A_27 {
      %broadcast_in_dim3A_47 = arith.constant 0.000000e+00 : f32
      %broadcast_in_dim3A_48 = vector.broadcast %broadcast_in_dim3A_47 : f32 to vector<1x128xf32>
      %swap3A_49 = arith.constant 0 : index
      %swap3A_50 = arith.constant 0 : index
      %swap3A_51 = vector.load %arg7[%swap3A_49, %swap3A_50] : memref<1x128xf32, #tpu.memory_space<vmem>>, vector<1x128xf32>
      tpu.vector_store %arg7[%swap3A_49, %swap3A_50], %broadcast_in_dim3A_48 {strides = array<i32>} : memref<1x128xf32, #tpu.memory_space<vmem>>, vector<1x128xf32>,
      %broadcast_in_dim3A_52 = arith.constant 0.000000e+00 : f32
      %broadcast_in_dim3A_53 = vector.broadcast %broadcast_in_dim3A_52 : f32 to vector<1x128xf32>
      %swap3A_54 = arith.constant 0 : index
      %swap3A_55 = arith.constant 0 : index
      %swap3A_56 = vector.load %arg8[%swap3A_54, %swap3A_55] : memref<1x128xf32, #tpu.memory_space<vmem>>, vector<1x128xf32>
      tpu.vector_store %arg8[%swap3A_54, %swap3A_55], %broadcast_in_dim3A_53 {strides = array<i32>} : memref<1x128xf32, #tpu.memory_space<vmem>>, vector<1x128xf32>,
    } else {
    }
    %get3A_28 = arith.constant 0 : index
    %get3A_29 = arith.constant 0 : index
    %get3A_30 = vector.load %arg7[%get3A_28, %get3A_29] : memref<1x128xf32, #tpu.memory_space<vmem>>, vector<1x128xf32>
    %reduce_sum3A = arith.constant dense<0.000000e+00> : vector<128xf32>
    %reduce_sum3A_31 = vector.multi_reduction <add>, %add3A_21, %reduce_sum3A [0] : vector<4000x128xf32> to vector<128xf32>
    %broadcast_in_dim3A = vector.shape_cast %reduce_sum3A_31 : vector<128xf32> to vector<1x128xf32>
    %add3A_32 = arith.addf %get3A_30, %broadcast_in_dim3A : vector<1x128xf32>
    %swap3A_33 = arith.constant 0 : index
    %swap3A_34 = arith.constant 0 : index
    %swap3A_35 = vector.load %arg7[%swap3A_33, %swap3A_34] : memref<1x128xf32, #tpu.memory_space<vmem>>, vector<1x128xf32>
    tpu.vector_store %arg7[%swap3A_33, %swap3A_34], %add3A_32 {strides = array<i32>} : memref<1x128xf32, #tpu.memory_space<vmem>>, vector<1x128xf32>,
    %get3A_36 = arith.constant 0 : index
    %get3A_37 = arith.constant 0 : index
    %get3A_38 = vector.load %arg8[%get3A_36, %get3A_37] : memref<1x128xf32, #tpu.memory_space<vmem>>, vector<1x128xf32>
    %mul3A_39 = arith.mulf %add3A_21, %add3A_21 : vector<4000x128xf32>
    %reduce_sum3A_40 = arith.constant dense<0.000000e+00> : vector<128xf32>
    %reduce_sum3A_41 = vector.multi_reduction <add>, %mul3A_39, %reduce_sum3A_40 [0] : vector<4000x128xf32> to vector<128xf32>
    %broadcast_in_dim3A_42 = vector.shape_cast %reduce_sum3A_41 : vector<128xf32> to vector<1x128xf32>
    %add3A_43 = arith.addf %get3A_38, %broadcast_in_dim3A_42 : vector<1x128xf32>
    %swap3A_44 = arith.constant 0 : index
    %swap3A_45 = arith.constant 0 : index
    %swap3A_46 = vector.load %arg8[%swap3A_44, %swap3A_45] : memref<1x128xf32, #tpu.memory_space<vmem>>, vector<1x128xf32>
    tpu.vector_store %arg8[%swap3A_44, %swap3A_45], %add3A_43 {strides = array<i32>} : memref<1x128xf32, #tpu.memory_space<vmem>>, vector<1x128xf32>,
    return
  }
  func.func @transform_0(%arg0: i32) -> (i32, i32) {
    %c0_i32 = arith.constant 0 : i32
    %c0_i32_0 = arith.constant 0 : i32
    return %arg0, %c0_i32 : i32, i32
  }
  func.func @transform_1(%arg0: i32) -> (i32, i32) {
    %c0_i32 = arith.constant 0 : i32
    %c0_i32_0 = arith.constant 0 : i32
    %c0_i32_1 = arith.constant 0 : i32
    return %c0_i32, %c0_i32_0 : i32, i32
  }
  func.func @transform_2(%arg0: i32) -> (i32, i32) {
    %c0_i32 = arith.constant 0 : i32
    %c0_i32_0 = arith.constant 0 : i32
    %c0_i32_1 = arith.constant 0 : i32
    return %c0_i32, %c0_i32_0 : i32, i32
  }
  func.func @transform_3(%arg0: i32) -> (i32, i32) {
    %c0_i32 = arith.constant 0 : i32
    %c0_i32_0 = arith.constant 0 : i32
    %c0_i32_1 = arith.constant 0 : i32
    return %c0_i32, %c0_i32_0 : i32, i32
  }
  func.func @transform_4(%arg0: i32) -> (i32, i32) {
    %c0_i32 = arith.constant 0 : i32
    %c0_i32_0 = arith.constant 0 : i32
    %c0_i32_1 = arith.constant 0 : i32
    return %c0_i32, %c0_i32_0 : i32, i32
  }
  func.func @transform_5(%arg0: i32) -> (i32, i32) {
    %c0_i32 = arith.constant 0 : i32
    %c0_i32_0 = arith.constant 0 : i32
    return %arg0, %c0_i32 : i32, i32
  }
  func.func @transform_6(%arg0: i32) -> (i32, i32) {
    %c0_i32 = arith.constant 0 : i32
    %c0_i32_0 = arith.constant 0 : i32
    %c0_i32_1 = arith.constant 0 : i32
    return %c0_i32, %c0_i32_0 : i32, i32
  }
  func.func @transform_7(%arg0: i32) -> (i32, i32) {
    %c0_i32 = arith.constant 0 : i32
    %c0_i32_0 = arith.constant 0 : i32
    %c0_i32_1 = arith.constant 0 : i32
    return %c0_i32, %c0_i32_0 : i32, i32
  }
}

module attributes {stable_mosaic.version = 14 : i64} {
  func.func @_enc_finish_body(%arg0: i32, %arg1: memref<4000x128xbf16, #tpu.memory_space<vmem>>, %arg2: memref<1x128xf32, #tpu.memory_space<vmem>>, %arg3: memref<1x128xf32, #tpu.memory_space<vmem>>, %arg4: memref<128x128xbf16, #tpu.memory_space<vmem>>, %arg5: memref<1x128xf32, #tpu.memory_space<vmem>>, %arg6: memref<4000x128xf32, #tpu.memory_space<vmem>>, %arg7: memref<4000x128xbf16, #tpu.memory_space<vmem>>) attributes {dimension_semantics = [#tpu.dimension_semantics<arbitrary>], iteration_bounds = array<i64: 40>, scalar_prefetch = 0 : i64, scratch_operands = 0 : i64, tpu.core_type = #tpu.core_type<tc>, window_params = [{transform_indices = @transform_0, window_bounds = array<i64: 4000, 128>}, {pipeline_mode = #tpu.pipeline_mode<synchronous>, transform_indices = @transform_1, window_bounds = array<i64: 1, 128>}, {pipeline_mode = #tpu.pipeline_mode<synchronous>, transform_indices = @transform_2, window_bounds = array<i64: 1, 128>}, {pipeline_mode = #tpu.pipeline_mode<synchronous>, transform_indices = @transform_3, window_bounds = array<i64: 128, 128>}, {pipeline_mode = #tpu.pipeline_mode<synchronous>, transform_indices = @transform_4, window_bounds = array<i64: 1, 128>}, {transform_indices = @transform_5, window_bounds = array<i64: 4000, 128>}, {transform_indices = @transform_6, window_bounds = array<i64: 4000, 128>}]} {
    %get3A = arith.constant 0 : index
    %get3A_0 = arith.constant 0 : index
    %get3A_1 = vector.load %arg1[%get3A, %get3A_0] : memref<4000x128xbf16, #tpu.memory_space<vmem>>, vector<4000x128xbf16>
    %convert_element_type3A = arith.extf %get3A_1 : vector<4000x128xbf16> to vector<4000x128xf32>
    %get3A_2 = arith.constant 0 : index
    %get3A_3 = arith.constant 0 : index
    %get3A_4 = vector.load %arg2[%get3A_2, %get3A_3] : memref<1x128xf32, #tpu.memory_space<vmem>>, vector<1x128xf32>
    %mul3A = vector.broadcast %get3A_4 : vector<1x128xf32> to vector<4000x128xf32>
    %mul3A_5 = arith.mulf %convert_element_type3A, %mul3A : vector<4000x128xf32>
    %get3A_6 = arith.constant 0 : index
    %get3A_7 = arith.constant 0 : index
    %get3A_8 = vector.load %arg3[%get3A_6, %get3A_7] : memref<1x128xf32, #tpu.memory_space<vmem>>, vector<1x128xf32>
    %add3A = vector.broadcast %get3A_8 : vector<1x128xf32> to vector<4000x128xf32>
    %add3A_9 = arith.addf %mul3A_5, %add3A : vector<4000x128xf32>
    %max3A = arith.constant 0.000000e+00 : f32
    %max3A_10 = vector.broadcast %max3A : f32 to vector<4000x128xf32>
    %max3A_11 = arith.maximumf %add3A_9, %max3A_10 : vector<4000x128xf32>
    %swap3A = arith.constant 0 : index
    %swap3A_12 = arith.constant 0 : index
    %swap3A_13 = vector.load %arg6[%swap3A, %swap3A_12] : memref<4000x128xf32, #tpu.memory_space<vmem>>, vector<4000x128xf32>
    tpu.vector_store %arg6[%swap3A, %swap3A_12], %max3A_11 {strides = array<i32>} : memref<4000x128xf32, #tpu.memory_space<vmem>>, vector<4000x128xf32>,
    %convert_element_type3A_14 = arith.truncf %max3A_11 : vector<4000x128xf32> to vector<4000x128xbf16>
    %get3A_15 = arith.constant 0 : index
    %get3A_16 = arith.constant 0 : index
    %get3A_17 = vector.load %arg4[%get3A_15, %get3A_16] : memref<128x128xbf16, #tpu.memory_space<vmem>>, vector<128x128xbf16>
    %dot_general3A = arith.constant dense<0.000000e+00> : vector<4000x128xf32>
    %dot_general3A_18 = tpu.matmul %convert_element_type3A_14, %get3A_17, %dot_general3A {dimension_numbers = #tpu.dot_dimension_numbers<[1], [0], [0], [1], [0, 0, 1, 1], [], []>, transpose_lhs_hint = false} : vector<4000x128xbf16>, vector<128x128xbf16>, vector<4000x128xf32> -> vector<4000x128xf32>
    %get3A_19 = arith.constant 0 : index
    %get3A_20 = arith.constant 0 : index
    %get3A_21 = vector.load %arg5[%get3A_19, %get3A_20] : memref<1x128xf32, #tpu.memory_space<vmem>>, vector<1x128xf32>
    %add3A_22 = vector.broadcast %get3A_21 : vector<1x128xf32> to vector<4000x128xf32>
    %add3A_23 = arith.addf %dot_general3A_18, %add3A_22 : vector<4000x128xf32>
    %convert_element_type3A_24 = arith.truncf %add3A_23 : vector<4000x128xf32> to vector<4000x128xbf16>
    %swap3A_25 = arith.constant 0 : index
    %swap3A_26 = arith.constant 0 : index
    %swap3A_27 = vector.load %arg7[%swap3A_25, %swap3A_26] : memref<4000x128xbf16, #tpu.memory_space<vmem>>, vector<4000x128xbf16>
    tpu.vector_store %arg7[%swap3A_25, %swap3A_26], %convert_element_type3A_24 {strides = array<i32>} : memref<4000x128xbf16, #tpu.memory_space<vmem>>, vector<4000x128xbf16>,
    return
  }
  func.func @transform_0(%arg0: i32) -> (i32, i32) {
    %c0_i32 = arith.constant 0 : i32
    %c0_i32_0 = arith.constant 0 : i32
    return %arg0, %c0_i32 : i32, i32
  }
  func.func @transform_1(%arg0: i32) -> (i32, i32) {
    %c0_i32 = arith.constant 0 : i32
    %c0_i32_0 = arith.constant 0 : i32
    %c0_i32_1 = arith.constant 0 : i32
    return %c0_i32, %c0_i32_0 : i32, i32
  }
  func.func @transform_2(%arg0: i32) -> (i32, i32) {
    %c0_i32 = arith.constant 0 : i32
    %c0_i32_0 = arith.constant 0 : i32
    %c0_i32_1 = arith.constant 0 : i32
    return %c0_i32, %c0_i32_0 : i32, i32
  }
  func.func @transform_3(%arg0: i32) -> (i32, i32) {
    %c0_i32 = arith.constant 0 : i32
    %c0_i32_0 = arith.constant 0 : i32
    %c0_i32_1 = arith.constant 0 : i32
    return %c0_i32, %c0_i32_0 : i32, i32
  }
  func.func @transform_4(%arg0: i32) -> (i32, i32) {
    %c0_i32 = arith.constant 0 : i32
    %c0_i32_0 = arith.constant 0 : i32
    %c0_i32_1 = arith.constant 0 : i32
    return %c0_i32, %c0_i32_0 : i32, i32
  }
  func.func @transform_5(%arg0: i32) -> (i32, i32) {
    %c0_i32 = arith.constant 0 : i32
    %c0_i32_0 = arith.constant 0 : i32
    return %arg0, %c0_i32 : i32, i32
  }
  func.func @transform_6(%arg0: i32) -> (i32, i32) {
    %c0_i32 = arith.constant 0 : i32
    %c0_i32_0 = arith.constant 0 : i32
    return %arg0, %c0_i32 : i32, i32
  }
}

module attributes {stable_mosaic.version = 14 : i64} {
  func.func @_layer0_edge_body(%arg0: i32, %arg1: memref<4000x128xf32, #tpu.memory_space<vmem>>, %arg2: memref<4000x128xbf16, #tpu.memory_space<vmem>>, %arg3: memref<128x128xbf16, #tpu.memory_space<vmem>>, %arg4: memref<1x128xf32, #tpu.memory_space<vmem>>, %arg5: memref<128x128xbf16, #tpu.memory_space<vmem>>, %arg6: memref<1x128xf32, #tpu.memory_space<vmem>>, %arg7: memref<128x128xbf16, #tpu.memory_space<vmem>>, %arg8: memref<1x128xf32, #tpu.memory_space<vmem>>, %arg9: memref<4000x128xf32, #tpu.memory_space<vmem>>, %arg10: memref<4000x128xbf16, #tpu.memory_space<vmem>>) attributes {dimension_semantics = [#tpu.dimension_semantics<arbitrary>], iteration_bounds = array<i64: 40>, scalar_prefetch = 0 : i64, scratch_operands = 0 : i64, tpu.core_type = #tpu.core_type<tc>, window_params = [{transform_indices = @transform_0, window_bounds = array<i64: 4000, 128>}, {transform_indices = @transform_1, window_bounds = array<i64: 4000, 128>}, {pipeline_mode = #tpu.pipeline_mode<synchronous>, transform_indices = @transform_2, window_bounds = array<i64: 128, 128>}, {pipeline_mode = #tpu.pipeline_mode<synchronous>, transform_indices = @transform_3, window_bounds = array<i64: 1, 128>}, {pipeline_mode = #tpu.pipeline_mode<synchronous>, transform_indices = @transform_4, window_bounds = array<i64: 128, 128>}, {pipeline_mode = #tpu.pipeline_mode<synchronous>, transform_indices = @transform_5, window_bounds = array<i64: 1, 128>}, {pipeline_mode = #tpu.pipeline_mode<synchronous>, transform_indices = @transform_6, window_bounds = array<i64: 128, 128>}, {pipeline_mode = #tpu.pipeline_mode<synchronous>, transform_indices = @transform_7, window_bounds = array<i64: 1, 128>}, {transform_indices = @transform_8, window_bounds = array<i64: 4000, 128>}, {transform_indices = @transform_9, window_bounds = array<i64: 4000, 128>}]} {
    %get3A = arith.constant 0 : index
    %get3A_0 = arith.constant 0 : index
    %get3A_1 = vector.load %arg1[%get3A, %get3A_0] : memref<4000x128xf32, #tpu.memory_space<vmem>>, vector<4000x128xf32>
    %get3A_2 = arith.constant 0 : index
    %get3A_3 = arith.constant 0 : index
    %get3A_4 = vector.load %arg2[%get3A_2, %get3A_3] : memref<4000x128xbf16, #tpu.memory_space<vmem>>, vector<4000x128xbf16>
    %convert_element_type3A = arith.extf %get3A_4 : vector<4000x128xbf16> to vector<4000x128xf32>
    %add3A = arith.addf %get3A_1, %convert_element_type3A : vector<4000x128xf32>
    %max3A = arith.constant 0.000000e+00 : f32
    %max3A_5 = vector.broadcast %max3A : f32 to vector<4000x128xf32>
    %max3A_6 = arith.maximumf %add3A, %max3A_5 : vector<4000x128xf32>
    %convert_element_type3A_7 = arith.truncf %max3A_6 : vector<4000x128xf32> to vector<4000x128xbf16>
    %get3A_8 = arith.constant 0 : index
    %get3A_9 = arith.constant 0 : index
    %get3A_10 = vector.load %arg3[%get3A_8, %get3A_9] : memref<128x128xbf16, #tpu.memory_space<vmem>>, vector<128x128xbf16>
    %dot_general3A = arith.constant dense<0.000000e+00> : vector<4000x128xf32>
    %dot_general3A_11 = tpu.matmul %convert_element_type3A_7, %get3A_10, %dot_general3A {dimension_numbers = #tpu.dot_dimension_numbers<[1], [0], [0], [1], [0, 0, 1, 1], [], []>, transpose_lhs_hint = false} : vector<4000x128xbf16>, vector<128x128xbf16>, vector<4000x128xf32> -> vector<4000x128xf32>
    %get3A_12 = arith.constant 0 : index
    %get3A_13 = arith.constant 0 : index
    %get3A_14 = vector.load %arg4[%get3A_12, %get3A_13] : memref<1x128xf32, #tpu.memory_space<vmem>>, vector<1x128xf32>
    %add3A_15 = vector.broadcast %get3A_14 : vector<1x128xf32> to vector<4000x128xf32>
    %add3A_16 = arith.addf %dot_general3A_11, %add3A_15 : vector<4000x128xf32>
    %swap3A = arith.constant 0 : index
    %swap3A_17 = arith.constant 0 : index
    %swap3A_18 = vector.load %arg9[%swap3A, %swap3A_17] : memref<4000x128xf32, #tpu.memory_space<vmem>>, vector<4000x128xf32>
    tpu.vector_store %arg9[%swap3A, %swap3A_17], %add3A_16 {strides = array<i32>} : memref<4000x128xf32, #tpu.memory_space<vmem>>, vector<4000x128xf32>,
    %get3A_19 = arith.constant 0 : index
    %get3A_20 = arith.constant 0 : index
    %get3A_21 = vector.load %arg5[%get3A_19, %get3A_20] : memref<128x128xbf16, #tpu.memory_space<vmem>>, vector<128x128xbf16>
    %dot_general3A_22 = arith.constant dense<0.000000e+00> : vector<4000x128xf32>
    %dot_general3A_23 = tpu.matmul %convert_element_type3A_7, %get3A_21, %dot_general3A_22 {dimension_numbers = #tpu.dot_dimension_numbers<[1], [0], [0], [1], [0, 0, 1, 1], [], []>, transpose_lhs_hint = false} : vector<4000x128xbf16>, vector<128x128xbf16>, vector<4000x128xf32> -> vector<4000x128xf32>
    %get3A_24 = arith.constant 0 : index
    %get3A_25 = arith.constant 0 : index
    %get3A_26 = vector.load %arg6[%get3A_24, %get3A_25] : memref<1x128xf32, #tpu.memory_space<vmem>>, vector<1x128xf32>
    %add3A_27 = vector.broadcast %get3A_26 : vector<1x128xf32> to vector<4000x128xf32>
    %add3A_28 = arith.addf %dot_general3A_23, %add3A_27 : vector<4000x128xf32>
    %max3A_29 = arith.constant 0.000000e+00 : f32
    %max3A_30 = vector.broadcast %max3A_29 : f32 to vector<4000x128xf32>
    %max3A_31 = arith.maximumf %add3A_28, %max3A_30 : vector<4000x128xf32>
    %convert_element_type3A_32 = arith.truncf %max3A_31 : vector<4000x128xf32> to vector<4000x128xbf16>
    %get3A_33 = arith.constant 0 : index
    %get3A_34 = arith.constant 0 : index
    %get3A_35 = vector.load %arg7[%get3A_33, %get3A_34] : memref<128x128xbf16, #tpu.memory_space<vmem>>, vector<128x128xbf16>
    %dot_general3A_36 = arith.constant dense<0.000000e+00> : vector<4000x128xf32>
    %dot_general3A_37 = tpu.matmul %convert_element_type3A_32, %get3A_35, %dot_general3A_36 {dimension_numbers = #tpu.dot_dimension_numbers<[1], [0], [0], [1], [0, 0, 1, 1], [], []>, transpose_lhs_hint = false} : vector<4000x128xbf16>, vector<128x128xbf16>, vector<4000x128xf32> -> vector<4000x128xf32>
    %get3A_38 = arith.constant 0 : index
    %get3A_39 = arith.constant 0 : index
    %get3A_40 = vector.load %arg8[%get3A_38, %get3A_39] : memref<1x128xf32, #tpu.memory_space<vmem>>, vector<1x128xf32>
    %add3A_41 = vector.broadcast %get3A_40 : vector<1x128xf32> to vector<4000x128xf32>
    %add3A_42 = arith.addf %dot_general3A_37, %add3A_41 : vector<4000x128xf32>
    %convert_element_type3A_43 = arith.truncf %add3A_42 : vector<4000x128xf32> to vector<4000x128xbf16>
    %swap3A_44 = arith.constant 0 : index
    %swap3A_45 = arith.constant 0 : index
    %swap3A_46 = vector.load %arg10[%swap3A_44, %swap3A_45] : memref<4000x128xbf16, #tpu.memory_space<vmem>>, vector<4000x128xbf16>
    tpu.vector_store %arg10[%swap3A_44, %swap3A_45], %convert_element_type3A_43 {strides = array<i32>} : memref<4000x128xbf16, #tpu.memory_space<vmem>>, vector<4000x128xbf16>,
    return
  }
  func.func @transform_0(%arg0: i32) -> (i32, i32) {
    %c0_i32 = arith.constant 0 : i32
    %c0_i32_0 = arith.constant 0 : i32
    return %arg0, %c0_i32 : i32, i32
  }
  func.func @transform_1(%arg0: i32) -> (i32, i32) {
    %c0_i32 = arith.constant 0 : i32
    %c0_i32_0 = arith.constant 0 : i32
    return %arg0, %c0_i32 : i32, i32
  }
  func.func @transform_2(%arg0: i32) -> (i32, i32) {
    %c0_i32 = arith.constant 0 : i32
    %c0_i32_0 = arith.constant 0 : i32
    %c0_i32_1 = arith.constant 0 : i32
    return %c0_i32, %c0_i32_0 : i32, i32
  }
  func.func @transform_3(%arg0: i32) -> (i32, i32) {
    %c0_i32 = arith.constant 0 : i32
    %c0_i32_0 = arith.constant 0 : i32
    %c0_i32_1 = arith.constant 0 : i32
    return %c0_i32, %c0_i32_0 : i32, i32
  }
  func.func @transform_4(%arg0: i32) -> (i32, i32) {
    %c0_i32 = arith.constant 0 : i32
    %c0_i32_0 = arith.constant 0 : i32
    %c0_i32_1 = arith.constant 0 : i32
    return %c0_i32, %c0_i32_0 : i32, i32
  }
  func.func @transform_5(%arg0: i32) -> (i32, i32) {
    %c0_i32 = arith.constant 0 : i32
    %c0_i32_0 = arith.constant 0 : i32
    %c0_i32_1 = arith.constant 0 : i32
    return %c0_i32, %c0_i32_0 : i32, i32
  }
  func.func @transform_6(%arg0: i32) -> (i32, i32) {
    %c0_i32 = arith.constant 0 : i32
    %c0_i32_0 = arith.constant 0 : i32
    %c0_i32_1 = arith.constant 0 : i32
    return %c0_i32, %c0_i32_0 : i32, i32
  }
  func.func @transform_7(%arg0: i32) -> (i32, i32) {
    %c0_i32 = arith.constant 0 : i32
    %c0_i32_0 = arith.constant 0 : i32
    %c0_i32_1 = arith.constant 0 : i32
    return %c0_i32, %c0_i32_0 : i32, i32
  }
  func.func @transform_8(%arg0: i32) -> (i32, i32) {
    %c0_i32 = arith.constant 0 : i32
    %c0_i32_0 = arith.constant 0 : i32
    return %arg0, %c0_i32 : i32, i32
  }
  func.func @transform_9(%arg0: i32) -> (i32, i32) {
    %c0_i32 = arith.constant 0 : i32
    %c0_i32_0 = arith.constant 0 : i32
    return %arg0, %c0_i32 : i32, i32
  }
}

module attributes {stable_mosaic.version = 14 : i64} {
  func.func @_node_update_body(%arg0: i32, %arg1: memref<2x2000x128xf32, #tpu.memory_space<vmem>>, %arg2: memref<2x2000x128xf32, #tpu.memory_space<vmem>>, %arg3: memref<2000x128xf32, #tpu.memory_space<vmem>>, %arg4: memref<128x128xbf16, #tpu.memory_space<vmem>>, %arg5: memref<1x128xf32, #tpu.memory_space<vmem>>, %arg6: memref<128x128xbf16, #tpu.memory_space<vmem>>, %arg7: memref<1x128xf32, #tpu.memory_space<vmem>>, %arg8: memref<128x128xbf16, #tpu.memory_space<vmem>>, %arg9: memref<128x128xbf16, #tpu.memory_space<vmem>>, %arg10: memref<2000x128xf32, #tpu.memory_space<vmem>>, %arg11: memref<2000x128xf32, #tpu.memory_space<vmem>>) attributes {dimension_semantics = [#tpu.dimension_semantics<arbitrary>], iteration_bounds = array<i64: 5>, scalar_prefetch = 0 : i64, scratch_operands = 0 : i64, tpu.core_type = #tpu.core_type<tc>, window_params = [{transform_indices = @transform_0, window_bounds = array<i64: 2, 2000, 128>}, {transform_indices = @transform_1, window_bounds = array<i64: 2, 2000, 128>}, {transform_indices = @transform_2, window_bounds = array<i64: 2000, 128>}, {pipeline_mode = #tpu.pipeline_mode<synchronous>, transform_indices = @transform_3, window_bounds = array<i64: 128, 128>}, {pipeline_mode = #tpu.pipeline_mode<synchronous>, transform_indices = @transform_4, window_bounds = array<i64: 1, 128>}, {pipeline_mode = #tpu.pipeline_mode<synchronous>, transform_indices = @transform_5, window_bounds = array<i64: 128, 128>}, {pipeline_mode = #tpu.pipeline_mode<synchronous>, transform_indices = @transform_6, window_bounds = array<i64: 1, 128>}, {pipeline_mode = #tpu.pipeline_mode<synchronous>, transform_indices = @transform_7, window_bounds = array<i64: 128, 128>}, {pipeline_mode = #tpu.pipeline_mode<synchronous>, transform_indices = @transform_8, window_bounds = array<i64: 128, 128>}, {transform_indices = @transform_9, window_bounds = array<i64: 2000, 128>}, {transform_indices = @transform_10, window_bounds = array<i64: 2000, 128>}]} {
    %get3A = arith.constant 0 : index
    %get3A_0 = arith.constant 0 : index
    %get3A_1 = arith.constant 0 : index
    %get3A_2 = vector.load %arg2[%get3A, %get3A_0, %get3A_1] : memref<2x2000x128xf32, #tpu.memory_space<vmem>>, vector<1x2000x1xf32>
    %get3A_3 = vector.shape_cast %get3A_2 : vector<1x2000x1xf32> to vector<2000x1xf32>
    %get3A_4 = arith.constant 1 : index
    %get3A_5 = arith.constant 0 : index
    %get3A_6 = arith.constant 0 : index
    %get3A_7 = vector.load %arg2[%get3A_4, %get3A_5, %get3A_6] : memref<2x2000x128xf32, #tpu.memory_space<vmem>>, vector<1x2000x1xf32>
    %get3A_8 = vector.shape_cast %get3A_7 : vector<1x2000x1xf32> to vector<2000x1xf32>
    %add3A = arith.addf %get3A_3, %get3A_8 : vector<2000x1xf32>
    %max3A = arith.constant 1.000000e+00 : f32
    %max3A_9 = vector.broadcast %max3A : f32 to vector<2000x1xf32>
    %max3A_10 = arith.maximumf %add3A, %max3A_9 : vector<2000x1xf32>
    %get3A_11 = arith.constant 0 : index
    %get3A_12 = arith.constant 0 : index
    %get3A_13 = arith.constant 0 : index
    %get3A_14 = vector.load %arg1[%get3A_11, %get3A_12, %get3A_13] : memref<2x2000x128xf32, #tpu.memory_space<vmem>>, vector<1x2000x128xf32>
    %get3A_15 = vector.shape_cast %get3A_14 : vector<1x2000x128xf32> to vector<2000x128xf32>
    %get3A_16 = arith.constant 1 : index
    %get3A_17 = arith.constant 0 : index
    %get3A_18 = arith.constant 0 : index
    %get3A_19 = vector.load %arg1[%get3A_16, %get3A_17, %get3A_18] : memref<2x2000x128xf32, #tpu.memory_space<vmem>>, vector<1x2000x128xf32>
    %get3A_20 = vector.shape_cast %get3A_19 : vector<1x2000x128xf32> to vector<2000x128xf32>
    %add3A_21 = arith.addf %get3A_15, %get3A_20 : vector<2000x128xf32>
    %div3A = vector.broadcast %max3A_10 : vector<2000x1xf32> to vector<2000x128xf32>
    %div3A_22 = arith.divf %add3A_21, %div3A : vector<2000x128xf32>
    %convert_element_type3A = arith.truncf %div3A_22 : vector<2000x128xf32> to vector<2000x128xbf16>
    %get3A_23 = arith.constant 0 : index
    %get3A_24 = arith.constant 0 : index
    %get3A_25 = vector.load %arg4[%get3A_23, %get3A_24] : memref<128x128xbf16, #tpu.memory_space<vmem>>, vector<128x128xbf16>
    %dot_general3A = arith.constant dense<0.000000e+00> : vector<2000x128xf32>
    %dot_general3A_26 = tpu.matmul %convert_element_type3A, %get3A_25, %dot_general3A {dimension_numbers = #tpu.dot_dimension_numbers<[1], [0], [0], [1], [0, 0, 1, 1], [], []>, transpose_lhs_hint = false} : vector<2000x128xbf16>, vector<128x128xbf16>, vector<2000x128xf32> -> vector<2000x128xf32>
    %get3A_27 = arith.constant 0 : index
    %get3A_28 = arith.constant 0 : index
    %get3A_29 = vector.load %arg5[%get3A_27, %get3A_28] : memref<1x128xf32, #tpu.memory_space<vmem>>, vector<1x128xf32>
    %add3A_30 = vector.broadcast %get3A_29 : vector<1x128xf32> to vector<2000x128xf32>
    %add3A_31 = arith.addf %dot_general3A_26, %add3A_30 : vector<2000x128xf32>
    %max3A_32 = arith.constant 0.000000e+00 : f32
    %max3A_33 = vector.broadcast %max3A_32 : f32 to vector<2000x128xf32>
    %max3A_34 = arith.maximumf %add3A_31, %max3A_33 : vector<2000x128xf32>
    %get3A_35 = arith.constant 0 : index
    %get3A_36 = arith.constant 0 : index
    %get3A_37 = vector.load %arg3[%get3A_35, %get3A_36] : memref<2000x128xf32, #tpu.memory_space<vmem>>, vector<2000x128xf32>
    %convert_element_type3A_38 = arith.truncf %max3A_34 : vector<2000x128xf32> to vector<2000x128xbf16>
    %get3A_39 = arith.constant 0 : index
    %get3A_40 = arith.constant 0 : index
    %get3A_41 = vector.load %arg6[%get3A_39, %get3A_40] : memref<128x128xbf16, #tpu.memory_space<vmem>>, vector<128x128xbf16>
    %dot_general3A_42 = arith.constant dense<0.000000e+00> : vector<2000x128xf32>
    %dot_general3A_43 = tpu.matmul %convert_element_type3A_38, %get3A_41, %dot_general3A_42 {dimension_numbers = #tpu.dot_dimension_numbers<[1], [0], [0], [1], [0, 0, 1, 1], [], []>, transpose_lhs_hint = false} : vector<2000x128xbf16>, vector<128x128xbf16>, vector<2000x128xf32> -> vector<2000x128xf32>
    %get3A_44 = arith.constant 0 : index
    %get3A_45 = arith.constant 0 : index
    %get3A_46 = vector.load %arg7[%get3A_44, %get3A_45] : memref<1x128xf32, #tpu.memory_space<vmem>>, vector<1x128xf32>
    %add3A_47 = vector.broadcast %get3A_46 : vector<1x128xf32> to vector<2000x128xf32>
    %add3A_48 = arith.addf %dot_general3A_43, %add3A_47 : vector<2000x128xf32>
    %add3A_49 = arith.addf %get3A_37, %add3A_48 : vector<2000x128xf32>
    %max3A_50 = arith.constant 0.000000e+00 : f32
    %max3A_51 = vector.broadcast %max3A_50 : f32 to vector<2000x128xf32>
    %max3A_52 = arith.maximumf %add3A_49, %max3A_51 : vector<2000x128xf32>
    %convert_element_type3A_53 = arith.truncf %max3A_52 : vector<2000x128xf32> to vector<2000x128xbf16>
    %get3A_54 = arith.constant 0 : index
    %get3A_55 = arith.constant 0 : index
    %get3A_56 = vector.load %arg8[%get3A_54, %get3A_55] : memref<128x128xbf16, #tpu.memory_space<vmem>>, vector<128x128xbf16>
    %dot_general3A_57 = arith.constant dense<0.000000e+00> : vector<2000x128xf32>
    %dot_general3A_58 = tpu.matmul %convert_element_type3A_53, %get3A_56, %dot_general3A_57 {dimension_numbers = #tpu.dot_dimension_numbers<[1], [0], [0], [1], [0, 0, 1, 1], [], []>, transpose_lhs_hint = false} : vector<2000x128xbf16>, vector<128x128xbf16>, vector<2000x128xf32> -> vector<2000x128xf32>
    %swap3A = arith.constant 0 : index
    %swap3A_59 = arith.constant 0 : index
    %swap3A_60 = vector.load %arg10[%swap3A, %swap3A_59] : memref<2000x128xf32, #tpu.memory_space<vmem>>, vector<2000x128xf32>
    tpu.vector_store %arg10[%swap3A, %swap3A_59], %dot_general3A_58 {strides = array<i32>} : memref<2000x128xf32, #tpu.memory_space<vmem>>, vector<2000x128xf32>,
    %get3A_61 = arith.constant 0 : index
    %get3A_62 = arith.constant 0 : index
    %get3A_63 = vector.load %arg9[%get3A_61, %get3A_62] : memref<128x128xbf16, #tpu.memory_space<vmem>>, vector<128x128xbf16>
    %dot_general3A_64 = arith.constant dense<0.000000e+00> : vector<2000x128xf32>
    %dot_general3A_65 = tpu.matmul %convert_element_type3A_53, %get3A_63, %dot_general3A_64 {dimension_numbers = #tpu.dot_dimension_numbers<[1], [0], [0], [1], [0, 0, 1, 1], [], []>, transpose_lhs_hint = false} : vector<2000x128xbf16>, vector<128x128xbf16>, vector<2000x128xf32> -> vector<2000x128xf32>
    %swap3A_66 = arith.constant 0 : index
    %swap3A_67 = arith.constant 0 : index
    %swap3A_68 = vector.load %arg11[%swap3A_66, %swap3A_67] : memref<2000x128xf32, #tpu.memory_space<vmem>>, vector<2000x128xf32>
    tpu.vector_store %arg11[%swap3A_66, %swap3A_67], %dot_general3A_65 {strides = array<i32>} : memref<2000x128xf32, #tpu.memory_space<vmem>>, vector<2000x128xf32>,
    return
  }
  func.func @transform_0(%arg0: i32) -> (i32, i32, i32) {
    %c0_i32 = arith.constant 0 : i32
    %c0_i32_0 = arith.constant 0 : i32
    %c0_i32_1 = arith.constant 0 : i32
    return %c0_i32, %arg0, %c0_i32_0 : i32, i32, i32
  }
  func.func @transform_1(%arg0: i32) -> (i32, i32, i32) {
    %c0_i32 = arith.constant 0 : i32
    %c0_i32_0 = arith.constant 0 : i32
    %c0_i32_1 = arith.constant 0 : i32
    return %c0_i32, %arg0, %c0_i32_0 : i32, i32, i32
  }
  func.func @transform_2(%arg0: i32) -> (i32, i32) {
    %c0_i32 = arith.constant 0 : i32
    %c0_i32_0 = arith.constant 0 : i32
    return %arg0, %c0_i32 : i32, i32
  }
  func.func @transform_3(%arg0: i32) -> (i32, i32) {
    %c0_i32 = arith.constant 0 : i32
    %c0_i32_0 = arith.constant 0 : i32
    %c0_i32_1 = arith.constant 0 : i32
    return %c0_i32, %c0_i32_0 : i32, i32
  }
  func.func @transform_4(%arg0: i32) -> (i32, i32) {
    %c0_i32 = arith.constant 0 : i32
    %c0_i32_0 = arith.constant 0 : i32
    %c0_i32_1 = arith.constant 0 : i32
    return %c0_i32, %c0_i32_0 : i32, i32
  }
  func.func @transform_5(%arg0: i32) -> (i32, i32) {
    %c0_i32 = arith.constant 0 : i32
    %c0_i32_0 = arith.constant 0 : i32
    %c0_i32_1 = arith.constant 0 : i32
    return %c0_i32, %c0_i32_0 : i32, i32
  }
  func.func @transform_6(%arg0: i32) -> (i32, i32) {
    %c0_i32 = arith.constant 0 : i32
    %c0_i32_0 = arith.constant 0 : i32
    %c0_i32_1 = arith.constant 0 : i32
    return %c0_i32, %c0_i32_0 : i32, i32
  }
  func.func @transform_7(%arg0: i32) -> (i32, i32) {
    %c0_i32 = arith.constant 0 : i32
    %c0_i32_0 = arith.constant 0 : i32
    %c0_i32_1 = arith.constant 0 : i32
    return %c0_i32, %c0_i32_0 : i32, i32
  }
  func.func @transform_8(%arg0: i32) -> (i32, i32) {
    %c0_i32 = arith.constant 0 : i32
    %c0_i32_0 = arith.constant 0 : i32
    %c0_i32_1 = arith.constant 0 : i32
    return %c0_i32, %c0_i32_0 : i32, i32
  }
  func.func @transform_9(%arg0: i32) -> (i32, i32) {
    %c0_i32 = arith.constant 0 : i32
    %c0_i32_0 = arith.constant 0 : i32
    return %arg0, %c0_i32 : i32, i32
  }
  func.func @transform_10(%arg0: i32) -> (i32, i32) {
    %c0_i32 = arith.constant 0 : i32
    %c0_i32_0 = arith.constant 0 : i32
    return %arg0, %c0_i32 : i32, i32
  }
}

module attributes {stable_mosaic.version = 14 : i64} {
  func.func @_layer1_edge_body(%arg0: i32, %arg1: memref<4000x128xf32, #tpu.memory_space<vmem>>, %arg2: memref<4000x128xbf16, #tpu.memory_space<vmem>>, %arg3: memref<128x128xbf16, #tpu.memory_space<vmem>>, %arg4: memref<1x128xf32, #tpu.memory_space<vmem>>, %arg5: memref<128x64xbf16, #tpu.memory_space<vmem>>, %arg6: memref<1x64xf32, #tpu.memory_space<vmem>>, %arg7: memref<4000x128xf32, #tpu.memory_space<vmem>>, %arg8: memref<4000x64xbf16, #tpu.memory_space<vmem>>, %arg9: memref<1x64xf32, #tpu.memory_space<vmem>>, %arg10: memref<1x64xf32, #tpu.memory_space<vmem>>) attributes {dimension_semantics = [#tpu.dimension_semantics<arbitrary>], iteration_bounds = array<i64: 40>, scalar_prefetch = 0 : i64, scratch_operands = 0 : i64, tpu.core_type = #tpu.core_type<tc>, window_params = [{transform_indices = @transform_0, window_bounds = array<i64: 4000, 128>}, {transform_indices = @transform_1, window_bounds = array<i64: 4000, 128>}, {pipeline_mode = #tpu.pipeline_mode<synchronous>, transform_indices = @transform_2, window_bounds = array<i64: 128, 128>}, {pipeline_mode = #tpu.pipeline_mode<synchronous>, transform_indices = @transform_3, window_bounds = array<i64: 1, 128>}, {pipeline_mode = #tpu.pipeline_mode<synchronous>, transform_indices = @transform_4, window_bounds = array<i64: 128, 64>}, {pipeline_mode = #tpu.pipeline_mode<synchronous>, transform_indices = @transform_5, window_bounds = array<i64: 1, 64>}, {transform_indices = @transform_6, window_bounds = array<i64: 4000, 128>}, {transform_indices = @transform_7, window_bounds = array<i64: 4000, 64>}, {pipeline_mode = #tpu.pipeline_mode<synchronous>, transform_indices = @transform_8, window_bounds = array<i64: 1, 64>}, {pipeline_mode = #tpu.pipeline_mode<synchronous>, transform_indices = @transform_9, window_bounds = array<i64: 1, 64>}]} {
    %get3A = arith.constant 0 : index
    %get3A_0 = arith.constant 0 : index
    %get3A_1 = vector.load %arg1[%get3A, %get3A_0] : memref<4000x128xf32, #tpu.memory_space<vmem>>, vector<4000x128xf32>
    %get3A_2 = arith.constant 0 : index
    %get3A_3 = arith.constant 0 : index
    %get3A_4 = vector.load %arg2[%get3A_2, %get3A_3] : memref<4000x128xbf16, #tpu.memory_space<vmem>>, vector<4000x128xbf16>
    %convert_element_type3A = arith.extf %get3A_4 : vector<4000x128xbf16> to vector<4000x128xf32>
    %add3A = arith.addf %get3A_1, %convert_element_type3A : vector<4000x128xf32>
    %max3A = arith.constant 0.000000e+00 : f32
    %max3A_5 = vector.broadcast %max3A : f32 to vector<4000x128xf32>
    %max3A_6 = arith.maximumf %add3A, %max3A_5 : vector<4000x128xf32>
    %convert_element_type3A_7 = arith.truncf %max3A_6 : vector<4000x128xf32> to vector<4000x128xbf16>
    %get3A_8 = arith.constant 0 : index
    %get3A_9 = arith.constant 0 : index
    %get3A_10 = vector.load %arg3[%get3A_8, %get3A_9] : memref<128x128xbf16, #tpu.memory_space<vmem>>, vector<128x128xbf16>
    %dot_general3A = arith.constant dense<0.000000e+00> : vector<4000x128xf32>
    %dot_general3A_11 = tpu.matmul %convert_element_type3A_7, %get3A_10, %dot_general3A {dimension_numbers = #tpu.dot_dimension_numbers<[1], [0], [0], [1], [0, 0, 1, 1], [], []>, transpose_lhs_hint = false} : vector<4000x128xbf16>, vector<128x128xbf16>, vector<4000x128xf32> -> vector<4000x128xf32>
    %get3A_12 = arith.constant 0 : index
    %get3A_13 = arith.constant 0 : index
    %get3A_14 = vector.load %arg4[%get3A_12, %get3A_13] : memref<1x128xf32, #tpu.memory_space<vmem>>, vector<1x128xf32>
    %add3A_15 = vector.broadcast %get3A_14 : vector<1x128xf32> to vector<4000x128xf32>
    %add3A_16 = arith.addf %dot_general3A_11, %add3A_15 : vector<4000x128xf32>
    %swap3A = arith.constant 0 : index
    %swap3A_17 = arith.constant 0 : index
    %swap3A_18 = vector.load %arg7[%swap3A, %swap3A_17] : memref<4000x128xf32, #tpu.memory_space<vmem>>, vector<4000x128xf32>
    tpu.vector_store %arg7[%swap3A, %swap3A_17], %add3A_16 {strides = array<i32>} : memref<4000x128xf32, #tpu.memory_space<vmem>>, vector<4000x128xf32>,
    %convert_element_type3A_19 = arith.truncf %add3A_16 : vector<4000x128xf32> to vector<4000x128xbf16>
    %get3A_20 = arith.constant 0 : index
    %get3A_21 = arith.constant 0 : index
    %get3A_22 = vector.load %arg5[%get3A_20, %get3A_21] : memref<128x64xbf16, #tpu.memory_space<vmem>>, vector<128x64xbf16>
    %dot_general3A_23 = arith.constant dense<0.000000e+00> : vector<4000x64xf32>
    %dot_general3A_24 = tpu.matmul %convert_element_type3A_19, %get3A_22, %dot_general3A_23 {dimension_numbers = #tpu.dot_dimension_numbers<[1], [0], [0], [1], [0, 0, 1, 1], [], []>, transpose_lhs_hint = false} : vector<4000x128xbf16>, vector<128x64xbf16>, vector<4000x64xf32> -> vector<4000x64xf32>
    %get3A_25 = arith.constant 0 : index
    %get3A_26 = arith.constant 0 : index
    %get3A_27 = vector.load %arg6[%get3A_25, %get3A_26] : memref<1x64xf32, #tpu.memory_space<vmem>>, vector<1x64xf32>
    %add3A_28 = vector.broadcast %get3A_27 : vector<1x64xf32> to vector<4000x64xf32>
    %add3A_29 = arith.addf %dot_general3A_24, %add3A_28 : vector<4000x64xf32>
    %convert_element_type3A_30 = arith.truncf %add3A_29 : vector<4000x64xf32> to vector<4000x64xbf16>
    %swap3A_31 = arith.constant 0 : index
    %swap3A_32 = arith.constant 0 : index
    %swap3A_33 = vector.load %arg8[%swap3A_31, %swap3A_32] : memref<4000x64xbf16, #tpu.memory_space<vmem>>, vector<4000x64xbf16>
    tpu.vector_store %arg8[%swap3A_31, %swap3A_32], %convert_element_type3A_30 {strides = array<i32>} : memref<4000x64xbf16, #tpu.memory_space<vmem>>, vector<4000x64xbf16>,
    %eq3A = arith.constant 0 : i32
    %eq3A_34 = arith.cmpi eq, %arg0, %eq3A : i32
    %convert_element_type3A_35 = arith.extui %eq3A_34 : i1 to i32
    %cond3A = arith.constant 0 : i32
    %cond3A_36 = arith.cmpi ne, %convert_element_type3A_35, %cond3A : i32
    scf.if %cond3A_36 {
      %broadcast_in_dim3A_55 = arith.constant 0.000000e+00 : f32
      %broadcast_in_dim3A_56 = vector.broadcast %broadcast_in_dim3A_55 : f32 to vector<1x64xf32>
      %swap3A_57 = arith.constant 0 : index
      %swap3A_58 = arith.constant 0 : index
      %swap3A_59 = vector.load %arg9[%swap3A_57, %swap3A_58] : memref<1x64xf32, #tpu.memory_space<vmem>>, vector<1x64xf32>
      tpu.vector_store %arg9[%swap3A_57, %swap3A_58], %broadcast_in_dim3A_56 {strides = array<i32>} : memref<1x64xf32, #tpu.memory_space<vmem>>, vector<1x64xf32>,
      %broadcast_in_dim3A_60 = arith.constant 0.000000e+00 : f32
      %broadcast_in_dim3A_61 = vector.broadcast %broadcast_in_dim3A_60 : f32 to vector<1x64xf32>
      %swap3A_62 = arith.constant 0 : index
      %swap3A_63 = arith.constant 0 : index
      %swap3A_64 = vector.load %arg10[%swap3A_62, %swap3A_63] : memref<1x64xf32, #tpu.memory_space<vmem>>, vector<1x64xf32>
      tpu.vector_store %arg10[%swap3A_62, %swap3A_63], %broadcast_in_dim3A_61 {strides = array<i32>} : memref<1x64xf32, #tpu.memory_space<vmem>>, vector<1x64xf32>,
    } else {
    }
    %get3A_37 = arith.constant 0 : index
    %get3A_38 = arith.constant 0 : index
    %get3A_39 = vector.load %arg9[%get3A_37, %get3A_38] : memref<1x64xf32, #tpu.memory_space<vmem>>, vector<1x64xf32>
    %reduce_sum3A = arith.constant dense<0.000000e+00> : vector<64xf32>
    %reduce_sum3A_40 = vector.multi_reduction <add>, %add3A_29, %reduce_sum3A [0] : vector<4000x64xf32> to vector<64xf32>
    %broadcast_in_dim3A = vector.shape_cast %reduce_sum3A_40 : vector<64xf32> to vector<1x64xf32>
    %add3A_41 = arith.addf %get3A_39, %broadcast_in_dim3A : vector<1x64xf32>
    %swap3A_42 = arith.constant 0 : index
    %swap3A_43 = arith.constant 0 : index
    %swap3A_44 = vector.load %arg9[%swap3A_42, %swap3A_43] : memref<1x64xf32, #tpu.memory_space<vmem>>, vector<1x64xf32>
    tpu.vector_store %arg9[%swap3A_42, %swap3A_43], %add3A_41 {strides = array<i32>} : memref<1x64xf32, #tpu.memory_space<vmem>>, vector<1x64xf32>,
    %get3A_45 = arith.constant 0 : index
    %get3A_46 = arith.constant 0 : index
    %get3A_47 = vector.load %arg10[%get3A_45, %get3A_46] : memref<1x64xf32, #tpu.memory_space<vmem>>, vector<1x64xf32>
    %mul3A = arith.mulf %add3A_29, %add3A_29 : vector<4000x64xf32>
    %reduce_sum3A_48 = arith.constant dense<0.000000e+00> : vector<64xf32>
    %reduce_sum3A_49 = vector.multi_reduction <add>, %mul3A, %reduce_sum3A_48 [0] : vector<4000x64xf32> to vector<64xf32>
    %broadcast_in_dim3A_50 = vector.shape_cast %reduce_sum3A_49 : vector<64xf32> to vector<1x64xf32>
    %add3A_51 = arith.addf %get3A_47, %broadcast_in_dim3A_50 : vector<1x64xf32>
    %swap3A_52 = arith.constant 0 : index
    %swap3A_53 = arith.constant 0 : index
    %swap3A_54 = vector.load %arg10[%swap3A_52, %swap3A_53] : memref<1x64xf32, #tpu.memory_space<vmem>>, vector<1x64xf32>
    tpu.vector_store %arg10[%swap3A_52, %swap3A_53], %add3A_51 {strides = array<i32>} : memref<1x64xf32, #tpu.memory_space<vmem>>, vector<1x64xf32>,
    return
  }
  func.func @transform_0(%arg0: i32) -> (i32, i32) {
    %c0_i32 = arith.constant 0 : i32
    %c0_i32_0 = arith.constant 0 : i32
    return %arg0, %c0_i32 : i32, i32
  }
  func.func @transform_1(%arg0: i32) -> (i32, i32) {
    %c0_i32 = arith.constant 0 : i32
    %c0_i32_0 = arith.constant 0 : i32
    return %arg0, %c0_i32 : i32, i32
  }
  func.func @transform_2(%arg0: i32) -> (i32, i32) {
    %c0_i32 = arith.constant 0 : i32
    %c0_i32_0 = arith.constant 0 : i32
    %c0_i32_1 = arith.constant 0 : i32
    return %c0_i32, %c0_i32_0 : i32, i32
  }
  func.func @transform_3(%arg0: i32) -> (i32, i32) {
    %c0_i32 = arith.constant 0 : i32
    %c0_i32_0 = arith.constant 0 : i32
    %c0_i32_1 = arith.constant 0 : i32
    return %c0_i32, %c0_i32_0 : i32, i32
  }
  func.func @transform_4(%arg0: i32) -> (i32, i32) {
    %c0_i32 = arith.constant 0 : i32
    %c0_i32_0 = arith.constant 0 : i32
    %c0_i32_1 = arith.constant 0 : i32
    return %c0_i32, %c0_i32_0 : i32, i32
  }
  func.func @transform_5(%arg0: i32) -> (i32, i32) {
    %c0_i32 = arith.constant 0 : i32
    %c0_i32_0 = arith.constant 0 : i32
    %c0_i32_1 = arith.constant 0 : i32
    return %c0_i32, %c0_i32_0 : i32, i32
  }
  func.func @transform_6(%arg0: i32) -> (i32, i32) {
    %c0_i32 = arith.constant 0 : i32
    %c0_i32_0 = arith.constant 0 : i32
    return %arg0, %c0_i32 : i32, i32
  }
  func.func @transform_7(%arg0: i32) -> (i32, i32) {
    %c0_i32 = arith.constant 0 : i32
    %c0_i32_0 = arith.constant 0 : i32
    return %arg0, %c0_i32 : i32, i32
  }
  func.func @transform_8(%arg0: i32) -> (i32, i32) {
    %c0_i32 = arith.constant 0 : i32
    %c0_i32_0 = arith.constant 0 : i32
    %c0_i32_1 = arith.constant 0 : i32
    return %c0_i32, %c0_i32_0 : i32, i32
  }
  func.func @transform_9(%arg0: i32) -> (i32, i32) {
    %c0_i32 = arith.constant 0 : i32
    %c0_i32_0 = arith.constant 0 : i32
    %c0_i32_1 = arith.constant 0 : i32
    return %c0_i32, %c0_i32_0 : i32, i32
  }
}

module attributes {stable_mosaic.version = 14 : i64} {
  func.func @_cls_finish_body(%arg0: i32, %arg1: memref<4000x64xbf16, #tpu.memory_space<vmem>>, %arg2: memref<1x64xf32, #tpu.memory_space<vmem>>, %arg3: memref<1x64xf32, #tpu.memory_space<vmem>>, %arg4: memref<64x26xbf16, #tpu.memory_space<vmem>>, %arg5: memref<1x26xf32, #tpu.memory_space<vmem>>, %arg6: memref<4000x26xf32, #tpu.memory_space<vmem>>) attributes {dimension_semantics = [#tpu.dimension_semantics<arbitrary>], iteration_bounds = array<i64: 40>, scalar_prefetch = 0 : i64, scratch_operands = 0 : i64, tpu.core_type = #tpu.core_type<tc>, window_params = [{transform_indices = @transform_0, window_bounds = array<i64: 4000, 64>}, {pipeline_mode = #tpu.pipeline_mode<synchronous>, transform_indices = @transform_1, window_bounds = array<i64: 1, 64>}, {pipeline_mode = #tpu.pipeline_mode<synchronous>, transform_indices = @transform_2, window_bounds = array<i64: 1, 64>}, {pipeline_mode = #tpu.pipeline_mode<synchronous>, transform_indices = @transform_3, window_bounds = array<i64: 64, 26>}, {pipeline_mode = #tpu.pipeline_mode<synchronous>, transform_indices = @transform_4, window_bounds = array<i64: 1, 26>}, {transform_indices = @transform_5, window_bounds = array<i64: 4000, 26>}]} {
    %get3A = arith.constant 0 : index
    %get3A_0 = arith.constant 0 : index
    %get3A_1 = vector.load %arg1[%get3A, %get3A_0] : memref<4000x64xbf16, #tpu.memory_space<vmem>>, vector<4000x64xbf16>
    %convert_element_type3A = arith.extf %get3A_1 : vector<4000x64xbf16> to vector<4000x64xf32>
    %get3A_2 = arith.constant 0 : index
    %get3A_3 = arith.constant 0 : index
    %get3A_4 = vector.load %arg2[%get3A_2, %get3A_3] : memref<1x64xf32, #tpu.memory_space<vmem>>, vector<1x64xf32>
    %mul3A = vector.broadcast %get3A_4 : vector<1x64xf32> to vector<4000x64xf32>
    %mul3A_5 = arith.mulf %convert_element_type3A, %mul3A : vector<4000x64xf32>
    %get3A_6 = arith.constant 0 : index
    %get3A_7 = arith.constant 0 : index
    %get3A_8 = vector.load %arg3[%get3A_6, %get3A_7] : memref<1x64xf32, #tpu.memory_space<vmem>>, vector<1x64xf32>
    %add3A = vector.broadcast %get3A_8 : vector<1x64xf32> to vector<4000x64xf32>
    %add3A_9 = arith.addf %mul3A_5, %add3A : vector<4000x64xf32>
    %max3A = arith.constant 0.000000e+00 : f32
    %max3A_10 = vector.broadcast %max3A : f32 to vector<4000x64xf32>
    %max3A_11 = arith.maximumf %add3A_9, %max3A_10 : vector<4000x64xf32>
    %convert_element_type3A_12 = arith.truncf %max3A_11 : vector<4000x64xf32> to vector<4000x64xbf16>
    %get3A_13 = arith.constant 0 : index
    %get3A_14 = arith.constant 0 : index
    %get3A_15 = vector.load %arg4[%get3A_13, %get3A_14] : memref<64x26xbf16, #tpu.memory_space<vmem>>, vector<64x26xbf16>
    %dot_general3A = arith.constant dense<0.000000e+00> : vector<4000x26xf32>
    %dot_general3A_16 = tpu.matmul %convert_element_type3A_12, %get3A_15, %dot_general3A {dimension_numbers = #tpu.dot_dimension_numbers<[1], [0], [0], [1], [0, 0, 1, 1], [], []>, transpose_lhs_hint = false} : vector<4000x64xbf16>, vector<64x26xbf16>, vector<4000x26xf32> -> vector<4000x26xf32>
    %get3A_17 = arith.constant 0 : index
    %get3A_18 = arith.constant 0 : index
    %get3A_19 = vector.load %arg5[%get3A_17, %get3A_18] : memref<1x26xf32, #tpu.memory_space<vmem>>, vector<1x26xf32>
    %add3A_20 = vector.broadcast %get3A_19 : vector<1x26xf32> to vector<4000x26xf32>
    %add3A_21 = arith.addf %dot_general3A_16, %add3A_20 : vector<4000x26xf32>
    %logistic3A = arith.negf %add3A_21 : vector<4000x26xf32>
    %logistic3A_22 = math.exp %logistic3A : vector<4000x26xf32>
    %logistic3A_23 = arith.constant 1.000000e+00 : f32
    %logistic3A_24 = vector.broadcast %logistic3A_23 : f32 to vector<4000x26xf32>
    %logistic3A_25 = arith.addf %logistic3A_24, %logistic3A_22 : vector<4000x26xf32>
    %logistic3A_26 = arith.divf %logistic3A_24, %logistic3A_25 : vector<4000x26xf32>
    %swap3A = arith.constant 0 : index
    %swap3A_27 = arith.constant 0 : index
    %swap3A_28 = vector.load %arg6[%swap3A, %swap3A_27] : memref<4000x26xf32, #tpu.memory_space<vmem>>, vector<4000x26xf32>
    tpu.vector_store %arg6[%swap3A, %swap3A_27], %logistic3A_26 {strides = array<i32>} : memref<4000x26xf32, #tpu.memory_space<vmem>>, vector<4000x26xf32>,
    return
  }
  func.func @transform_0(%arg0: i32) -> (i32, i32) {
    %c0_i32 = arith.constant 0 : i32
    %c0_i32_0 = arith.constant 0 : i32
    return %arg0, %c0_i32 : i32, i32
  }
  func.func @transform_1(%arg0: i32) -> (i32, i32) {
    %c0_i32 = arith.constant 0 : i32
    %c0_i32_0 = arith.constant 0 : i32
    %c0_i32_1 = arith.constant 0 : i32
    return %c0_i32, %c0_i32_0 : i32, i32
  }
  func.func @transform_2(%arg0: i32) -> (i32, i32) {
    %c0_i32 = arith.constant 0 : i32
    %c0_i32_0 = arith.constant 0 : i32
    %c0_i32_1 = arith.constant 0 : i32
    return %c0_i32, %c0_i32_0 : i32, i32
  }
  func.func @transform_3(%arg0: i32) -> (i32, i32) {
    %c0_i32 = arith.constant 0 : i32
    %c0_i32_0 = arith.constant 0 : i32
    %c0_i32_1 = arith.constant 0 : i32
    return %c0_i32, %c0_i32_0 : i32, i32
  }
  func.func @transform_4(%arg0: i32) -> (i32, i32) {
    %c0_i32 = arith.constant 0 : i32
    %c0_i32_0 = arith.constant 0 : i32
    %c0_i32_1 = arith.constant 0 : i32
    return %c0_i32, %c0_i32_0 : i32, i32
  }
  func.func @transform_5(%arg0: i32) -> (i32, i32) {
    %c0_i32 = arith.constant 0 : i32
    %c0_i32_0 = arith.constant 0 : i32
    return %arg0, %c0_i32 : i32, i32
  }
}

</mosaic_0001>

<sc_bundles>
// kernel: kernel.14.cloned.1.call-start
scs
__scs_entry_jumppad:
0x0: {  	(pc) =	sbr.rel $0x88, $3  }
0x1: {  	(tag) =	ssettag $0x0;
	lr =	simm.s32 $0x1  }
0x2: {  	[smem:$0x3F84] =	sst lr;
	_ =	strace $0xD0000000  }
0x3: {  	_ = 	snop  }
0x4: {  	_ = 	snop  }
0x5: {  	_ = 	snop  }
0x6: {  	_ = 	snop  }
0x7: {  	_ = 	snop  }
__scs_overlays_trampoline_lowered:
0x8: {  	[smem:$0x3F93] =	sst s0  }
0x9: {  	[smem:$0x3F94] =	sst s1  }
0xa: {  	[smem:$0x3F95] =	sst s2  }
0xb: {  	[smem:$0x3F96] =	sst s3  }
0xc: {  	[smem:$0x3F97] =	sst s4  }
0xd: {  	[smem:$0x3F98] =	sst s5  }
0xe: {  	[smem:$0x3F99] =	sst s6  }
0xf: {  	[smem:$0x3F9A] =	sst s7  }
0x10: {  	[smem:$0x3F9B] =	sst s8  }
0x11: {  	[smem:$0x3F9C] =	sst s9;
	s0 =	simm.s32 @!p0 $0x0  }
0x12: {  	s1 =	sld [smem:$0x3F82];
	s0 =	simm.s32 @p0 $0x1  }
0x13: {  	[smem:$0x3F9D] =	sst s0;
	s0 =	simm.s32 @!p1 $0x0  }
0x14: {  	s2 =	sld [smem:$0x3F81];
	s0 =	simm.s32 @p1 $0x1  }
0x15: {  	[smem:$0x3F9E] =	sst s0;
	s0 =	simm.s32 @!p2 $0x0  }
0x16: {  	s3 =	sld [smem:$0x3FDB];
	s0 =	simm.s32 @p2 $0x1  }
0x17: {  	s4 =	simm.s32 $0x1BF5;
	[smem:$0x3FA0] =	sst s0  }
0x18: {  	s0 =	sld [smem:$0x3F83];
	_ =	swait.ge [sflag:s4], $0x0  }
0x19: {  	s7 =	sld [smem:$0x3F84]  }
0x1a: {  	s8 =	sadd.s32 $0xFFFFE003, lr  }
0x1b: {  	s9 =	sadd.s32 $0xFFFFFEF7, lr;
	s5 =	simm.s32 $0xFFFFFFFF;
	p2 =	slt.u32 s8, $0xFFFFF086  }
0x1c: {  	p1 =	slt.u32 s9, $0xF7A;
	s5 =	simm.s32 @!p2 $0x0  }
0x1d: {  	s5 =	simm.s32 @p1 $0x1;
	p0 =	seq.s32 s7, s2  }
0x1e: {  	s7 =	smul.u32 @!p0 $0xF7A, s2;
	p2 =	seq.s32 @!p0 s5, $0x0  }
0x1f: {  	s9 =	smul.u32 $0xF7A, s1;
	s8 =	simm.s32 @!p0 $0x1BF5;
	p2 =	por !p2, p0  }
0x20: {  	[sflag:s8] =	ssyncset.s32 @!p0 $0xFFFFF086;
	s6 =	sadd.s32 @!p0 s3, s7;
	s7 =	simm.s32 @!p0 $0x108  }
0x21: {  	s3 =	sadd.s32 s3, s9;
	s6 =	sadd.s32 @!p0 $0x88, s6;
	s7 =	simm.s32 @p2 $0x1082  }
0x22: {  	[simem:s7], [sflag:s8] =	dma.local @!p0 [hbm:s6], $0xF7A  }
0x23: {  	s9 =	sor.u32 $0xD0000000, s2;
	s6 =	simm.s32 $0x108;
	_ =	swait.ge @!p0 [sflag:s8], $0x0  }
0x24: {  	s3 =	sadd.s32 $0x88, s3;
	s6 =	simm.s32 @!p1 $0x1082;
	[sflag:s4] =	ssyncset.s32 $0xFFFFF086  }
0x25: {  	[simem:s6], [sflag:s4] =	dma.local [hbm:s3], $0xF7A  }
0x26: {  	[smem:$0x3F84] =	sst s1;
	(tag) =	ssettag s2;
	_ =	strace s9  }
0x27: {  	s1 =	sld [smem:$0x3F94]  }
0x28: {  	s2 =	sld [smem:$0x3F95]  }
0x29: {  	s4 =	sld [smem:$0x3F97]  }
0x2a: {  	p0 =	seq.s32 s5, $0x0;
	s5 =	sld [smem:$0x3F98]  }
0x2b: {  	s6 =	sld [smem:$0x3F99]  }
0x2c: {  	s7 =	sld [smem:$0x3F9A]  }
0x2d: {  	s3 =	simm.s32 $0x108;
	s8 =	sld [smem:$0x3F9B]  }
0x2e: {  	s3 =	simm.s32 @!p0 $0x1082;
	s9 =	sld [smem:$0x3F9C]  }
0x2f: {  	lr =	sadd.s32 s0, s3;
	s0 =	sld [smem:$0x3F93]  }
0x30: {  	s3 =	sld [smem:$0x3F96]  }
0x31: {  	[smem:$0x3F9F] =	sst s10  }
0x32: {  	s10 =	sld [smem:$0x3F9D];
	_ =	sdelay $0x3  }
0x33: {  	p0 =	seq.s32 s10, $0x1;
	s10 =	sld [smem:$0x3F9F];
	_ =	sdelay $0x3  }
0x34: {  	[smem:$0x3F9F] =	sst s10  }
0x35: {  	s10 =	sld [smem:$0x3F9E];
	_ =	sdelay $0x3  }
0x36: {  	p1 =	seq.s32 s10, $0x1;
	s10 =	sld [smem:$0x3F9F];
	_ =	sdelay $0x3  }
0x37: {  	[smem:$0x3F9F] =	sst s10  }
0x38: {  	s10 =	sld [smem:$0x3FA0]  }
0x39: {  	_ = 	snop;
	(pc) =	sbr.ind lr, $3  }
0x3a: {  	_ = 	snop  }
0x3b: {  	_ = 	snop  }
0x3c: {  	p2 =	seq.s32 s10, $0x1;
	s10 =	sld [smem:$0x3F9F]  }
0x3d: {  	_ =	shalt  }
0x3e: {  	_ =	shalt  }
0x3f: {  	_ =	shalt  }
0x40: {  	_ =	shalt  }
0x41: {  	_ =	shalt  }
0x42: {  	_ =	shalt  }
0x43: {  	_ =	shalt  }
0x44: {  	_ =	shalt  }
0x45: {  	_ =	shalt  }
0x46: {  	_ =	shalt  }
0x47: {  	_ =	shalt  }
0x48: {  	_ =	shalt  }
0x49: {  	_ =	shalt  }
0x4a: {  	_ =	shalt  }
0x4b: {  	_ =	shalt  }
0x4c: {  	_ =	shalt  }
0x4d: {  	_ =	shalt  }
0x4e: {  	_ =	shalt  }
0x4f: {  	_ =	shalt  }
0x50: {  	_ =	shalt  }
0x51: {  	_ =	shalt  }
0x52: {  	_ =	shalt  }
0x53: {  	_ =	shalt  }
0x54: {  	_ =	shalt  }
0x55: {  	_ =	shalt  }
0x56: {  	_ =	shalt  }
0x57: {  	_ =	shalt  }
0x58: {  	_ =	shalt  }
0x59: {  	_ =	shalt  }
0x5a: {  	_ =	shalt  }
0x5b: {  	_ =	shalt  }
0x5c: {  	_ =	shalt  }
0x5d: {  	_ =	shalt  }
0x5e: {  	_ =	shalt  }
0x5f: {  	_ =	shalt  }
0x60: {  	_ =	shalt  }
0x61: {  	_ =	shalt  }
0x62: {  	_ =	shalt  }
0x63: {  	_ =	shalt  }
0x64: {  	_ =	shalt  }
0x65: {  	_ =	shalt  }
0x66: {  	_ =	shalt  }
0x67: {  	_ =	shalt  }
0x68: {  	_ =	shalt  }
0x69: {  	_ =	shalt  }
0x6a: {  	_ =	shalt  }
0x6b: {  	_ =	shalt  }
0x6c: {  	_ =	shalt  }
0x6d: {  	_ =	shalt  }
0x6e: {  	_ =	shalt  }
0x6f: {  	_ =	shalt  }
0x70: {  	_ =	shalt  }
0x71: {  	_ =	shalt  }
0x72: {  	_ =	shalt  }
0x73: {  	_ =	shalt  }
0x74: {  	_ =	shalt  }
0x75: {  	_ =	shalt  }
0x76: {  	_ =	shalt  }
0x77: {  	_ =	shalt  }
0x78: {  	_ =	shalt  }
0x79: {  	_ =	shalt  }
0x7a: {  	_ =	shalt  }
0x7b: {  	_ =	shalt  }
0x7c: {  	_ =	shalt  }
0x7d: {  	_ =	shalt  }
0x7e: {  	_ =	shalt  }
0x7f: {  	_ =	shalt  }
0x80: {  	_ =	shalt  }
0x81: {  	_ =	shalt  }
0x82: {  	_ =	shalt  }
0x83: {  	_ =	shalt  }
0x84: {  	_ =	shalt  }
0x85: {  	_ =	shalt  }
0x86: {  	_ =	shalt  }
0x87: {  	_ =	shalt  }
.Lfunc_end0:
.L_simem_size_0:
called_computation_lowered:
.L_overlay_start_0:
0x88: {  	s2 =	sld [smem:$0x3FD9]  }
0x89: {  	s3 =	sld [smem:$0x3FFE];
	_ =	sdelay $0x1  }
0x8a: {  	s1 =	srdreg.scid  }
0x8b: {  	s0 =	sand.u32 $0x1, s1  }
0x8c: {  	s14 =	sshll.u32 s0, $0xA;
	s2 =	sadd.s32 s3, s2  }
0x8d: {  	s2 =	sadd.s32 s2, s14  }
0x8e: {  	[smem:$0x3FAB] =	sst s2  }
0x8f: {  	_ = 	snop  }
0x90: {  	s2 =	sld [smem:$0x3FD0];
	_ =	sdelay $0x2  }
0x91: {  	s15 =	simm.s32 $0xB;
	s4 =	simm.s32 $0x10  }
0x92: {  	[smem:s4], [sflag:s15] =	dma.local [hbm:s2], $0x1  }
0x93: {  	_ =	swait.eq [sflag:s15], $0x1  }
0x94: {  	[sflag:s15] =	ssyncset.done $0x0  }
0x95: {  	s16 =	sld [smem:$0x10];
	[sflag:s15] =	ssyncadd.s32 $0xFFFFFFFF  }
0x96: {  	s17 =	sld [smem:$0x11];
	(tm) =	ssettm $0x1  }
0x97: {  	s18 =	sld [smem:$0x3FFB];
	_ =	sdelay $0x3  }
0x98: {  	_ =	strace s18  }
0x99: {  	s4 =	sld [smem:$0x3FFC];
	_ =	sdelay $0x3  }
0x9a: {  	_ =	strace s4  }
0x9b: {  	s4 =	sld [smem:$0x3FFD];
	_ =	sdelay $0x3  }
0x9c: {  	_ =	strace s4  }
0x9d: {  	_ =	strace $0x8FFFFFFF  }
0x9e: {  	s19 =	sld [smem:$0x3FDB];
	_ =	sdelay $0x1  }
0x9f: {  	s5 =	simm.s32 $_scs_section_size  }
0xa0: {  	s6 =	simm.s32 $_size__tile_overlayer_lowered;
	s7 =	simm.s32 $_tile_overlayer_lowered  }
0xa1: {  	s22 =	simm.s32 $0x1BFF;
	s21 =	sshll.u32 s7, $0x1;
	s4 =	sadd.s32 s5, s19  }
0xa2: {  	s8 =	simm.s32 $0x0;
	s20 =	sshll.u32 s6, $0x1;
	s6 =	sadd.s32 s21, s4  }
0xa3: {  	[timem:s8], [sflag:s22] =	dma.local [hbm:s6], s20  }
0xa4: {  	_ =	swait.ge [sflag:s22], s20  }
0xa5: {  	s5 =	ssub.s32 $0x0, s20;
	[sflag:s22] =	ssyncset.done $0x0  }
0xa6: {  	[sflag:s22] =	ssyncadd.s32 s5;
	_ =	sdelay $0x1  }
0xa7: {  	s23 =	simm.s32 $0x1B8B  }
0xa8: {  	_ =	swait.ge [sflag:s23], $0x1  }
0xa9: {  	[sflag:s23] =	ssyncset.done $0x0  }
0xaa: {  	s25 =	simm.s32 $0x1B8E;
	s24 =	sld [smem:$0x3FFE];
	[sflag:s23] =	ssyncadd.s32 $0xFFFFFFFF  }
0xab: {  	s26 =	simm.s32 $execute0_lowered;
	[smem:$0x3FD2] =	sst s25  }
0xac: {  	s6 =	sshll.u32 s26, $0x1;
	_ =	strace $0x80000046;
	[dreg:$0x1] =	wrdreg $0xFFFFFFFF  }
0xad: {  	s28 =	simm.s32 $_size_execute0_lowered;
	s4 =	sadd.s32 s4, s6;
	[dreg:$0x0] =	wrdreg $0x0  }
0xae: {  	s6 =	sshll.u32 s28, $0x1;
	[dreg:$0x2] =	wrdreg s4  }
0xaf: {  	[dreg:$0x3] =	wrdreg s6  }
0xb0: {  	[dreg:$0x4] =	wrdreg $0xC0  }
0xb1: {  	_ =	task [dreg:s8], $0x5FFFF  }
0xb2: {  	[dreg:$0x1] =	wrdreg $0xFFFFFFFF  }
0xb3: {  	[dreg:$0x0] =	wrdreg $0x60  }
0xb4: {  	[dreg:$0x2] =	wrdreg s17  }
0xb5: {  	[dreg:$0x3] =	wrdreg s16  }
0xb6: {  	[dreg:$0x4] =	wrdreg s24  }
0xb7: {  	[dreg:$0x5] =	wrdreg $0xA  }
0xb8: {  	_ =	task.clear_ibuf [dreg:s8], $0x6FFFF;
	_ =	strace $0x90000046  }
0xb9: {  	s29 =	simm.s32 $0xA;
	_ =	strace $0x80000048  }
0xba: {  	_ =	swait.ge [sflag:s29], $0x1  }
0xbb: {  	[sflag:s29] =	ssyncadd.s32 $0xFFFFFFFF  }
0xbc: {  	_ =	strace $0x90000048  }
0xbd: {  	_ =	sfence  }
0xbe: {  	s30 =	sld [smem:$0x0];
	_ =	sdelay $0x2  }
0xbf: {  	s31 =	sshll.u32 s1, $0xD;
	s1 =	sshrl.u32 s1, $0x2  }
0xc0: {  	s3 =	sand.u32 $0x4000, s31;
	s1 =	sadd.s32 s1, s30  }
0xc1: {  	s0 =	sor.u32 s3, s0;
	s1 =	sshll.u32 s1, $0x11  }
0xc2: {  	s0 =	sor.u32 s1, s0  }
0xc3: {  	s0 =	sadd.s32 $0x8F2B, s0  }
0xc4: {  	[sflag:s0] =	ssyncadd.remote.s32 $0x1  }
0xc5: {  	_ =	sfence.sel $0xFFFF  }
0xc6: {  	[dreg:$0x0] =	wrdreg $0xFFFFFFFF;
	(pc) =	sbr.abs _section_cstart, $3  }
0xc7: {  	[dreg:$0x1] =	wrdreg $0xFFFFFFFF  }
0xc8: {  	_ =	task.clear_ibuf [dreg:s8], $0x2FFFF;
	_ =	strace $0x9FFFFFFF  }
0xc9: {  	(tm) =	ssettm $0x7FFFFFFF  }
tec
execute0_lowered:
.L_overlay_start_1:
0x0: {  	(tag) =	ssettag $0x1  }
0x1: {  	s1 =	rddreg [dreg:$0x0]  }
0x2: {  	s3 =	rddreg [dreg:$0x1]  }
0x3: {  	s5 =	rddreg [dreg:$0x2]  }
0x4: {  	s6 =	srdreg.scid;
	s2 =	stileid.u32  }
0x5: {  	s4 =	simm.s32 $0x0;
	s11 =	simm.s32 $0x7;
	s12 =	simm.s32 $0x80  }
0x6: {  	s13 =	simm.s32 $0x200;
	s14 =	simm.s32 $0x8200;
	s15 =	simm.s32 $0x100  }
0x7: {  	s16 =	simm.s32 $0x4200;
	s17 =	simm.s32 $0x180;
	s18 =	simm.s32 $0xC200  }
0x8: {  	s19 =	simm.s32 $0x1;
	s20 =	simm.s32 $0x3;
	s21 =	simm.s32 $0x2  }
0x9: {  	s22 =	simm.s32 $0x4;
	s23 =	simm.s32 $0x5;
	s24 =	simm.s32 $0x6  }
0xa: {  	s6 =	sand.u32 $0x1, s6;
	s7 =	sshll.u32 s2, $0x1;
	[smem:$0x7FF] =	sst s4  }
0xb: {  	s25 =	simm.s32 $0x0;
	s7 =	sor.u32 s6, s7;
	_ =	strace $0x80000047  }
.Ltmp0:
0xc: {  	s6 =	ssub.s32 $0x2, s6;
	s8 =	sshll.u32 s7, $0x5;
	(pc) =	sbr.rel .LBB2_1-.Ltmp0, $4  }
0xd: {  	s9 =	sshll.u32 s7, $0xB;
	s10 =	sshrl.u32 s6, $0x1;
	s31 =	ssub.s32 $0x4E1, s7  }
0xe: {  	s8 =	sadd.s32 s8, s5;
	s9 =	sadd.s32 s9, s5;
	s10 =	ssub.s32 s6, s10  }
0xf: {  	s5 =	sshrl.u32 s31, $0x5;
	s6 =	sadd.s32 $0xC200, s8;
	s7 =	sadd.s32 $0xC600, s8  }
0x10: {  	s8 =	sadd.s32 $0x16000, s9;
	s9 =	sadd.s32 $0x26000, s9;
	s10 =	smax.u32 s10, $0x1  }
.LBB2_9:
0x11: {  	s25 =	sadd.s32 $0x1, s25  }
0x12: {  	_ =	swait.ge [sflag:s23], $0x4000;
	p0 =	sne.s32 s25, s10  }
.Ltmp1:
0x13: {  	[sflag:s23] =	ssyncset.done $0x0;
	(pc) =	sbr.rel @!p0 .LBB2_10-.Ltmp1, $4  }
0x14: {  	[sflag:s23] =	ssyncadd.s32 $0xFFFFC000  }
0x15: {  	_ =	swait.ge [sflag:s24], $0x4000  }
0x16: {  	[sflag:s24] =	ssyncset.done $0x0  }
0x17: {  	[sflag:s24] =	ssyncadd.s32 $0xFFFFC000  }
.LBB2_1:
0x18: {  	[tilespmem:s4], [sflag:$0x7] =	stream.linear.gather [hbm4b:s6+s4], $0x100, $0x38;
	[tilespmem:$0x10200] =	vst v63  }
0x19: {  	_ =	swait.ge [sflag:s11], $0x100  }
0x1a: {  	[sflag:s11] =	ssyncset.done $0x0  }
0x1b: {  	[sflag:s11] =	ssyncadd.s32 $0xFFFFFF00  }
0x1c: {  	[tilespmem:s13], [sflag:$0x1] =	stream.indirect.gather [hbm4b:s1+s12], $0x80, s4, s12, $0xb8;
	[tilespmem:$0x10200] =	vst v63  }
0x1d: {  	_ = 	snop  }
0x1e: {  	[tilespmem:s14], [sflag:$0x3] =	stream.indirect.gather [hbm4b:s3+s12], $0x80, s12, s12, $0xb8;
	[tilespmem:$0x10200] =	vst v63  }
0x1f: {  	_ = 	snop  }
0x20: {  	[tilespmem:s15], [sflag:$0x7] =	stream.linear.gather [hbm4b:s7+s4], $0x100, $0x38;
	[tilespmem:$0x10200] =	vst v63  }
0x21: {  	_ =	swait.ge [sflag:s11], $0x100  }
.Ltmp2:
0x22: {  	[sflag:s11] =	ssyncset.done $0x0;
	(pc) =	sbr.rel .LBB2_2-.Ltmp2, $4  }
0x23: {  	[sflag:s11] =	ssyncadd.s32 $0xFFFFFF00  }
0x24: {  	[tilespmem:s16], [sflag:$0x2] =	stream.indirect.gather [hbm4b:s1+s12], $0x80, s15, s12, $0xb8;
	[tilespmem:$0x10200] =	vst v63  }
0x25: {  	s26 =	simm.s32 $0x0  }
0x26: {  	[tilespmem:s18], [sflag:$0x4] =	stream.indirect.gather [hbm4b:s3+s12], $0x80, s17, s12, $0xb8;
	[tilespmem:$0x10200] =	vst v63  }
.LBB2_8:
0x27: {  	s0 =	sadd.s32 $0x3, s28  }
0x28: {  	p0 =	sgt.u32 s0, s5  }
0x29: {  	s28 =	simm.s32 @!p0 $0x6  }
0x2a: {  	_ =	swait.ge @!p0 [sflag:s28], $0x4000  }
0x2b: {  	s0 =	sshll.u32 @!p0 s0, $0xA;
	s29 =	simm.s32 @!p0 $0x100;
	[sflag:s28] =	ssyncset.done @!p0 $0x0  }
0x2c: {  	s0 =	sadd.s32 @!p0 s0, s6;
	[sflag:s28] =	ssyncadd.s32 @!p0 $0xFFFFC000;
	s28 =	simm.s32 @!p0 $0x0  }
0x2d: {  	[tilespmem:s29], [sflag:$0x7] =	stream.linear.gather @!p0 [hbm4b:s0+s28], $0x100, $0x38;
	[tilespmem:$0x10200] =	vst v63  }
0x2e: {  	s0 =	simm.s32 @!p0 $0x7  }
0x2f: {  	_ =	swait.ge @!p0 [sflag:s0], $0x100  }
0x30: {  	[sflag:s0] =	ssyncset.done @!p0 $0x0  }
0x31: {  	s28 =	simm.s32 @!p0 $0x4200;
	[sflag:s0] =	ssyncadd.s32 @!p0 $0xFFFFFF00;
	s0 =	simm.s32 @!p0 $0x80  }
0x32: {  	[tilespmem:s28], [sflag:$0x2] =	stream.indirect.gather @!p0 [hbm4b:s1+s0], $0x80, s29, s0, $0xb8;
	[tilespmem:$0x10200] =	vst v63  }
0x33: {  	s26 =	sadd.s32 $0x1, s26;
	s28 =	simm.s32 @!p0 $0x180;
	s29 =	simm.s32 @!p0 $0xC200  }
0x34: {  	[tilespmem:s29], [sflag:$0x4] =	stream.indirect.gather @!p0 [hbm4b:s3+s0], $0x80, s28, s0, $0xb8;
	[tilespmem:$0x10200] =	vst v63  }
0x35: {  	p0 =	sne.s32 s26, $0x14  }
.Ltmp3:
0x36: {  	_ = 	snop;
	(pc) =	sbr.rel @!p0 .LBB2_9-.Ltmp3, $1  }
0x37: {  	_ =	sdelay $0x3  }
.LBB2_2:
0x38: {  	_ =	swait.ge [sflag:s19], $0x4000  }
0x39: {  	[sflag:s19] =	ssyncset.done $0x0  }
0x3a: {  	[sflag:s19] =	ssyncadd.s32 $0xFFFFC000  }
0x3b: {  	_ =	swait.ge [sflag:s20], $0x4000  }
0x3c: {  	[sflag:s20] =	ssyncset.done $0x0  }
0x3d: {  	s30 =	simm.s32 $0x0;
	[sflag:s20] =	ssyncadd.s32 $0xFFFFC000  }
0x3e: {  	v7 =	vld [tilespmem:s30+$0x8200]  }
0x3f: {  	v11 =	vld [tilespmem:s30+$0x8210]  }
0x40: {  	v5 =	vld [tilespmem:s30+$0x8220]  }
0x41: {  	v4 =	vld [tilespmem:s30+$0x8230]  }
0x42: {  	v3 =	vld [tilespmem:s30+$0x8240]  }
0x43: {  	v2 =	vld [tilespmem:s30+$0x8250]  }
0x44: {  	v1 =	vld [tilespmem:s30+$0x8260]  }
0x45: {  	v0 =	vld [tilespmem:s30+$0x8270]  }
0x46: {  	v12 =	vld [tilespmem:s30+$0x200]  }
0x47: {  	v13 =	vld [tilespmem:s30+$0x210]  }
0x48: {  	v10 =	vld [tilespmem:s30+$0x220]  }
0x49: {  	v9 =	vld [tilespmem:s30+$0x230]  }
0x4a: {  	v8 =	vld [tilespmem:s30+$0x240]  }
0x4b: {  	v6 =	vld [tilespmem:s30+$0x250];
	v12 =	vadd.f32 v7, v12  }
0x4c: {  	s28 =	sshll.u32 s26, $0x1;
	s29 =	simm.s32 $0x200;
	v11 =	vadd.f32 v11, v13;
	v7 =	vld [tilespmem:s30+$0x260]  }
.LBB2_3:
0x4d: {  	s31 =	sshra.s32 s29, $0x2;
	p0 =	sne.s32 s29, $0xFE00;
	[tilespmem:s30+$0x200] =	vst v12;
	v5 =	vadd.f32 v5, v10;
	v10 =	vld [tilespmem:s30+$0x270]  }
0x4e: {  	v12 =	vld [tilespmem:s31+$0x8200];
	[tilespmem:s30+$0x210] =	vst v11;
	v4 =	vadd.f32 v4, v9  }
0x4f: {  	v11 =	vld [tilespmem:s31+$0x8210];
	[tilespmem:s30+$0x220] =	vst v5;
	v3 =	vadd.f32 v3, v8  }
0x50: {  	v5 =	vld [tilespmem:s31+$0x8220];
	[tilespmem:s30+$0x230] =	vst v4;
	v2 =	vadd.f32 v2, v6  }
0x51: {  	v4 =	vld [tilespmem:s31+$0x8230];
	[tilespmem:s30+$0x240] =	vst v3;
	v1 =	vadd.f32 v1, v7  }
0x52: {  	v3 =	vld [tilespmem:s31+$0x8240];
	[tilespmem:s30+$0x250] =	vst v2;
	v0 =	vadd.f32 v0, v10  }
0x53: {  	v2 =	vld [tilespmem:s31+$0x8250];
	[tilespmem:s30+$0x260] =	vst v1  }
0x54: {  	v1 =	vld [tilespmem:s31+$0x8260];
	[tilespmem:s30+$0x270] =	vst v0;
	s30 =	smov.u32 s31  }
0x55: {  	v0 =	vld [tilespmem:s30+$0x8270]  }
0x56: {  	v6 =	vld [tilespmem:s30+$0x200]  }
0x57: {  	v7 =	vld [tilespmem:s30+$0x210]  }
.Ltmp4:
0x58: {  	v10 =	vld [tilespmem:s30+$0x220];
	(pc) =	sbr.rel @p0 .LBB2_3-.Ltmp4, $4  }
0x59: {  	v9 =	vld [tilespmem:s30+$0x230]  }
0x5a: {  	v8 =	vld [tilespmem:s30+$0x240]  }
0x5b: {  	v12 =	vadd.f32 v12, v6;
	v6 =	vld [tilespmem:s30+$0x250]  }
0x5c: {  	s29 =	sadd.s32 $0x200, s29;
	v11 =	vadd.f32 v11, v7;
	v7 =	vld [tilespmem:s30+$0x260]  }
0x5d: {  	[tilespmem:s30+$0x200] =	vst v12;
	v5 =	vadd.f32 v5, v10;
	v63 =	vld [tilespmem:s30+$0x270]  }
0x5e: {  	[tilespmem:s30+$0x210] =	vst v11;
	v4 =	vadd.f32 v4, v9  }
0x5f: {  	[tilespmem:s30+$0x220] =	vst v5;
	v3 =	vadd.f32 v3, v8  }
0x60: {  	[tilespmem:s30+$0x230] =	vst v4;
	v2 =	vadd.f32 v2, v6  }
0x61: {  	[tilespmem:s30+$0x240] =	vst v3;
	v1 =	vadd.f32 v1, v7  }
0x62: {  	[tilespmem:s30+$0x250] =	vst v2;
	v0 =	vadd.f32 v0, v63  }
0x63: {  	s29 =	sshll.u32 s26, $0x11;
	[tilespmem:s30+$0x260] =	vst v1  }
0x64: {  	s31 =	sadd.s32 s29, s8;
	[tilespmem:s30+$0x270] =	vst v0;
	s30 =	sadd.s32 $0x2, s28  }
0x65: {  	[hbm4b:s31+s4] =	stream.linear.scatter [tilespmem:s13], [sflag:$0x5], $0x4000, $0x38;
	[tilespmem:$0x10200] =	vst v63  }
0x66: {  	p0 =	sgt.u32 s30, s5  }
0x67: {  	s31 =	simm.s32 @!p0 $0x5  }
0x68: {  	_ =	swait.ge @!p0 [sflag:s31], $0x4000  }
0x69: {  	s30 =	sshll.u32 @!p0 s30, $0xA;
	[sflag:s31] =	ssyncset.done @!p0 $0x0  }
0x6a: {  	s30 =	sadd.s32 @!p0 s30, s6;
	[sflag:s31] =	ssyncadd.s32 @!p0 $0xFFFFC000;
	s31 =	simm.s32 @!p0 $0x0  }
0x6b: {  	[tilespmem:s31], [sflag:$0x7] =	stream.linear.gather @!p0 [hbm4b:s30+s31], $0x100, $0x38;
	[tilespmem:$0x10200] =	vst v63  }
0x6c: {  	s30 =	simm.s32 @!p0 $0x7  }
0x6d: {  	_ =	swait.ge @!p0 [sflag:s30], $0x100  }
0x6e: {  	[sflag:s30] =	ssyncset.done @!p0 $0x0  }
0x6f: {  	s0 =	simm.s32 @!p0 $0x200;
	[sflag:s30] =	ssyncadd.s32 @!p0 $0xFFFFFF00;
	s30 =	simm.s32 @!p0 $0x80  }
0x70: {  	[tilespmem:s0], [sflag:$0x1] =	stream.indirect.gather @!p0 [hbm4b:s1+s30], $0x80, s31, s30, $0xb8;
	[tilespmem:$0x10200] =	vst v63  }
0x71: {  	s0 =	simm.s32 @!p0 $0x8200  }
0x72: {  	[tilespmem:s0], [sflag:$0x3] =	stream.indirect.gather @!p0 [hbm4b:s3+s30], $0x80, s30, s30, $0xb8;
	[tilespmem:$0x10200] =	vst v63  }
0x73: {  	p0 =	sge.u32 s28, s5  }
.Ltmp5:
0x74: {  	_ = 	snop;
	(pc) =	sbr.rel @p0 .LBB2_8-.Ltmp5, $1  }
0x75: {  	_ =	sdelay $0x3  }
0x76: {  	_ =	swait.ge [sflag:s21], $0x4000  }
0x77: {  	[sflag:s21] =	ssyncset.done $0x0  }
0x78: {  	[sflag:s21] =	ssyncadd.s32 $0xFFFFC000  }
0x79: {  	_ =	swait.ge [sflag:s22], $0x4000  }
0x7a: {  	[sflag:s22] =	ssyncset.done $0x0  }
0x7b: {  	s30 =	simm.s32 $0x0;
	[sflag:s22] =	ssyncadd.s32 $0xFFFFC000  }
0x7c: {  	v7 =	vld [tilespmem:s30+$0xC200]  }
0x7d: {  	v11 =	vld [tilespmem:s30+$0xC210]  }
0x7e: {  	v5 =	vld [tilespmem:s30+$0xC220]  }
0x7f: {  	v4 =	vld [tilespmem:s30+$0xC230]  }
0x80: {  	v3 =	vld [tilespmem:s30+$0xC240]  }
0x81: {  	v2 =	vld [tilespmem:s30+$0xC250]  }
0x82: {  	v1 =	vld [tilespmem:s30+$0xC260]  }
0x83: {  	v0 =	vld [tilespmem:s30+$0xC270]  }
0x84: {  	v12 =	vld [tilespmem:s30+$0x4200]  }
0x85: {  	v13 =	vld [tilespmem:s30+$0x4210]  }
0x86: {  	v10 =	vld [tilespmem:s30+$0x4220]  }
0x87: {  	v9 =	vld [tilespmem:s30+$0x4230]  }
0x88: {  	v8 =	vld [tilespmem:s30+$0x4240]  }
0x89: {  	v6 =	vld [tilespmem:s30+$0x4250];
	v12 =	vadd.f32 v7, v12  }
0x8a: {  	s31 =	simm.s32 $0x200;
	v11 =	vadd.f32 v11, v13;
	v7 =	vld [tilespmem:s30+$0x4260]  }
.LBB2_6:
0x8b: {  	s0 =	sshra.s32 s31, $0x2;
	p0 =	sne.s32 s31, $0xFE00;
	[tilespmem:s30+$0x4200] =	vst v12;
	v5 =	vadd.f32 v5, v10;
	v10 =	vld [tilespmem:s30+$0x4270]  }
0x8c: {  	v12 =	vld [tilespmem:s0+$0xC200];
	[tilespmem:s30+$0x4210] =	vst v11;
	v4 =	vadd.f32 v4, v9  }
0x8d: {  	v11 =	vld [tilespmem:s0+$0xC210];
	[tilespmem:s30+$0x4220] =	vst v5;
	v3 =	vadd.f32 v3, v8  }
0x8e: {  	v5 =	vld [tilespmem:s0+$0xC220];
	[tilespmem:s30+$0x4230] =	vst v4;
	v2 =	vadd.f32 v2, v6  }
0x8f: {  	v4 =	vld [tilespmem:s0+$0xC230];
	[tilespmem:s30+$0x4240] =	vst v3;
	v1 =	vadd.f32 v1, v7  }
0x90: {  	v3 =	vld [tilespmem:s0+$0xC240];
	[tilespmem:s30+$0x4250] =	vst v2;
	v0 =	vadd.f32 v0, v10  }
0x91: {  	v2 =	vld [tilespmem:s0+$0xC250];
	[tilespmem:s30+$0x4260] =	vst v1  }
0x92: {  	v1 =	vld [tilespmem:s0+$0xC260];
	[tilespmem:s30+$0x4270] =	vst v0;
	s30 =	smov.u32 s0  }
0x93: {  	v0 =	vld [tilespmem:s30+$0xC270]  }
0x94: {  	v6 =	vld [tilespmem:s30+$0x4200]  }
0x95: {  	v7 =	vld [tilespmem:s30+$0x4210]  }
.Ltmp6:
0x96: {  	v10 =	vld [tilespmem:s30+$0x4220];
	(pc) =	sbr.rel @p0 .LBB2_6-.Ltmp6, $4  }
0x97: {  	v9 =	vld [tilespmem:s30+$0x4230]  }
0x98: {  	v8 =	vld [tilespmem:s30+$0x4240]  }
0x99: {  	v12 =	vadd.f32 v12, v6;
	v6 =	vld [tilespmem:s30+$0x4250]  }
0x9a: {  	s31 =	sadd.s32 $0x200, s31;
	v11 =	vadd.f32 v11, v7;
	v7 =	vld [tilespmem:s30+$0x4260]  }
0x9b: {  	[tilespmem:s30+$0x4200] =	vst v12;
	v5 =	vadd.f32 v5, v10;
	v63 =	vld [tilespmem:s30+$0x4270]  }
0x9c: {  	[tilespmem:s30+$0x4210] =	vst v11;
	v4 =	vadd.f32 v4, v9  }
0x9d: {  	[tilespmem:s30+$0x4220] =	vst v5;
	v3 =	vadd.f32 v3, v8  }
0x9e: {  	[tilespmem:s30+$0x4230] =	vst v4;
	v2 =	vadd.f32 v2, v6  }
.Ltmp7:
0x9f: {  	[tilespmem:s30+$0x4240] =	vst v3;
	v1 =	vadd.f32 v1, v7;
	(pc) =	sbr.rel .LBB2_8-.Ltmp7, $4  }
0xa0: {  	[tilespmem:s30+$0x4250] =	vst v2;
	v0 =	vadd.f32 v0, v63  }
0xa1: {  	[tilespmem:s30+$0x4260] =	vst v1  }
0xa2: {  	s0 =	sadd.s32 s29, s9;
	[tilespmem:s30+$0x4270] =	vst v0  }
0xa3: {  	[hbm4b:s0+s4] =	stream.linear.scatter [tilespmem:s16], [sflag:$0x6], $0x4000, $0x38;
	[tilespmem:$0x10200] =	vst v63  }
.LBB2_10:
0xa4: {  	_ =	sfence.sel $0x180000  }
0xa5: {  	[bflag:$0x0] =	sbarrier.arrive $0xFFFF  }
0xa6: {  	_ =	strace $0x90000047  }
0xa7: {  	[bflag:$0x2] =	sbarrier.arrive $0xFFFF  }
0xa8: {  	p0 =	sne.s32 s2, $0x0;
	s0 =	rddreg [dreg:$0x3]  }
0xa9: {  	s0 =	sadd.s32 @!p0 $0x100000, s0  }
0xaa: {  	[sflag:s0] =	ssyncadd.tile.s32 @!p0 $0x1;
	_ =	shalt  }
.Lfunc_end2:
_tile_overlayer_lowered:
.L_overlay_start_2:
0xab: {  	(tag) =	ssettag $0x2  }
0xac: {  	s0 =	rddreg [dreg:$0x0];
	s2 =	stileid.u32  }
0xad: {  	s1 =	rddreg [dreg:$0x1];
	p0 =	sne.s32 s2, $0x0  }
0xae: {  	s3 =	rddreg [dreg:$0x2];
	[bflag:$0x3] =	sbarrier.arrive $0xFFFF;
	s2 =	simm.s32 @!p0 $0x1C07  }
0xaf: {  	[timem:s3], [sflag:s2] =	dma.local @!p0 [hbm:s0], s1  }
0xb0: {  	s0 =	simm.s32 @!p0 $0x7  }
0xb1: {  	_ =	swait.ge @!p0 [sflag:s0], s1  }
0xb2: {  	s1 =	ssub.s32 @!p0 $0x0, s1;
	[sflag:s0] =	ssyncset.done @!p0 $0x0  }
0xb3: {  	[sflag:s0] =	ssyncadd.s32 @!p0 s1  }
0xb4: {  	[bflag:$0x3] =	sbarrier.arrive $0xFFFF  }
0xb5: {  	_ =	shalt  }

// kernel: kernel.17.cloned.1.call-start
scs
__scs_entry_jumppad:
0x0: {  	(pc) =	sbr.rel $0x88, $3  }
0x1: {  	(tag) =	ssettag $0x0;
	lr =	simm.s32 $0x1  }
0x2: {  	[smem:$0x3F84] =	sst lr;
	_ =	strace $0xD0000000  }
0x3: {  	_ = 	snop  }
0x4: {  	_ = 	snop  }
0x5: {  	_ = 	snop  }
0x6: {  	_ = 	snop  }
0x7: {  	_ = 	snop  }
__scs_overlays_trampoline_lowered:
0x8: {  	[smem:$0x3F93] =	sst s0  }
0x9: {  	[smem:$0x3F94] =	sst s1  }
0xa: {  	[smem:$0x3F95] =	sst s2  }
0xb: {  	[smem:$0x3F96] =	sst s3  }
0xc: {  	[smem:$0x3F97] =	sst s4  }
0xd: {  	[smem:$0x3F98] =	sst s5  }
0xe: {  	[smem:$0x3F99] =	sst s6  }
0xf: {  	[smem:$0x3F9A] =	sst s7  }
0x10: {  	[smem:$0x3F9B] =	sst s8  }
0x11: {  	[smem:$0x3F9C] =	sst s9;
	s0 =	simm.s32 @!p0 $0x0  }
0x12: {  	s1 =	sld [smem:$0x3F82];
	s0 =	simm.s32 @p0 $0x1  }
0x13: {  	[smem:$0x3F9D] =	sst s0;
	s0 =	simm.s32 @!p1 $0x0  }
0x14: {  	s2 =	sld [smem:$0x3F81];
	s0 =	simm.s32 @p1 $0x1  }
0x15: {  	[smem:$0x3F9E] =	sst s0;
	s0 =	simm.s32 @!p2 $0x0  }
0x16: {  	s3 =	sld [smem:$0x3FDB];
	s0 =	simm.s32 @p2 $0x1  }
0x17: {  	s4 =	simm.s32 $0x1BF5;
	[smem:$0x3FA0] =	sst s0  }
0x18: {  	s0 =	sld [smem:$0x3F83];
	_ =	swait.ge [sflag:s4], $0x0  }
0x19: {  	s7 =	sld [smem:$0x3F84]  }
0x1a: {  	s8 =	sadd.s32 $0xFFFFE003, lr  }
0x1b: {  	s9 =	sadd.s32 $0xFFFFFEF7, lr;
	s5 =	simm.s32 $0xFFFFFFFF;
	p2 =	slt.u32 s8, $0xFFFFF086  }
0x1c: {  	p1 =	slt.u32 s9, $0xF7A;
	s5 =	simm.s32 @!p2 $0x0  }
0x1d: {  	s5 =	simm.s32 @p1 $0x1;
	p0 =	seq.s32 s7, s2  }
0x1e: {  	s7 =	smul.u32 @!p0 $0xF7A, s2;
	p2 =	seq.s32 @!p0 s5, $0x0  }
0x1f: {  	s9 =	smul.u32 $0xF7A, s1;
	s8 =	simm.s32 @!p0 $0x1BF5;
	p2 =	por !p2, p0  }
0x20: {  	[sflag:s8] =	ssyncset.s32 @!p0 $0xFFFFF086;
	s6 =	sadd.s32 @!p0 s3, s7;
	s7 =	simm.s32 @!p0 $0x108  }
0x21: {  	s3 =	sadd.s32 s3, s9;
	s6 =	sadd.s32 @!p0 $0x88, s6;
	s7 =	simm.s32 @p2 $0x1082  }
0x22: {  	[simem:s7], [sflag:s8] =	dma.local @!p0 [hbm:s6], $0xF7A  }
0x23: {  	s9 =	sor.u32 $0xD0000000, s2;
	s6 =	simm.s32 $0x108;
	_ =	swait.ge @!p0 [sflag:s8], $0x0  }
0x24: {  	s3 =	sadd.s32 $0x88, s3;
	s6 =	simm.s32 @!p1 $0x1082;
	[sflag:s4] =	ssyncset.s32 $0xFFFFF086  }
0x25: {  	[simem:s6], [sflag:s4] =	dma.local [hbm:s3], $0xF7A  }
0x26: {  	[smem:$0x3F84] =	sst s1;
	(tag) =	ssettag s2;
	_ =	strace s9  }
0x27: {  	s1 =	sld [smem:$0x3F94]  }
0x28: {  	s2 =	sld [smem:$0x3F95]  }
0x29: {  	s4 =	sld [smem:$0x3F97]  }
0x2a: {  	p0 =	seq.s32 s5, $0x0;
	s5 =	sld [smem:$0x3F98]  }
0x2b: {  	s6 =	sld [smem:$0x3F99]  }
0x2c: {  	s7 =	sld [smem:$0x3F9A]  }
0x2d: {  	s3 =	simm.s32 $0x108;
	s8 =	sld [smem:$0x3F9B]  }
0x2e: {  	s3 =	simm.s32 @!p0 $0x1082;
	s9 =	sld [smem:$0x3F9C]  }
0x2f: {  	lr =	sadd.s32 s0, s3;
	s0 =	sld [smem:$0x3F93]  }
0x30: {  	s3 =	sld [smem:$0x3F96]  }
0x31: {  	[smem:$0x3F9F] =	sst s10  }
0x32: {  	s10 =	sld [smem:$0x3F9D];
	_ =	sdelay $0x3  }
0x33: {  	p0 =	seq.s32 s10, $0x1;
	s10 =	sld [smem:$0x3F9F];
	_ =	sdelay $0x3  }
0x34: {  	[smem:$0x3F9F] =	sst s10  }
0x35: {  	s10 =	sld [smem:$0x3F9E];
	_ =	sdelay $0x3  }
0x36: {  	p1 =	seq.s32 s10, $0x1;
	s10 =	sld [smem:$0x3F9F];
	_ =	sdelay $0x3  }
0x37: {  	[smem:$0x3F9F] =	sst s10  }
0x38: {  	s10 =	sld [smem:$0x3FA0]  }
0x39: {  	_ = 	snop;
	(pc) =	sbr.ind lr, $3  }
0x3a: {  	_ = 	snop  }
0x3b: {  	_ = 	snop  }
0x3c: {  	p2 =	seq.s32 s10, $0x1;
	s10 =	sld [smem:$0x3F9F]  }
0x3d: {  	_ =	shalt  }
0x3e: {  	_ =	shalt  }
0x3f: {  	_ =	shalt  }
0x40: {  	_ =	shalt  }
0x41: {  	_ =	shalt  }
0x42: {  	_ =	shalt  }
0x43: {  	_ =	shalt  }
0x44: {  	_ =	shalt  }
0x45: {  	_ =	shalt  }
0x46: {  	_ =	shalt  }
0x47: {  	_ =	shalt  }
0x48: {  	_ =	shalt  }
0x49: {  	_ =	shalt  }
0x4a: {  	_ =	shalt  }
0x4b: {  	_ =	shalt  }
0x4c: {  	_ =	shalt  }
0x4d: {  	_ =	shalt  }
0x4e: {  	_ =	shalt  }
0x4f: {  	_ =	shalt  }
0x50: {  	_ =	shalt  }
0x51: {  	_ =	shalt  }
0x52: {  	_ =	shalt  }
0x53: {  	_ =	shalt  }
0x54: {  	_ =	shalt  }
0x55: {  	_ =	shalt  }
0x56: {  	_ =	shalt  }
0x57: {  	_ =	shalt  }
0x58: {  	_ =	shalt  }
0x59: {  	_ =	shalt  }
0x5a: {  	_ =	shalt  }
0x5b: {  	_ =	shalt  }
0x5c: {  	_ =	shalt  }
0x5d: {  	_ =	shalt  }
0x5e: {  	_ =	shalt  }
0x5f: {  	_ =	shalt  }
0x60: {  	_ =	shalt  }
0x61: {  	_ =	shalt  }
0x62: {  	_ =	shalt  }
0x63: {  	_ =	shalt  }
0x64: {  	_ =	shalt  }
0x65: {  	_ =	shalt  }
0x66: {  	_ =	shalt  }
0x67: {  	_ =	shalt  }
0x68: {  	_ =	shalt  }
0x69: {  	_ =	shalt  }
0x6a: {  	_ =	shalt  }
0x6b: {  	_ =	shalt  }
0x6c: {  	_ =	shalt  }
0x6d: {  	_ =	shalt  }
0x6e: {  	_ =	shalt  }
0x6f: {  	_ =	shalt  }
0x70: {  	_ =	shalt  }
0x71: {  	_ =	shalt  }
0x72: {  	_ =	shalt  }
0x73: {  	_ =	shalt  }
0x74: {  	_ =	shalt  }
0x75: {  	_ =	shalt  }
0x76: {  	_ =	shalt  }
0x77: {  	_ =	shalt  }
0x78: {  	_ =	shalt  }
0x79: {  	_ =	shalt  }
0x7a: {  	_ =	shalt  }
0x7b: {  	_ =	shalt  }
0x7c: {  	_ =	shalt  }
0x7d: {  	_ =	shalt  }
0x7e: {  	_ =	shalt  }
0x7f: {  	_ =	shalt  }
0x80: {  	_ =	shalt  }
0x81: {  	_ =	shalt  }
0x82: {  	_ =	shalt  }
0x83: {  	_ =	shalt  }
0x84: {  	_ =	shalt  }
0x85: {  	_ =	shalt  }
0x86: {  	_ =	shalt  }
0x87: {  	_ =	shalt  }
.Lfunc_end0:
.L_simem_size_0:
called_computation.1_lowered:
.L_overlay_start_0:
0x88: {  	s2 =	sld [smem:$0x3FD9]  }
0x89: {  	s3 =	sld [smem:$0x3FFE];
	_ =	sdelay $0x1  }
0x8a: {  	s1 =	srdreg.scid  }
0x8b: {  	s0 =	sand.u32 $0x1, s1  }
0x8c: {  	s17 =	sshll.u32 s0, $0xA;
	s2 =	sadd.s32 s3, s2  }
0x8d: {  	s2 =	sadd.s32 s2, s17  }
0x8e: {  	[smem:$0x3FAB] =	sst s2  }
0x8f: {  	_ = 	snop  }
0x90: {  	(tm) =	ssettm $0x1  }
0x91: {  	s18 =	sld [smem:$0x3FFB];
	_ =	sdelay $0x3  }
0x92: {  	_ =	strace s18  }
0x93: {  	s2 =	sld [smem:$0x3FFC];
	_ =	sdelay $0x3  }
0x94: {  	_ =	strace s2  }
0x95: {  	s2 =	sld [smem:$0x3FFD];
	_ =	sdelay $0x3  }
0x96: {  	_ =	strace s2  }
0x97: {  	_ =	strace $0x8FFFFFFF  }
0x98: {  	s19 =	sld [smem:$0x3FDB];
	_ =	sdelay $0x1  }
0x99: {  	s20 =	simm.s32 $_scs_section_size  }
0x9a: {  	s4 =	simm.s32 $_size__tile_overlayer_lowered;
	s5 =	simm.s32 $_tile_overlayer_lowered  }
0x9b: {  	s6 =	simm.s32 $0x1BFF;
	s21 =	sshll.u32 s5, $0x1;
	s3 =	sadd.s32 s20, s19  }
0x9c: {  	s22 =	simm.s32 $0x0;
	s4 =	sshll.u32 s4, $0x1;
	s5 =	sadd.s32 s21, s3  }
0x9d: {  	[timem:s22], [sflag:s6] =	dma.local [hbm:s5], s4  }
0x9e: {  	_ =	swait.ge [sflag:s6], s4  }
0x9f: {  	s4 =	ssub.s32 $0x0, s4;
	[sflag:s6] =	ssyncset.done $0x0  }
0xa0: {  	[sflag:s6] =	ssyncadd.s32 s4;
	_ =	sdelay $0x1  }
0xa1: {  	s23 =	simm.s32 $0x1B8B  }
0xa2: {  	_ =	swait.ge [sflag:s23], $0x1  }
0xa3: {  	[sflag:s23] =	ssyncset.done $0x0  }
0xa4: {  	[sflag:s23] =	ssyncadd.s32 $0xFFFFFFFF  }
0xa5: {  	s4 =	sld [smem:$0x0]  }
0xa6: {  	s5 =	sand.u32 $0xFFFFFFFE, s1  }
0xa7: {  	p0 =	sne.s32 s1, s5  }
0xa8: {  	s5 =	sshll.u32 @p0 s5, $0xE  }
0xa9: {  	s5 =	sadd.s32 @p0 $0x11B8D, s5;
	s6 =	sshll.u32 @p0 s4, $0x11  }
0xaa: {  	s5 =	sor.u32 @p0 s6, s5  }
0xab: {  	[sflag:s5] =	ssyncadd.remote.s32 @p0 $0x1;
	_ =	sdelay $0x1  }
0xac: {  	s5 =	simm.s32 @p0 $0x1B8D  }
0xad: {  	_ =	swait.eq @p0 [sflag:s5], $0x1  }
0xae: {  	[sflag:s5] =	ssyncadd.s32 @p0 $0xFFFFFFFF  }
0xaf: {  	s6 =	sshll.u32 @!p0 s1, $0xE  }
0xb0: {  	s6 =	sor.u32 @!p0 $0x4000, s6;
	s5 =	simm.s32 @!p0 $0x1B8D  }
0xb1: {  	s4 =	sshll.u32 @!p0 s4, $0x11;
	s6 =	sadd.s32 @!p0 $0x11B8D, s6;
	_ =	swait.eq @!p0 [sflag:s5], $0x1  }
0xb2: {  	s4 =	sor.u32 @!p0 s4, s6;
	[sflag:s5] =	ssyncadd.s32 @!p0 $0xFFFFFFFF  }
0xb3: {  	s25 =	simm.s32 $0x1B8E;
	s24 =	sld [smem:$0x3FFE];
	[sflag:s4] =	ssyncadd.remote.s32 @!p0 $0x1  }
0xb4: {  	s26 =	simm.s32 $execute0_lowered;
	[smem:$0x3FD2] =	sst s25  }
0xb5: {  	s5 =	sshll.u32 s26, $0x1;
	_ =	strace $0x80000049;
	[dreg:$0x1] =	wrdreg $0xFFFFFFFF  }
0xb6: {  	s28 =	simm.s32 $_size_execute0_lowered;
	s3 =	sadd.s32 s3, s5;
	[dreg:$0x0] =	wrdreg $0x0  }
0xb7: {  	s5 =	sshll.u32 s28, $0x1;
	[dreg:$0x2] =	wrdreg s3  }
0xb8: {  	[dreg:$0x3] =	wrdreg s5  }
0xb9: {  	[dreg:$0x4] =	wrdreg $0xC0  }
0xba: {  	_ =	task [dreg:s22], $0x5FFFF  }
0xbb: {  	[dreg:$0x1] =	wrdreg $0xFFFFFFFF  }
0xbc: {  	[dreg:$0x0] =	wrdreg $0x60  }
0xbd: {  	[dreg:$0x2] =	wrdreg s24  }
0xbe: {  	[dreg:$0x3] =	wrdreg $0x80800  }
0xbf: {  	[dreg:$0x4] =	wrdreg $0x9  }
0xc0: {  	_ =	task.clear_ibuf [dreg:s22], $0x5FFFF;
	_ =	strace $0x90000049  }
0xc1: {  	s29 =	simm.s32 $0x9;
	_ =	strace $0x8000004B  }
0xc2: {  	_ =	swait.ge [sflag:s29], $0x1  }
0xc3: {  	[sflag:s29] =	ssyncadd.s32 $0xFFFFFFFF  }
0xc4: {  	_ =	strace $0x9000004B  }
0xc5: {  	_ =	sfence  }
0xc6: {  	s30 =	sld [smem:$0x0];
	_ =	sdelay $0x2  }
0xc7: {  	s31 =	sshll.u32 s1, $0xD;
	s1 =	sshrl.u32 s1, $0x2  }
0xc8: {  	s4 =	sand.u32 $0x4000, s31;
	s1 =	sadd.s32 s1, s30  }
0xc9: {  	s0 =	sor.u32 s4, s0;
	s1 =	sshll.u32 s1, $0x11  }
0xca: {  	s0 =	sor.u32 s1, s0  }
0xcb: {  	s0 =	sadd.s32 $0x8F2B, s0  }
0xcc: {  	[sflag:s0] =	ssyncadd.remote.s32 $0x1  }
0xcd: {  	_ =	sfence.sel $0xFFFF  }
0xce: {  	[dreg:$0x0] =	wrdreg $0xFFFFFFFF;
	(pc) =	sbr.abs _section_cstart, $3  }
0xcf: {  	[dreg:$0x1] =	wrdreg $0xFFFFFFFF  }
0xd0: {  	_ =	task.clear_ibuf [dreg:s22], $0x2FFFF;
	_ =	strace $0x9FFFFFFF  }
0xd1: {  	(tm) =	ssettm $0x7FFFFFFF  }
tec
execute0_lowered:
.L_overlay_start_1:
0x0: {  	(tag) =	ssettag $0x1  }
0x1: {  	s4 =	rddreg [dreg:$0x0]  }
0x2: {  	s0 =	stileid.u32;
	s1 =	srdreg.scid  }
0x3: {  	s2 =	rddreg [dreg:$0x1];
	s3 =	simm.s32 $0x0;
	s18 =	simm.s32 $0x1  }
0x4: {  	s12 =	sand.u32 $0x1, s1;
	s5 =	smul.u32 $0x280, s0;
	s1 =	rddreg [dreg:$0x2]  }
0x5: {  	s19 =	simm.s32 $0x0;
	[smem:$0x7FF] =	sst s3;
	s8 =	smul.u32 $0x50000, s0  }
0x6: {  	s7 =	sshll.u32 s0, $0x5;
	s6 =	smul.u32 $0x2800, s12;
	_ =	strace $0x8000004A  }
0x7: {  	s14 =	sadd.s32 s7, s4;
	s29 =	ssub.s32 $0x2, s12;
	s17 =	sshll.u32 s12, $0x4  }
0x8: {  	s30 =	sshrl.u32 s8, $0x2;
	s31 =	sshrl.u32 s29, $0x1;
	s5 =	sadd.s32 s5, s6  }
0x9: {  	s17 =	sadd.s32 s17, s14;
	s16 =	ssub.s32 s29, s31;
	s5 =	sshll.u32 s5, $0x4  }
0xa: {  	s15 =	sadd.s32 s5, s4;
	s4 =	sadd.s32 s30, s2;
	s5 =	sshll.u32 s0, $0x1  }
0xb: {  	s6 =	sadd.s32 $0x4000, s4;
	s7 =	sadd.s32 $0x8000, s4;
	s8 =	sadd.s32 $0xC000, s4  }
0xc: {  	s9 =	sadd.s32 $0x10000, s4;
	s10 =	sadd.s32 $0x287000, s15;
	s11 =	sadd.s32 $0x287800, s15  }
0xd: {  	s12 =	sadd.s32 $0x288000, s15;
	s13 =	sadd.s32 $0x288800, s15;
	s14 =	sadd.s32 $0x289000, s15  }
0xe: {  	v0 =	vimm.f32 $0.0e+00;
	v1 =	vimm.f32 $1.000000000e+00;
	s15 =	smax.u32 s16, $0x1;
	s16 =	sadd.s32 $0x7200, s17;
	s17 =	simm.s32 $0x80  }
.LBB2_1:
0xf: {  	s20 =	simm.s32 $0x0;
	s21 =	simm.s32 $0x200  }
.LBB2_2:
0x10: {  	p0 =	sne.s32 s21, $0xFE00;
	[tilespmem:s20+$0x40F0] =	vst v1  }
0x11: {  	[tilespmem:s20+$0x80] =	vst v0  }
0x12: {  	[tilespmem:s20+$0x4080] =	vst v1  }
0x13: {  	[tilespmem:s20+$0x90] =	vst v0  }
0x14: {  	[tilespmem:s20+$0x4090] =	vst v1  }
0x15: {  	[tilespmem:s20+$0xA0] =	vst v0  }
0x16: {  	[tilespmem:s20+$0x40A0] =	vst v1  }
0x17: {  	[tilespmem:s20+$0xB0] =	vst v0  }
0x18: {  	[tilespmem:s20+$0x40B0] =	vst v1  }
0x19: {  	[tilespmem:s20+$0xC0] =	vst v0  }
0x1a: {  	[tilespmem:s20+$0x40C0] =	vst v1  }
.Ltmp0:
0x1b: {  	[tilespmem:s20+$0xD0] =	vst v0;
	(pc) =	sbr.rel @p0 .LBB2_2-.Ltmp0, $4  }
0x1c: {  	[tilespmem:s20+$0x40D0] =	vst v1  }
0x1d: {  	[tilespmem:s20+$0xE0] =	vst v0  }
0x1e: {  	[tilespmem:s20+$0x40E0] =	vst v1  }
0x1f: {  	[tilespmem:s20+$0xF0] =	vst v0;
	s20 =	sshra.s32 s21, $0x2;
	s21 =	sadd.s32 $0x200, s21  }
0x20: {  	[tilespmem:s20+$0x40F0] =	vst v1  }
0x21: {  	[tilespmem:s20+$0x80] =	vst v0  }
0x22: {  	[tilespmem:s20+$0x4080] =	vst v1  }
0x23: {  	[tilespmem:s20+$0x90] =	vst v0  }
0x24: {  	[tilespmem:s20+$0x4090] =	vst v1  }
0x25: {  	[tilespmem:s20+$0xA0] =	vst v0  }
0x26: {  	[tilespmem:s20+$0x40A0] =	vst v1  }
0x27: {  	[tilespmem:s20+$0xB0] =	vst v0  }
0x28: {  	[tilespmem:s20+$0x40B0] =	vst v1  }
0x29: {  	[tilespmem:s20+$0xC0] =	vst v0  }
0x2a: {  	[tilespmem:s20+$0x40C0] =	vst v1  }
0x2b: {  	[tilespmem:s20+$0xD0] =	vst v0  }
0x2c: {  	[tilespmem:s20+$0x40D0] =	vst v1  }
0x2d: {  	[tilespmem:s20+$0xE0] =	vst v0  }
0x2e: {  	[tilespmem:s20+$0x40E0] =	vst v1  }
0x2f: {  	[tilespmem:s20+$0xF0] =	vst v0  }
0x30: {  	[spmem:s4] =	stream.linear.scatter [tilespmem:s17], [sflag:$0x1], $0x4000, $0x38;
	[tilespmem:$0x1C080] =	vst v63  }
0x31: {  	_ =	swait.ge [sflag:s18], $0x4000  }
0x32: {  	[sflag:s18] =	ssyncset.done $0x0  }
0x33: {  	[sflag:s18] =	ssyncadd.s32 $0xFFFFC000  }
0x34: {  	[spmem:s6] =	stream.linear.scatter [tilespmem:s17], [sflag:$0x1], $0x4000, $0x38;
	[tilespmem:$0x1C080] =	vst v63  }
0x35: {  	_ =	swait.ge [sflag:s18], $0x4000  }
0x36: {  	[sflag:s18] =	ssyncset.done $0x0  }
0x37: {  	[sflag:s18] =	ssyncadd.s32 $0xFFFFC000  }
0x38: {  	[spmem:s7] =	stream.linear.scatter [tilespmem:s17], [sflag:$0x1], $0x4000, $0x38;
	[tilespmem:$0x1C080] =	vst v63  }
0x39: {  	_ =	swait.ge [sflag:s18], $0x4000  }
0x3a: {  	[sflag:s18] =	ssyncset.done $0x0  }
0x3b: {  	[sflag:s18] =	ssyncadd.s32 $0xFFFFC000  }
0x3c: {  	[spmem:s8] =	stream.linear.scatter [tilespmem:s17], [sflag:$0x1], $0x4000, $0x38;
	[tilespmem:$0x1C080] =	vst v63  }
0x3d: {  	_ =	swait.ge [sflag:s18], $0x4000  }
0x3e: {  	[sflag:s18] =	ssyncset.done $0x0  }
0x3f: {  	[sflag:s18] =	ssyncadd.s32 $0xFFFFC000  }
0x40: {  	[spmem:s9] =	stream.linear.scatter [tilespmem:s17], [sflag:$0x1], $0x4000, $0x38;
	[tilespmem:$0x1C080] =	vst v63  }
0x41: {  	s30 =	sadd.s32 $0x0, s5;
	_ =	swait.ge [sflag:s18], $0x4000  }
0x42: {  	p0 =	sgt.u32 s30, $0x4E1;
	[sflag:s18] =	ssyncset.done $0x0  }
0x43: {  	s20 =	simm.s32 @!p0 $0x0;
	[sflag:s18] =	ssyncadd.s32 $0xFFFFC000  }
0x44: {  	s21 =	simm.s32 @!p0 $0x2;
	p0 =	por p0, p0;
	[bflag:$0x0] =	sbarrier.arrive $0xFFFF  }
0x45: {  	[tilespmem:s20], [sflag:$0x2] =	stream.linear.gather @!p0 [hbm4b:s16+s20], $0x80, $0x38;
	[tilespmem:$0x1C080] =	vst v63  }
0x46: {  	_ =	swait.ge @!p0 [sflag:s21], $0x80  }
0x47: {  	s31 =	sadd.s32 $0x20, s5;
	s22 =	simm.s32 @!p0 $0x1;
	[sflag:s21] =	ssyncset.done @!p0 $0x0  }
0x48: {  	s23 =	simm.s32 @!p0 $0x4080;
	[sflag:s21] =	ssyncadd.s32 @!p0 $0xFFFFFF80;
	s21 =	simm.s32 @!p0 $0x80  }
0x49: {  	[spmem:s2] =	stream.indirect.scatter.add.f32 @!p0 [tilespmem:s23], [sflag:$0x1], $0x80, s20, s21, $0xb8;
	[tilespmem:$0x1C080] =	vst v63  }
0x4a: {  	p1 =	sgt.u32 s31, $0x4E1;
	_ =	swait.ge @!p0 [sflag:s22], $0x4000  }
0x4b: {  	s21 =	simm.s32 $0x40;
	s20 =	sadd.s32 $0x200, s16;
	[sflag:s22] =	ssyncset.done @!p0 $0x0  }
.LBB2_4:
0x4c: {  	s23 =	simm.s32 @!p1 $0x0;
	s24 =	simm.s32 @!p1 $0x2;
	[sflag:s22] =	ssyncadd.s32 @!p0 $0xFFFFC000  }
0x4d: {  	s25 =	smov.u32 s21;
	p0 =	por p1, p1;
	s21 =	sadd.s32 $0x20, s21  }
0x4e: {  	[tilespmem:s23], [sflag:$0x2] =	stream.linear.gather @!p0 [hbm4b:s20+s23], $0x80, $0x38;
	[tilespmem:$0x1C080] =	vst v63  }
0x4f: {  	p2 =	sne.s32 s21, $0x500;
	_ =	swait.ge @!p0 [sflag:s24], $0x80  }
.Ltmp1:
0x50: {  	s22 =	simm.s32 @!p0 $0x1;
	[sflag:s24] =	ssyncset.done @!p0 $0x0;
	(pc) =	sbr.rel @p2 .LBB2_4-.Ltmp1, $4  }
0x51: {  	s26 =	simm.s32 @!p0 $0x4080;
	[sflag:s24] =	ssyncadd.s32 @!p0 $0xFFFFFF80;
	s24 =	simm.s32 @!p0 $0x80  }
0x52: {  	[spmem:s2] =	stream.indirect.scatter.add.f32 @!p0 [tilespmem:s26], [sflag:$0x1], $0x80, s23, s24, $0xb8;
	[tilespmem:$0x1C080] =	vst v63  }
0x53: {  	s23 =	sadd.s32 s25, s5;
	_ =	swait.ge @!p0 [sflag:s22], $0x4000  }
0x54: {  	s20 =	sadd.s32 $0x200, s20;
	p1 =	sgt.u32 s23, $0x4E1;
	[sflag:s22] =	ssyncset.done @!p0 $0x0  }
0x55: {  	s21 =	simm.s32 @!p1 $0x0  }
0x56: {  	s23 =	simm.s32 @!p1 $0x2;
	[sflag:s22] =	ssyncadd.s32 @!p0 $0xFFFFC000;
	p0 =	por p1, p1  }
0x57: {  	[tilespmem:s21], [sflag:$0x2] =	stream.linear.gather @!p0 [hbm4b:s20+s21], $0x80, $0x38;
	[tilespmem:$0x1C080] =	vst v63  }
0x58: {  	_ =	swait.ge @!p0 [sflag:s23], $0x80  }
0x59: {  	s20 =	simm.s32 @!p0 $0x1;
	[sflag:s23] =	ssyncset.done @!p0 $0x0  }
0x5a: {  	s22 =	simm.s32 @!p0 $0x80;
	[sflag:s23] =	ssyncadd.s32 @!p0 $0xFFFFFF80;
	s23 =	simm.s32 @!p0 $0x4080  }
0x5b: {  	[spmem:s2] =	stream.indirect.scatter.add.f32 @!p0 [tilespmem:s23], [sflag:$0x1], $0x80, s21, s22, $0xb8;
	[tilespmem:$0x1C080] =	vst v63  }
0x5c: {  	_ =	swait.ge @!p0 [sflag:s20], $0x4000  }
0x5d: {  	[sflag:s20] =	ssyncset.done @!p0 $0x0  }
0x5e: {  	[sflag:s20] =	ssyncadd.s32 @!p0 $0xFFFFC000  }
0x5f: {  	[bflag:$0x0] =	sbarrier.arrive $0xFFFF  }
0x60: {  	[tilespmem:s17], [sflag:$0x1] =	stream.linear.gather [spmem:s4], $0x4000, $0x38;
	[tilespmem:$0x1C080] =	vst v63  }
0x61: {  	_ =	swait.ge [sflag:s18], $0x4000  }
0x62: {  	[sflag:s18] =	ssyncset.done $0x0  }
0x63: {  	[sflag:s18] =	ssyncadd.s32 $0xFFFFC000  }
0x64: {  	[hbm4b:s10+s3] =	stream.linear.scatter [tilespmem:s17], [sflag:$0x1], $0x4000, $0x38;
	[tilespmem:$0x1C080] =	vst v63  }
0x65: {  	_ =	swait.ge [sflag:s18], $0x4000  }
0x66: {  	[sflag:s18] =	ssyncset.done $0x0  }
0x67: {  	[sflag:s18] =	ssyncadd.s32 $0xFFFFC000  }
0x68: {  	[tilespmem:s17], [sflag:$0x1] =	stream.linear.gather [spmem:s6], $0x4000, $0x38;
	[tilespmem:$0x1C080] =	vst v63  }
0x69: {  	_ =	swait.ge [sflag:s18], $0x4000  }
0x6a: {  	[sflag:s18] =	ssyncset.done $0x0  }
0x6b: {  	[sflag:s18] =	ssyncadd.s32 $0xFFFFC000  }
0x6c: {  	[hbm4b:s11+s3] =	stream.linear.scatter [tilespmem:s17], [sflag:$0x1], $0x4000, $0x38;
	[tilespmem:$0x1C080] =	vst v63  }
0x6d: {  	_ =	swait.ge [sflag:s18], $0x4000  }
0x6e: {  	[sflag:s18] =	ssyncset.done $0x0  }
0x6f: {  	[sflag:s18] =	ssyncadd.s32 $0xFFFFC000  }
0x70: {  	[tilespmem:s17], [sflag:$0x1] =	stream.linear.gather [spmem:s7], $0x4000, $0x38;
	[tilespmem:$0x1C080] =	vst v63  }
0x71: {  	_ =	swait.ge [sflag:s18], $0x4000  }
0x72: {  	[sflag:s18] =	ssyncset.done $0x0  }
0x73: {  	[sflag:s18] =	ssyncadd.s32 $0xFFFFC000  }
0x74: {  	[hbm4b:s12+s3] =	stream.linear.scatter [tilespmem:s17], [sflag:$0x1], $0x4000, $0x38;
	[tilespmem:$0x1C080] =	vst v63  }
0x75: {  	_ =	swait.ge [sflag:s18], $0x4000  }
0x76: {  	[sflag:s18] =	ssyncset.done $0x0  }
0x77: {  	[sflag:s18] =	ssyncadd.s32 $0xFFFFC000  }
0x78: {  	[tilespmem:s17], [sflag:$0x1] =	stream.linear.gather [spmem:s8], $0x4000, $0x38;
	[tilespmem:$0x1C080] =	vst v63  }
0x79: {  	_ =	swait.ge [sflag:s18], $0x4000  }
0x7a: {  	[sflag:s18] =	ssyncset.done $0x0  }
0x7b: {  	[sflag:s18] =	ssyncadd.s32 $0xFFFFC000  }
0x7c: {  	[hbm4b:s13+s3] =	stream.linear.scatter [tilespmem:s17], [sflag:$0x1], $0x4000, $0x38;
	[tilespmem:$0x1C080] =	vst v63  }
0x7d: {  	_ =	swait.ge [sflag:s18], $0x4000  }
0x7e: {  	[sflag:s18] =	ssyncset.done $0x0  }
0x7f: {  	[sflag:s18] =	ssyncadd.s32 $0xFFFFC000  }
0x80: {  	[tilespmem:s17], [sflag:$0x1] =	stream.linear.gather [spmem:s9], $0x4000, $0x38;
	[tilespmem:$0x1C080] =	vst v63  }
0x81: {  	s19 =	sadd.s32 $0x1, s19;
	_ =	swait.ge [sflag:s18], $0x4000  }
0x82: {  	p0 =	sne.s32 s19, s15;
	[sflag:s18] =	ssyncset.done $0x0  }
.Ltmp2:
0x83: {  	[sflag:s18] =	ssyncadd.s32 $0xFFFFC000;
	(pc) =	sbr.rel @p0 .LBB2_1-.Ltmp2, $4  }
0x84: {  	[hbm4b:s14+s3] =	stream.linear.scatter [tilespmem:s17], [sflag:$0x1], $0x4000, $0x38;
	[tilespmem:$0x1C080] =	vst v63  }
0x85: {  	_ =	swait.ge [sflag:s18], $0x4000  }
0x86: {  	[sflag:s18] =	ssyncset.done $0x0  }
0x87: {  	[sflag:s18] =	ssyncadd.s32 $0xFFFFC000  }
0x88: {  	_ =	sfence.sel $0x180000  }
0x89: {  	[bflag:$0x0] =	sbarrier.arrive $0xFFFF  }
0x8a: {  	p0 =	sne.s32 s0, $0x0;
	_ =	strace $0x9000004A  }
0x8b: {  	s0 =	sadd.s32 @!p0 $0x100000, s1;
	[bflag:$0x2] =	sbarrier.arrive $0xFFFF  }
0x8c: {  	[sflag:s0] =	ssyncadd.tile.s32 @!p0 $0x1;
	_ =	shalt  }
.Lfunc_end2:
_tile_overlayer_lowered:
.L_overlay_start_2:
0x8d: {  	(tag) =	ssettag $0x2  }
0x8e: {  	s0 =	rddreg [dreg:$0x0];
	s2 =	stileid.u32  }
0x8f: {  	s1 =	rddreg [dreg:$0x1];
	p0 =	sne.s32 s2, $0x0  }
0x90: {  	s3 =	rddreg [dreg:$0x2];
	[bflag:$0x3] =	sbarrier.arrive $0xFFFF;
	s2 =	simm.s32 @!p0 $0x1C01  }
0x91: {  	[timem:s3], [sflag:s2] =	dma.local @!p0 [hbm:s0], s1  }
0x92: {  	s0 =	simm.s32 @!p0 $0x1  }
0x93: {  	_ =	swait.ge @!p0 [sflag:s0], s1  }
0x94: {  	s1 =	ssub.s32 @!p0 $0x0, s1;
	[sflag:s0] =	ssyncset.done @!p0 $0x0  }
0x95: {  	[sflag:s0] =	ssyncadd.s32 @!p0 s1  }
0x96: {  	[bflag:$0x3] =	sbarrier.arrive $0xFFFF  }
0x97: {  	_ =	shalt  }

// kernel: kernel.20.cloned.1.call-start
scs
__scs_entry_jumppad:
0x0: {  	(pc) =	sbr.rel $0x88, $3  }
0x1: {  	(tag) =	ssettag $0x0;
	lr =	simm.s32 $0x1  }
0x2: {  	[smem:$0x3F84] =	sst lr;
	_ =	strace $0xD0000000  }
0x3: {  	_ = 	snop  }
0x4: {  	_ = 	snop  }
0x5: {  	_ = 	snop  }
0x6: {  	_ = 	snop  }
0x7: {  	_ = 	snop  }
__scs_overlays_trampoline_lowered:
0x8: {  	[smem:$0x3F93] =	sst s0  }
0x9: {  	[smem:$0x3F94] =	sst s1  }
0xa: {  	[smem:$0x3F95] =	sst s2  }
0xb: {  	[smem:$0x3F96] =	sst s3  }
0xc: {  	[smem:$0x3F97] =	sst s4  }
0xd: {  	[smem:$0x3F98] =	sst s5  }
0xe: {  	[smem:$0x3F99] =	sst s6  }
0xf: {  	[smem:$0x3F9A] =	sst s7  }
0x10: {  	[smem:$0x3F9B] =	sst s8  }
0x11: {  	[smem:$0x3F9C] =	sst s9;
	s0 =	simm.s32 @!p0 $0x0  }
0x12: {  	s1 =	sld [smem:$0x3F82];
	s0 =	simm.s32 @p0 $0x1  }
0x13: {  	[smem:$0x3F9D] =	sst s0;
	s0 =	simm.s32 @!p1 $0x0  }
0x14: {  	s2 =	sld [smem:$0x3F81];
	s0 =	simm.s32 @p1 $0x1  }
0x15: {  	[smem:$0x3F9E] =	sst s0;
	s0 =	simm.s32 @!p2 $0x0  }
0x16: {  	s3 =	sld [smem:$0x3FDB];
	s0 =	simm.s32 @p2 $0x1  }
0x17: {  	s4 =	simm.s32 $0x1BF5;
	[smem:$0x3FA0] =	sst s0  }
0x18: {  	s0 =	sld [smem:$0x3F83];
	_ =	swait.ge [sflag:s4], $0x0  }
0x19: {  	s7 =	sld [smem:$0x3F84]  }
0x1a: {  	s8 =	sadd.s32 $0xFFFFE003, lr  }
0x1b: {  	s9 =	sadd.s32 $0xFFFFFEF7, lr;
	s5 =	simm.s32 $0xFFFFFFFF;
	p2 =	slt.u32 s8, $0xFFFFF086  }
0x1c: {  	p1 =	slt.u32 s9, $0xF7A;
	s5 =	simm.s32 @!p2 $0x0  }
0x1d: {  	s5 =	simm.s32 @p1 $0x1;
	p0 =	seq.s32 s7, s2  }
0x1e: {  	s7 =	smul.u32 @!p0 $0xF7A, s2;
	p2 =	seq.s32 @!p0 s5, $0x0  }
0x1f: {  	s9 =	smul.u32 $0xF7A, s1;
	s8 =	simm.s32 @!p0 $0x1BF5;
	p2 =	por !p2, p0  }
0x20: {  	[sflag:s8] =	ssyncset.s32 @!p0 $0xFFFFF086;
	s6 =	sadd.s32 @!p0 s3, s7;
	s7 =	simm.s32 @!p0 $0x108  }
0x21: {  	s3 =	sadd.s32 s3, s9;
	s6 =	sadd.s32 @!p0 $0x88, s6;
	s7 =	simm.s32 @p2 $0x1082  }
0x22: {  	[simem:s7], [sflag:s8] =	dma.local @!p0 [hbm:s6], $0xF7A  }
0x23: {  	s9 =	sor.u32 $0xD0000000, s2;
	s6 =	simm.s32 $0x108;
	_ =	swait.ge @!p0 [sflag:s8], $0x0  }
0x24: {  	s3 =	sadd.s32 $0x88, s3;
	s6 =	simm.s32 @!p1 $0x1082;
	[sflag:s4] =	ssyncset.s32 $0xFFFFF086  }
0x25: {  	[simem:s6], [sflag:s4] =	dma.local [hbm:s3], $0xF7A  }
0x26: {  	[smem:$0x3F84] =	sst s1;
	(tag) =	ssettag s2;
	_ =	strace s9  }
0x27: {  	s1 =	sld [smem:$0x3F94]  }
0x28: {  	s2 =	sld [smem:$0x3F95]  }
0x29: {  	s4 =	sld [smem:$0x3F97]  }
0x2a: {  	p0 =	seq.s32 s5, $0x0;
	s5 =	sld [smem:$0x3F98]  }
0x2b: {  	s6 =	sld [smem:$0x3F99]  }
0x2c: {  	s7 =	sld [smem:$0x3F9A]  }
0x2d: {  	s3 =	simm.s32 $0x108;
	s8 =	sld [smem:$0x3F9B]  }
0x2e: {  	s3 =	simm.s32 @!p0 $0x1082;
	s9 =	sld [smem:$0x3F9C]  }
0x2f: {  	lr =	sadd.s32 s0, s3;
	s0 =	sld [smem:$0x3F93]  }
0x30: {  	s3 =	sld [smem:$0x3F96]  }
0x31: {  	[smem:$0x3F9F] =	sst s10  }
0x32: {  	s10 =	sld [smem:$0x3F9D];
	_ =	sdelay $0x3  }
0x33: {  	p0 =	seq.s32 s10, $0x1;
	s10 =	sld [smem:$0x3F9F];
	_ =	sdelay $0x3  }
0x34: {  	[smem:$0x3F9F] =	sst s10  }
0x35: {  	s10 =	sld [smem:$0x3F9E];
	_ =	sdelay $0x3  }
0x36: {  	p1 =	seq.s32 s10, $0x1;
	s10 =	sld [smem:$0x3F9F];
	_ =	sdelay $0x3  }
0x37: {  	[smem:$0x3F9F] =	sst s10  }
0x38: {  	s10 =	sld [smem:$0x3FA0]  }
0x39: {  	_ = 	snop;
	(pc) =	sbr.ind lr, $3  }
0x3a: {  	_ = 	snop  }
0x3b: {  	_ = 	snop  }
0x3c: {  	p2 =	seq.s32 s10, $0x1;
	s10 =	sld [smem:$0x3F9F]  }
0x3d: {  	_ =	shalt  }
0x3e: {  	_ =	shalt  }
0x3f: {  	_ =	shalt  }
0x40: {  	_ =	shalt  }
0x41: {  	_ =	shalt  }
0x42: {  	_ =	shalt  }
0x43: {  	_ =	shalt  }
0x44: {  	_ =	shalt  }
0x45: {  	_ =	shalt  }
0x46: {  	_ =	shalt  }
0x47: {  	_ =	shalt  }
0x48: {  	_ =	shalt  }
0x49: {  	_ =	shalt  }
0x4a: {  	_ =	shalt  }
0x4b: {  	_ =	shalt  }
0x4c: {  	_ =	shalt  }
0x4d: {  	_ =	shalt  }
0x4e: {  	_ =	shalt  }
0x4f: {  	_ =	shalt  }
0x50: {  	_ =	shalt  }
0x51: {  	_ =	shalt  }
0x52: {  	_ =	shalt  }
0x53: {  	_ =	shalt  }
0x54: {  	_ =	shalt  }
0x55: {  	_ =	shalt  }
0x56: {  	_ =	shalt  }
0x57: {  	_ =	shalt  }
0x58: {  	_ =	shalt  }
0x59: {  	_ =	shalt  }
0x5a: {  	_ =	shalt  }
0x5b: {  	_ =	shalt  }
0x5c: {  	_ =	shalt  }
0x5d: {  	_ =	shalt  }
0x5e: {  	_ =	shalt  }
0x5f: {  	_ =	shalt  }
0x60: {  	_ =	shalt  }
0x61: {  	_ =	shalt  }
0x62: {  	_ =	shalt  }
0x63: {  	_ =	shalt  }
0x64: {  	_ =	shalt  }
0x65: {  	_ =	shalt  }
0x66: {  	_ =	shalt  }
0x67: {  	_ =	shalt  }
0x68: {  	_ =	shalt  }
0x69: {  	_ =	shalt  }
0x6a: {  	_ =	shalt  }
0x6b: {  	_ =	shalt  }
0x6c: {  	_ =	shalt  }
0x6d: {  	_ =	shalt  }
0x6e: {  	_ =	shalt  }
0x6f: {  	_ =	shalt  }
0x70: {  	_ =	shalt  }
0x71: {  	_ =	shalt  }
0x72: {  	_ =	shalt  }
0x73: {  	_ =	shalt  }
0x74: {  	_ =	shalt  }
0x75: {  	_ =	shalt  }
0x76: {  	_ =	shalt  }
0x77: {  	_ =	shalt  }
0x78: {  	_ =	shalt  }
0x79: {  	_ =	shalt  }
0x7a: {  	_ =	shalt  }
0x7b: {  	_ =	shalt  }
0x7c: {  	_ =	shalt  }
0x7d: {  	_ =	shalt  }
0x7e: {  	_ =	shalt  }
0x7f: {  	_ =	shalt  }
0x80: {  	_ =	shalt  }
0x81: {  	_ =	shalt  }
0x82: {  	_ =	shalt  }
0x83: {  	_ =	shalt  }
0x84: {  	_ =	shalt  }
0x85: {  	_ =	shalt  }
0x86: {  	_ =	shalt  }
0x87: {  	_ =	shalt  }
.Lfunc_end0:
.L_simem_size_0:
called_computation.2_lowered:
.L_overlay_start_0:
0x88: {  	s2 =	sld [smem:$0x3FD9]  }
0x89: {  	s3 =	sld [smem:$0x3FFE];
	_ =	sdelay $0x1  }
0x8a: {  	s1 =	srdreg.scid  }
0x8b: {  	s0 =	sand.u32 $0x1, s1  }
0x8c: {  	s15 =	sshll.u32 s0, $0xA;
	s2 =	sadd.s32 s3, s2  }
0x8d: {  	s2 =	sadd.s32 s2, s15  }
0x8e: {  	[smem:$0x3FAB] =	sst s2  }
0x8f: {  	_ = 	snop  }
0x90: {  	s2 =	sld [smem:$0x3FD0];
	_ =	sdelay $0x2  }
0x91: {  	s4 =	simm.s32 $0xB;
	s16 =	simm.s32 $0x10  }
0x92: {  	[smem:s16], [sflag:s4] =	dma.local [hbm:s2], $0x1  }
0x93: {  	_ =	swait.eq [sflag:s4], $0x1  }
0x94: {  	[sflag:s4] =	ssyncset.done $0x0  }
0x95: {  	s17 =	sld [smem:$0x10];
	[sflag:s4] =	ssyncadd.s32 $0xFFFFFFFF  }
0x96: {  	s18 =	sld [smem:$0x13];
	(tm) =	ssettm $0x1  }
0x97: {  	s19 =	sld [smem:$0x3FFB];
	_ =	sdelay $0x3  }
0x98: {  	_ =	strace s19  }
0x99: {  	s2 =	sld [smem:$0x3FFC];
	_ =	sdelay $0x3  }
0x9a: {  	_ =	strace s2  }
0x9b: {  	s2 =	sld [smem:$0x3FFD];
	_ =	sdelay $0x3  }
0x9c: {  	_ =	strace s2  }
0x9d: {  	_ =	strace $0x8FFFFFFF  }
0x9e: {  	s20 =	sld [smem:$0x3FDB];
	_ =	sdelay $0x1  }
0x9f: {  	s5 =	simm.s32 $_scs_section_size  }
0xa0: {  	s6 =	simm.s32 $_size__tile_overlayer_lowered;
	s7 =	simm.s32 $_tile_overlayer_lowered  }
0xa1: {  	s8 =	simm.s32 $0x1BFF;
	s21 =	sshll.u32 s7, $0x1;
	s5 =	sadd.s32 s5, s20  }
0xa2: {  	s22 =	simm.s32 $0x0;
	s6 =	sshll.u32 s6, $0x1;
	s7 =	sadd.s32 s21, s5  }
0xa3: {  	[timem:s22], [sflag:s8] =	dma.local [hbm:s7], s6  }
0xa4: {  	_ =	swait.ge [sflag:s8], s6  }
0xa5: {  	s6 =	ssub.s32 $0x0, s6;
	[sflag:s8] =	ssyncset.done $0x0  }
0xa6: {  	[sflag:s8] =	ssyncadd.s32 s6;
	_ =	sdelay $0x1  }
0xa7: {  	s23 =	simm.s32 $0x1B8B  }
0xa8: {  	_ =	swait.ge [sflag:s23], $0x1  }
0xa9: {  	[sflag:s23] =	ssyncset.done $0x0  }
0xaa: {  	[sflag:s23] =	ssyncadd.s32 $0xFFFFFFFF  }
0xab: {  	s6 =	sld [smem:$0x0]  }
0xac: {  	s7 =	sand.u32 $0xFFFFFFFE, s1  }
0xad: {  	p0 =	sne.s32 s1, s7  }
0xae: {  	s7 =	sshll.u32 @p0 s7, $0xE  }
0xaf: {  	s7 =	sadd.s32 @p0 $0x11B8D, s7;
	s8 =	sshll.u32 @p0 s6, $0x11  }
0xb0: {  	s7 =	sor.u32 @p0 s8, s7  }
0xb1: {  	[sflag:s7] =	ssyncadd.remote.s32 @p0 $0x1;
	_ =	sdelay $0x1  }
0xb2: {  	s7 =	simm.s32 @p0 $0x1B8D  }
0xb3: {  	_ =	swait.eq @p0 [sflag:s7], $0x1  }
0xb4: {  	[sflag:s7] =	ssyncadd.s32 @p0 $0xFFFFFFFF  }
0xb5: {  	s8 =	sshll.u32 @!p0 s1, $0xE  }
0xb6: {  	s8 =	sor.u32 @!p0 $0x4000, s8;
	s7 =	simm.s32 @!p0 $0x1B8D  }
0xb7: {  	s6 =	sshll.u32 @!p0 s6, $0x11;
	s8 =	sadd.s32 @!p0 $0x11B8D, s8;
	_ =	swait.eq @!p0 [sflag:s7], $0x1  }
0xb8: {  	s6 =	sor.u32 @!p0 s6, s8;
	[sflag:s7] =	ssyncadd.s32 @!p0 $0xFFFFFFFF  }
0xb9: {  	s25 =	simm.s32 $0x1B8E;
	s24 =	sld [smem:$0x3FFE];
	[sflag:s6] =	ssyncadd.remote.s32 @!p0 $0x1  }
0xba: {  	s26 =	simm.s32 $execute0_lowered;
	[smem:$0x3FD2] =	sst s25  }
0xbb: {  	s7 =	sshll.u32 s26, $0x1;
	_ =	strace $0x8000004C;
	[dreg:$0x1] =	wrdreg $0xFFFFFFFF  }
0xbc: {  	s28 =	simm.s32 $_size_execute0_lowered;
	s5 =	sadd.s32 s5, s7;
	[dreg:$0x0] =	wrdreg $0x0  }
0xbd: {  	s7 =	sshll.u32 s28, $0x1;
	[dreg:$0x2] =	wrdreg s5  }
0xbe: {  	[dreg:$0x3] =	wrdreg s7  }
0xbf: {  	[dreg:$0x4] =	wrdreg $0xC0  }
0xc0: {  	_ =	task [dreg:s22], $0x5FFFF  }
0xc1: {  	[dreg:$0x1] =	wrdreg $0xFFFFFFFF  }
0xc2: {  	[dreg:$0x0] =	wrdreg $0x60  }
0xc3: {  	[dreg:$0x2] =	wrdreg s18  }
0xc4: {  	[dreg:$0x3] =	wrdreg s24  }
0xc5: {  	[dreg:$0x4] =	wrdreg s17  }
0xc6: {  	[dreg:$0x5] =	wrdreg $0x40800  }
0xc7: {  	[dreg:$0x6] =	wrdreg $0xA  }
0xc8: {  	_ =	task.clear_ibuf [dreg:s22], $0x7FFFF;
	_ =	strace $0x9000004C  }
0xc9: {  	s29 =	simm.s32 $0xA;
	_ =	strace $0x8000004E  }
0xca: {  	_ =	swait.ge [sflag:s29], $0x1  }
0xcb: {  	[sflag:s29] =	ssyncadd.s32 $0xFFFFFFFF  }
0xcc: {  	_ =	strace $0x9000004E  }
0xcd: {  	_ =	sfence  }
0xce: {  	s30 =	sld [smem:$0x0];
	_ =	sdelay $0x2  }
0xcf: {  	s31 =	sshll.u32 s1, $0xD;
	s1 =	sshrl.u32 s1, $0x2  }
0xd0: {  	s4 =	sand.u32 $0x4000, s31;
	s1 =	sadd.s32 s1, s30  }
0xd1: {  	s0 =	sor.u32 s4, s0;
	s1 =	sshll.u32 s1, $0x11  }
0xd2: {  	s0 =	sor.u32 s1, s0  }
0xd3: {  	s0 =	sadd.s32 $0x8F2B, s0  }
0xd4: {  	[sflag:s0] =	ssyncadd.remote.s32 $0x1  }
0xd5: {  	_ =	sfence.sel $0xFFFF  }
0xd6: {  	[dreg:$0x0] =	wrdreg $0xFFFFFFFF;
	(pc) =	sbr.abs _section_cstart, $3  }
0xd7: {  	[dreg:$0x1] =	wrdreg $0xFFFFFFFF  }
0xd8: {  	_ =	task.clear_ibuf [dreg:s22], $0x2FFFF;
	_ =	strace $0x9FFFFFFF  }
0xd9: {  	(tm) =	ssettm $0x7FFFFFFF  }
tec
execute0_lowered:
.L_overlay_start_1:
0x0: {  	(tag) =	ssettag $0x1  }
0x1: {  	s15 =	rddreg [dreg:$0x0]  }
0x2: {  	s4 =	rddreg [dreg:$0x1]  }
0x3: {  	s10 =	rddreg [dreg:$0x2]  }
0x4: {  	s2 =	rddreg [dreg:$0x3]  }
0x5: {  	s0 =	rddreg [dreg:$0x4]  }
0x6: {  	s3 =	simm.s32 $0x0;
	s1 =	stileid.u32;
	s5 =	srdreg.scid  }
0x7: {  	[smem:$0x7FF] =	sst s3;
	s16 =	sand.u32 $0x1, s5;
	s6 =	smul.u32 $0x280, s1  }
0x8: {  	s7 =	smul.u32 $0x50000, s1;
	s8 =	sshll.u32 s1, $0x5;
	s19 =	sshll.u32 s1, $0xC  }
0x9: {  	_ =	strace $0x8000004D;
	s5 =	ssub.s32 $0x2, s16;
	s11 =	smul.u32 $0x2800, s16  }
0xa: {  	s17 =	sadd.s32 s8, s4;
	s4 =	sshll.u32 s1, $0x1;
	s20 =	sshll.u32 s16, $0x4  }
0xb: {  	s19 =	sadd.s32 s19, s15;
	s16 =	sshll.u32 s16, $0xB;
	s9 =	sshrl.u32 s5, $0x1  }
0xc: {  	s30 =	sshrl.u32 s7, $0x2;
	s17 =	sadd.s32 s20, s17;
	s16 =	sadd.s32 s16, s19  }
0xd: {  	s19 =	simm.s32 $0x1;
	s20 =	simm.s32 $0x0;
	s18 =	ssub.s32 s5, s9  }
0xe: {  	s5 =	sadd.s32 s30, s2;
	s31 =	sadd.s32 s6, s11;
	s17 =	sadd.s32 $0x7200, s17  }
0xf: {  	s6 =	sadd.s32 $0x4000, s5;
	s7 =	sadd.s32 $0x8000, s5;
	s11 =	sshll.u32 s31, $0x4  }
0x10: {  	s8 =	sadd.s32 $0xC000, s5;
	s9 =	sadd.s32 $0x10000, s5;
	s10 =	sadd.s32 s10, s11  }
0x11: {  	s15 =	smax.u32 s18, $0x1;
	s18 =	simm.s32 $0x80;
	s11 =	sadd.s32 $0x800, s10  }
0x12: {  	v0 =	vimm.f32 $0.0e+00;
	s12 =	sadd.s32 $0x1000, s10;
	s13 =	sadd.s32 $0x1800, s10;
	s14 =	sadd.s32 $0x2000, s10  }
.LBB2_1:
0x13: {  	s21 =	simm.s32 $0x0;
	s22 =	simm.s32 $0x200  }
.LBB2_2:
0x14: {  	p0 =	sne.s32 s22, $0xFE00;
	[tilespmem:s21+$0xF0] =	vst v0  }
0x15: {  	[tilespmem:s21+$0x80] =	vst v0  }
0x16: {  	[tilespmem:s21+$0x90] =	vst v0  }
.Ltmp0:
0x17: {  	[tilespmem:s21+$0xA0] =	vst v0;
	(pc) =	sbr.rel @p0 .LBB2_2-.Ltmp0, $4  }
0x18: {  	[tilespmem:s21+$0xB0] =	vst v0  }
0x19: {  	[tilespmem:s21+$0xC0] =	vst v0  }
0x1a: {  	[tilespmem:s21+$0xD0] =	vst v0  }
0x1b: {  	[tilespmem:s21+$0xE0] =	vst v0;
	s21 =	sshra.s32 s22, $0x2;
	s22 =	sadd.s32 $0x200, s22  }
0x1c: {  	[tilespmem:s21+$0xF0] =	vst v0  }
0x1d: {  	[tilespmem:s21+$0x80] =	vst v0  }
0x1e: {  	[tilespmem:s21+$0x90] =	vst v0  }
0x1f: {  	[tilespmem:s21+$0xA0] =	vst v0  }
0x20: {  	[tilespmem:s21+$0xB0] =	vst v0  }
0x21: {  	[tilespmem:s21+$0xC0] =	vst v0  }
0x22: {  	[tilespmem:s21+$0xD0] =	vst v0  }
0x23: {  	[tilespmem:s21+$0xE0] =	vst v0  }
0x24: {  	[spmem:s5] =	stream.linear.scatter [tilespmem:s18], [sflag:$0x1], $0x4000, $0x38;
	[tilespmem:$0x18080] =	vst v63  }
0x25: {  	_ =	swait.ge [sflag:s19], $0x4000  }
0x26: {  	[sflag:s19] =	ssyncset.done $0x0  }
0x27: {  	[sflag:s19] =	ssyncadd.s32 $0xFFFFC000  }
0x28: {  	[spmem:s6] =	stream.linear.scatter [tilespmem:s18], [sflag:$0x1], $0x4000, $0x38;
	[tilespmem:$0x18080] =	vst v63  }
0x29: {  	_ =	swait.ge [sflag:s19], $0x4000  }
0x2a: {  	[sflag:s19] =	ssyncset.done $0x0  }
0x2b: {  	[sflag:s19] =	ssyncadd.s32 $0xFFFFC000  }
0x2c: {  	[spmem:s7] =	stream.linear.scatter [tilespmem:s18], [sflag:$0x1], $0x4000, $0x38;
	[tilespmem:$0x18080] =	vst v63  }
0x2d: {  	_ =	swait.ge [sflag:s19], $0x4000  }
0x2e: {  	[sflag:s19] =	ssyncset.done $0x0  }
0x2f: {  	[sflag:s19] =	ssyncadd.s32 $0xFFFFC000  }
0x30: {  	[spmem:s8] =	stream.linear.scatter [tilespmem:s18], [sflag:$0x1], $0x4000, $0x38;
	[tilespmem:$0x18080] =	vst v63  }
0x31: {  	_ =	swait.ge [sflag:s19], $0x4000  }
0x32: {  	[sflag:s19] =	ssyncset.done $0x0  }
0x33: {  	[sflag:s19] =	ssyncadd.s32 $0xFFFFC000  }
0x34: {  	[spmem:s9] =	stream.linear.scatter [tilespmem:s18], [sflag:$0x1], $0x4000, $0x38;
	[tilespmem:$0x18080] =	vst v63  }
0x35: {  	_ =	swait.ge [sflag:s19], $0x4000  }
0x36: {  	s30 =	sadd.s32 $0x0, s4;
	[sflag:s19] =	ssyncset.done $0x0  }
0x37: {  	p0 =	sgt.u32 s30, $0x4E1;
	[sflag:s19] =	ssyncadd.s32 $0xFFFFC000  }
0x38: {  	s21 =	simm.s32 @!p0 $0x0;
	s23 =	simm.s32 @!p0 $0x2;
	[bflag:$0x0] =	sbarrier.arrive $0xFFFF  }
0x39: {  	[tilespmem:s21], [sflag:$0x2] =	stream.linear.gather @!p0 [hbm4b:s17+s21], $0x80, $0x38;
	[tilespmem:$0x18080] =	vst v63  }
0x3a: {  	_ =	swait.ge @!p0 [sflag:s23], $0x80  }
0x3b: {  	[sflag:s23] =	ssyncset.done @!p0 $0x0;
	p0 =	por p0, p0  }
0x3c: {  	[sflag:s23] =	ssyncadd.s32 @!p0 $0xFFFFFF80;
	s25 =	simm.s32 @!p0 $0x80  }
0x3d: {  	[tilespmem:s25], [sflag:$0x2] =	stream.linear.gather @!p0 [hbm4b:s16+s21], $0x4000, $0x38;
	[tilespmem:$0x18080] =	vst v63  }
0x3e: {  	_ =	swait.ge @!p0 [sflag:s23], $0x4000  }
0x3f: {  	[sflag:s23] =	ssyncset.done @!p0 $0x0  }
0x40: {  	s31 =	sadd.s32 $0x20, s4;
	s24 =	simm.s32 @!p0 $0x1;
	[sflag:s23] =	ssyncadd.s32 @!p0 $0xFFFFC000  }
0x41: {  	[spmem:s2] =	stream.indirect.scatter.add.f32 @!p0 [tilespmem:s25], [sflag:$0x1], $0x80, s21, s25, $0xb8;
	[tilespmem:$0x18080] =	vst v63  }
0x42: {  	s22 =	simm.s32 $0x40;
	p1 =	sgt.u32 s31, $0x4E1;
	_ =	swait.ge @!p0 [sflag:s24], $0x4000  }
0x43: {  	s23 =	sadd.s32 $0x200, s17;
	s21 =	sadd.s32 $0x10000, s16;
	[sflag:s24] =	ssyncset.done @!p0 $0x0  }
.LBB2_4:
0x44: {  	s25 =	simm.s32 @!p1 $0x0;
	s26 =	simm.s32 @!p1 $0x2;
	[sflag:s24] =	ssyncadd.s32 @!p0 $0xFFFFC000  }
0x45: {  	[tilespmem:s25], [sflag:$0x2] =	stream.linear.gather @!p1 [hbm4b:s23+s25], $0x80, $0x38;
	[tilespmem:$0x18080] =	vst v63  }
0x46: {  	s28 =	smov.u32 s22;
	s22 =	sadd.s32 $0x20, s22;
	_ =	swait.ge @!p1 [sflag:s26], $0x80  }
0x47: {  	p0 =	por p1, p1;
	p2 =	sne.s32 s22, $0x500;
	[sflag:s26] =	ssyncset.done @!p1 $0x0  }
0x48: {  	s29 =	simm.s32 @!p0 $0x80;
	[sflag:s26] =	ssyncadd.s32 @!p0 $0xFFFFFF80  }
0x49: {  	[tilespmem:s29], [sflag:$0x2] =	stream.linear.gather @!p0 [hbm4b:s21+s25], $0x4000, $0x38;
	[tilespmem:$0x18080] =	vst v63  }
0x4a: {  	_ =	swait.ge @!p0 [sflag:s26], $0x4000  }
.Ltmp1:
0x4b: {  	[sflag:s26] =	ssyncset.done @!p0 $0x0;
	(pc) =	sbr.rel @p2 .LBB2_4-.Ltmp1, $4  }
0x4c: {  	s24 =	simm.s32 @!p0 $0x1;
	[sflag:s26] =	ssyncadd.s32 @!p0 $0xFFFFC000  }
0x4d: {  	[spmem:s2] =	stream.indirect.scatter.add.f32 @!p0 [tilespmem:s29], [sflag:$0x1], $0x80, s25, s29, $0xb8;
	[tilespmem:$0x18080] =	vst v63  }
0x4e: {  	s23 =	sadd.s32 $0x200, s23;
	s25 =	sadd.s32 s28, s4;
	_ =	swait.ge @!p0 [sflag:s24], $0x4000  }
0x4f: {  	s21 =	sadd.s32 $0x10000, s21;
	p1 =	sgt.u32 s25, $0x4E1;
	[sflag:s24] =	ssyncset.done @!p0 $0x0  }
0x50: {  	s22 =	simm.s32 @!p1 $0x0;
	s25 =	simm.s32 @!p1 $0x2;
	[sflag:s24] =	ssyncadd.s32 @!p0 $0xFFFFC000  }
0x51: {  	[tilespmem:s22], [sflag:$0x2] =	stream.linear.gather @!p1 [hbm4b:s23+s22], $0x80, $0x38;
	[tilespmem:$0x18080] =	vst v63  }
0x52: {  	_ =	swait.ge @!p1 [sflag:s25], $0x80  }
0x53: {  	p0 =	por p1, p1;
	[sflag:s25] =	ssyncset.done @!p1 $0x0  }
0x54: {  	s23 =	simm.s32 @!p0 $0x80;
	[sflag:s25] =	ssyncadd.s32 @!p0 $0xFFFFFF80  }
0x55: {  	[tilespmem:s23], [sflag:$0x2] =	stream.linear.gather @!p0 [hbm4b:s21+s22], $0x4000, $0x38;
	[tilespmem:$0x18080] =	vst v63  }
0x56: {  	_ =	swait.ge @!p0 [sflag:s25], $0x4000  }
0x57: {  	[sflag:s25] =	ssyncset.done @!p0 $0x0  }
0x58: {  	s21 =	simm.s32 @!p0 $0x1;
	[sflag:s25] =	ssyncadd.s32 @!p0 $0xFFFFC000  }
0x59: {  	[spmem:s2] =	stream.indirect.scatter.add.f32 @!p0 [tilespmem:s23], [sflag:$0x1], $0x80, s22, s23, $0xb8;
	[tilespmem:$0x18080] =	vst v63  }
0x5a: {  	_ =	swait.ge @!p0 [sflag:s21], $0x4000  }
0x5b: {  	[sflag:s21] =	ssyncset.done @!p0 $0x0  }
0x5c: {  	[sflag:s21] =	ssyncadd.s32 @!p0 $0xFFFFC000  }
0x5d: {  	[bflag:$0x0] =	sbarrier.arrive $0xFFFF  }
0x5e: {  	[tilespmem:s18], [sflag:$0x1] =	stream.linear.gather [spmem:s5], $0x4000, $0x38;
	[tilespmem:$0x18080] =	vst v63  }
0x5f: {  	_ =	swait.ge [sflag:s19], $0x4000  }
0x60: {  	[sflag:s19] =	ssyncset.done $0x0  }
0x61: {  	[sflag:s19] =	ssyncadd.s32 $0xFFFFC000  }
0x62: {  	[hbm4b:s10+s3] =	stream.linear.scatter [tilespmem:s18], [sflag:$0x1], $0x4000, $0x38;
	[tilespmem:$0x18080] =	vst v63  }
0x63: {  	_ =	swait.ge [sflag:s19], $0x4000  }
0x64: {  	[sflag:s19] =	ssyncset.done $0x0  }
0x65: {  	[sflag:s19] =	ssyncadd.s32 $0xFFFFC000  }
0x66: {  	[tilespmem:s18], [sflag:$0x1] =	stream.linear.gather [spmem:s6], $0x4000, $0x38;
	[tilespmem:$0x18080] =	vst v63  }
0x67: {  	_ =	swait.ge [sflag:s19], $0x4000  }
0x68: {  	[sflag:s19] =	ssyncset.done $0x0  }
0x69: {  	[sflag:s19] =	ssyncadd.s32 $0xFFFFC000  }
0x6a: {  	[hbm4b:s11+s3] =	stream.linear.scatter [tilespmem:s18], [sflag:$0x1], $0x4000, $0x38;
	[tilespmem:$0x18080] =	vst v63  }
0x6b: {  	_ =	swait.ge [sflag:s19], $0x4000  }
0x6c: {  	[sflag:s19] =	ssyncset.done $0x0  }
0x6d: {  	[sflag:s19] =	ssyncadd.s32 $0xFFFFC000  }
0x6e: {  	[tilespmem:s18], [sflag:$0x1] =	stream.linear.gather [spmem:s7], $0x4000, $0x38;
	[tilespmem:$0x18080] =	vst v63  }
0x6f: {  	_ =	swait.ge [sflag:s19], $0x4000  }
0x70: {  	[sflag:s19] =	ssyncset.done $0x0  }
0x71: {  	[sflag:s19] =	ssyncadd.s32 $0xFFFFC000  }
0x72: {  	[hbm4b:s12+s3] =	stream.linear.scatter [tilespmem:s18], [sflag:$0x1], $0x4000, $0x38;
	[tilespmem:$0x18080] =	vst v63  }
0x73: {  	_ =	swait.ge [sflag:s19], $0x4000  }
0x74: {  	[sflag:s19] =	ssyncset.done $0x0  }
0x75: {  	[sflag:s19] =	ssyncadd.s32 $0xFFFFC000  }
0x76: {  	[tilespmem:s18], [sflag:$0x1] =	stream.linear.gather [spmem:s8], $0x4000, $0x38;
	[tilespmem:$0x18080] =	vst v63  }
0x77: {  	_ =	swait.ge [sflag:s19], $0x4000  }
0x78: {  	[sflag:s19] =	ssyncset.done $0x0  }
0x79: {  	[sflag:s19] =	ssyncadd.s32 $0xFFFFC000  }
0x7a: {  	[hbm4b:s13+s3] =	stream.linear.scatter [tilespmem:s18], [sflag:$0x1], $0x4000, $0x38;
	[tilespmem:$0x18080] =	vst v63  }
0x7b: {  	_ =	swait.ge [sflag:s19], $0x4000  }
0x7c: {  	[sflag:s19] =	ssyncset.done $0x0  }
0x7d: {  	[sflag:s19] =	ssyncadd.s32 $0xFFFFC000  }
0x7e: {  	[tilespmem:s18], [sflag:$0x1] =	stream.linear.gather [spmem:s9], $0x4000, $0x38;
	[tilespmem:$0x18080] =	vst v63  }
0x7f: {  	s20 =	sadd.s32 $0x1, s20;
	_ =	swait.ge [sflag:s19], $0x4000  }
0x80: {  	p0 =	sne.s32 s20, s15;
	[sflag:s19] =	ssyncset.done $0x0  }
.Ltmp2:
0x81: {  	[sflag:s19] =	ssyncadd.s32 $0xFFFFC000;
	(pc) =	sbr.rel @p0 .LBB2_1-.Ltmp2, $4  }
0x82: {  	[hbm4b:s14+s3] =	stream.linear.scatter [tilespmem:s18], [sflag:$0x1], $0x4000, $0x38;
	[tilespmem:$0x18080] =	vst v63  }
0x83: {  	_ =	swait.ge [sflag:s19], $0x4000  }
0x84: {  	[sflag:s19] =	ssyncset.done $0x0  }
0x85: {  	[sflag:s19] =	ssyncadd.s32 $0xFFFFC000  }
0x86: {  	_ =	sfence.sel $0x180000  }
0x87: {  	[bflag:$0x0] =	sbarrier.arrive $0xFFFF  }
0x88: {  	p0 =	sne.s32 s1, $0x0;
	_ =	strace $0x9000004D  }
0x89: {  	s0 =	sadd.s32 @!p0 $0x100000, s0;
	[bflag:$0x2] =	sbarrier.arrive $0xFFFF  }
0x8a: {  	[sflag:s0] =	ssyncadd.tile.s32 @!p0 $0x1;
	_ =	shalt  }
.Lfunc_end2:
_tile_overlayer_lowered:
.L_overlay_start_2:
0x8b: {  	(tag) =	ssettag $0x2  }
0x8c: {  	s0 =	rddreg [dreg:$0x0];
	s2 =	stileid.u32  }
0x8d: {  	s1 =	rddreg [dreg:$0x1];
	p0 =	sne.s32 s2, $0x0  }
0x8e: {  	s3 =	rddreg [dreg:$0x2];
	[bflag:$0x3] =	sbarrier.arrive $0xFFFF;
	s2 =	simm.s32 @!p0 $0x1C01  }
0x8f: {  	[timem:s3], [sflag:s2] =	dma.local @!p0 [hbm:s0], s1  }
0x90: {  	s0 =	simm.s32 @!p0 $0x1  }
0x91: {  	_ =	swait.ge @!p0 [sflag:s0], s1  }
0x92: {  	s1 =	ssub.s32 @!p0 $0x0, s1;
	[sflag:s0] =	ssyncset.done @!p0 $0x0  }
0x93: {  	[sflag:s0] =	ssyncadd.s32 @!p0 s1  }
0x94: {  	[bflag:$0x3] =	sbarrier.arrive $0xFFFF  }
0x95: {  	_ =	shalt  }

// kernel: kernel.23.cloned.1.call-start
scs
__scs_entry_jumppad:
0x0: {  	(pc) =	sbr.rel $0x88, $3  }
0x1: {  	(tag) =	ssettag $0x0;
	lr =	simm.s32 $0x1  }
0x2: {  	[smem:$0x3F84] =	sst lr;
	_ =	strace $0xD0000000  }
0x3: {  	_ = 	snop  }
0x4: {  	_ = 	snop  }
0x5: {  	_ = 	snop  }
0x6: {  	_ = 	snop  }
0x7: {  	_ = 	snop  }
__scs_overlays_trampoline_lowered:
0x8: {  	[smem:$0x3F93] =	sst s0  }
0x9: {  	[smem:$0x3F94] =	sst s1  }
0xa: {  	[smem:$0x3F95] =	sst s2  }
0xb: {  	[smem:$0x3F96] =	sst s3  }
0xc: {  	[smem:$0x3F97] =	sst s4  }
0xd: {  	[smem:$0x3F98] =	sst s5  }
0xe: {  	[smem:$0x3F99] =	sst s6  }
0xf: {  	[smem:$0x3F9A] =	sst s7  }
0x10: {  	[smem:$0x3F9B] =	sst s8  }
0x11: {  	[smem:$0x3F9C] =	sst s9;
	s0 =	simm.s32 @!p0 $0x0  }
0x12: {  	s1 =	sld [smem:$0x3F82];
	s0 =	simm.s32 @p0 $0x1  }
0x13: {  	[smem:$0x3F9D] =	sst s0;
	s0 =	simm.s32 @!p1 $0x0  }
0x14: {  	s2 =	sld [smem:$0x3F81];
	s0 =	simm.s32 @p1 $0x1  }
0x15: {  	[smem:$0x3F9E] =	sst s0;
	s0 =	simm.s32 @!p2 $0x0  }
0x16: {  	s3 =	sld [smem:$0x3FDB];
	s0 =	simm.s32 @p2 $0x1  }
0x17: {  	s4 =	simm.s32 $0x1BF5;
	[smem:$0x3FA0] =	sst s0  }
0x18: {  	s0 =	sld [smem:$0x3F83];
	_ =	swait.ge [sflag:s4], $0x0  }
0x19: {  	s7 =	sld [smem:$0x3F84]  }
0x1a: {  	s8 =	sadd.s32 $0xFFFFE003, lr  }
0x1b: {  	s9 =	sadd.s32 $0xFFFFFEF7, lr;
	s5 =	simm.s32 $0xFFFFFFFF;
	p2 =	slt.u32 s8, $0xFFFFF086  }
0x1c: {  	p1 =	slt.u32 s9, $0xF7A;
	s5 =	simm.s32 @!p2 $0x0  }
0x1d: {  	s5 =	simm.s32 @p1 $0x1;
	p0 =	seq.s32 s7, s2  }
0x1e: {  	s7 =	smul.u32 @!p0 $0xF7A, s2;
	p2 =	seq.s32 @!p0 s5, $0x0  }
0x1f: {  	s9 =	smul.u32 $0xF7A, s1;
	s8 =	simm.s32 @!p0 $0x1BF5;
	p2 =	por !p2, p0  }
0x20: {  	[sflag:s8] =	ssyncset.s32 @!p0 $0xFFFFF086;
	s6 =	sadd.s32 @!p0 s3, s7;
	s7 =	simm.s32 @!p0 $0x108  }
0x21: {  	s3 =	sadd.s32 s3, s9;
	s6 =	sadd.s32 @!p0 $0x88, s6;
	s7 =	simm.s32 @p2 $0x1082  }
0x22: {  	[simem:s7], [sflag:s8] =	dma.local @!p0 [hbm:s6], $0xF7A  }
0x23: {  	s9 =	sor.u32 $0xD0000000, s2;
	s6 =	simm.s32 $0x108;
	_ =	swait.ge @!p0 [sflag:s8], $0x0  }
0x24: {  	s3 =	sadd.s32 $0x88, s3;
	s6 =	simm.s32 @!p1 $0x1082;
	[sflag:s4] =	ssyncset.s32 $0xFFFFF086  }
0x25: {  	[simem:s6], [sflag:s4] =	dma.local [hbm:s3], $0xF7A  }
0x26: {  	[smem:$0x3F84] =	sst s1;
	(tag) =	ssettag s2;
	_ =	strace s9  }
0x27: {  	s1 =	sld [smem:$0x3F94]  }
0x28: {  	s2 =	sld [smem:$0x3F95]  }
0x29: {  	s4 =	sld [smem:$0x3F97]  }
0x2a: {  	p0 =	seq.s32 s5, $0x0;
	s5 =	sld [smem:$0x3F98]  }
0x2b: {  	s6 =	sld [smem:$0x3F99]  }
0x2c: {  	s7 =	sld [smem:$0x3F9A]  }
0x2d: {  	s3 =	simm.s32 $0x108;
	s8 =	sld [smem:$0x3F9B]  }
0x2e: {  	s3 =	simm.s32 @!p0 $0x1082;
	s9 =	sld [smem:$0x3F9C]  }
0x2f: {  	lr =	sadd.s32 s0, s3;
	s0 =	sld [smem:$0x3F93]  }
0x30: {  	s3 =	sld [smem:$0x3F96]  }
0x31: {  	[smem:$0x3F9F] =	sst s10  }
0x32: {  	s10 =	sld [smem:$0x3F9D];
	_ =	sdelay $0x3  }
0x33: {  	p0 =	seq.s32 s10, $0x1;
	s10 =	sld [smem:$0x3F9F];
	_ =	sdelay $0x3  }
0x34: {  	[smem:$0x3F9F] =	sst s10  }
0x35: {  	s10 =	sld [smem:$0x3F9E];
	_ =	sdelay $0x3  }
0x36: {  	p1 =	seq.s32 s10, $0x1;
	s10 =	sld [smem:$0x3F9F];
	_ =	sdelay $0x3  }
0x37: {  	[smem:$0x3F9F] =	sst s10  }
0x38: {  	s10 =	sld [smem:$0x3FA0]  }
0x39: {  	_ = 	snop;
	(pc) =	sbr.ind lr, $3  }
0x3a: {  	_ = 	snop  }
0x3b: {  	_ = 	snop  }
0x3c: {  	p2 =	seq.s32 s10, $0x1;
	s10 =	sld [smem:$0x3F9F]  }
0x3d: {  	_ =	shalt  }
0x3e: {  	_ =	shalt  }
0x3f: {  	_ =	shalt  }
0x40: {  	_ =	shalt  }
0x41: {  	_ =	shalt  }
0x42: {  	_ =	shalt  }
0x43: {  	_ =	shalt  }
0x44: {  	_ =	shalt  }
0x45: {  	_ =	shalt  }
0x46: {  	_ =	shalt  }
0x47: {  	_ =	shalt  }
0x48: {  	_ =	shalt  }
0x49: {  	_ =	shalt  }
0x4a: {  	_ =	shalt  }
0x4b: {  	_ =	shalt  }
0x4c: {  	_ =	shalt  }
0x4d: {  	_ =	shalt  }
0x4e: {  	_ =	shalt  }
0x4f: {  	_ =	shalt  }
0x50: {  	_ =	shalt  }
0x51: {  	_ =	shalt  }
0x52: {  	_ =	shalt  }
0x53: {  	_ =	shalt  }
0x54: {  	_ =	shalt  }
0x55: {  	_ =	shalt  }
0x56: {  	_ =	shalt  }
0x57: {  	_ =	shalt  }
0x58: {  	_ =	shalt  }
0x59: {  	_ =	shalt  }
0x5a: {  	_ =	shalt  }
0x5b: {  	_ =	shalt  }
0x5c: {  	_ =	shalt  }
0x5d: {  	_ =	shalt  }
0x5e: {  	_ =	shalt  }
0x5f: {  	_ =	shalt  }
0x60: {  	_ =	shalt  }
0x61: {  	_ =	shalt  }
0x62: {  	_ =	shalt  }
0x63: {  	_ =	shalt  }
0x64: {  	_ =	shalt  }
0x65: {  	_ =	shalt  }
0x66: {  	_ =	shalt  }
0x67: {  	_ =	shalt  }
0x68: {  	_ =	shalt  }
0x69: {  	_ =	shalt  }
0x6a: {  	_ =	shalt  }
0x6b: {  	_ =	shalt  }
0x6c: {  	_ =	shalt  }
0x6d: {  	_ =	shalt  }
0x6e: {  	_ =	shalt  }
0x6f: {  	_ =	shalt  }
0x70: {  	_ =	shalt  }
0x71: {  	_ =	shalt  }
0x72: {  	_ =	shalt  }
0x73: {  	_ =	shalt  }
0x74: {  	_ =	shalt  }
0x75: {  	_ =	shalt  }
0x76: {  	_ =	shalt  }
0x77: {  	_ =	shalt  }
0x78: {  	_ =	shalt  }
0x79: {  	_ =	shalt  }
0x7a: {  	_ =	shalt  }
0x7b: {  	_ =	shalt  }
0x7c: {  	_ =	shalt  }
0x7d: {  	_ =	shalt  }
0x7e: {  	_ =	shalt  }
0x7f: {  	_ =	shalt  }
0x80: {  	_ =	shalt  }
0x81: {  	_ =	shalt  }
0x82: {  	_ =	shalt  }
0x83: {  	_ =	shalt  }
0x84: {  	_ =	shalt  }
0x85: {  	_ =	shalt  }
0x86: {  	_ =	shalt  }
0x87: {  	_ =	shalt  }
.Lfunc_end0:
.L_simem_size_0:
called_computation.3_lowered:
.L_overlay_start_0:
0x88: {  	s2 =	sld [smem:$0x3FD9]  }
0x89: {  	s3 =	sld [smem:$0x3FFE];
	_ =	sdelay $0x1  }
0x8a: {  	s1 =	srdreg.scid  }
0x8b: {  	s0 =	sand.u32 $0x1, s1  }
0x8c: {  	s14 =	sshll.u32 s0, $0xA;
	s2 =	sadd.s32 s3, s2  }
0x8d: {  	s2 =	sadd.s32 s2, s14  }
0x8e: {  	[smem:$0x3FAB] =	sst s2  }
0x8f: {  	_ = 	snop  }
0x90: {  	s2 =	sld [smem:$0x3FD0];
	_ =	sdelay $0x2  }
0x91: {  	s15 =	simm.s32 $0xB;
	s4 =	simm.s32 $0x10  }
0x92: {  	[smem:s4], [sflag:s15] =	dma.local [hbm:s2], $0x1  }
0x93: {  	_ =	swait.eq [sflag:s15], $0x1  }
0x94: {  	[sflag:s15] =	ssyncset.done $0x0  }
0x95: {  	s16 =	sld [smem:$0x10];
	[sflag:s15] =	ssyncadd.s32 $0xFFFFFFFF  }
0x96: {  	s17 =	sld [smem:$0x11];
	(tm) =	ssettm $0x1  }
0x97: {  	s18 =	sld [smem:$0x3FFB];
	_ =	sdelay $0x3  }
0x98: {  	_ =	strace s18  }
0x99: {  	s4 =	sld [smem:$0x3FFC];
	_ =	sdelay $0x3  }
0x9a: {  	_ =	strace s4  }
0x9b: {  	s4 =	sld [smem:$0x3FFD];
	_ =	sdelay $0x3  }
0x9c: {  	_ =	strace s4  }
0x9d: {  	_ =	strace $0x8FFFFFFF  }
0x9e: {  	s19 =	sld [smem:$0x3FDB];
	_ =	sdelay $0x1  }
0x9f: {  	s5 =	simm.s32 $_scs_section_size  }
0xa0: {  	s6 =	simm.s32 $_size__tile_overlayer_lowered;
	s7 =	simm.s32 $_tile_overlayer_lowered  }
0xa1: {  	s22 =	simm.s32 $0x1BFF;
	s21 =	sshll.u32 s7, $0x1;
	s4 =	sadd.s32 s5, s19  }
0xa2: {  	s8 =	simm.s32 $0x0;
	s20 =	sshll.u32 s6, $0x1;
	s6 =	sadd.s32 s21, s4  }
0xa3: {  	[timem:s8], [sflag:s22] =	dma.local [hbm:s6], s20  }
0xa4: {  	_ =	swait.ge [sflag:s22], s20  }
0xa5: {  	s5 =	ssub.s32 $0x0, s20;
	[sflag:s22] =	ssyncset.done $0x0  }
0xa6: {  	[sflag:s22] =	ssyncadd.s32 s5;
	_ =	sdelay $0x1  }
0xa7: {  	s23 =	simm.s32 $0x1B8B  }
0xa8: {  	_ =	swait.ge [sflag:s23], $0x1  }
0xa9: {  	[sflag:s23] =	ssyncset.done $0x0  }
0xaa: {  	s25 =	simm.s32 $0x1B8E;
	s24 =	sld [smem:$0x3FFE];
	[sflag:s23] =	ssyncadd.s32 $0xFFFFFFFF  }
0xab: {  	s26 =	simm.s32 $execute0_lowered;
	[smem:$0x3FD2] =	sst s25  }
0xac: {  	s6 =	sshll.u32 s26, $0x1;
	_ =	strace $0x8000004F;
	[dreg:$0x1] =	wrdreg $0xFFFFFFFF  }
0xad: {  	s28 =	simm.s32 $_size_execute0_lowered;
	s4 =	sadd.s32 s4, s6;
	[dreg:$0x0] =	wrdreg $0x0  }
0xae: {  	s6 =	sshll.u32 s28, $0x1;
	[dreg:$0x2] =	wrdreg s4  }
0xaf: {  	[dreg:$0x3] =	wrdreg s6  }
0xb0: {  	[dreg:$0x4] =	wrdreg $0xC0  }
0xb1: {  	_ =	task [dreg:s8], $0x5FFFF  }
0xb2: {  	[dreg:$0x1] =	wrdreg $0xFFFFFFFF  }
0xb3: {  	[dreg:$0x0] =	wrdreg $0x60  }
0xb4: {  	[dreg:$0x2] =	wrdreg s17  }
0xb5: {  	[dreg:$0x3] =	wrdreg s16  }
0xb6: {  	[dreg:$0x4] =	wrdreg s24  }
0xb7: {  	[dreg:$0x5] =	wrdreg $0x9  }
0xb8: {  	_ =	task.clear_ibuf [dreg:s8], $0x6FFFF;
	_ =	strace $0x9000004F  }
0xb9: {  	s29 =	simm.s32 $0x9;
	_ =	strace $0x80000051  }
0xba: {  	_ =	swait.ge [sflag:s29], $0x1  }
0xbb: {  	[sflag:s29] =	ssyncadd.s32 $0xFFFFFFFF  }
0xbc: {  	_ =	strace $0x90000051  }
0xbd: {  	_ =	sfence  }
0xbe: {  	s30 =	sld [smem:$0x0];
	_ =	sdelay $0x2  }
0xbf: {  	s31 =	sshll.u32 s1, $0xD;
	s1 =	sshrl.u32 s1, $0x2  }
0xc0: {  	s3 =	sand.u32 $0x4000, s31;
	s1 =	sadd.s32 s1, s30  }
0xc1: {  	s0 =	sor.u32 s3, s0;
	s1 =	sshll.u32 s1, $0x11  }
0xc2: {  	s0 =	sor.u32 s1, s0  }
0xc3: {  	s0 =	sadd.s32 $0x8F2B, s0  }
0xc4: {  	[sflag:s0] =	ssyncadd.remote.s32 $0x1  }
0xc5: {  	_ =	sfence.sel $0xFFFF  }
0xc6: {  	[dreg:$0x0] =	wrdreg $0xFFFFFFFF;
	(pc) =	sbr.abs _section_cstart, $3  }
0xc7: {  	[dreg:$0x1] =	wrdreg $0xFFFFFFFF  }
0xc8: {  	_ =	task.clear_ibuf [dreg:s8], $0x2FFFF;
	_ =	strace $0x9FFFFFFF  }
0xc9: {  	(tm) =	ssettm $0x7FFFFFFF  }
tec
execute0_lowered:
.L_overlay_start_1:
0x0: {  	(tag) =	ssettag $0x1  }
0x1: {  	s1 =	rddreg [dreg:$0x0]  }
0x2: {  	s3 =	rddreg [dreg:$0x1]  }
0x3: {  	s5 =	rddreg [dreg:$0x2]  }
0x4: {  	s6 =	srdreg.scid;
	s2 =	stileid.u32  }
0x5: {  	s4 =	simm.s32 $0x0;
	s11 =	simm.s32 $0x7;
	s12 =	simm.s32 $0x80  }
0x6: {  	s13 =	simm.s32 $0x200;
	s14 =	simm.s32 $0x8200;
	s15 =	simm.s32 $0x100  }
0x7: {  	s16 =	simm.s32 $0x4200;
	s17 =	simm.s32 $0x180;
	s18 =	simm.s32 $0xC200  }
0x8: {  	s19 =	simm.s32 $0x1;
	s20 =	simm.s32 $0x3;
	s21 =	simm.s32 $0x2  }
0x9: {  	s22 =	simm.s32 $0x4;
	s23 =	simm.s32 $0x5;
	s24 =	simm.s32 $0x6  }
0xa: {  	s6 =	sand.u32 $0x1, s6;
	s7 =	sshll.u32 s2, $0x1;
	[smem:$0x7FF] =	sst s4  }
0xb: {  	s25 =	simm.s32 $0x0;
	s7 =	sor.u32 s6, s7;
	_ =	strace $0x80000050  }
.Ltmp0:
0xc: {  	s6 =	ssub.s32 $0x2, s6;
	s8 =	sshll.u32 s7, $0x5;
	(pc) =	sbr.rel .LBB2_1-.Ltmp0, $4  }
0xd: {  	s9 =	sshll.u32 s7, $0xB;
	s10 =	sshrl.u32 s6, $0x1;
	s31 =	ssub.s32 $0x4E1, s7  }
0xe: {  	s8 =	sadd.s32 s8, s5;
	s9 =	sadd.s32 s9, s5;
	s10 =	ssub.s32 s6, s10  }
0xf: {  	s5 =	sshrl.u32 s31, $0x5;
	s6 =	sadd.s32 $0xC200, s8;
	s7 =	sadd.s32 $0xC600, s8  }
0x10: {  	s8 =	sadd.s32 $0x16000, s9;
	s9 =	sadd.s32 $0x26000, s9;
	s10 =	smax.u32 s10, $0x1  }
.LBB2_9:
0x11: {  	s25 =	sadd.s32 $0x1, s25  }
0x12: {  	_ =	swait.ge [sflag:s23], $0x4000;
	p0 =	sne.s32 s25, s10  }
.Ltmp1:
0x13: {  	[sflag:s23] =	ssyncset.done $0x0;
	(pc) =	sbr.rel @!p0 .LBB2_10-.Ltmp1, $4  }
0x14: {  	[sflag:s23] =	ssyncadd.s32 $0xFFFFC000  }
0x15: {  	_ =	swait.ge [sflag:s24], $0x4000  }
0x16: {  	[sflag:s24] =	ssyncset.done $0x0  }
0x17: {  	[sflag:s24] =	ssyncadd.s32 $0xFFFFC000  }
.LBB2_1:
0x18: {  	[tilespmem:s4], [sflag:$0x7] =	stream.linear.gather [hbm4b:s6+s4], $0x100, $0x38;
	[tilespmem:$0x10200] =	vst v63  }
0x19: {  	_ =	swait.ge [sflag:s11], $0x100  }
0x1a: {  	[sflag:s11] =	ssyncset.done $0x0  }
0x1b: {  	[sflag:s11] =	ssyncadd.s32 $0xFFFFFF00  }
0x1c: {  	[tilespmem:s13], [sflag:$0x1] =	stream.indirect.gather [hbm4b:s1+s12], $0x80, s4, s12, $0xb8;
	[tilespmem:$0x10200] =	vst v63  }
0x1d: {  	_ = 	snop  }
0x1e: {  	[tilespmem:s14], [sflag:$0x3] =	stream.indirect.gather [hbm4b:s3+s12], $0x80, s12, s12, $0xb8;
	[tilespmem:$0x10200] =	vst v63  }
0x1f: {  	_ = 	snop  }
0x20: {  	[tilespmem:s15], [sflag:$0x7] =	stream.linear.gather [hbm4b:s7+s4], $0x100, $0x38;
	[tilespmem:$0x10200] =	vst v63  }
0x21: {  	_ =	swait.ge [sflag:s11], $0x100  }
.Ltmp2:
0x22: {  	[sflag:s11] =	ssyncset.done $0x0;
	(pc) =	sbr.rel .LBB2_2-.Ltmp2, $4  }
0x23: {  	[sflag:s11] =	ssyncadd.s32 $0xFFFFFF00  }
0x24: {  	[tilespmem:s16], [sflag:$0x2] =	stream.indirect.gather [hbm4b:s1+s12], $0x80, s15, s12, $0xb8;
	[tilespmem:$0x10200] =	vst v63  }
0x25: {  	s26 =	simm.s32 $0x0  }
0x26: {  	[tilespmem:s18], [sflag:$0x4] =	stream.indirect.gather [hbm4b:s3+s12], $0x80, s17, s12, $0xb8;
	[tilespmem:$0x10200] =	vst v63  }
.LBB2_8:
0x27: {  	s0 =	sadd.s32 $0x3, s28  }
0x28: {  	p0 =	sgt.u32 s0, s5  }
0x29: {  	s28 =	simm.s32 @!p0 $0x6  }
0x2a: {  	_ =	swait.ge @!p0 [sflag:s28], $0x4000  }
0x2b: {  	s0 =	sshll.u32 @!p0 s0, $0xA;
	s29 =	simm.s32 @!p0 $0x100;
	[sflag:s28] =	ssyncset.done @!p0 $0x0  }
0x2c: {  	s0 =	sadd.s32 @!p0 s0, s6;
	[sflag:s28] =	ssyncadd.s32 @!p0 $0xFFFFC000;
	s28 =	simm.s32 @!p0 $0x0  }
0x2d: {  	[tilespmem:s29], [sflag:$0x7] =	stream.linear.gather @!p0 [hbm4b:s0+s28], $0x100, $0x38;
	[tilespmem:$0x10200] =	vst v63  }
0x2e: {  	s0 =	simm.s32 @!p0 $0x7  }
0x2f: {  	_ =	swait.ge @!p0 [sflag:s0], $0x100  }
0x30: {  	[sflag:s0] =	ssyncset.done @!p0 $0x0  }
0x31: {  	s28 =	simm.s32 @!p0 $0x4200;
	[sflag:s0] =	ssyncadd.s32 @!p0 $0xFFFFFF00;
	s0 =	simm.s32 @!p0 $0x80  }
0x32: {  	[tilespmem:s28], [sflag:$0x2] =	stream.indirect.gather @!p0 [hbm4b:s1+s0], $0x80, s29, s0, $0xb8;
	[tilespmem:$0x10200] =	vst v63  }
0x33: {  	s26 =	sadd.s32 $0x1, s26;
	s28 =	simm.s32 @!p0 $0x180;
	s29 =	simm.s32 @!p0 $0xC200  }
0x34: {  	[tilespmem:s29], [sflag:$0x4] =	stream.indirect.gather @!p0 [hbm4b:s3+s0], $0x80, s28, s0, $0xb8;
	[tilespmem:$0x10200] =	vst v63  }
0x35: {  	p0 =	sne.s32 s26, $0x14  }
.Ltmp3:
0x36: {  	_ = 	snop;
	(pc) =	sbr.rel @!p0 .LBB2_9-.Ltmp3, $1  }
0x37: {  	_ =	sdelay $0x3  }
.LBB2_2:
0x38: {  	_ =	swait.ge [sflag:s19], $0x4000  }
0x39: {  	[sflag:s19] =	ssyncset.done $0x0  }
0x3a: {  	[sflag:s19] =	ssyncadd.s32 $0xFFFFC000  }
0x3b: {  	_ =	swait.ge [sflag:s20], $0x4000  }
0x3c: {  	[sflag:s20] =	ssyncset.done $0x0  }
0x3d: {  	s30 =	simm.s32 $0x0;
	[sflag:s20] =	ssyncadd.s32 $0xFFFFC000  }
0x3e: {  	v7 =	vld [tilespmem:s30+$0x8200]  }
0x3f: {  	v11 =	vld [tilespmem:s30+$0x8210]  }
0x40: {  	v5 =	vld [tilespmem:s30+$0x8220]  }
0x41: {  	v4 =	vld [tilespmem:s30+$0x8230]  }
0x42: {  	v3 =	vld [tilespmem:s30+$0x8240]  }
0x43: {  	v2 =	vld [tilespmem:s30+$0x8250]  }
0x44: {  	v1 =	vld [tilespmem:s30+$0x8260]  }
0x45: {  	v0 =	vld [tilespmem:s30+$0x8270]  }
0x46: {  	v12 =	vld [tilespmem:s30+$0x200]  }
0x47: {  	v13 =	vld [tilespmem:s30+$0x210]  }
0x48: {  	v10 =	vld [tilespmem:s30+$0x220]  }
0x49: {  	v9 =	vld [tilespmem:s30+$0x230]  }
0x4a: {  	v8 =	vld [tilespmem:s30+$0x240]  }
0x4b: {  	v6 =	vld [tilespmem:s30+$0x250];
	v12 =	vadd.f32 v7, v12  }
0x4c: {  	s28 =	sshll.u32 s26, $0x1;
	s29 =	simm.s32 $0x200;
	v11 =	vadd.f32 v11, v13;
	v7 =	vld [tilespmem:s30+$0x260]  }
.LBB2_3:
0x4d: {  	s31 =	sshra.s32 s29, $0x2;
	p0 =	sne.s32 s29, $0xFE00;
	[tilespmem:s30+$0x200] =	vst v12;
	v5 =	vadd.f32 v5, v10;
	v10 =	vld [tilespmem:s30+$0x270]  }
0x4e: {  	v12 =	vld [tilespmem:s31+$0x8200];
	[tilespmem:s30+$0x210] =	vst v11;
	v4 =	vadd.f32 v4, v9  }
0x4f: {  	v11 =	vld [tilespmem:s31+$0x8210];
	[tilespmem:s30+$0x220] =	vst v5;
	v3 =	vadd.f32 v3, v8  }
0x50: {  	v5 =	vld [tilespmem:s31+$0x8220];
	[tilespmem:s30+$0x230] =	vst v4;
	v2 =	vadd.f32 v2, v6  }
0x51: {  	v4 =	vld [tilespmem:s31+$0x8230];
	[tilespmem:s30+$0x240] =	vst v3;
	v1 =	vadd.f32 v1, v7  }
0x52: {  	v3 =	vld [tilespmem:s31+$0x8240];
	[tilespmem:s30+$0x250] =	vst v2;
	v0 =	vadd.f32 v0, v10  }
0x53: {  	v2 =	vld [tilespmem:s31+$0x8250];
	[tilespmem:s30+$0x260] =	vst v1  }
0x54: {  	v1 =	vld [tilespmem:s31+$0x8260];
	[tilespmem:s30+$0x270] =	vst v0;
	s30 =	smov.u32 s31  }
0x55: {  	v0 =	vld [tilespmem:s30+$0x8270]  }
0x56: {  	v6 =	vld [tilespmem:s30+$0x200]  }
0x57: {  	v7 =	vld [tilespmem:s30+$0x210]  }
.Ltmp4:
0x58: {  	v10 =	vld [tilespmem:s30+$0x220];
	(pc) =	sbr.rel @p0 .LBB2_3-.Ltmp4, $4  }
0x59: {  	v9 =	vld [tilespmem:s30+$0x230]  }
0x5a: {  	v8 =	vld [tilespmem:s30+$0x240]  }
0x5b: {  	v12 =	vadd.f32 v12, v6;
	v6 =	vld [tilespmem:s30+$0x250]  }
0x5c: {  	s29 =	sadd.s32 $0x200, s29;
	v11 =	vadd.f32 v11, v7;
	v7 =	vld [tilespmem:s30+$0x260]  }
0x5d: {  	[tilespmem:s30+$0x200] =	vst v12;
	v5 =	vadd.f32 v5, v10;
	v63 =	vld [tilespmem:s30+$0x270]  }
0x5e: {  	[tilespmem:s30+$0x210] =	vst v11;
	v4 =	vadd.f32 v4, v9  }
0x5f: {  	[tilespmem:s30+$0x220] =	vst v5;
	v3 =	vadd.f32 v3, v8  }
0x60: {  	[tilespmem:s30+$0x230] =	vst v4;
	v2 =	vadd.f32 v2, v6  }
0x61: {  	[tilespmem:s30+$0x240] =	vst v3;
	v1 =	vadd.f32 v1, v7  }
0x62: {  	[tilespmem:s30+$0x250] =	vst v2;
	v0 =	vadd.f32 v0, v63  }
0x63: {  	s29 =	sshll.u32 s26, $0x11;
	[tilespmem:s30+$0x260] =	vst v1  }
0x64: {  	s31 =	sadd.s32 s29, s8;
	[tilespmem:s30+$0x270] =	vst v0;
	s30 =	sadd.s32 $0x2, s28  }
0x65: {  	[hbm4b:s31+s4] =	stream.linear.scatter [tilespmem:s13], [sflag:$0x5], $0x4000, $0x38;
	[tilespmem:$0x10200] =	vst v63  }
0x66: {  	p0 =	sgt.u32 s30, s5  }
0x67: {  	s31 =	simm.s32 @!p0 $0x5  }
0x68: {  	_ =	swait.ge @!p0 [sflag:s31], $0x4000  }
0x69: {  	s30 =	sshll.u32 @!p0 s30, $0xA;
	[sflag:s31] =	ssyncset.done @!p0 $0x0  }
0x6a: {  	s30 =	sadd.s32 @!p0 s30, s6;
	[sflag:s31] =	ssyncadd.s32 @!p0 $0xFFFFC000;
	s31 =	simm.s32 @!p0 $0x0  }
0x6b: {  	[tilespmem:s31], [sflag:$0x7] =	stream.linear.gather @!p0 [hbm4b:s30+s31], $0x100, $0x38;
	[tilespmem:$0x10200] =	vst v63  }
0x6c: {  	s30 =	simm.s32 @!p0 $0x7  }
0x6d: {  	_ =	swait.ge @!p0 [sflag:s30], $0x100  }
0x6e: {  	[sflag:s30] =	ssyncset.done @!p0 $0x0  }
0x6f: {  	s0 =	simm.s32 @!p0 $0x200;
	[sflag:s30] =	ssyncadd.s32 @!p0 $0xFFFFFF00;
	s30 =	simm.s32 @!p0 $0x80  }
0x70: {  	[tilespmem:s0], [sflag:$0x1] =	stream.indirect.gather @!p0 [hbm4b:s1+s30], $0x80, s31, s30, $0xb8;
	[tilespmem:$0x10200] =	vst v63  }
0x71: {  	s0 =	simm.s32 @!p0 $0x8200  }
0x72: {  	[tilespmem:s0], [sflag:$0x3] =	stream.indirect.gather @!p0 [hbm4b:s3+s30], $0x80, s30, s30, $0xb8;
	[tilespmem:$0x10200] =	vst v63  }
0x73: {  	p0 =	sge.u32 s28, s5  }
.Ltmp5:
0x74: {  	_ = 	snop;
	(pc) =	sbr.rel @p0 .LBB2_8-.Ltmp5, $1  }
0x75: {  	_ =	sdelay $0x3  }
0x76: {  	_ =	swait.ge [sflag:s21], $0x4000  }
0x77: {  	[sflag:s21] =	ssyncset.done $0x0  }
0x78: {  	[sflag:s21] =	ssyncadd.s32 $0xFFFFC000  }
0x79: {  	_ =	swait.ge [sflag:s22], $0x4000  }
0x7a: {  	[sflag:s22] =	ssyncset.done $0x0  }
0x7b: {  	s30 =	simm.s32 $0x0;
	[sflag:s22] =	ssyncadd.s32 $0xFFFFC000  }
0x7c: {  	v7 =	vld [tilespmem:s30+$0xC200]  }
0x7d: {  	v11 =	vld [tilespmem:s30+$0xC210]  }
0x7e: {  	v5 =	vld [tilespmem:s30+$0xC220]  }
0x7f: {  	v4 =	vld [tilespmem:s30+$0xC230]  }
0x80: {  	v3 =	vld [tilespmem:s30+$0xC240]  }
0x81: {  	v2 =	vld [tilespmem:s30+$0xC250]  }
0x82: {  	v1 =	vld [tilespmem:s30+$0xC260]  }
0x83: {  	v0 =	vld [tilespmem:s30+$0xC270]  }
0x84: {  	v12 =	vld [tilespmem:s30+$0x4200]  }
0x85: {  	v13 =	vld [tilespmem:s30+$0x4210]  }
0x86: {  	v10 =	vld [tilespmem:s30+$0x4220]  }
0x87: {  	v9 =	vld [tilespmem:s30+$0x4230]  }
0x88: {  	v8 =	vld [tilespmem:s30+$0x4240]  }
0x89: {  	v6 =	vld [tilespmem:s30+$0x4250];
	v12 =	vadd.f32 v7, v12  }
0x8a: {  	s31 =	simm.s32 $0x200;
	v11 =	vadd.f32 v11, v13;
	v7 =	vld [tilespmem:s30+$0x4260]  }
.LBB2_6:
0x8b: {  	s0 =	sshra.s32 s31, $0x2;
	p0 =	sne.s32 s31, $0xFE00;
	[tilespmem:s30+$0x4200] =	vst v12;
	v5 =	vadd.f32 v5, v10;
	v10 =	vld [tilespmem:s30+$0x4270]  }
0x8c: {  	v12 =	vld [tilespmem:s0+$0xC200];
	[tilespmem:s30+$0x4210] =	vst v11;
	v4 =	vadd.f32 v4, v9  }
0x8d: {  	v11 =	vld [tilespmem:s0+$0xC210];
	[tilespmem:s30+$0x4220] =	vst v5;
	v3 =	vadd.f32 v3, v8  }
0x8e: {  	v5 =	vld [tilespmem:s0+$0xC220];
	[tilespmem:s30+$0x4230] =	vst v4;
	v2 =	vadd.f32 v2, v6  }
0x8f: {  	v4 =	vld [tilespmem:s0+$0xC230];
	[tilespmem:s30+$0x4240] =	vst v3;
	v1 =	vadd.f32 v1, v7  }
0x90: {  	v3 =	vld [tilespmem:s0+$0xC240];
	[tilespmem:s30+$0x4250] =	vst v2;
	v0 =	vadd.f32 v0, v10  }
0x91: {  	v2 =	vld [tilespmem:s0+$0xC250];
	[tilespmem:s30+$0x4260] =	vst v1  }
0x92: {  	v1 =	vld [tilespmem:s0+$0xC260];
	[tilespmem:s30+$0x4270] =	vst v0;
	s30 =	smov.u32 s0  }
0x93: {  	v0 =	vld [tilespmem:s30+$0xC270]  }
0x94: {  	v6 =	vld [tilespmem:s30+$0x4200]  }
0x95: {  	v7 =	vld [tilespmem:s30+$0x4210]  }
.Ltmp6:
0x96: {  	v10 =	vld [tilespmem:s30+$0x4220];
	(pc) =	sbr.rel @p0 .LBB2_6-.Ltmp6, $4  }
0x97: {  	v9 =	vld [tilespmem:s30+$0x4230]  }
0x98: {  	v8 =	vld [tilespmem:s30+$0x4240]  }
0x99: {  	v12 =	vadd.f32 v12, v6;
	v6 =	vld [tilespmem:s30+$0x4250]  }
0x9a: {  	s31 =	sadd.s32 $0x200, s31;
	v11 =	vadd.f32 v11, v7;
	v7 =	vld [tilespmem:s30+$0x4260]  }
0x9b: {  	[tilespmem:s30+$0x4200] =	vst v12;
	v5 =	vadd.f32 v5, v10;
	v63 =	vld [tilespmem:s30+$0x4270]  }
0x9c: {  	[tilespmem:s30+$0x4210] =	vst v11;
	v4 =	vadd.f32 v4, v9  }
0x9d: {  	[tilespmem:s30+$0x4220] =	vst v5;
	v3 =	vadd.f32 v3, v8  }
0x9e: {  	[tilespmem:s30+$0x4230] =	vst v4;
	v2 =	vadd.f32 v2, v6  }
.Ltmp7:
0x9f: {  	[tilespmem:s30+$0x4240] =	vst v3;
	v1 =	vadd.f32 v1, v7;
	(pc) =	sbr.rel .LBB2_8-.Ltmp7, $4  }
0xa0: {  	[tilespmem:s30+$0x4250] =	vst v2;
	v0 =	vadd.f32 v0, v63  }
0xa1: {  	[tilespmem:s30+$0x4260] =	vst v1  }
0xa2: {  	s0 =	sadd.s32 s29, s9;
	[tilespmem:s30+$0x4270] =	vst v0  }
0xa3: {  	[hbm4b:s0+s4] =	stream.linear.scatter [tilespmem:s16], [sflag:$0x6], $0x4000, $0x38;
	[tilespmem:$0x10200] =	vst v63  }
.LBB2_10:
0xa4: {  	_ =	sfence.sel $0x180000  }
0xa5: {  	[bflag:$0x0] =	sbarrier.arrive $0xFFFF  }
0xa6: {  	_ =	strace $0x90000050  }
0xa7: {  	[bflag:$0x2] =	sbarrier.arrive $0xFFFF  }
0xa8: {  	p0 =	sne.s32 s2, $0x0;
	s0 =	rddreg [dreg:$0x3]  }
0xa9: {  	s0 =	sadd.s32 @!p0 $0x100000, s0  }
0xaa: {  	[sflag:s0] =	ssyncadd.tile.s32 @!p0 $0x1;
	_ =	shalt  }
.Lfunc_end2:
_tile_overlayer_lowered:
.L_overlay_start_2:
0xab: {  	(tag) =	ssettag $0x2  }
0xac: {  	s0 =	rddreg [dreg:$0x0];
	s2 =	stileid.u32  }
0xad: {  	s1 =	rddreg [dreg:$0x1];
	p0 =	sne.s32 s2, $0x0  }
0xae: {  	s3 =	rddreg [dreg:$0x2];
	[bflag:$0x3] =	sbarrier.arrive $0xFFFF;
	s2 =	simm.s32 @!p0 $0x1C07  }
0xaf: {  	[timem:s3], [sflag:s2] =	dma.local @!p0 [hbm:s0], s1  }
0xb0: {  	s0 =	simm.s32 @!p0 $0x7  }
0xb1: {  	_ =	swait.ge @!p0 [sflag:s0], s1  }
0xb2: {  	s1 =	ssub.s32 @!p0 $0x0, s1;
	[sflag:s0] =	ssyncset.done @!p0 $0x0  }
0xb3: {  	[sflag:s0] =	ssyncadd.s32 @!p0 s1  }
0xb4: {  	[bflag:$0x3] =	sbarrier.arrive $0xFFFF  }
0xb5: {  	_ =	shalt  }

</sc_bundles>
